<compile_context>
chip_gen: v7x
topology: tpu7x:2x2x1
jax: 0.10.2.dev20260603
libtpu: 0.0.44.dev20260713+nightly
codegen_flags: <defaults>
</compile_context>

<pallas_src>
import functools

import jax
import jax.numpy as jnp
from jax import lax
from jax.experimental import pallas as pl
from jax.experimental.pallas import tpu as pltpu
from jax.experimental.pallas import tpu_sc as plsc

D_MODEL = 64
NC = 2
NS = 16
BLK = 128
HB = 2
D_PER_CORE = D_MODEL // NC
SUB = 8
CHUNK = 48
CHUNK_STARTS = (0, 48, 96, 144, 192, 240, 288, 336, 352)
PREV_CHUNK = (8, 7, 0, 1, 2, 3, 4, 5, 6)


def _make(seq, batch, vocab):
  n_rows_out = seq * D_MODEL * batch // BLK
  b_tiles = batch // BLK
  row_stride_s = (D_MODEL // SUB) * b_tiles * SUB
  stage_sz = 62592
  stage_last = vocab - (NS - 1) * stage_sz
  mesh = plsc.VectorSubcoreMesh(core_axis_name="c", subcore_axis_name="s")

  @functools.partial(
      pl.kernel,
      out_type=jax.ShapeDtypeStruct((n_rows_out, BLK), jnp.float32),
      mesh=mesh,
      scratch_types=[
          pltpu.VMEM((HB * seq, BLK), jnp.int32),
          pltpu.VMEM((2, CHUNK, BLK), jnp.float32),
          pltpu.VMEM((9, CHUNK), jnp.int32),
          pltpu.VMEM_SHARED((1, vocab), jnp.float32),
          pltpu.SemaphoreType.DMA,
          pltpu.SemaphoreType.DMA,
          pltpu.SemaphoreType.DMA,
          pltpu.SemaphoreType.DMA,
      ],
  )
  def k(xT, tableT, out2d, idx_v, gbuf, offs_v, shared, ssem, gsem, w0, w1):
    c = lax.axis_index("c")
    s = lax.axis_index("s")
    wsem = (w0, w1)
    b0 = s * (HB * BLK)
    d_base = c * D_PER_CORE

    for h in range(HB):
      pltpu.sync_copy(xT.at[:, pl.ds(b0 + h * BLK, BLK)],
                      idx_v.at[pl.ds(h * seq, seq)])

    def stage(d):
      @pl.when(s < NS - 1)
      def _():
        off = s * stage_sz
        pltpu.async_copy(tableT.at[pl.ds(d, 1), pl.ds(off, stage_sz)],
                         shared.at[:, pl.ds(off, stage_sz)], ssem).wait()

      @pl.when(s == NS - 1)
      def _():
        off = (NS - 1) * stage_sz
        pltpu.async_copy(tableT.at[pl.ds(d, 1), pl.ds(off, stage_last)],
                         shared.at[:, pl.ds(off, stage_last)], ssem).wait()

    def gather_chunk(cn):
      start = CHUNK_STARTS[cn]
      p = cn % 2

      @pl.loop(0, CHUNK, unroll=8)
      def _(r):
        pltpu.async_copy(shared.at[0].at[idx_v.at[start + r]],
                         gbuf.at[p, r], gsem)

      pltpu.make_async_copy(tableT.at[pl.ds(0, CHUNK), pl.ds(0, BLK)],
                            gbuf.at[p], gsem).wait()

    def fill_offsets(d, cn):
      const_base = (d // SUB) * (b_tiles * SUB) + d % SUB + (2 * s) * SUB
      for j in range(CHUNK // 16):
        g = lax.iota(jnp.int32, 16) + (CHUNK_STARTS[cn] + j * 16)
        h = jnp.where(g >= seq, 1, 0).astype(jnp.int32)
        si = g - h * seq
        offs_v[cn, pl.ds(j * 16, 16)] = (
            si * row_stride_s + const_base + h * SUB)

    def scatter_chunk(cn):
      p = cn % 2
      pltpu.async_copy(gbuf.at[p], out2d.at[offs_v.at[cn]], wsem[p])

    def wait_scatter(cn):
      p = cn % 2
      pltpu.make_async_copy(gbuf.at[p], out2d.at[offs_v.at[cn]],
                            wsem[p]).wait()

    @pl.loop(0, D_PER_CORE)
    def _(di):
      d = d_base + di
      stage(d)
      plsc.subcore_barrier()
      for cn in range(len(CHUNK_STARTS)):
        if cn < 2:
          @pl.when(di >= 1)
          def _():
            wait_scatter(PREV_CHUNK[cn])
        else:
          wait_scatter(PREV_CHUNK[cn])
        gather_chunk(cn)
        fill_offsets(d, cn)
        scatter_chunk(cn)
      plsc.subcore_barrier()

    wait_scatter(7)
    wait_scatter(8)

  return k


def kernel(x, table):
  seq = x.shape[1]
  batch = x.shape[0]
  vocab = table.shape[0]
  xT = x.T.astype(jnp.int32)
  tableT = table.T
  out2d = _make(seq, batch, vocab)(xT, tableT)
  r5 = out2d.reshape(seq, D_MODEL // SUB, batch // BLK, SUB, BLK)
  return jnp.transpose(r5, (2, 4, 0, 1, 3)).reshape(batch, seq, D_MODEL)

# --- scband reference (transcript-rebuilt; emitter-appended) ---
"""Pipeline reference for scband-token-embedding-3590592660032 (READ-ONLY COPY).

The authoritative reference and input builder live on the scoring server;
editing this copy changes nothing except your own understanding.
"""

import jax, jax.numpy as jnp
import numpy as np

VOCAB_SIZE = 1000000
D_MODEL = 64
BATCH = 4096
SEQ = 200

def setup_inputs(seed: int = 0) -> dict:
    key = jax.random.key(seed)
    k1, k2 = jax.random.split(key)
    x = jax.random.randint(k1, (BATCH, SEQ), 0, VOCAB_SIZE, dtype=jnp.int64 if jax.config.jax_enable_x64 else jnp.int32)
    table = jax.random.normal(k2, (VOCAB_SIZE, D_MODEL), dtype=jnp.float32)
    return {"x": x, "table": table}

def reference(x, table):
    # nn.Embedding lookup: gather rows of the embedding table
    return jnp.take(table, x, axis=0)

if __name__ == "__main__":
    import jax
    _d = setup_inputs()
    print(jax.jit(kernel)(*tuple(_d.values())))

</pallas_src>

<mosaic_0001>
#map = affine_map<(d0, d1) -> (0, 0)>
module attributes {stable_mosaic.version = 14 : i64} {
  func.func @k(%arg0: i32, %arg1: i32, %arg2: memref<200x4096xi32, #tpu.memory_space<hbm>>, %arg3: memref<64x1000000xf32, #tpu.memory_space<hbm>>, %arg4: memref<409600x128xf32, #tpu.memory_space<hbm>>, %arg5: memref<400x128xi32, #tpu.memory_space<vmem>>, %arg6: memref<2x48x128xf32, #tpu.memory_space<vmem>>, %arg7: memref<9x48xi32, #tpu.memory_space<vmem>>, %arg8: memref<1x1000000xf32, #tpu.memory_space<vmem_shared>>, %arg9: memref<!tpu.dma_semaphore, #tpu.memory_space<semaphore_mem>>, %arg10: memref<!tpu.dma_semaphore, #tpu.memory_space<semaphore_mem>>, %arg11: memref<!tpu.dma_semaphore, #tpu.memory_space<semaphore_mem>>, %arg12: memref<!tpu.dma_semaphore, #tpu.memory_space<semaphore_mem>>) attributes {dimension_semantics = [#tpu.dimension_semantics<core_parallel>, #tpu.dimension_semantics<subcore_parallel>], iteration_bounds = array<i64: 2, 16>, scalar_prefetch = 0 : i64, scratch_operands = 8 : i64, tpu.core_type = #tpu.core_type<sc_vector_subcore>, window_params = [{transform_indices = #map}, {transform_indices = #map}, {transform_indices = #map}]} {
    %mul3A = arith.constant 256 : i32
    %mul3A_0 = arith.muli %arg1, %mul3A : i32
    %mul3A_1 = arith.constant 32 : i32
    %mul3A_2 = arith.muli %arg0, %mul3A_1 : i32
    %add3A = arith.constant 0 : i32
    %add3A_3 = arith.addi %mul3A_0, %add3A : i32
    "tpu.region"() ({
      %run_scoped3A = tpu.sem_alloc : memref<!tpu.dma_semaphore, #tpu.memory_space<semaphore_mem>>
      %dma_start3A = arith.constant 0 : i32
      %dma_start3A_33 = arith.constant 0 : i32
      %dma_start3A_34 = tpu.memref_slice %arg5[%dma_start3A, %dma_start3A_33] : memref<400x128xi32, #tpu.memory_space<vmem>> -> memref<200x128xi32, #tpu.memory_space<vmem>>
      %dma_start3A_35 = arith.constant 0 : i32
      %dma_start3A_36 = tpu.memref_slice %arg2[%dma_start3A_35, %add3A_3] : memref<200x4096xi32, #tpu.memory_space<hbm>> -> memref<200x128xi32, #tpu.memory_space<hbm>>
      %dma_start3A_37 = arith.constant 0 : i32
      %dma_start3A_38 = arith.constant 0 : i32
      %dma_start3A_39 = tpu.memref_slice %arg5[%dma_start3A_37, %dma_start3A_38] : memref<400x128xi32, #tpu.memory_space<vmem>> -> memref<200x128xi32, #tpu.memory_space<vmem>>
      %dma_start3A_40 = arith.constant 0 : i32
      %dma_start3A_41 = tpu.memref_slice %arg2[%dma_start3A_40, %add3A_3] : memref<200x4096xi32, #tpu.memory_space<hbm>> -> memref<200x128xi32, #tpu.memory_space<hbm>>
      tpu.enqueue_dma source(%dma_start3A_41 : memref<200x128xi32, #tpu.memory_space<hbm>>) target(%dma_start3A_39 : memref<200x128xi32, #tpu.memory_space<vmem>>) target_semaphore(%run_scoped3A : memref<!tpu.dma_semaphore, #tpu.memory_space<semaphore_mem>>)
      %dma_wait3A_42 = arith.constant 0 : i32
      %dma_wait3A_43 = arith.constant 0 : i32
      %dma_wait3A_44 = tpu.memref_slice %arg5[%dma_wait3A_42, %dma_wait3A_43] : memref<400x128xi32, #tpu.memory_space<vmem>> -> memref<200x128xi32, #tpu.memory_space<vmem>>
      %dma_wait3A_45 = arith.constant 0 : i32
      %dma_wait3A_46 = tpu.memref_slice %arg2[%dma_wait3A_45, %add3A_3] : memref<200x4096xi32, #tpu.memory_space<hbm>> -> memref<200x128xi32, #tpu.memory_space<hbm>>
      %dma_wait3A_47 = arith.constant 0 : i32
      %dma_wait3A_48 = arith.constant 0 : i32
      %dma_wait3A_49 = tpu.memref_slice %arg5[%dma_wait3A_47, %dma_wait3A_48] : memref<400x128xi32, #tpu.memory_space<vmem>> -> memref<200x128xi32, #tpu.memory_space<vmem>>
      %dma_wait3A_50 = arith.constant 0 : i32
      %dma_wait3A_51 = tpu.memref_slice %arg2[%dma_wait3A_50, %add3A_3] : memref<200x4096xi32, #tpu.memory_space<hbm>> -> memref<200x128xi32, #tpu.memory_space<hbm>>
      tpu.wait_dma2 semaphore(%run_scoped3A : memref<!tpu.dma_semaphore, #tpu.memory_space<semaphore_mem>>) src(%dma_wait3A_51 : memref<200x128xi32, #tpu.memory_space<hbm>>) dst(%dma_wait3A_49 : memref<200x128xi32, #tpu.memory_space<vmem>>)
      tpu.yield
    }) : () -> ()
    %add3A_4 = arith.constant 128 : i32
    %add3A_5 = arith.addi %mul3A_0, %add3A_4 : i32
    "tpu.region"() ({
      %run_scoped3A = tpu.sem_alloc : memref<!tpu.dma_semaphore, #tpu.memory_space<semaphore_mem>>
      %dma_start3A = arith.constant 200 : i32
      %dma_start3A_33 = arith.constant 0 : i32
      %dma_start3A_34 = tpu.memref_slice %arg5[%dma_start3A, %dma_start3A_33] : memref<400x128xi32, #tpu.memory_space<vmem>> -> memref<200x128xi32, #tpu.memory_space<vmem>>
      %dma_start3A_35 = arith.constant 0 : i32
      %dma_start3A_36 = tpu.memref_slice %arg2[%dma_start3A_35, %add3A_5] : memref<200x4096xi32, #tpu.memory_space<hbm>> -> memref<200x128xi32, #tpu.memory_space<hbm>>
      %dma_start3A_37 = arith.constant 200 : i32
      %dma_start3A_38 = arith.constant 0 : i32
      %dma_start3A_39 = tpu.memref_slice %arg5[%dma_start3A_37, %dma_start3A_38] : memref<400x128xi32, #tpu.memory_space<vmem>> -> memref<200x128xi32, #tpu.memory_space<vmem>>
      %dma_start3A_40 = arith.constant 0 : i32
      %dma_start3A_41 = tpu.memref_slice %arg2[%dma_start3A_40, %add3A_5] : memref<200x4096xi32, #tpu.memory_space<hbm>> -> memref<200x128xi32, #tpu.memory_space<hbm>>
      tpu.enqueue_dma source(%dma_start3A_41 : memref<200x128xi32, #tpu.memory_space<hbm>>) target(%dma_start3A_39 : memref<200x128xi32, #tpu.memory_space<vmem>>) target_semaphore(%run_scoped3A : memref<!tpu.dma_semaphore, #tpu.memory_space<semaphore_mem>>)
      %dma_wait3A_42 = arith.constant 200 : i32
      %dma_wait3A_43 = arith.constant 0 : i32
      %dma_wait3A_44 = tpu.memref_slice %arg5[%dma_wait3A_42, %dma_wait3A_43] : memref<400x128xi32, #tpu.memory_space<vmem>> -> memref<200x128xi32, #tpu.memory_space<vmem>>
      %dma_wait3A_45 = arith.constant 0 : i32
      %dma_wait3A_46 = tpu.memref_slice %arg2[%dma_wait3A_45, %add3A_5] : memref<200x4096xi32, #tpu.memory_space<hbm>> -> memref<200x128xi32, #tpu.memory_space<hbm>>
      %dma_wait3A_47 = arith.constant 200 : i32
      %dma_wait3A_48 = arith.constant 0 : i32
      %dma_wait3A_49 = tpu.memref_slice %arg5[%dma_wait3A_47, %dma_wait3A_48] : memref<400x128xi32, #tpu.memory_space<vmem>> -> memref<200x128xi32, #tpu.memory_space<vmem>>
      %dma_wait3A_50 = arith.constant 0 : i32
      %dma_wait3A_51 = tpu.memref_slice %arg2[%dma_wait3A_50, %add3A_5] : memref<200x4096xi32, #tpu.memory_space<hbm>> -> memref<200x128xi32, #tpu.memory_space<hbm>>
      tpu.wait_dma2 semaphore(%run_scoped3A : memref<!tpu.dma_semaphore, #tpu.memory_space<semaphore_mem>>) src(%dma_wait3A_51 : memref<200x128xi32, #tpu.memory_space<hbm>>) dst(%dma_wait3A_49 : memref<200x128xi32, #tpu.memory_space<vmem>>)
      tpu.yield
    }) : () -> ()
    %scan3A = arith.constant 0 : i32
    %scan3A_6 = arith.constant 32 : i32
    %scan3A_7 = arith.addi %scan3A, %scan3A_6 : i32
    %scan3A_8 = arith.constant 1 : i32
    scf.for %scan3A_33 = %scan3A to %scan3A_7 step %scan3A_8  : i32 {
      %mul3A_34 = arith.constant 1 : i32
      %mul3A_35 = arith.muli %scan3A_33, %mul3A_34 : i32
      %add3A_36 = arith.constant 0 : i32
      %add3A_37 = arith.addi %add3A_36, %mul3A_35 : i32
      %add3A_38 = arith.addi %mul3A_2, %add3A_37 : i32
      %lt3A = arith.constant 15 : i32
      %lt3A_39 = arith.cmpi slt, %arg1, %lt3A : i32
      %convert_element_type3A = arith.extui %lt3A_39 : i1 to i32
      %cond3A = arith.constant 0 : i32
      %cond3A_40 = arith.cmpi ne, %convert_element_type3A, %cond3A : i32
      scf.if %cond3A_40 {
        %mul3A_1684 = arith.constant 62592 : i32
        %mul3A_1685 = arith.muli %arg1, %mul3A_1684 : i32
        %dma_start3A_1686 = arith.constant 0 : i32
        %dma_start3A_1687 = tpu.memref_slice %arg8[%dma_start3A_1686, %mul3A_1685] : memref<1x1000000xf32, #tpu.memory_space<vmem_shared>> -> memref<1x62592xf32, #tpu.memory_space<vmem_shared>>
        %dma_start3A_1688 = tpu.memref_slice %arg3[%add3A_38, %mul3A_1685] : memref<64x1000000xf32, #tpu.memory_space<hbm>> -> memref<1x62592xf32, #tpu.memory_space<hbm>>
        tpu.enqueue_dma source(%dma_start3A_1688 : memref<1x62592xf32, #tpu.memory_space<hbm>>) target(%dma_start3A_1687 : memref<1x62592xf32, #tpu.memory_space<vmem_shared>>) target_semaphore(%arg9 : memref<!tpu.dma_semaphore, #tpu.memory_space<semaphore_mem>>)
        %dma_wait3A_1689 = arith.constant 0 : i32
        %dma_wait3A_1690 = tpu.memref_slice %arg8[%dma_wait3A_1689, %mul3A_1685] : memref<1x1000000xf32, #tpu.memory_space<vmem_shared>> -> memref<1x62592xf32, #tpu.memory_space<vmem_shared>>
        %dma_wait3A_1691 = tpu.memref_slice %arg3[%add3A_38, %mul3A_1685] : memref<64x1000000xf32, #tpu.memory_space<hbm>> -> memref<1x62592xf32, #tpu.memory_space<hbm>>
        tpu.wait_dma2 semaphore(%arg9 : memref<!tpu.dma_semaphore, #tpu.memory_space<semaphore_mem>>) src(%dma_wait3A_1691 : memref<1x62592xf32, #tpu.memory_space<hbm>>) dst(%dma_wait3A_1690 : memref<1x62592xf32, #tpu.memory_space<vmem_shared>>)
      } else {
      }
      %eq3A = arith.constant 15 : i32
      %eq3A_41 = arith.cmpi eq, %arg1, %eq3A : i32
      %convert_element_type3A_42 = arith.extui %eq3A_41 : i1 to i32
      %cond3A_43 = arith.constant 0 : i32
      %cond3A_44 = arith.cmpi ne, %convert_element_type3A_42, %cond3A_43 : i32
      scf.if %cond3A_44 {
        %dma_start3A_1684 = arith.constant 0 : i32
        %dma_start3A_1685 = arith.constant 938880 : i32
        %dma_start3A_1686 = tpu.memref_slice %arg8[%dma_start3A_1684, %dma_start3A_1685] : memref<1x1000000xf32, #tpu.memory_space<vmem_shared>> -> memref<1x61120xf32, #tpu.memory_space<vmem_shared>>
        %dma_start3A_1687 = arith.constant 938880 : i32
        %dma_start3A_1688 = tpu.memref_slice %arg3[%add3A_38, %dma_start3A_1687] : memref<64x1000000xf32, #tpu.memory_space<hbm>> -> memref<1x61120xf32, #tpu.memory_space<hbm>>
        tpu.enqueue_dma source(%dma_start3A_1688 : memref<1x61120xf32, #tpu.memory_space<hbm>>) target(%dma_start3A_1686 : memref<1x61120xf32, #tpu.memory_space<vmem_shared>>) target_semaphore(%arg9 : memref<!tpu.dma_semaphore, #tpu.memory_space<semaphore_mem>>)
        %dma_wait3A_1689 = arith.constant 0 : i32
        %dma_wait3A_1690 = arith.constant 938880 : i32
        %dma_wait3A_1691 = tpu.memref_slice %arg8[%dma_wait3A_1689, %dma_wait3A_1690] : memref<1x1000000xf32, #tpu.memory_space<vmem_shared>> -> memref<1x61120xf32, #tpu.memory_space<vmem_shared>>
        %dma_wait3A_1692 = arith.constant 938880 : i32
        %dma_wait3A_1693 = tpu.memref_slice %arg3[%add3A_38, %dma_wait3A_1692] : memref<64x1000000xf32, #tpu.memory_space<hbm>> -> memref<1x61120xf32, #tpu.memory_space<hbm>>
        tpu.wait_dma2 semaphore(%arg9 : memref<!tpu.dma_semaphore, #tpu.memory_space<semaphore_mem>>) src(%dma_wait3A_1693 : memref<1x61120xf32, #tpu.memory_space<hbm>>) dst(%dma_wait3A_1691 : memref<1x61120xf32, #tpu.memory_space<vmem_shared>>)
      } else {
      }
      %barrier3A = arith.constant 0 : index
      tpu.barrier barrier_id(%barrier3A)
      %ge3A = arith.constant 1 : i32
      %ge3A_45 = arith.cmpi sge, %add3A_37, %ge3A : i32
      %convert_element_type3A_46 = arith.extui %ge3A_45 : i1 to i32
      %cond3A_47 = arith.constant 0 : i32
      %cond3A_48 = arith.cmpi ne, %convert_element_type3A_46, %cond3A_47 : i32
      scf.if %cond3A_48 {
        %dma_wait3A_1684 = arith.constant 0 : i32
        %dma_wait3A_1685 = arith.constant 8 : i32
        %dma_wait3A_1686 = arith.constant 0 : i32
        %dma_wait3A_1687 = arith.constant 0 : i32
        %dma_wait3A_1688 = tpu.memref_slice %arg6[%dma_wait3A_1684, %dma_wait3A_1686, %dma_wait3A_1687] : memref<2x48x128xf32, #tpu.memory_space<vmem>> -> memref<1x48x128xf32, #tpu.memory_space<vmem>>
        %dma_wait3A_1689 = tpu.memref_squeeze %dma_wait3A_1688 : memref<1x48x128xf32, #tpu.memory_space<vmem>> -> memref<48x128xf32, #tpu.memory_space<vmem>>
        %dma_wait3A_1690 = arith.constant 0 : i32
        %dma_wait3A_1691 = tpu.memref_slice %arg7[%dma_wait3A_1685, %dma_wait3A_1690] : memref<9x48xi32, #tpu.memory_space<vmem>> -> memref<1x48xi32, #tpu.memory_space<vmem>>
        %dma_wait3A_1692 = tpu.memref_squeeze %dma_wait3A_1691 : memref<1x48xi32, #tpu.memory_space<vmem>> -> memref<48xi32, #tpu.memory_space<vmem>>
        %dma_wait3A_1693 = arith.constant 0 : i32
        %dma_wait3A_1694 = arith.constant 0 : i32
        %dma_wait3A_1695 = tpu.memref_slice %arg4[%dma_wait3A_1693, %dma_wait3A_1694] : memref<409600x128xf32, #tpu.memory_space<hbm>> -> memref<409600x128xf32, #tpu.memory_space<hbm>>
        tpu.wait_indirect_dma semaphore(%arg11 : memref<!tpu.dma_semaphore, #tpu.memory_space<semaphore_mem>>) src(%dma_wait3A_1689 : memref<48x128xf32, #tpu.memory_space<vmem>>) dst(%dma_wait3A_1695 : memref<409600x128xf32, #tpu.memory_space<hbm>>)
      } else {
      }
      %scan3A_49 = arith.constant 0 : i32
      %scan3A_50 = arith.constant 48 : i32
      %scan3A_51 = arith.addi %scan3A_49, %scan3A_50 : i32
      %scan3A_52 = arith.constant 8 : i32
      scf.for %scan3A_1684 = %scan3A_49 to %scan3A_51 step %scan3A_52  : i32 {
        %mul3A_1685 = arith.constant 1 : i32
        %mul3A_1686 = arith.muli %scan3A_1684, %mul3A_1685 : i32
        %add3A_1687 = arith.constant 0 : i32
        %add3A_1688 = arith.addi %add3A_1687, %mul3A_1686 : i32
        %add3A_1689 = arith.constant 0 : i32
        %add3A_1690 = arith.addi %add3A_1689, %add3A_1688 : i32
        %dma_start3A_1691 = arith.constant 0 : i32
        %dma_start3A_1692 = arith.constant 0 : i32
        %dma_start3A_1693 = arith.constant 0 : i32
        %dma_start3A_1694 = tpu.memref_slice %arg6[%dma_start3A_1692, %add3A_1688, %dma_start3A_1693] : memref<2x48x128xf32, #tpu.memory_space<vmem>> -> memref<1x1x128xf32, #tpu.memory_space<vmem>>
        %dma_start3A_1695 = tpu.memref_squeeze %dma_start3A_1694 : memref<1x1x128xf32, #tpu.memory_space<vmem>> -> memref<128xf32, #tpu.memory_space<vmem>>
        %dma_start3A_1696 = arith.constant 0 : i32
        %dma_start3A_1697 = tpu.memref_slice %arg5[%add3A_1690, %dma_start3A_1696] : memref<400x128xi32, #tpu.memory_space<vmem>> -> memref<1x128xi32, #tpu.memory_space<vmem>>
        %dma_start3A_1698 = tpu.memref_squeeze %dma_start3A_1697 : memref<1x128xi32, #tpu.memory_space<vmem>> -> memref<128xi32, #tpu.memory_space<vmem>>
        %dma_start3A_1699 = arith.constant 0 : i32
        %dma_start3A_1700 = tpu.memref_slice %arg8[%dma_start3A_1691, %dma_start3A_1699] : memref<1x1000000xf32, #tpu.memory_space<vmem_shared>> -> memref<1x1000000xf32, #tpu.memory_space<vmem_shared>>
        %dma_start3A_1701 = tpu.memref_squeeze %dma_start3A_1700 : memref<1x1000000xf32, #tpu.memory_space<vmem_shared>> -> memref<1000000xf32, #tpu.memory_space<vmem_shared>>
        %dma_start3A_1702 = arith.constant 0 : i32
        %dma_start3A_1703 = tpu.memref_slice %dma_start3A_1701[%dma_start3A_1702] : memref<1000000xf32, #tpu.memory_space<vmem_shared>> -> memref<1000000xf32, #tpu.memory_space<vmem_shared>>
        tpu.enqueue_indirect_dma source(%dma_start3A_1703 : memref<1000000xf32, #tpu.memory_space<vmem_shared>>) target(%dma_start3A_1695 : memref<128xf32, #tpu.memory_space<vmem>>) offsets(%dma_start3A_1698 : memref<128xi32, #tpu.memory_space<vmem>>) semaphore(%arg10 : memref<!tpu.dma_semaphore, #tpu.memory_space<semaphore_mem>>)
        %scan3A_1704 = arith.constant 1 : i32
        %scan3A_1705 = arith.addi %scan3A_1684, %scan3A_1704 : i32
        %mul3A_1706 = arith.constant 1 : i32
        %mul3A_1707 = arith.muli %scan3A_1705, %mul3A_1706 : i32
        %add3A_1708 = arith.constant 0 : i32
        %add3A_1709 = arith.addi %add3A_1708, %mul3A_1707 : i32
        %add3A_1710 = arith.constant 0 : i32
        %add3A_1711 = arith.addi %add3A_1710, %add3A_1709 : i32
        %dma_start3A_1712 = arith.constant 0 : i32
        %dma_start3A_1713 = arith.constant 0 : i32
        %dma_start3A_1714 = arith.constant 0 : i32
        %dma_start3A_1715 = tpu.memref_slice %arg6[%dma_start3A_1713, %add3A_1709, %dma_start3A_1714] : memref<2x48x128xf32, #tpu.memory_space<vmem>> -> memref<1x1x128xf32, #tpu.memory_space<vmem>>
        %dma_start3A_1716 = tpu.memref_squeeze %dma_start3A_1715 : memref<1x1x128xf32, #tpu.memory_space<vmem>> -> memref<128xf32, #tpu.memory_space<vmem>>
        %dma_start3A_1717 = arith.constant 0 : i32
        %dma_start3A_1718 = tpu.memref_slice %arg5[%add3A_1711, %dma_start3A_1717] : memref<400x128xi32, #tpu.memory_space<vmem>> -> memref<1x128xi32, #tpu.memory_space<vmem>>
        %dma_start3A_1719 = tpu.memref_squeeze %dma_start3A_1718 : memref<1x128xi32, #tpu.memory_space<vmem>> -> memref<128xi32, #tpu.memory_space<vmem>>
        %dma_start3A_1720 = arith.constant 0 : i32
        %dma_start3A_1721 = tpu.memref_slice %arg8[%dma_start3A_1712, %dma_start3A_1720] : memref<1x1000000xf32, #tpu.memory_space<vmem_shared>> -> memref<1x1000000xf32, #tpu.memory_space<vmem_shared>>
        %dma_start3A_1722 = tpu.memref_squeeze %dma_start3A_1721 : memref<1x1000000xf32, #tpu.memory_space<vmem_shared>> -> memref<1000000xf32, #tpu.memory_space<vmem_shared>>
        %dma_start3A_1723 = arith.constant 0 : i32
        %dma_start3A_1724 = tpu.memref_slice %dma_start3A_1722[%dma_start3A_1723] : memref<1000000xf32, #tpu.memory_space<vmem_shared>> -> memref<1000000xf32, #tpu.memory_space<vmem_shared>>
        tpu.enqueue_indirect_dma source(%dma_start3A_1724 : memref<1000000xf32, #tpu.memory_space<vmem_shared>>) target(%dma_start3A_1716 : memref<128xf32, #tpu.memory_space<vmem>>) offsets(%dma_start3A_1719 : memref<128xi32, #tpu.memory_space<vmem>>) semaphore(%arg10 : memref<!tpu.dma_semaphore, #tpu.memory_space<semaphore_mem>>)
        %scan3A_1725 = arith.constant 2 : i32
        %scan3A_1726 = arith.addi %scan3A_1684, %scan3A_1725 : i32
        %mul3A_1727 = arith.constant 1 : i32
        %mul3A_1728 = arith.muli %scan3A_1726, %mul3A_1727 : i32
        %add3A_1729 = arith.constant 0 : i32
        %add3A_1730 = arith.addi %add3A_1729, %mul3A_1728 : i32
        %add3A_1731 = arith.constant 0 : i32
        %add3A_1732 = arith.addi %add3A_1731, %add3A_1730 : i32
        %dma_start3A_1733 = arith.constant 0 : i32
        %dma_start3A_1734 = arith.constant 0 : i32
        %dma_start3A_1735 = arith.constant 0 : i32
        %dma_start3A_1736 = tpu.memref_slice %arg6[%dma_start3A_1734, %add3A_1730, %dma_start3A_1735] : memref<2x48x128xf32, #tpu.memory_space<vmem>> -> memref<1x1x128xf32, #tpu.memory_space<vmem>>
        %dma_start3A_1737 = tpu.memref_squeeze %dma_start3A_1736 : memref<1x1x128xf32, #tpu.memory_space<vmem>> -> memref<128xf32, #tpu.memory_space<vmem>>
        %dma_start3A_1738 = arith.constant 0 : i32
        %dma_start3A_1739 = tpu.memref_slice %arg5[%add3A_1732, %dma_start3A_1738] : memref<400x128xi32, #tpu.memory_space<vmem>> -> memref<1x128xi32, #tpu.memory_space<vmem>>
        %dma_start3A_1740 = tpu.memref_squeeze %dma_start3A_1739 : memref<1x128xi32, #tpu.memory_space<vmem>> -> memref<128xi32, #tpu.memory_space<vmem>>
        %dma_start3A_1741 = arith.constant 0 : i32
        %dma_start3A_1742 = tpu.memref_slice %arg8[%dma_start3A_1733, %dma_start3A_1741] : memref<1x1000000xf32, #tpu.memory_space<vmem_shared>> -> memref<1x1000000xf32, #tpu.memory_space<vmem_shared>>
        %dma_start3A_1743 = tpu.memref_squeeze %dma_start3A_1742 : memref<1x1000000xf32, #tpu.memory_space<vmem_shared>> -> memref<1000000xf32, #tpu.memory_space<vmem_shared>>
        %dma_start3A_1744 = arith.constant 0 : i32
        %dma_start3A_1745 = tpu.memref_slice %dma_start3A_1743[%dma_start3A_1744] : memref<1000000xf32, #tpu.memory_space<vmem_shared>> -> memref<1000000xf32, #tpu.memory_space<vmem_shared>>
        tpu.enqueue_indirect_dma source(%dma_start3A_1745 : memref<1000000xf32, #tpu.memory_space<vmem_shared>>) target(%dma_start3A_1737 : memref<128xf32, #tpu.memory_space<vmem>>) offsets(%dma_start3A_1740 : memref<128xi32, #tpu.memory_space<vmem>>) semaphore(%arg10 : memref<!tpu.dma_semaphore, #tpu.memory_space<semaphore_mem>>)
        %scan3A_1746 = arith.constant 3 : i32
        %scan3A_1747 = arith.addi %scan3A_1684, %scan3A_1746 : i32
        %mul3A_1748 = arith.constant 1 : i32
        %mul3A_1749 = arith.muli %scan3A_1747, %mul3A_1748 : i32
        %add3A_1750 = arith.constant 0 : i32
        %add3A_1751 = arith.addi %add3A_1750, %mul3A_1749 : i32
        %add3A_1752 = arith.constant 0 : i32
        %add3A_1753 = arith.addi %add3A_1752, %add3A_1751 : i32
        %dma_start3A_1754 = arith.constant 0 : i32
        %dma_start3A_1755 = arith.constant 0 : i32
        %dma_start3A_1756 = arith.constant 0 : i32
        %dma_start3A_1757 = tpu.memref_slice %arg6[%dma_start3A_1755, %add3A_1751, %dma_start3A_1756] : memref<2x48x128xf32, #tpu.memory_space<vmem>> -> memref<1x1x128xf32, #tpu.memory_space<vmem>>
        %dma_start3A_1758 = tpu.memref_squeeze %dma_start3A_1757 : memref<1x1x128xf32, #tpu.memory_space<vmem>> -> memref<128xf32, #tpu.memory_space<vmem>>
        %dma_start3A_1759 = arith.constant 0 : i32
        %dma_start3A_1760 = tpu.memref_slice %arg5[%add3A_1753, %dma_start3A_1759] : memref<400x128xi32, #tpu.memory_space<vmem>> -> memref<1x128xi32, #tpu.memory_space<vmem>>
        %dma_start3A_1761 = tpu.memref_squeeze %dma_start3A_1760 : memref<1x128xi32, #tpu.memory_space<vmem>> -> memref<128xi32, #tpu.memory_space<vmem>>
        %dma_start3A_1762 = arith.constant 0 : i32
        %dma_start3A_1763 = tpu.memref_slice %arg8[%dma_start3A_1754, %dma_start3A_1762] : memref<1x1000000xf32, #tpu.memory_space<vmem_shared>> -> memref<1x1000000xf32, #tpu.memory_space<vmem_shared>>
        %dma_start3A_1764 = tpu.memref_squeeze %dma_start3A_1763 : memref<1x1000000xf32, #tpu.memory_space<vmem_shared>> -> memref<1000000xf32, #tpu.memory_space<vmem_shared>>
        %dma_start3A_1765 = arith.constant 0 : i32
        %dma_start3A_1766 = tpu.memref_slice %dma_start3A_1764[%dma_start3A_1765] : memref<1000000xf32, #tpu.memory_space<vmem_shared>> -> memref<1000000xf32, #tpu.memory_space<vmem_shared>>
        tpu.enqueue_indirect_dma source(%dma_start3A_1766 : memref<1000000xf32, #tpu.memory_space<vmem_shared>>) target(%dma_start3A_1758 : memref<128xf32, #tpu.memory_space<vmem>>) offsets(%dma_start3A_1761 : memref<128xi32, #tpu.memory_space<vmem>>) semaphore(%arg10 : memref<!tpu.dma_semaphore, #tpu.memory_space<semaphore_mem>>)
        %scan3A_1767 = arith.constant 4 : i32
        %scan3A_1768 = arith.addi %scan3A_1684, %scan3A_1767 : i32
        %mul3A_1769 = arith.constant 1 : i32
        %mul3A_1770 = arith.muli %scan3A_1768, %mul3A_1769 : i32
        %add3A_1771 = arith.constant 0 : i32
        %add3A_1772 = arith.addi %add3A_1771, %mul3A_1770 : i32
        %add3A_1773 = arith.constant 0 : i32
        %add3A_1774 = arith.addi %add3A_1773, %add3A_1772 : i32
        %dma_start3A_1775 = arith.constant 0 : i32
        %dma_start3A_1776 = arith.constant 0 : i32
        %dma_start3A_1777 = arith.constant 0 : i32
        %dma_start3A_1778 = tpu.memref_slice %arg6[%dma_start3A_1776, %add3A_1772, %dma_start3A_1777] : memref<2x48x128xf32, #tpu.memory_space<vmem>> -> memref<1x1x128xf32, #tpu.memory_space<vmem>>
        %dma_start3A_1779 = tpu.memref_squeeze %dma_start3A_1778 : memref<1x1x128xf32, #tpu.memory_space<vmem>> -> memref<128xf32, #tpu.memory_space<vmem>>
        %dma_start3A_1780 = arith.constant 0 : i32
        %dma_start3A_1781 = tpu.memref_slice %arg5[%add3A_1774, %dma_start3A_1780] : memref<400x128xi32, #tpu.memory_space<vmem>> -> memref<1x128xi32, #tpu.memory_space<vmem>>
        %dma_start3A_1782 = tpu.memref_squeeze %dma_start3A_1781 : memref<1x128xi32, #tpu.memory_space<vmem>> -> memref<128xi32, #tpu.memory_space<vmem>>
        %dma_start3A_1783 = arith.constant 0 : i32
        %dma_start3A_1784 = tpu.memref_slice %arg8[%dma_start3A_1775, %dma_start3A_1783] : memref<1x1000000xf32, #tpu.memory_space<vmem_shared>> -> memref<1x1000000xf32, #tpu.memory_space<vmem_shared>>
        %dma_start3A_1785 = tpu.memref_squeeze %dma_start3A_1784 : memref<1x1000000xf32, #tpu.memory_space<vmem_shared>> -> memref<1000000xf32, #tpu.memory_space<vmem_shared>>
        %dma_start3A_1786 = arith.constant 0 : i32
        %dma_start3A_1787 = tpu.memref_slice %dma_start3A_1785[%dma_start3A_1786] : memref<1000000xf32, #tpu.memory_space<vmem_shared>> -> memref<1000000xf32, #tpu.memory_space<vmem_shared>>
        tpu.enqueue_indirect_dma source(%dma_start3A_1787 : memref<1000000xf32, #tpu.memory_space<vmem_shared>>) target(%dma_start3A_1779 : memref<128xf32, #tpu.memory_space<vmem>>) offsets(%dma_start3A_1782 : memref<128xi32, #tpu.memory_space<vmem>>) semaphore(%arg10 : memref<!tpu.dma_semaphore, #tpu.memory_space<semaphore_mem>>)
        %scan3A_1788 = arith.constant 5 : i32
        %scan3A_1789 = arith.addi %scan3A_1684, %scan3A_1788 : i32
        %mul3A_1790 = arith.constant 1 : i32
        %mul3A_1791 = arith.muli %scan3A_1789, %mul3A_1790 : i32
        %add3A_1792 = arith.constant 0 : i32
        %add3A_1793 = arith.addi %add3A_1792, %mul3A_1791 : i32
        %add3A_1794 = arith.constant 0 : i32
        %add3A_1795 = arith.addi %add3A_1794, %add3A_1793 : i32
        %dma_start3A_1796 = arith.constant 0 : i32
        %dma_start3A_1797 = arith.constant 0 : i32
        %dma_start3A_1798 = arith.constant 0 : i32
        %dma_start3A_1799 = tpu.memref_slice %arg6[%dma_start3A_1797, %add3A_1793, %dma_start3A_1798] : memref<2x48x128xf32, #tpu.memory_space<vmem>> -> memref<1x1x128xf32, #tpu.memory_space<vmem>>
        %dma_start3A_1800 = tpu.memref_squeeze %dma_start3A_1799 : memref<1x1x128xf32, #tpu.memory_space<vmem>> -> memref<128xf32, #tpu.memory_space<vmem>>
        %dma_start3A_1801 = arith.constant 0 : i32
        %dma_start3A_1802 = tpu.memref_slice %arg5[%add3A_1795, %dma_start3A_1801] : memref<400x128xi32, #tpu.memory_space<vmem>> -> memref<1x128xi32, #tpu.memory_space<vmem>>
        %dma_start3A_1803 = tpu.memref_squeeze %dma_start3A_1802 : memref<1x128xi32, #tpu.memory_space<vmem>> -> memref<128xi32, #tpu.memory_space<vmem>>
        %dma_start3A_1804 = arith.constant 0 : i32
        %dma_start3A_1805 = tpu.memref_slice %arg8[%dma_start3A_1796, %dma_start3A_1804] : memref<1x1000000xf32, #tpu.memory_space<vmem_shared>> -> memref<1x1000000xf32, #tpu.memory_space<vmem_shared>>
        %dma_start3A_1806 = tpu.memref_squeeze %dma_start3A_1805 : memref<1x1000000xf32, #tpu.memory_space<vmem_shared>> -> memref<1000000xf32, #tpu.memory_space<vmem_shared>>
        %dma_start3A_1807 = arith.constant 0 : i32
        %dma_start3A_1808 = tpu.memref_slice %dma_start3A_1806[%dma_start3A_1807] : memref<1000000xf32, #tpu.memory_space<vmem_shared>> -> memref<1000000xf32, #tpu.memory_space<vmem_shared>>
        tpu.enqueue_indirect_dma source(%dma_start3A_1808 : memref<1000000xf32, #tpu.memory_space<vmem_shared>>) target(%dma_start3A_1800 : memref<128xf32, #tpu.memory_space<vmem>>) offsets(%dma_start3A_1803 : memref<128xi32, #tpu.memory_space<vmem>>) semaphore(%arg10 : memref<!tpu.dma_semaphore, #tpu.memory_space<semaphore_mem>>)
        %scan3A_1809 = arith.constant 6 : i32
        %scan3A_1810 = arith.addi %scan3A_1684, %scan3A_1809 : i32
        %mul3A_1811 = arith.constant 1 : i32
        %mul3A_1812 = arith.muli %scan3A_1810, %mul3A_1811 : i32
        %add3A_1813 = arith.constant 0 : i32
        %add3A_1814 = arith.addi %add3A_1813, %mul3A_1812 : i32
        %add3A_1815 = arith.constant 0 : i32
        %add3A_1816 = arith.addi %add3A_1815, %add3A_1814 : i32
        %dma_start3A_1817 = arith.constant 0 : i32
        %dma_start3A_1818 = arith.constant 0 : i32
        %dma_start3A_1819 = arith.constant 0 : i32
        %dma_start3A_1820 = tpu.memref_slice %arg6[%dma_start3A_1818, %add3A_1814, %dma_start3A_1819] : memref<2x48x128xf32, #tpu.memory_space<vmem>> -> memref<1x1x128xf32, #tpu.memory_space<vmem>>
        %dma_start3A_1821 = tpu.memref_squeeze %dma_start3A_1820 : memref<1x1x128xf32, #tpu.memory_space<vmem>> -> memref<128xf32, #tpu.memory_space<vmem>>
        %dma_start3A_1822 = arith.constant 0 : i32
        %dma_start3A_1823 = tpu.memref_slice %arg5[%add3A_1816, %dma_start3A_1822] : memref<400x128xi32, #tpu.memory_space<vmem>> -> memref<1x128xi32, #tpu.memory_space<vmem>>
        %dma_start3A_1824 = tpu.memref_squeeze %dma_start3A_1823 : memref<1x128xi32, #tpu.memory_space<vmem>> -> memref<128xi32, #tpu.memory_space<vmem>>
        %dma_start3A_1825 = arith.constant 0 : i32
        %dma_start3A_1826 = tpu.memref_slice %arg8[%dma_start3A_1817, %dma_start3A_1825] : memref<1x1000000xf32, #tpu.memory_space<vmem_shared>> -> memref<1x1000000xf32, #tpu.memory_space<vmem_shared>>
        %dma_start3A_1827 = tpu.memref_squeeze %dma_start3A_1826 : memref<1x1000000xf32, #tpu.memory_space<vmem_shared>> -> memref<1000000xf32, #tpu.memory_space<vmem_shared>>
        %dma_start3A_1828 = arith.constant 0 : i32
        %dma_start3A_1829 = tpu.memref_slice %dma_start3A_1827[%dma_start3A_1828] : memref<1000000xf32, #tpu.memory_space<vmem_shared>> -> memref<1000000xf32, #tpu.memory_space<vmem_shared>>
        tpu.enqueue_indirect_dma source(%dma_start3A_1829 : memref<1000000xf32, #tpu.memory_space<vmem_shared>>) target(%dma_start3A_1821 : memref<128xf32, #tpu.memory_space<vmem>>) offsets(%dma_start3A_1824 : memref<128xi32, #tpu.memory_space<vmem>>) semaphore(%arg10 : memref<!tpu.dma_semaphore, #tpu.memory_space<semaphore_mem>>)
        %scan3A_1830 = arith.constant 7 : i32
        %scan3A_1831 = arith.addi %scan3A_1684, %scan3A_1830 : i32
        %mul3A_1832 = arith.constant 1 : i32
        %mul3A_1833 = arith.muli %scan3A_1831, %mul3A_1832 : i32
        %add3A_1834 = arith.constant 0 : i32
        %add3A_1835 = arith.addi %add3A_1834, %mul3A_1833 : i32
        %add3A_1836 = arith.constant 0 : i32
        %add3A_1837 = arith.addi %add3A_1836, %add3A_1835 : i32
        %dma_start3A_1838 = arith.constant 0 : i32
        %dma_start3A_1839 = arith.constant 0 : i32
        %dma_start3A_1840 = arith.constant 0 : i32
        %dma_start3A_1841 = tpu.memref_slice %arg6[%dma_start3A_1839, %add3A_1835, %dma_start3A_1840] : memref<2x48x128xf32, #tpu.memory_space<vmem>> -> memref<1x1x128xf32, #tpu.memory_space<vmem>>
        %dma_start3A_1842 = tpu.memref_squeeze %dma_start3A_1841 : memref<1x1x128xf32, #tpu.memory_space<vmem>> -> memref<128xf32, #tpu.memory_space<vmem>>
        %dma_start3A_1843 = arith.constant 0 : i32
        %dma_start3A_1844 = tpu.memref_slice %arg5[%add3A_1837, %dma_start3A_1843] : memref<400x128xi32, #tpu.memory_space<vmem>> -> memref<1x128xi32, #tpu.memory_space<vmem>>
        %dma_start3A_1845 = tpu.memref_squeeze %dma_start3A_1844 : memref<1x128xi32, #tpu.memory_space<vmem>> -> memref<128xi32, #tpu.memory_space<vmem>>
        %dma_start3A_1846 = arith.constant 0 : i32
        %dma_start3A_1847 = tpu.memref_slice %arg8[%dma_start3A_1838, %dma_start3A_1846] : memref<1x1000000xf32, #tpu.memory_space<vmem_shared>> -> memref<1x1000000xf32, #tpu.memory_space<vmem_shared>>
        %dma_start3A_1848 = tpu.memref_squeeze %dma_start3A_1847 : memref<1x1000000xf32, #tpu.memory_space<vmem_shared>> -> memref<1000000xf32, #tpu.memory_space<vmem_shared>>
        %dma_start3A_1849 = arith.constant 0 : i32
        %dma_start3A_1850 = tpu.memref_slice %dma_start3A_1848[%dma_start3A_1849] : memref<1000000xf32, #tpu.memory_space<vmem_shared>> -> memref<1000000xf32, #tpu.memory_space<vmem_shared>>
        tpu.enqueue_indirect_dma source(%dma_start3A_1850 : memref<1000000xf32, #tpu.memory_space<vmem_shared>>) target(%dma_start3A_1842 : memref<128xf32, #tpu.memory_space<vmem>>) offsets(%dma_start3A_1845 : memref<128xi32, #tpu.memory_space<vmem>>) semaphore(%arg10 : memref<!tpu.dma_semaphore, #tpu.memory_space<semaphore_mem>>)
      }
      %scan3A_53 = arith.constant 48 : i32
      %dma_wait3A_54 = arith.constant 0 : i32
      %dma_wait3A_55 = arith.constant 0 : i32
      %dma_wait3A_56 = arith.constant 0 : i32
      %dma_wait3A_57 = tpu.memref_slice %arg6[%dma_wait3A_54, %dma_wait3A_55, %dma_wait3A_56] : memref<2x48x128xf32, #tpu.memory_space<vmem>> -> memref<1x48x128xf32, #tpu.memory_space<vmem>>
      %dma_wait3A_58 = tpu.memref_squeeze %dma_wait3A_57 : memref<1x48x128xf32, #tpu.memory_space<vmem>> -> memref<48x128xf32, #tpu.memory_space<vmem>>
      %dma_wait3A_59 = arith.constant 0 : i32
      %dma_wait3A_60 = arith.constant 0 : i32
      %dma_wait3A_61 = tpu.memref_slice %arg3[%dma_wait3A_59, %dma_wait3A_60] : memref<64x1000000xf32, #tpu.memory_space<hbm>> -> memref<48x128xf32, #tpu.memory_space<hbm>>
      %dma_wait3A_62 = arith.constant 0 : i32
      %dma_wait3A_63 = arith.constant 0 : i32
      %dma_wait3A_64 = tpu.memref_slice %arg6[%dma_wait3A_54, %dma_wait3A_62, %dma_wait3A_63] : memref<2x48x128xf32, #tpu.memory_space<vmem>> -> memref<1x48x128xf32, #tpu.memory_space<vmem>>
      %dma_wait3A_65 = tpu.memref_squeeze %dma_wait3A_64 : memref<1x48x128xf32, #tpu.memory_space<vmem>> -> memref<48x128xf32, #tpu.memory_space<vmem>>
      %dma_wait3A_66 = arith.constant 0 : i32
      %dma_wait3A_67 = arith.constant 0 : i32
      %dma_wait3A_68 = tpu.memref_slice %arg3[%dma_wait3A_66, %dma_wait3A_67] : memref<64x1000000xf32, #tpu.memory_space<hbm>> -> memref<48x128xf32, #tpu.memory_space<hbm>>
      tpu.wait_dma2 semaphore(%arg10 : memref<!tpu.dma_semaphore, #tpu.memory_space<semaphore_mem>>) src(%dma_wait3A_68 : memref<48x128xf32, #tpu.memory_space<hbm>>) dst(%dma_wait3A_65 : memref<48x128xf32, #tpu.memory_space<vmem>>)
      %jit3A = arith.constant 8 : i32
      %div3A = arith.divsi %add3A_38, %jit3A : i32
      %sign3A = arith.constant 0 : i32
      %sign3A_69 = arith.cmpi sgt, %add3A_38, %sign3A : i32
      %sign3A_70 = arith.extui %sign3A_69 : i1 to i32
      %sign3A_71 = arith.constant 0 : i32
      %sign3A_72 = arith.cmpi slt, %add3A_38, %sign3A_71 : i32
      %sign3A_73 = arith.extui %sign3A_72 : i1 to i32
      %sign3A_74 = arith.subi %sign3A_70, %sign3A_73 : i32
      %sign3A_75 = arith.constant 0 : i32
      %sign3A_76 = arith.cmpi sgt, %jit3A, %sign3A_75 : i32
      %sign3A_77 = arith.extui %sign3A_76 : i1 to i32
      %sign3A_78 = arith.constant 0 : i32
      %sign3A_79 = arith.cmpi slt, %jit3A, %sign3A_78 : i32
      %sign3A_80 = arith.extui %sign3A_79 : i1 to i32
      %sign3A_81 = arith.subi %sign3A_77, %sign3A_80 : i32
      %ne3A = arith.cmpi ne, %sign3A_74, %sign3A_81 : i32
      %rem3A = arith.remsi %add3A_38, %jit3A : i32
      %ne3A_82 = arith.constant 0 : i32
      %ne3A_83 = arith.cmpi ne, %rem3A, %ne3A_82 : i32
      %and3A = arith.andi %ne3A, %ne3A_83 : i1
      %sub3A = arith.constant 1 : i32
      %sub3A_84 = arith.subi %div3A, %sub3A : i32
      %select_n3A = arith.select %and3A, %sub3A_84, %div3A : i32
      %mul3A_85 = arith.constant 256 : i32
      %mul3A_86 = arith.muli %select_n3A, %mul3A_85 : i32
      %jit3A_87 = arith.constant 8 : i32
      %eq3A_88 = arith.constant 0 : i32
      %eq3A_89 = arith.cmpi eq, %jit3A_87, %eq3A_88 : i32
      %jit3A_90 = arith.constant 1 : i32
      %select_n3A_91 = arith.select %eq3A_89, %jit3A_90, %jit3A_87 : i32
      %rem3A_92 = arith.remsi %add3A_38, %select_n3A_91 : i32
      %ne3A_93 = arith.constant 0 : i32
      %ne3A_94 = arith.cmpi ne, %rem3A_92, %ne3A_93 : i32
      %lt3A_95 = arith.constant 0 : i32
      %lt3A_96 = arith.cmpi slt, %rem3A_92, %lt3A_95 : i32
      %lt3A_97 = arith.constant 0 : i32
      %lt3A_98 = arith.cmpi slt, %select_n3A_91, %lt3A_97 : i32
      %ne3A_99 = arith.xori %lt3A_96, %lt3A_98 : i1
      %and3A_100 = arith.andi %ne3A_99, %ne3A_94 : i1
      %add3A_101 = arith.addi %rem3A_92, %select_n3A_91 : i32
      %select_n3A_102 = arith.select %and3A_100, %add3A_101, %rem3A_92 : i32
      %add3A_103 = arith.addi %mul3A_86, %select_n3A_102 : i32
      %mul3A_104 = arith.constant 2 : i32
      %mul3A_105 = arith.muli %mul3A_104, %arg1 : i32
      %mul3A_106 = arith.constant 8 : i32
      %mul3A_107 = arith.muli %mul3A_105, %mul3A_106 : i32
      %add3A_108 = arith.addi %add3A_103, %mul3A_107 : i32
      %iota3A = tpu.iota {dimensions = array<i32: 0>} : vector<16xi32>
      %add3A_109 = arith.constant 0 : i32
      %add3A_110 = vector.broadcast %add3A_109 : i32 to vector<16xi32>
      %add3A_111 = arith.addi %iota3A, %add3A_110 : vector<16xi32>
      %ge3A_112 = arith.constant 200 : i32
      %ge3A_113 = vector.broadcast %ge3A_112 : i32 to vector<16xi32>
      %ge3A_114 = arith.cmpi sge, %add3A_111, %ge3A_113 : vector<16xi32>
      %jit3A_115 = arith.constant 1 : i32
      %jit3A_116 = arith.constant 0 : i32
      %broadcast_in_dim3A = vector.broadcast %jit3A_115 : i32 to vector<16xi32>
      %broadcast_in_dim3A_117 = vector.broadcast %jit3A_116 : i32 to vector<16xi32>
      %select_n3A_118 = arith.select %ge3A_114, %broadcast_in_dim3A, %broadcast_in_dim3A_117 : vector<16xi1>, vector<16xi32>
      %mul3A_119 = arith.constant 200 : i32
      %mul3A_120 = vector.broadcast %mul3A_119 : i32 to vector<16xi32>
      %mul3A_121 = arith.muli %select_n3A_118, %mul3A_120 : vector<16xi32>
      %sub3A_122 = arith.subi %add3A_111, %mul3A_121 : vector<16xi32>
      %mul3A_123 = arith.constant 2048 : i32
      %mul3A_124 = vector.broadcast %mul3A_123 : i32 to vector<16xi32>
      %mul3A_125 = arith.muli %sub3A_122, %mul3A_124 : vector<16xi32>
      %add3A_126 = vector.broadcast %add3A_108 : i32 to vector<16xi32>
      %add3A_127 = arith.addi %mul3A_125, %add3A_126 : vector<16xi32>
      %mul3A_128 = arith.constant 8 : i32
      %mul3A_129 = vector.broadcast %mul3A_128 : i32 to vector<16xi32>
      %mul3A_130 = arith.muli %select_n3A_118, %mul3A_129 : vector<16xi32>
      %add3A_131 = arith.addi %add3A_127, %mul3A_130 : vector<16xi32>
      %swap3A = arith.constant 0 : i32
      %swap3A_132 = arith.index_cast %swap3A : i32 to index
      %swap3A_133 = arith.constant 0 : index
      %swap3A_134 = tpu.vector_load %arg7[%swap3A_132, %swap3A_133] {strides = array<i32>} : memref<9x48xi32, #tpu.memory_space<vmem>>, vector<1x16xi32>,
      %swap3A_135 = vector.shape_cast %swap3A_134 : vector<1x16xi32> to vector<16xi32>
      %swap3A_136 = vector.shape_cast %add3A_131 : vector<16xi32> to vector<1x16xi32>
      tpu.vector_store %arg7[%swap3A_132, %swap3A_133], %swap3A_136 {strides = array<i32>} : memref<9x48xi32, #tpu.memory_space<vmem>>, vector<1x16xi32>,
      %iota3A_137 = tpu.iota {dimensions = array<i32: 0>} : vector<16xi32>
      %add3A_138 = arith.constant 16 : i32
      %add3A_139 = vector.broadcast %add3A_138 : i32 to vector<16xi32>
      %add3A_140 = arith.addi %iota3A_137, %add3A_139 : vector<16xi32>
      %ge3A_141 = arith.constant 200 : i32
      %ge3A_142 = vector.broadcast %ge3A_141 : i32 to vector<16xi32>
      %ge3A_143 = arith.cmpi sge, %add3A_140, %ge3A_142 : vector<16xi32>
      %jit3A_144 = arith.constant 1 : i32
      %jit3A_145 = arith.constant 0 : i32
      %broadcast_in_dim3A_146 = vector.broadcast %jit3A_144 : i32 to vector<16xi32>
      %broadcast_in_dim3A_147 = vector.broadcast %jit3A_145 : i32 to vector<16xi32>
      %select_n3A_148 = arith.select %ge3A_143, %broadcast_in_dim3A_146, %broadcast_in_dim3A_147 : vector<16xi1>, vector<16xi32>
      %mul3A_149 = arith.constant 200 : i32
      %mul3A_150 = vector.broadcast %mul3A_149 : i32 to vector<16xi32>
      %mul3A_151 = arith.muli %select_n3A_148, %mul3A_150 : vector<16xi32>
      %sub3A_152 = arith.subi %add3A_140, %mul3A_151 : vector<16xi32>
      %mul3A_153 = arith.constant 2048 : i32
      %mul3A_154 = vector.broadcast %mul3A_153 : i32 to vector<16xi32>
      %mul3A_155 = arith.muli %sub3A_152, %mul3A_154 : vector<16xi32>
      %add3A_156 = vector.broadcast %add3A_108 : i32 to vector<16xi32>
      %add3A_157 = arith.addi %mul3A_155, %add3A_156 : vector<16xi32>
      %mul3A_158 = arith.constant 8 : i32
      %mul3A_159 = vector.broadcast %mul3A_158 : i32 to vector<16xi32>
      %mul3A_160 = arith.muli %select_n3A_148, %mul3A_159 : vector<16xi32>
      %add3A_161 = arith.addi %add3A_157, %mul3A_160 : vector<16xi32>
      %swap3A_162 = arith.constant 0 : i32
      %swap3A_163 = arith.index_cast %swap3A_162 : i32 to index
      %swap3A_164 = arith.constant 16 : index
      %swap3A_165 = tpu.vector_load %arg7[%swap3A_163, %swap3A_164] {strides = array<i32>} : memref<9x48xi32, #tpu.memory_space<vmem>>, vector<1x16xi32>,
      %swap3A_166 = vector.shape_cast %swap3A_165 : vector<1x16xi32> to vector<16xi32>
      %swap3A_167 = vector.shape_cast %add3A_161 : vector<16xi32> to vector<1x16xi32>
      tpu.vector_store %arg7[%swap3A_163, %swap3A_164], %swap3A_167 {strides = array<i32>} : memref<9x48xi32, #tpu.memory_space<vmem>>, vector<1x16xi32>,
      %iota3A_168 = tpu.iota {dimensions = array<i32: 0>} : vector<16xi32>
      %add3A_169 = arith.constant 32 : i32
      %add3A_170 = vector.broadcast %add3A_169 : i32 to vector<16xi32>
      %add3A_171 = arith.addi %iota3A_168, %add3A_170 : vector<16xi32>
      %ge3A_172 = arith.constant 200 : i32
      %ge3A_173 = vector.broadcast %ge3A_172 : i32 to vector<16xi32>
      %ge3A_174 = arith.cmpi sge, %add3A_171, %ge3A_173 : vector<16xi32>
      %jit3A_175 = arith.constant 1 : i32
      %jit3A_176 = arith.constant 0 : i32
      %broadcast_in_dim3A_177 = vector.broadcast %jit3A_175 : i32 to vector<16xi32>
      %broadcast_in_dim3A_178 = vector.broadcast %jit3A_176 : i32 to vector<16xi32>
      %select_n3A_179 = arith.select %ge3A_174, %broadcast_in_dim3A_177, %broadcast_in_dim3A_178 : vector<16xi1>, vector<16xi32>
      %mul3A_180 = arith.constant 200 : i32
      %mul3A_181 = vector.broadcast %mul3A_180 : i32 to vector<16xi32>
      %mul3A_182 = arith.muli %select_n3A_179, %mul3A_181 : vector<16xi32>
      %sub3A_183 = arith.subi %add3A_171, %mul3A_182 : vector<16xi32>
      %mul3A_184 = arith.constant 2048 : i32
      %mul3A_185 = vector.broadcast %mul3A_184 : i32 to vector<16xi32>
      %mul3A_186 = arith.muli %sub3A_183, %mul3A_185 : vector<16xi32>
      %add3A_187 = vector.broadcast %add3A_108 : i32 to vector<16xi32>
      %add3A_188 = arith.addi %mul3A_186, %add3A_187 : vector<16xi32>
      %mul3A_189 = arith.constant 8 : i32
      %mul3A_190 = vector.broadcast %mul3A_189 : i32 to vector<16xi32>
      %mul3A_191 = arith.muli %select_n3A_179, %mul3A_190 : vector<16xi32>
      %add3A_192 = arith.addi %add3A_188, %mul3A_191 : vector<16xi32>
      %swap3A_193 = arith.constant 0 : i32
      %swap3A_194 = arith.index_cast %swap3A_193 : i32 to index
      %swap3A_195 = arith.constant 32 : index
      %swap3A_196 = tpu.vector_load %arg7[%swap3A_194, %swap3A_195] {strides = array<i32>} : memref<9x48xi32, #tpu.memory_space<vmem>>, vector<1x16xi32>,
      %swap3A_197 = vector.shape_cast %swap3A_196 : vector<1x16xi32> to vector<16xi32>
      %swap3A_198 = vector.shape_cast %add3A_192 : vector<16xi32> to vector<1x16xi32>
      tpu.vector_store %arg7[%swap3A_194, %swap3A_195], %swap3A_198 {strides = array<i32>} : memref<9x48xi32, #tpu.memory_space<vmem>>, vector<1x16xi32>,
      %dma_start3A = arith.constant 0 : i32
      %dma_start3A_199 = arith.constant 0 : i32
      %dma_start3A_200 = arith.constant 0 : i32
      %dma_start3A_201 = arith.constant 0 : i32
      %dma_start3A_202 = tpu.memref_slice %arg6[%dma_start3A, %dma_start3A_200, %dma_start3A_201] : memref<2x48x128xf32, #tpu.memory_space<vmem>> -> memref<1x48x128xf32, #tpu.memory_space<vmem>>
      %dma_start3A_203 = tpu.memref_squeeze %dma_start3A_202 : memref<1x48x128xf32, #tpu.memory_space<vmem>> -> memref<48x128xf32, #tpu.memory_space<vmem>>
      %dma_start3A_204 = arith.constant 0 : i32
      %dma_start3A_205 = tpu.memref_slice %arg7[%dma_start3A_199, %dma_start3A_204] : memref<9x48xi32, #tpu.memory_space<vmem>> -> memref<1x48xi32, #tpu.memory_space<vmem>>
      %dma_start3A_206 = tpu.memref_squeeze %dma_start3A_205 : memref<1x48xi32, #tpu.memory_space<vmem>> -> memref<48xi32, #tpu.memory_space<vmem>>
      %dma_start3A_207 = arith.constant 0 : i32
      %dma_start3A_208 = arith.constant 0 : i32
      %dma_start3A_209 = tpu.memref_slice %arg4[%dma_start3A_207, %dma_start3A_208] : memref<409600x128xf32, #tpu.memory_space<hbm>> -> memref<409600x128xf32, #tpu.memory_space<hbm>>
      tpu.enqueue_indirect_dma source(%dma_start3A_203 : memref<48x128xf32, #tpu.memory_space<vmem>>) target(%dma_start3A_209 : memref<409600x128xf32, #tpu.memory_space<hbm>>) offsets(%dma_start3A_206 : memref<48xi32, #tpu.memory_space<vmem>>) semaphore(%arg11 : memref<!tpu.dma_semaphore, #tpu.memory_space<semaphore_mem>>)
      %ge3A_210 = arith.constant 1 : i32
      %ge3A_211 = arith.cmpi sge, %add3A_37, %ge3A_210 : i32
      %convert_element_type3A_212 = arith.extui %ge3A_211 : i1 to i32
      %cond3A_213 = arith.constant 0 : i32
      %cond3A_214 = arith.cmpi ne, %convert_element_type3A_212, %cond3A_213 : i32
      scf.if %cond3A_214 {
        %dma_wait3A_1684 = arith.constant 1 : i32
        %dma_wait3A_1685 = arith.constant 7 : i32
        %dma_wait3A_1686 = arith.constant 0 : i32
        %dma_wait3A_1687 = arith.constant 0 : i32
        %dma_wait3A_1688 = tpu.memref_slice %arg6[%dma_wait3A_1684, %dma_wait3A_1686, %dma_wait3A_1687] : memref<2x48x128xf32, #tpu.memory_space<vmem>> -> memref<1x48x128xf32, #tpu.memory_space<vmem>>
        %dma_wait3A_1689 = tpu.memref_squeeze %dma_wait3A_1688 : memref<1x48x128xf32, #tpu.memory_space<vmem>> -> memref<48x128xf32, #tpu.memory_space<vmem>>
        %dma_wait3A_1690 = arith.constant 0 : i32
        %dma_wait3A_1691 = tpu.memref_slice %arg7[%dma_wait3A_1685, %dma_wait3A_1690] : memref<9x48xi32, #tpu.memory_space<vmem>> -> memref<1x48xi32, #tpu.memory_space<vmem>>
        %dma_wait3A_1692 = tpu.memref_squeeze %dma_wait3A_1691 : memref<1x48xi32, #tpu.memory_space<vmem>> -> memref<48xi32, #tpu.memory_space<vmem>>
        %dma_wait3A_1693 = arith.constant 0 : i32
        %dma_wait3A_1694 = arith.constant 0 : i32
        %dma_wait3A_1695 = tpu.memref_slice %arg4[%dma_wait3A_1693, %dma_wait3A_1694] : memref<409600x128xf32, #tpu.memory_space<hbm>> -> memref<409600x128xf32, #tpu.memory_space<hbm>>
        tpu.wait_indirect_dma semaphore(%arg12 : memref<!tpu.dma_semaphore, #tpu.memory_space<semaphore_mem>>) src(%dma_wait3A_1689 : memref<48x128xf32, #tpu.memory_space<vmem>>) dst(%dma_wait3A_1695 : memref<409600x128xf32, #tpu.memory_space<hbm>>)
      } else {
      }
      %scan3A_215 = arith.constant 0 : i32
      %scan3A_216 = arith.constant 48 : i32
      %scan3A_217 = arith.addi %scan3A_215, %scan3A_216 : i32
      %scan3A_218 = arith.constant 8 : i32
      scf.for %scan3A_1684 = %scan3A_215 to %scan3A_217 step %scan3A_218  : i32 {
        %mul3A_1685 = arith.constant 1 : i32
        %mul3A_1686 = arith.muli %scan3A_1684, %mul3A_1685 : i32
        %add3A_1687 = arith.constant 0 : i32
        %add3A_1688 = arith.addi %add3A_1687, %mul3A_1686 : i32
        %add3A_1689 = arith.constant 48 : i32
        %add3A_1690 = arith.addi %add3A_1689, %add3A_1688 : i32
        %dma_start3A_1691 = arith.constant 0 : i32
        %dma_start3A_1692 = arith.constant 1 : i32
        %dma_start3A_1693 = arith.constant 0 : i32
        %dma_start3A_1694 = tpu.memref_slice %arg6[%dma_start3A_1692, %add3A_1688, %dma_start3A_1693] : memref<2x48x128xf32, #tpu.memory_space<vmem>> -> memref<1x1x128xf32, #tpu.memory_space<vmem>>
        %dma_start3A_1695 = tpu.memref_squeeze %dma_start3A_1694 : memref<1x1x128xf32, #tpu.memory_space<vmem>> -> memref<128xf32, #tpu.memory_space<vmem>>
        %dma_start3A_1696 = arith.constant 0 : i32
        %dma_start3A_1697 = tpu.memref_slice %arg5[%add3A_1690, %dma_start3A_1696] : memref<400x128xi32, #tpu.memory_space<vmem>> -> memref<1x128xi32, #tpu.memory_space<vmem>>
        %dma_start3A_1698 = tpu.memref_squeeze %dma_start3A_1697 : memref<1x128xi32, #tpu.memory_space<vmem>> -> memref<128xi32, #tpu.memory_space<vmem>>
        %dma_start3A_1699 = arith.constant 0 : i32
        %dma_start3A_1700 = tpu.memref_slice %arg8[%dma_start3A_1691, %dma_start3A_1699] : memref<1x1000000xf32, #tpu.memory_space<vmem_shared>> -> memref<1x1000000xf32, #tpu.memory_space<vmem_shared>>
        %dma_start3A_1701 = tpu.memref_squeeze %dma_start3A_1700 : memref<1x1000000xf32, #tpu.memory_space<vmem_shared>> -> memref<1000000xf32, #tpu.memory_space<vmem_shared>>
        %dma_start3A_1702 = arith.constant 0 : i32
        %dma_start3A_1703 = tpu.memref_slice %dma_start3A_1701[%dma_start3A_1702] : memref<1000000xf32, #tpu.memory_space<vmem_shared>> -> memref<1000000xf32, #tpu.memory_space<vmem_shared>>
        tpu.enqueue_indirect_dma source(%dma_start3A_1703 : memref<1000000xf32, #tpu.memory_space<vmem_shared>>) target(%dma_start3A_1695 : memref<128xf32, #tpu.memory_space<vmem>>) offsets(%dma_start3A_1698 : memref<128xi32, #tpu.memory_space<vmem>>) semaphore(%arg10 : memref<!tpu.dma_semaphore, #tpu.memory_space<semaphore_mem>>)
        %scan3A_1704 = arith.constant 1 : i32
        %scan3A_1705 = arith.addi %scan3A_1684, %scan3A_1704 : i32
        %mul3A_1706 = arith.constant 1 : i32
        %mul3A_1707 = arith.muli %scan3A_1705, %mul3A_1706 : i32
        %add3A_1708 = arith.constant 0 : i32
        %add3A_1709 = arith.addi %add3A_1708, %mul3A_1707 : i32
        %add3A_1710 = arith.constant 48 : i32
        %add3A_1711 = arith.addi %add3A_1710, %add3A_1709 : i32
        %dma_start3A_1712 = arith.constant 0 : i32
        %dma_start3A_1713 = arith.constant 1 : i32
        %dma_start3A_1714 = arith.constant 0 : i32
        %dma_start3A_1715 = tpu.memref_slice %arg6[%dma_start3A_1713, %add3A_1709, %dma_start3A_1714] : memref<2x48x128xf32, #tpu.memory_space<vmem>> -> memref<1x1x128xf32, #tpu.memory_space<vmem>>
        %dma_start3A_1716 = tpu.memref_squeeze %dma_start3A_1715 : memref<1x1x128xf32, #tpu.memory_space<vmem>> -> memref<128xf32, #tpu.memory_space<vmem>>
        %dma_start3A_1717 = arith.constant 0 : i32
        %dma_start3A_1718 = tpu.memref_slice %arg5[%add3A_1711, %dma_start3A_1717] : memref<400x128xi32, #tpu.memory_space<vmem>> -> memref<1x128xi32, #tpu.memory_space<vmem>>
        %dma_start3A_1719 = tpu.memref_squeeze %dma_start3A_1718 : memref<1x128xi32, #tpu.memory_space<vmem>> -> memref<128xi32, #tpu.memory_space<vmem>>
        %dma_start3A_1720 = arith.constant 0 : i32
        %dma_start3A_1721 = tpu.memref_slice %arg8[%dma_start3A_1712, %dma_start3A_1720] : memref<1x1000000xf32, #tpu.memory_space<vmem_shared>> -> memref<1x1000000xf32, #tpu.memory_space<vmem_shared>>
        %dma_start3A_1722 = tpu.memref_squeeze %dma_start3A_1721 : memref<1x1000000xf32, #tpu.memory_space<vmem_shared>> -> memref<1000000xf32, #tpu.memory_space<vmem_shared>>
        %dma_start3A_1723 = arith.constant 0 : i32
        %dma_start3A_1724 = tpu.memref_slice %dma_start3A_1722[%dma_start3A_1723] : memref<1000000xf32, #tpu.memory_space<vmem_shared>> -> memref<1000000xf32, #tpu.memory_space<vmem_shared>>
        tpu.enqueue_indirect_dma source(%dma_start3A_1724 : memref<1000000xf32, #tpu.memory_space<vmem_shared>>) target(%dma_start3A_1716 : memref<128xf32, #tpu.memory_space<vmem>>) offsets(%dma_start3A_1719 : memref<128xi32, #tpu.memory_space<vmem>>) semaphore(%arg10 : memref<!tpu.dma_semaphore, #tpu.memory_space<semaphore_mem>>)
        %scan3A_1725 = arith.constant 2 : i32
        %scan3A_1726 = arith.addi %scan3A_1684, %scan3A_1725 : i32
        %mul3A_1727 = arith.constant 1 : i32
        %mul3A_1728 = arith.muli %scan3A_1726, %mul3A_1727 : i32
        %add3A_1729 = arith.constant 0 : i32
        %add3A_1730 = arith.addi %add3A_1729, %mul3A_1728 : i32
        %add3A_1731 = arith.constant 48 : i32
        %add3A_1732 = arith.addi %add3A_1731, %add3A_1730 : i32
        %dma_start3A_1733 = arith.constant 0 : i32
        %dma_start3A_1734 = arith.constant 1 : i32
        %dma_start3A_1735 = arith.constant 0 : i32
        %dma_start3A_1736 = tpu.memref_slice %arg6[%dma_start3A_1734, %add3A_1730, %dma_start3A_1735] : memref<2x48x128xf32, #tpu.memory_space<vmem>> -> memref<1x1x128xf32, #tpu.memory_space<vmem>>
        %dma_start3A_1737 = tpu.memref_squeeze %dma_start3A_1736 : memref<1x1x128xf32, #tpu.memory_space<vmem>> -> memref<128xf32, #tpu.memory_space<vmem>>
        %dma_start3A_1738 = arith.constant 0 : i32
        %dma_start3A_1739 = tpu.memref_slice %arg5[%add3A_1732, %dma_start3A_1738] : memref<400x128xi32, #tpu.memory_space<vmem>> -> memref<1x128xi32, #tpu.memory_space<vmem>>
        %dma_start3A_1740 = tpu.memref_squeeze %dma_start3A_1739 : memref<1x128xi32, #tpu.memory_space<vmem>> -> memref<128xi32, #tpu.memory_space<vmem>>
        %dma_start3A_1741 = arith.constant 0 : i32
        %dma_start3A_1742 = tpu.memref_slice %arg8[%dma_start3A_1733, %dma_start3A_1741] : memref<1x1000000xf32, #tpu.memory_space<vmem_shared>> -> memref<1x1000000xf32, #tpu.memory_space<vmem_shared>>
        %dma_start3A_1743 = tpu.memref_squeeze %dma_start3A_1742 : memref<1x1000000xf32, #tpu.memory_space<vmem_shared>> -> memref<1000000xf32, #tpu.memory_space<vmem_shared>>
        %dma_start3A_1744 = arith.constant 0 : i32
        %dma_start3A_1745 = tpu.memref_slice %dma_start3A_1743[%dma_start3A_1744] : memref<1000000xf32, #tpu.memory_space<vmem_shared>> -> memref<1000000xf32, #tpu.memory_space<vmem_shared>>
        tpu.enqueue_indirect_dma source(%dma_start3A_1745 : memref<1000000xf32, #tpu.memory_space<vmem_shared>>) target(%dma_start3A_1737 : memref<128xf32, #tpu.memory_space<vmem>>) offsets(%dma_start3A_1740 : memref<128xi32, #tpu.memory_space<vmem>>) semaphore(%arg10 : memref<!tpu.dma_semaphore, #tpu.memory_space<semaphore_mem>>)
        %scan3A_1746 = arith.constant 3 : i32
        %scan3A_1747 = arith.addi %scan3A_1684, %scan3A_1746 : i32
        %mul3A_1748 = arith.constant 1 : i32
        %mul3A_1749 = arith.muli %scan3A_1747, %mul3A_1748 : i32
        %add3A_1750 = arith.constant 0 : i32
        %add3A_1751 = arith.addi %add3A_1750, %mul3A_1749 : i32
        %add3A_1752 = arith.constant 48 : i32
        %add3A_1753 = arith.addi %add3A_1752, %add3A_1751 : i32
        %dma_start3A_1754 = arith.constant 0 : i32
        %dma_start3A_1755 = arith.constant 1 : i32
        %dma_start3A_1756 = arith.constant 0 : i32
        %dma_start3A_1757 = tpu.memref_slice %arg6[%dma_start3A_1755, %add3A_1751, %dma_start3A_1756] : memref<2x48x128xf32, #tpu.memory_space<vmem>> -> memref<1x1x128xf32, #tpu.memory_space<vmem>>
        %dma_start3A_1758 = tpu.memref_squeeze %dma_start3A_1757 : memref<1x1x128xf32, #tpu.memory_space<vmem>> -> memref<128xf32, #tpu.memory_space<vmem>>
        %dma_start3A_1759 = arith.constant 0 : i32
        %dma_start3A_1760 = tpu.memref_slice %arg5[%add3A_1753, %dma_start3A_1759] : memref<400x128xi32, #tpu.memory_space<vmem>> -> memref<1x128xi32, #tpu.memory_space<vmem>>
        %dma_start3A_1761 = tpu.memref_squeeze %dma_start3A_1760 : memref<1x128xi32, #tpu.memory_space<vmem>> -> memref<128xi32, #tpu.memory_space<vmem>>
        %dma_start3A_1762 = arith.constant 0 : i32
        %dma_start3A_1763 = tpu.memref_slice %arg8[%dma_start3A_1754, %dma_start3A_1762] : memref<1x1000000xf32, #tpu.memory_space<vmem_shared>> -> memref<1x1000000xf32, #tpu.memory_space<vmem_shared>>
        %dma_start3A_1764 = tpu.memref_squeeze %dma_start3A_1763 : memref<1x1000000xf32, #tpu.memory_space<vmem_shared>> -> memref<1000000xf32, #tpu.memory_space<vmem_shared>>
        %dma_start3A_1765 = arith.constant 0 : i32
        %dma_start3A_1766 = tpu.memref_slice %dma_start3A_1764[%dma_start3A_1765] : memref<1000000xf32, #tpu.memory_space<vmem_shared>> -> memref<1000000xf32, #tpu.memory_space<vmem_shared>>
        tpu.enqueue_indirect_dma source(%dma_start3A_1766 : memref<1000000xf32, #tpu.memory_space<vmem_shared>>) target(%dma_start3A_1758 : memref<128xf32, #tpu.memory_space<vmem>>) offsets(%dma_start3A_1761 : memref<128xi32, #tpu.memory_space<vmem>>) semaphore(%arg10 : memref<!tpu.dma_semaphore, #tpu.memory_space<semaphore_mem>>)
        %scan3A_1767 = arith.constant 4 : i32
        %scan3A_1768 = arith.addi %scan3A_1684, %scan3A_1767 : i32
        %mul3A_1769 = arith.constant 1 : i32
        %mul3A_1770 = arith.muli %scan3A_1768, %mul3A_1769 : i32
        %add3A_1771 = arith.constant 0 : i32
        %add3A_1772 = arith.addi %add3A_1771, %mul3A_1770 : i32
        %add3A_1773 = arith.constant 48 : i32
        %add3A_1774 = arith.addi %add3A_1773, %add3A_1772 : i32
        %dma_start3A_1775 = arith.constant 0 : i32
        %dma_start3A_1776 = arith.constant 1 : i32
        %dma_start3A_1777 = arith.constant 0 : i32
        %dma_start3A_1778 = tpu.memref_slice %arg6[%dma_start3A_1776, %add3A_1772, %dma_start3A_1777] : memref<2x48x128xf32, #tpu.memory_space<vmem>> -> memref<1x1x128xf32, #tpu.memory_space<vmem>>
        %dma_start3A_1779 = tpu.memref_squeeze %dma_start3A_1778 : memref<1x1x128xf32, #tpu.memory_space<vmem>> -> memref<128xf32, #tpu.memory_space<vmem>>
        %dma_start3A_1780 = arith.constant 0 : i32
        %dma_start3A_1781 = tpu.memref_slice %arg5[%add3A_1774, %dma_start3A_1780] : memref<400x128xi32, #tpu.memory_space<vmem>> -> memref<1x128xi32, #tpu.memory_space<vmem>>
        %dma_start3A_1782 = tpu.memref_squeeze %dma_start3A_1781 : memref<1x128xi32, #tpu.memory_space<vmem>> -> memref<128xi32, #tpu.memory_space<vmem>>
        %dma_start3A_1783 = arith.constant 0 : i32
        %dma_start3A_1784 = tpu.memref_slice %arg8[%dma_start3A_1775, %dma_start3A_1783] : memref<1x1000000xf32, #tpu.memory_space<vmem_shared>> -> memref<1x1000000xf32, #tpu.memory_space<vmem_shared>>
        %dma_start3A_1785 = tpu.memref_squeeze %dma_start3A_1784 : memref<1x1000000xf32, #tpu.memory_space<vmem_shared>> -> memref<1000000xf32, #tpu.memory_space<vmem_shared>>
        %dma_start3A_1786 = arith.constant 0 : i32
        %dma_start3A_1787 = tpu.memref_slice %dma_start3A_1785[%dma_start3A_1786] : memref<1000000xf32, #tpu.memory_space<vmem_shared>> -> memref<1000000xf32, #tpu.memory_space<vmem_shared>>
        tpu.enqueue_indirect_dma source(%dma_start3A_1787 : memref<1000000xf32, #tpu.memory_space<vmem_shared>>) target(%dma_start3A_1779 : memref<128xf32, #tpu.memory_space<vmem>>) offsets(%dma_start3A_1782 : memref<128xi32, #tpu.memory_space<vmem>>) semaphore(%arg10 : memref<!tpu.dma_semaphore, #tpu.memory_space<semaphore_mem>>)
        %scan3A_1788 = arith.constant 5 : i32
        %scan3A_1789 = arith.addi %scan3A_1684, %scan3A_1788 : i32
        %mul3A_1790 = arith.constant 1 : i32
        %mul3A_1791 = arith.muli %scan3A_1789, %mul3A_1790 : i32
        %add3A_1792 = arith.constant 0 : i32
        %add3A_1793 = arith.addi %add3A_1792, %mul3A_1791 : i32
        %add3A_1794 = arith.constant 48 : i32
        %add3A_1795 = arith.addi %add3A_1794, %add3A_1793 : i32
        %dma_start3A_1796 = arith.constant 0 : i32
        %dma_start3A_1797 = arith.constant 1 : i32
        %dma_start3A_1798 = arith.constant 0 : i32
        %dma_start3A_1799 = tpu.memref_slice %arg6[%dma_start3A_1797, %add3A_1793, %dma_start3A_1798] : memref<2x48x128xf32, #tpu.memory_space<vmem>> -> memref<1x1x128xf32, #tpu.memory_space<vmem>>
        %dma_start3A_1800 = tpu.memref_squeeze %dma_start3A_1799 : memref<1x1x128xf32, #tpu.memory_space<vmem>> -> memref<128xf32, #tpu.memory_space<vmem>>
        %dma_start3A_1801 = arith.constant 0 : i32
        %dma_start3A_1802 = tpu.memref_slice %arg5[%add3A_1795, %dma_start3A_1801] : memref<400x128xi32, #tpu.memory_space<vmem>> -> memref<1x128xi32, #tpu.memory_space<vmem>>
        %dma_start3A_1803 = tpu.memref_squeeze %dma_start3A_1802 : memref<1x128xi32, #tpu.memory_space<vmem>> -> memref<128xi32, #tpu.memory_space<vmem>>
        %dma_start3A_1804 = arith.constant 0 : i32
        %dma_start3A_1805 = tpu.memref_slice %arg8[%dma_start3A_1796, %dma_start3A_1804] : memref<1x1000000xf32, #tpu.memory_space<vmem_shared>> -> memref<1x1000000xf32, #tpu.memory_space<vmem_shared>>
        %dma_start3A_1806 = tpu.memref_squeeze %dma_start3A_1805 : memref<1x1000000xf32, #tpu.memory_space<vmem_shared>> -> memref<1000000xf32, #tpu.memory_space<vmem_shared>>
        %dma_start3A_1807 = arith.constant 0 : i32
        %dma_start3A_1808 = tpu.memref_slice %dma_start3A_1806[%dma_start3A_1807] : memref<1000000xf32, #tpu.memory_space<vmem_shared>> -> memref<1000000xf32, #tpu.memory_space<vmem_shared>>
        tpu.enqueue_indirect_dma source(%dma_start3A_1808 : memref<1000000xf32, #tpu.memory_space<vmem_shared>>) target(%dma_start3A_1800 : memref<128xf32, #tpu.memory_space<vmem>>) offsets(%dma_start3A_1803 : memref<128xi32, #tpu.memory_space<vmem>>) semaphore(%arg10 : memref<!tpu.dma_semaphore, #tpu.memory_space<semaphore_mem>>)
        %scan3A_1809 = arith.constant 6 : i32
        %scan3A_1810 = arith.addi %scan3A_1684, %scan3A_1809 : i32
        %mul3A_1811 = arith.constant 1 : i32
        %mul3A_1812 = arith.muli %scan3A_1810, %mul3A_1811 : i32
        %add3A_1813 = arith.constant 0 : i32
        %add3A_1814 = arith.addi %add3A_1813, %mul3A_1812 : i32
        %add3A_1815 = arith.constant 48 : i32
        %add3A_1816 = arith.addi %add3A_1815, %add3A_1814 : i32
        %dma_start3A_1817 = arith.constant 0 : i32
        %dma_start3A_1818 = arith.constant 1 : i32
        %dma_start3A_1819 = arith.constant 0 : i32
        %dma_start3A_1820 = tpu.memref_slice %arg6[%dma_start3A_1818, %add3A_1814, %dma_start3A_1819] : memref<2x48x128xf32, #tpu.memory_space<vmem>> -> memref<1x1x128xf32, #tpu.memory_space<vmem>>
        %dma_start3A_1821 = tpu.memref_squeeze %dma_start3A_1820 : memref<1x1x128xf32, #tpu.memory_space<vmem>> -> memref<128xf32, #tpu.memory_space<vmem>>
        %dma_start3A_1822 = arith.constant 0 : i32
        %dma_start3A_1823 = tpu.memref_slice %arg5[%add3A_1816, %dma_start3A_1822] : memref<400x128xi32, #tpu.memory_space<vmem>> -> memref<1x128xi32, #tpu.memory_space<vmem>>
        %dma_start3A_1824 = tpu.memref_squeeze %dma_start3A_1823 : memref<1x128xi32, #tpu.memory_space<vmem>> -> memref<128xi32, #tpu.memory_space<vmem>>
        %dma_start3A_1825 = arith.constant 0 : i32
        %dma_start3A_1826 = tpu.memref_slice %arg8[%dma_start3A_1817, %dma_start3A_1825] : memref<1x1000000xf32, #tpu.memory_space<vmem_shared>> -> memref<1x1000000xf32, #tpu.memory_space<vmem_shared>>
        %dma_start3A_1827 = tpu.memref_squeeze %dma_start3A_1826 : memref<1x1000000xf32, #tpu.memory_space<vmem_shared>> -> memref<1000000xf32, #tpu.memory_space<vmem_shared>>
        %dma_start3A_1828 = arith.constant 0 : i32
        %dma_start3A_1829 = tpu.memref_slice %dma_start3A_1827[%dma_start3A_1828] : memref<1000000xf32, #tpu.memory_space<vmem_shared>> -> memref<1000000xf32, #tpu.memory_space<vmem_shared>>
        tpu.enqueue_indirect_dma source(%dma_start3A_1829 : memref<1000000xf32, #tpu.memory_space<vmem_shared>>) target(%dma_start3A_1821 : memref<128xf32, #tpu.memory_space<vmem>>) offsets(%dma_start3A_1824 : memref<128xi32, #tpu.memory_space<vmem>>) semaphore(%arg10 : memref<!tpu.dma_semaphore, #tpu.memory_space<semaphore_mem>>)
        %scan3A_1830 = arith.constant 7 : i32
        %scan3A_1831 = arith.addi %scan3A_1684, %scan3A_1830 : i32
        %mul3A_1832 = arith.constant 1 : i32
        %mul3A_1833 = arith.muli %scan3A_1831, %mul3A_1832 : i32
        %add3A_1834 = arith.constant 0 : i32
        %add3A_1835 = arith.addi %add3A_1834, %mul3A_1833 : i32
        %add3A_1836 = arith.constant 48 : i32
        %add3A_1837 = arith.addi %add3A_1836, %add3A_1835 : i32
        %dma_start3A_1838 = arith.constant 0 : i32
        %dma_start3A_1839 = arith.constant 1 : i32
        %dma_start3A_1840 = arith.constant 0 : i32
        %dma_start3A_1841 = tpu.memref_slice %arg6[%dma_start3A_1839, %add3A_1835, %dma_start3A_1840] : memref<2x48x128xf32, #tpu.memory_space<vmem>> -> memref<1x1x128xf32, #tpu.memory_space<vmem>>
        %dma_start3A_1842 = tpu.memref_squeeze %dma_start3A_1841 : memref<1x1x128xf32, #tpu.memory_space<vmem>> -> memref<128xf32, #tpu.memory_space<vmem>>
        %dma_start3A_1843 = arith.constant 0 : i32
        %dma_start3A_1844 = tpu.memref_slice %arg5[%add3A_1837, %dma_start3A_1843] : memref<400x128xi32, #tpu.memory_space<vmem>> -> memref<1x128xi32, #tpu.memory_space<vmem>>
        %dma_start3A_1845 = tpu.memref_squeeze %dma_start3A_1844 : memref<1x128xi32, #tpu.memory_space<vmem>> -> memref<128xi32, #tpu.memory_space<vmem>>
        %dma_start3A_1846 = arith.constant 0 : i32
        %dma_start3A_1847 = tpu.memref_slice %arg8[%dma_start3A_1838, %dma_start3A_1846] : memref<1x1000000xf32, #tpu.memory_space<vmem_shared>> -> memref<1x1000000xf32, #tpu.memory_space<vmem_shared>>
        %dma_start3A_1848 = tpu.memref_squeeze %dma_start3A_1847 : memref<1x1000000xf32, #tpu.memory_space<vmem_shared>> -> memref<1000000xf32, #tpu.memory_space<vmem_shared>>
        %dma_start3A_1849 = arith.constant 0 : i32
        %dma_start3A_1850 = tpu.memref_slice %dma_start3A_1848[%dma_start3A_1849] : memref<1000000xf32, #tpu.memory_space<vmem_shared>> -> memref<1000000xf32, #tpu.memory_space<vmem_shared>>
        tpu.enqueue_indirect_dma source(%dma_start3A_1850 : memref<1000000xf32, #tpu.memory_space<vmem_shared>>) target(%dma_start3A_1842 : memref<128xf32, #tpu.memory_space<vmem>>) offsets(%dma_start3A_1845 : memref<128xi32, #tpu.memory_space<vmem>>) semaphore(%arg10 : memref<!tpu.dma_semaphore, #tpu.memory_space<semaphore_mem>>)
      }
      %scan3A_219 = arith.constant 48 : i32
      %dma_wait3A_220 = arith.constant 1 : i32
      %dma_wait3A_221 = arith.constant 0 : i32
      %dma_wait3A_222 = arith.constant 0 : i32
      %dma_wait3A_223 = tpu.memref_slice %arg6[%dma_wait3A_220, %dma_wait3A_221, %dma_wait3A_222] : memref<2x48x128xf32, #tpu.memory_space<vmem>> -> memref<1x48x128xf32, #tpu.memory_space<vmem>>
      %dma_wait3A_224 = tpu.memref_squeeze %dma_wait3A_223 : memref<1x48x128xf32, #tpu.memory_space<vmem>> -> memref<48x128xf32, #tpu.memory_space<vmem>>
      %dma_wait3A_225 = arith.constant 0 : i32
      %dma_wait3A_226 = arith.constant 0 : i32
      %dma_wait3A_227 = tpu.memref_slice %arg3[%dma_wait3A_225, %dma_wait3A_226] : memref<64x1000000xf32, #tpu.memory_space<hbm>> -> memref<48x128xf32, #tpu.memory_space<hbm>>
      %dma_wait3A_228 = arith.constant 0 : i32
      %dma_wait3A_229 = arith.constant 0 : i32
      %dma_wait3A_230 = tpu.memref_slice %arg6[%dma_wait3A_220, %dma_wait3A_228, %dma_wait3A_229] : memref<2x48x128xf32, #tpu.memory_space<vmem>> -> memref<1x48x128xf32, #tpu.memory_space<vmem>>
      %dma_wait3A_231 = tpu.memref_squeeze %dma_wait3A_230 : memref<1x48x128xf32, #tpu.memory_space<vmem>> -> memref<48x128xf32, #tpu.memory_space<vmem>>
      %dma_wait3A_232 = arith.constant 0 : i32
      %dma_wait3A_233 = arith.constant 0 : i32
      %dma_wait3A_234 = tpu.memref_slice %arg3[%dma_wait3A_232, %dma_wait3A_233] : memref<64x1000000xf32, #tpu.memory_space<hbm>> -> memref<48x128xf32, #tpu.memory_space<hbm>>
      tpu.wait_dma2 semaphore(%arg10 : memref<!tpu.dma_semaphore, #tpu.memory_space<semaphore_mem>>) src(%dma_wait3A_234 : memref<48x128xf32, #tpu.memory_space<hbm>>) dst(%dma_wait3A_231 : memref<48x128xf32, #tpu.memory_space<vmem>>)
      %jit3A_235 = arith.constant 8 : i32
      %div3A_236 = arith.divsi %add3A_38, %jit3A_235 : i32
      %sign3A_237 = arith.constant 0 : i32
      %sign3A_238 = arith.cmpi sgt, %add3A_38, %sign3A_237 : i32
      %sign3A_239 = arith.extui %sign3A_238 : i1 to i32
      %sign3A_240 = arith.constant 0 : i32
      %sign3A_241 = arith.cmpi slt, %add3A_38, %sign3A_240 : i32
      %sign3A_242 = arith.extui %sign3A_241 : i1 to i32
      %sign3A_243 = arith.subi %sign3A_239, %sign3A_242 : i32
      %sign3A_244 = arith.constant 0 : i32
      %sign3A_245 = arith.cmpi sgt, %jit3A_235, %sign3A_244 : i32
      %sign3A_246 = arith.extui %sign3A_245 : i1 to i32
      %sign3A_247 = arith.constant 0 : i32
      %sign3A_248 = arith.cmpi slt, %jit3A_235, %sign3A_247 : i32
      %sign3A_249 = arith.extui %sign3A_248 : i1 to i32
      %sign3A_250 = arith.subi %sign3A_246, %sign3A_249 : i32
      %ne3A_251 = arith.cmpi ne, %sign3A_243, %sign3A_250 : i32
      %rem3A_252 = arith.remsi %add3A_38, %jit3A_235 : i32
      %ne3A_253 = arith.constant 0 : i32
      %ne3A_254 = arith.cmpi ne, %rem3A_252, %ne3A_253 : i32
      %and3A_255 = arith.andi %ne3A_251, %ne3A_254 : i1
      %sub3A_256 = arith.constant 1 : i32
      %sub3A_257 = arith.subi %div3A_236, %sub3A_256 : i32
      %select_n3A_258 = arith.select %and3A_255, %sub3A_257, %div3A_236 : i32
      %mul3A_259 = arith.constant 256 : i32
      %mul3A_260 = arith.muli %select_n3A_258, %mul3A_259 : i32
      %jit3A_261 = arith.constant 8 : i32
      %eq3A_262 = arith.constant 0 : i32
      %eq3A_263 = arith.cmpi eq, %jit3A_261, %eq3A_262 : i32
      %jit3A_264 = arith.constant 1 : i32
      %select_n3A_265 = arith.select %eq3A_263, %jit3A_264, %jit3A_261 : i32
      %rem3A_266 = arith.remsi %add3A_38, %select_n3A_265 : i32
      %ne3A_267 = arith.constant 0 : i32
      %ne3A_268 = arith.cmpi ne, %rem3A_266, %ne3A_267 : i32
      %lt3A_269 = arith.constant 0 : i32
      %lt3A_270 = arith.cmpi slt, %rem3A_266, %lt3A_269 : i32
      %lt3A_271 = arith.constant 0 : i32
      %lt3A_272 = arith.cmpi slt, %select_n3A_265, %lt3A_271 : i32
      %ne3A_273 = arith.xori %lt3A_270, %lt3A_272 : i1
      %and3A_274 = arith.andi %ne3A_273, %ne3A_268 : i1
      %add3A_275 = arith.addi %rem3A_266, %select_n3A_265 : i32
      %select_n3A_276 = arith.select %and3A_274, %add3A_275, %rem3A_266 : i32
      %add3A_277 = arith.addi %mul3A_260, %select_n3A_276 : i32
      %mul3A_278 = arith.constant 2 : i32
      %mul3A_279 = arith.muli %mul3A_278, %arg1 : i32
      %mul3A_280 = arith.constant 8 : i32
      %mul3A_281 = arith.muli %mul3A_279, %mul3A_280 : i32
      %add3A_282 = arith.addi %add3A_277, %mul3A_281 : i32
      %iota3A_283 = tpu.iota {dimensions = array<i32: 0>} : vector<16xi32>
      %add3A_284 = arith.constant 48 : i32
      %add3A_285 = vector.broadcast %add3A_284 : i32 to vector<16xi32>
      %add3A_286 = arith.addi %iota3A_283, %add3A_285 : vector<16xi32>
      %ge3A_287 = arith.constant 200 : i32
      %ge3A_288 = vector.broadcast %ge3A_287 : i32 to vector<16xi32>
      %ge3A_289 = arith.cmpi sge, %add3A_286, %ge3A_288 : vector<16xi32>
      %jit3A_290 = arith.constant 1 : i32
      %jit3A_291 = arith.constant 0 : i32
      %broadcast_in_dim3A_292 = vector.broadcast %jit3A_290 : i32 to vector<16xi32>
      %broadcast_in_dim3A_293 = vector.broadcast %jit3A_291 : i32 to vector<16xi32>
      %select_n3A_294 = arith.select %ge3A_289, %broadcast_in_dim3A_292, %broadcast_in_dim3A_293 : vector<16xi1>, vector<16xi32>
      %mul3A_295 = arith.constant 200 : i32
      %mul3A_296 = vector.broadcast %mul3A_295 : i32 to vector<16xi32>
      %mul3A_297 = arith.muli %select_n3A_294, %mul3A_296 : vector<16xi32>
      %sub3A_298 = arith.subi %add3A_286, %mul3A_297 : vector<16xi32>
      %mul3A_299 = arith.constant 2048 : i32
      %mul3A_300 = vector.broadcast %mul3A_299 : i32 to vector<16xi32>
      %mul3A_301 = arith.muli %sub3A_298, %mul3A_300 : vector<16xi32>
      %add3A_302 = vector.broadcast %add3A_282 : i32 to vector<16xi32>
      %add3A_303 = arith.addi %mul3A_301, %add3A_302 : vector<16xi32>
      %mul3A_304 = arith.constant 8 : i32
      %mul3A_305 = vector.broadcast %mul3A_304 : i32 to vector<16xi32>
      %mul3A_306 = arith.muli %select_n3A_294, %mul3A_305 : vector<16xi32>
      %add3A_307 = arith.addi %add3A_303, %mul3A_306 : vector<16xi32>
      %swap3A_308 = arith.constant 1 : i32
      %swap3A_309 = arith.index_cast %swap3A_308 : i32 to index
      %swap3A_310 = arith.constant 0 : index
      %swap3A_311 = tpu.vector_load %arg7[%swap3A_309, %swap3A_310] {strides = array<i32>} : memref<9x48xi32, #tpu.memory_space<vmem>>, vector<1x16xi32>,
      %swap3A_312 = vector.shape_cast %swap3A_311 : vector<1x16xi32> to vector<16xi32>
      %swap3A_313 = vector.shape_cast %add3A_307 : vector<16xi32> to vector<1x16xi32>
      tpu.vector_store %arg7[%swap3A_309, %swap3A_310], %swap3A_313 {strides = array<i32>} : memref<9x48xi32, #tpu.memory_space<vmem>>, vector<1x16xi32>,
      %iota3A_314 = tpu.iota {dimensions = array<i32: 0>} : vector<16xi32>
      %add3A_315 = arith.constant 64 : i32
      %add3A_316 = vector.broadcast %add3A_315 : i32 to vector<16xi32>
      %add3A_317 = arith.addi %iota3A_314, %add3A_316 : vector<16xi32>
      %ge3A_318 = arith.constant 200 : i32
      %ge3A_319 = vector.broadcast %ge3A_318 : i32 to vector<16xi32>
      %ge3A_320 = arith.cmpi sge, %add3A_317, %ge3A_319 : vector<16xi32>
      %jit3A_321 = arith.constant 1 : i32
      %jit3A_322 = arith.constant 0 : i32
      %broadcast_in_dim3A_323 = vector.broadcast %jit3A_321 : i32 to vector<16xi32>
      %broadcast_in_dim3A_324 = vector.broadcast %jit3A_322 : i32 to vector<16xi32>
      %select_n3A_325 = arith.select %ge3A_320, %broadcast_in_dim3A_323, %broadcast_in_dim3A_324 : vector<16xi1>, vector<16xi32>
      %mul3A_326 = arith.constant 200 : i32
      %mul3A_327 = vector.broadcast %mul3A_326 : i32 to vector<16xi32>
      %mul3A_328 = arith.muli %select_n3A_325, %mul3A_327 : vector<16xi32>
      %sub3A_329 = arith.subi %add3A_317, %mul3A_328 : vector<16xi32>
      %mul3A_330 = arith.constant 2048 : i32
      %mul3A_331 = vector.broadcast %mul3A_330 : i32 to vector<16xi32>
      %mul3A_332 = arith.muli %sub3A_329, %mul3A_331 : vector<16xi32>
      %add3A_333 = vector.broadcast %add3A_282 : i32 to vector<16xi32>
      %add3A_334 = arith.addi %mul3A_332, %add3A_333 : vector<16xi32>
      %mul3A_335 = arith.constant 8 : i32
      %mul3A_336 = vector.broadcast %mul3A_335 : i32 to vector<16xi32>
      %mul3A_337 = arith.muli %select_n3A_325, %mul3A_336 : vector<16xi32>
      %add3A_338 = arith.addi %add3A_334, %mul3A_337 : vector<16xi32>
      %swap3A_339 = arith.constant 1 : i32
      %swap3A_340 = arith.index_cast %swap3A_339 : i32 to index
      %swap3A_341 = arith.constant 16 : index
      %swap3A_342 = tpu.vector_load %arg7[%swap3A_340, %swap3A_341] {strides = array<i32>} : memref<9x48xi32, #tpu.memory_space<vmem>>, vector<1x16xi32>,
      %swap3A_343 = vector.shape_cast %swap3A_342 : vector<1x16xi32> to vector<16xi32>
      %swap3A_344 = vector.shape_cast %add3A_338 : vector<16xi32> to vector<1x16xi32>
      tpu.vector_store %arg7[%swap3A_340, %swap3A_341], %swap3A_344 {strides = array<i32>} : memref<9x48xi32, #tpu.memory_space<vmem>>, vector<1x16xi32>,
      %iota3A_345 = tpu.iota {dimensions = array<i32: 0>} : vector<16xi32>
      %add3A_346 = arith.constant 80 : i32
      %add3A_347 = vector.broadcast %add3A_346 : i32 to vector<16xi32>
      %add3A_348 = arith.addi %iota3A_345, %add3A_347 : vector<16xi32>
      %ge3A_349 = arith.constant 200 : i32
      %ge3A_350 = vector.broadcast %ge3A_349 : i32 to vector<16xi32>
      %ge3A_351 = arith.cmpi sge, %add3A_348, %ge3A_350 : vector<16xi32>
      %jit3A_352 = arith.constant 1 : i32
      %jit3A_353 = arith.constant 0 : i32
      %broadcast_in_dim3A_354 = vector.broadcast %jit3A_352 : i32 to vector<16xi32>
      %broadcast_in_dim3A_355 = vector.broadcast %jit3A_353 : i32 to vector<16xi32>
      %select_n3A_356 = arith.select %ge3A_351, %broadcast_in_dim3A_354, %broadcast_in_dim3A_355 : vector<16xi1>, vector<16xi32>
      %mul3A_357 = arith.constant 200 : i32
      %mul3A_358 = vector.broadcast %mul3A_357 : i32 to vector<16xi32>
      %mul3A_359 = arith.muli %select_n3A_356, %mul3A_358 : vector<16xi32>
      %sub3A_360 = arith.subi %add3A_348, %mul3A_359 : vector<16xi32>
      %mul3A_361 = arith.constant 2048 : i32
      %mul3A_362 = vector.broadcast %mul3A_361 : i32 to vector<16xi32>
      %mul3A_363 = arith.muli %sub3A_360, %mul3A_362 : vector<16xi32>
      %add3A_364 = vector.broadcast %add3A_282 : i32 to vector<16xi32>
      %add3A_365 = arith.addi %mul3A_363, %add3A_364 : vector<16xi32>
      %mul3A_366 = arith.constant 8 : i32
      %mul3A_367 = vector.broadcast %mul3A_366 : i32 to vector<16xi32>
      %mul3A_368 = arith.muli %select_n3A_356, %mul3A_367 : vector<16xi32>
      %add3A_369 = arith.addi %add3A_365, %mul3A_368 : vector<16xi32>
      %swap3A_370 = arith.constant 1 : i32
      %swap3A_371 = arith.index_cast %swap3A_370 : i32 to index
      %swap3A_372 = arith.constant 32 : index
      %swap3A_373 = tpu.vector_load %arg7[%swap3A_371, %swap3A_372] {strides = array<i32>} : memref<9x48xi32, #tpu.memory_space<vmem>>, vector<1x16xi32>,
      %swap3A_374 = vector.shape_cast %swap3A_373 : vector<1x16xi32> to vector<16xi32>
      %swap3A_375 = vector.shape_cast %add3A_369 : vector<16xi32> to vector<1x16xi32>
      tpu.vector_store %arg7[%swap3A_371, %swap3A_372], %swap3A_375 {strides = array<i32>} : memref<9x48xi32, #tpu.memory_space<vmem>>, vector<1x16xi32>,
      %dma_start3A_376 = arith.constant 1 : i32
      %dma_start3A_377 = arith.constant 1 : i32
      %dma_start3A_378 = arith.constant 0 : i32
      %dma_start3A_379 = arith.constant 0 : i32
      %dma_start3A_380 = tpu.memref_slice %arg6[%dma_start3A_376, %dma_start3A_378, %dma_start3A_379] : memref<2x48x128xf32, #tpu.memory_space<vmem>> -> memref<1x48x128xf32, #tpu.memory_space<vmem>>
      %dma_start3A_381 = tpu.memref_squeeze %dma_start3A_380 : memref<1x48x128xf32, #tpu.memory_space<vmem>> -> memref<48x128xf32, #tpu.memory_space<vmem>>
      %dma_start3A_382 = arith.constant 0 : i32
      %dma_start3A_383 = tpu.memref_slice %arg7[%dma_start3A_377, %dma_start3A_382] : memref<9x48xi32, #tpu.memory_space<vmem>> -> memref<1x48xi32, #tpu.memory_space<vmem>>
      %dma_start3A_384 = tpu.memref_squeeze %dma_start3A_383 : memref<1x48xi32, #tpu.memory_space<vmem>> -> memref<48xi32, #tpu.memory_space<vmem>>
      %dma_start3A_385 = arith.constant 0 : i32
      %dma_start3A_386 = arith.constant 0 : i32
      %dma_start3A_387 = tpu.memref_slice %arg4[%dma_start3A_385, %dma_start3A_386] : memref<409600x128xf32, #tpu.memory_space<hbm>> -> memref<409600x128xf32, #tpu.memory_space<hbm>>
      tpu.enqueue_indirect_dma source(%dma_start3A_381 : memref<48x128xf32, #tpu.memory_space<vmem>>) target(%dma_start3A_387 : memref<409600x128xf32, #tpu.memory_space<hbm>>) offsets(%dma_start3A_384 : memref<48xi32, #tpu.memory_space<vmem>>) semaphore(%arg12 : memref<!tpu.dma_semaphore, #tpu.memory_space<semaphore_mem>>)
      %dma_wait3A_388 = arith.constant 0 : i32
      %dma_wait3A_389 = arith.constant 0 : i32
      %dma_wait3A_390 = arith.constant 0 : i32
      %dma_wait3A_391 = arith.constant 0 : i32
      %dma_wait3A_392 = tpu.memref_slice %arg6[%dma_wait3A_388, %dma_wait3A_390, %dma_wait3A_391] : memref<2x48x128xf32, #tpu.memory_space<vmem>> -> memref<1x48x128xf32, #tpu.memory_space<vmem>>
      %dma_wait3A_393 = tpu.memref_squeeze %dma_wait3A_392 : memref<1x48x128xf32, #tpu.memory_space<vmem>> -> memref<48x128xf32, #tpu.memory_space<vmem>>
      %dma_wait3A_394 = arith.constant 0 : i32
      %dma_wait3A_395 = tpu.memref_slice %arg7[%dma_wait3A_389, %dma_wait3A_394] : memref<9x48xi32, #tpu.memory_space<vmem>> -> memref<1x48xi32, #tpu.memory_space<vmem>>
      %dma_wait3A_396 = tpu.memref_squeeze %dma_wait3A_395 : memref<1x48xi32, #tpu.memory_space<vmem>> -> memref<48xi32, #tpu.memory_space<vmem>>
      %dma_wait3A_397 = arith.constant 0 : i32
      %dma_wait3A_398 = arith.constant 0 : i32
      %dma_wait3A_399 = tpu.memref_slice %arg4[%dma_wait3A_397, %dma_wait3A_398] : memref<409600x128xf32, #tpu.memory_space<hbm>> -> memref<409600x128xf32, #tpu.memory_space<hbm>>
      tpu.wait_indirect_dma semaphore(%arg11 : memref<!tpu.dma_semaphore, #tpu.memory_space<semaphore_mem>>) src(%dma_wait3A_393 : memref<48x128xf32, #tpu.memory_space<vmem>>) dst(%dma_wait3A_399 : memref<409600x128xf32, #tpu.memory_space<hbm>>)
      %scan3A_400 = arith.constant 0 : i32
      %scan3A_401 = arith.constant 48 : i32
      %scan3A_402 = arith.addi %scan3A_400, %scan3A_401 : i32
      %scan3A_403 = arith.constant 8 : i32
      scf.for %scan3A_1684 = %scan3A_400 to %scan3A_402 step %scan3A_403  : i32 {
        %mul3A_1685 = arith.constant 1 : i32
        %mul3A_1686 = arith.muli %scan3A_1684, %mul3A_1685 : i32
        %add3A_1687 = arith.constant 0 : i32
        %add3A_1688 = arith.addi %add3A_1687, %mul3A_1686 : i32
        %add3A_1689 = arith.constant 96 : i32
        %add3A_1690 = arith.addi %add3A_1689, %add3A_1688 : i32
        %dma_start3A_1691 = arith.constant 0 : i32
        %dma_start3A_1692 = arith.constant 0 : i32
        %dma_start3A_1693 = arith.constant 0 : i32
        %dma_start3A_1694 = tpu.memref_slice %arg6[%dma_start3A_1692, %add3A_1688, %dma_start3A_1693] : memref<2x48x128xf32, #tpu.memory_space<vmem>> -> memref<1x1x128xf32, #tpu.memory_space<vmem>>
        %dma_start3A_1695 = tpu.memref_squeeze %dma_start3A_1694 : memref<1x1x128xf32, #tpu.memory_space<vmem>> -> memref<128xf32, #tpu.memory_space<vmem>>
        %dma_start3A_1696 = arith.constant 0 : i32
        %dma_start3A_1697 = tpu.memref_slice %arg5[%add3A_1690, %dma_start3A_1696] : memref<400x128xi32, #tpu.memory_space<vmem>> -> memref<1x128xi32, #tpu.memory_space<vmem>>
        %dma_start3A_1698 = tpu.memref_squeeze %dma_start3A_1697 : memref<1x128xi32, #tpu.memory_space<vmem>> -> memref<128xi32, #tpu.memory_space<vmem>>
        %dma_start3A_1699 = arith.constant 0 : i32
        %dma_start3A_1700 = tpu.memref_slice %arg8[%dma_start3A_1691, %dma_start3A_1699] : memref<1x1000000xf32, #tpu.memory_space<vmem_shared>> -> memref<1x1000000xf32, #tpu.memory_space<vmem_shared>>
        %dma_start3A_1701 = tpu.memref_squeeze %dma_start3A_1700 : memref<1x1000000xf32, #tpu.memory_space<vmem_shared>> -> memref<1000000xf32, #tpu.memory_space<vmem_shared>>
        %dma_start3A_1702 = arith.constant 0 : i32
        %dma_start3A_1703 = tpu.memref_slice %dma_start3A_1701[%dma_start3A_1702] : memref<1000000xf32, #tpu.memory_space<vmem_shared>> -> memref<1000000xf32, #tpu.memory_space<vmem_shared>>
        tpu.enqueue_indirect_dma source(%dma_start3A_1703 : memref<1000000xf32, #tpu.memory_space<vmem_shared>>) target(%dma_start3A_1695 : memref<128xf32, #tpu.memory_space<vmem>>) offsets(%dma_start3A_1698 : memref<128xi32, #tpu.memory_space<vmem>>) semaphore(%arg10 : memref<!tpu.dma_semaphore, #tpu.memory_space<semaphore_mem>>)
        %scan3A_1704 = arith.constant 1 : i32
        %scan3A_1705 = arith.addi %scan3A_1684, %scan3A_1704 : i32
        %mul3A_1706 = arith.constant 1 : i32
        %mul3A_1707 = arith.muli %scan3A_1705, %mul3A_1706 : i32
        %add3A_1708 = arith.constant 0 : i32
        %add3A_1709 = arith.addi %add3A_1708, %mul3A_1707 : i32
        %add3A_1710 = arith.constant 96 : i32
        %add3A_1711 = arith.addi %add3A_1710, %add3A_1709 : i32
        %dma_start3A_1712 = arith.constant 0 : i32
        %dma_start3A_1713 = arith.constant 0 : i32
        %dma_start3A_1714 = arith.constant 0 : i32
        %dma_start3A_1715 = tpu.memref_slice %arg6[%dma_start3A_1713, %add3A_1709, %dma_start3A_1714] : memref<2x48x128xf32, #tpu.memory_space<vmem>> -> memref<1x1x128xf32, #tpu.memory_space<vmem>>
        %dma_start3A_1716 = tpu.memref_squeeze %dma_start3A_1715 : memref<1x1x128xf32, #tpu.memory_space<vmem>> -> memref<128xf32, #tpu.memory_space<vmem>>
        %dma_start3A_1717 = arith.constant 0 : i32
        %dma_start3A_1718 = tpu.memref_slice %arg5[%add3A_1711, %dma_start3A_1717] : memref<400x128xi32, #tpu.memory_space<vmem>> -> memref<1x128xi32, #tpu.memory_space<vmem>>
        %dma_start3A_1719 = tpu.memref_squeeze %dma_start3A_1718 : memref<1x128xi32, #tpu.memory_space<vmem>> -> memref<128xi32, #tpu.memory_space<vmem>>
        %dma_start3A_1720 = arith.constant 0 : i32
        %dma_start3A_1721 = tpu.memref_slice %arg8[%dma_start3A_1712, %dma_start3A_1720] : memref<1x1000000xf32, #tpu.memory_space<vmem_shared>> -> memref<1x1000000xf32, #tpu.memory_space<vmem_shared>>
        %dma_start3A_1722 = tpu.memref_squeeze %dma_start3A_1721 : memref<1x1000000xf32, #tpu.memory_space<vmem_shared>> -> memref<1000000xf32, #tpu.memory_space<vmem_shared>>
        %dma_start3A_1723 = arith.constant 0 : i32
        %dma_start3A_1724 = tpu.memref_slice %dma_start3A_1722[%dma_start3A_1723] : memref<1000000xf32, #tpu.memory_space<vmem_shared>> -> memref<1000000xf32, #tpu.memory_space<vmem_shared>>
        tpu.enqueue_indirect_dma source(%dma_start3A_1724 : memref<1000000xf32, #tpu.memory_space<vmem_shared>>) target(%dma_start3A_1716 : memref<128xf32, #tpu.memory_space<vmem>>) offsets(%dma_start3A_1719 : memref<128xi32, #tpu.memory_space<vmem>>) semaphore(%arg10 : memref<!tpu.dma_semaphore, #tpu.memory_space<semaphore_mem>>)
        %scan3A_1725 = arith.constant 2 : i32
        %scan3A_1726 = arith.addi %scan3A_1684, %scan3A_1725 : i32
        %mul3A_1727 = arith.constant 1 : i32
        %mul3A_1728 = arith.muli %scan3A_1726, %mul3A_1727 : i32
        %add3A_1729 = arith.constant 0 : i32
        %add3A_1730 = arith.addi %add3A_1729, %mul3A_1728 : i32
        %add3A_1731 = arith.constant 96 : i32
        %add3A_1732 = arith.addi %add3A_1731, %add3A_1730 : i32
        %dma_start3A_1733 = arith.constant 0 : i32
        %dma_start3A_1734 = arith.constant 0 : i32
        %dma_start3A_1735 = arith.constant 0 : i32
        %dma_start3A_1736 = tpu.memref_slice %arg6[%dma_start3A_1734, %add3A_1730, %dma_start3A_1735] : memref<2x48x128xf32, #tpu.memory_space<vmem>> -> memref<1x1x128xf32, #tpu.memory_space<vmem>>
        %dma_start3A_1737 = tpu.memref_squeeze %dma_start3A_1736 : memref<1x1x128xf32, #tpu.memory_space<vmem>> -> memref<128xf32, #tpu.memory_space<vmem>>
        %dma_start3A_1738 = arith.constant 0 : i32
        %dma_start3A_1739 = tpu.memref_slice %arg5[%add3A_1732, %dma_start3A_1738] : memref<400x128xi32, #tpu.memory_space<vmem>> -> memref<1x128xi32, #tpu.memory_space<vmem>>
        %dma_start3A_1740 = tpu.memref_squeeze %dma_start3A_1739 : memref<1x128xi32, #tpu.memory_space<vmem>> -> memref<128xi32, #tpu.memory_space<vmem>>
        %dma_start3A_1741 = arith.constant 0 : i32
        %dma_start3A_1742 = tpu.memref_slice %arg8[%dma_start3A_1733, %dma_start3A_1741] : memref<1x1000000xf32, #tpu.memory_space<vmem_shared>> -> memref<1x1000000xf32, #tpu.memory_space<vmem_shared>>
        %dma_start3A_1743 = tpu.memref_squeeze %dma_start3A_1742 : memref<1x1000000xf32, #tpu.memory_space<vmem_shared>> -> memref<1000000xf32, #tpu.memory_space<vmem_shared>>
        %dma_start3A_1744 = arith.constant 0 : i32
        %dma_start3A_1745 = tpu.memref_slice %dma_start3A_1743[%dma_start3A_1744] : memref<1000000xf32, #tpu.memory_space<vmem_shared>> -> memref<1000000xf32, #tpu.memory_space<vmem_shared>>
        tpu.enqueue_indirect_dma source(%dma_start3A_1745 : memref<1000000xf32, #tpu.memory_space<vmem_shared>>) target(%dma_start3A_1737 : memref<128xf32, #tpu.memory_space<vmem>>) offsets(%dma_start3A_1740 : memref<128xi32, #tpu.memory_space<vmem>>) semaphore(%arg10 : memref<!tpu.dma_semaphore, #tpu.memory_space<semaphore_mem>>)
        %scan3A_1746 = arith.constant 3 : i32
        %scan3A_1747 = arith.addi %scan3A_1684, %scan3A_1746 : i32
        %mul3A_1748 = arith.constant 1 : i32
        %mul3A_1749 = arith.muli %scan3A_1747, %mul3A_1748 : i32
        %add3A_1750 = arith.constant 0 : i32
        %add3A_1751 = arith.addi %add3A_1750, %mul3A_1749 : i32
        %add3A_1752 = arith.constant 96 : i32
        %add3A_1753 = arith.addi %add3A_1752, %add3A_1751 : i32
        %dma_start3A_1754 = arith.constant 0 : i32
        %dma_start3A_1755 = arith.constant 0 : i32
        %dma_start3A_1756 = arith.constant 0 : i32
        %dma_start3A_1757 = tpu.memref_slice %arg6[%dma_start3A_1755, %add3A_1751, %dma_start3A_1756] : memref<2x48x128xf32, #tpu.memory_space<vmem>> -> memref<1x1x128xf32, #tpu.memory_space<vmem>>
        %dma_start3A_1758 = tpu.memref_squeeze %dma_start3A_1757 : memref<1x1x128xf32, #tpu.memory_space<vmem>> -> memref<128xf32, #tpu.memory_space<vmem>>
        %dma_start3A_1759 = arith.constant 0 : i32
        %dma_start3A_1760 = tpu.memref_slice %arg5[%add3A_1753, %dma_start3A_1759] : memref<400x128xi32, #tpu.memory_space<vmem>> -> memref<1x128xi32, #tpu.memory_space<vmem>>
        %dma_start3A_1761 = tpu.memref_squeeze %dma_start3A_1760 : memref<1x128xi32, #tpu.memory_space<vmem>> -> memref<128xi32, #tpu.memory_space<vmem>>
        %dma_start3A_1762 = arith.constant 0 : i32
        %dma_start3A_1763 = tpu.memref_slice %arg8[%dma_start3A_1754, %dma_start3A_1762] : memref<1x1000000xf32, #tpu.memory_space<vmem_shared>> -> memref<1x1000000xf32, #tpu.memory_space<vmem_shared>>
        %dma_start3A_1764 = tpu.memref_squeeze %dma_start3A_1763 : memref<1x1000000xf32, #tpu.memory_space<vmem_shared>> -> memref<1000000xf32, #tpu.memory_space<vmem_shared>>
        %dma_start3A_1765 = arith.constant 0 : i32
        %dma_start3A_1766 = tpu.memref_slice %dma_start3A_1764[%dma_start3A_1765] : memref<1000000xf32, #tpu.memory_space<vmem_shared>> -> memref<1000000xf32, #tpu.memory_space<vmem_shared>>
        tpu.enqueue_indirect_dma source(%dma_start3A_1766 : memref<1000000xf32, #tpu.memory_space<vmem_shared>>) target(%dma_start3A_1758 : memref<128xf32, #tpu.memory_space<vmem>>) offsets(%dma_start3A_1761 : memref<128xi32, #tpu.memory_space<vmem>>) semaphore(%arg10 : memref<!tpu.dma_semaphore, #tpu.memory_space<semaphore_mem>>)
        %scan3A_1767 = arith.constant 4 : i32
        %scan3A_1768 = arith.addi %scan3A_1684, %scan3A_1767 : i32
        %mul3A_1769 = arith.constant 1 : i32
        %mul3A_1770 = arith.muli %scan3A_1768, %mul3A_1769 : i32
        %add3A_1771 = arith.constant 0 : i32
        %add3A_1772 = arith.addi %add3A_1771, %mul3A_1770 : i32
        %add3A_1773 = arith.constant 96 : i32
        %add3A_1774 = arith.addi %add3A_1773, %add3A_1772 : i32
        %dma_start3A_1775 = arith.constant 0 : i32
        %dma_start3A_1776 = arith.constant 0 : i32
        %dma_start3A_1777 = arith.constant 0 : i32
        %dma_start3A_1778 = tpu.memref_slice %arg6[%dma_start3A_1776, %add3A_1772, %dma_start3A_1777] : memref<2x48x128xf32, #tpu.memory_space<vmem>> -> memref<1x1x128xf32, #tpu.memory_space<vmem>>
        %dma_start3A_1779 = tpu.memref_squeeze %dma_start3A_1778 : memref<1x1x128xf32, #tpu.memory_space<vmem>> -> memref<128xf32, #tpu.memory_space<vmem>>
        %dma_start3A_1780 = arith.constant 0 : i32
        %dma_start3A_1781 = tpu.memref_slice %arg5[%add3A_1774, %dma_start3A_1780] : memref<400x128xi32, #tpu.memory_space<vmem>> -> memref<1x128xi32, #tpu.memory_space<vmem>>
        %dma_start3A_1782 = tpu.memref_squeeze %dma_start3A_1781 : memref<1x128xi32, #tpu.memory_space<vmem>> -> memref<128xi32, #tpu.memory_space<vmem>>
        %dma_start3A_1783 = arith.constant 0 : i32
        %dma_start3A_1784 = tpu.memref_slice %arg8[%dma_start3A_1775, %dma_start3A_1783] : memref<1x1000000xf32, #tpu.memory_space<vmem_shared>> -> memref<1x1000000xf32, #tpu.memory_space<vmem_shared>>
        %dma_start3A_1785 = tpu.memref_squeeze %dma_start3A_1784 : memref<1x1000000xf32, #tpu.memory_space<vmem_shared>> -> memref<1000000xf32, #tpu.memory_space<vmem_shared>>
        %dma_start3A_1786 = arith.constant 0 : i32
        %dma_start3A_1787 = tpu.memref_slice %dma_start3A_1785[%dma_start3A_1786] : memref<1000000xf32, #tpu.memory_space<vmem_shared>> -> memref<1000000xf32, #tpu.memory_space<vmem_shared>>
        tpu.enqueue_indirect_dma source(%dma_start3A_1787 : memref<1000000xf32, #tpu.memory_space<vmem_shared>>) target(%dma_start3A_1779 : memref<128xf32, #tpu.memory_space<vmem>>) offsets(%dma_start3A_1782 : memref<128xi32, #tpu.memory_space<vmem>>) semaphore(%arg10 : memref<!tpu.dma_semaphore, #tpu.memory_space<semaphore_mem>>)
        %scan3A_1788 = arith.constant 5 : i32
        %scan3A_1789 = arith.addi %scan3A_1684, %scan3A_1788 : i32
        %mul3A_1790 = arith.constant 1 : i32
        %mul3A_1791 = arith.muli %scan3A_1789, %mul3A_1790 : i32
        %add3A_1792 = arith.constant 0 : i32
        %add3A_1793 = arith.addi %add3A_1792, %mul3A_1791 : i32
        %add3A_1794 = arith.constant 96 : i32
        %add3A_1795 = arith.addi %add3A_1794, %add3A_1793 : i32
        %dma_start3A_1796 = arith.constant 0 : i32
        %dma_start3A_1797 = arith.constant 0 : i32
        %dma_start3A_1798 = arith.constant 0 : i32
        %dma_start3A_1799 = tpu.memref_slice %arg6[%dma_start3A_1797, %add3A_1793, %dma_start3A_1798] : memref<2x48x128xf32, #tpu.memory_space<vmem>> -> memref<1x1x128xf32, #tpu.memory_space<vmem>>
        %dma_start3A_1800 = tpu.memref_squeeze %dma_start3A_1799 : memref<1x1x128xf32, #tpu.memory_space<vmem>> -> memref<128xf32, #tpu.memory_space<vmem>>
        %dma_start3A_1801 = arith.constant 0 : i32
        %dma_start3A_1802 = tpu.memref_slice %arg5[%add3A_1795, %dma_start3A_1801] : memref<400x128xi32, #tpu.memory_space<vmem>> -> memref<1x128xi32, #tpu.memory_space<vmem>>
        %dma_start3A_1803 = tpu.memref_squeeze %dma_start3A_1802 : memref<1x128xi32, #tpu.memory_space<vmem>> -> memref<128xi32, #tpu.memory_space<vmem>>
        %dma_start3A_1804 = arith.constant 0 : i32
        %dma_start3A_1805 = tpu.memref_slice %arg8[%dma_start3A_1796, %dma_start3A_1804] : memref<1x1000000xf32, #tpu.memory_space<vmem_shared>> -> memref<1x1000000xf32, #tpu.memory_space<vmem_shared>>
        %dma_start3A_1806 = tpu.memref_squeeze %dma_start3A_1805 : memref<1x1000000xf32, #tpu.memory_space<vmem_shared>> -> memref<1000000xf32, #tpu.memory_space<vmem_shared>>
        %dma_start3A_1807 = arith.constant 0 : i32
        %dma_start3A_1808 = tpu.memref_slice %dma_start3A_1806[%dma_start3A_1807] : memref<1000000xf32, #tpu.memory_space<vmem_shared>> -> memref<1000000xf32, #tpu.memory_space<vmem_shared>>
        tpu.enqueue_indirect_dma source(%dma_start3A_1808 : memref<1000000xf32, #tpu.memory_space<vmem_shared>>) target(%dma_start3A_1800 : memref<128xf32, #tpu.memory_space<vmem>>) offsets(%dma_start3A_1803 : memref<128xi32, #tpu.memory_space<vmem>>) semaphore(%arg10 : memref<!tpu.dma_semaphore, #tpu.memory_space<semaphore_mem>>)
        %scan3A_1809 = arith.constant 6 : i32
        %scan3A_1810 = arith.addi %scan3A_1684, %scan3A_1809 : i32
        %mul3A_1811 = arith.constant 1 : i32
        %mul3A_1812 = arith.muli %scan3A_1810, %mul3A_1811 : i32
        %add3A_1813 = arith.constant 0 : i32
        %add3A_1814 = arith.addi %add3A_1813, %mul3A_1812 : i32
        %add3A_1815 = arith.constant 96 : i32
        %add3A_1816 = arith.addi %add3A_1815, %add3A_1814 : i32
        %dma_start3A_1817 = arith.constant 0 : i32
        %dma_start3A_1818 = arith.constant 0 : i32
        %dma_start3A_1819 = arith.constant 0 : i32
        %dma_start3A_1820 = tpu.memref_slice %arg6[%dma_start3A_1818, %add3A_1814, %dma_start3A_1819] : memref<2x48x128xf32, #tpu.memory_space<vmem>> -> memref<1x1x128xf32, #tpu.memory_space<vmem>>
        %dma_start3A_1821 = tpu.memref_squeeze %dma_start3A_1820 : memref<1x1x128xf32, #tpu.memory_space<vmem>> -> memref<128xf32, #tpu.memory_space<vmem>>
        %dma_start3A_1822 = arith.constant 0 : i32
        %dma_start3A_1823 = tpu.memref_slice %arg5[%add3A_1816, %dma_start3A_1822] : memref<400x128xi32, #tpu.memory_space<vmem>> -> memref<1x128xi32, #tpu.memory_space<vmem>>
        %dma_start3A_1824 = tpu.memref_squeeze %dma_start3A_1823 : memref<1x128xi32, #tpu.memory_space<vmem>> -> memref<128xi32, #tpu.memory_space<vmem>>
        %dma_start3A_1825 = arith.constant 0 : i32
        %dma_start3A_1826 = tpu.memref_slice %arg8[%dma_start3A_1817, %dma_start3A_1825] : memref<1x1000000xf32, #tpu.memory_space<vmem_shared>> -> memref<1x1000000xf32, #tpu.memory_space<vmem_shared>>
        %dma_start3A_1827 = tpu.memref_squeeze %dma_start3A_1826 : memref<1x1000000xf32, #tpu.memory_space<vmem_shared>> -> memref<1000000xf32, #tpu.memory_space<vmem_shared>>
        %dma_start3A_1828 = arith.constant 0 : i32
        %dma_start3A_1829 = tpu.memref_slice %dma_start3A_1827[%dma_start3A_1828] : memref<1000000xf32, #tpu.memory_space<vmem_shared>> -> memref<1000000xf32, #tpu.memory_space<vmem_shared>>
        tpu.enqueue_indirect_dma source(%dma_start3A_1829 : memref<1000000xf32, #tpu.memory_space<vmem_shared>>) target(%dma_start3A_1821 : memref<128xf32, #tpu.memory_space<vmem>>) offsets(%dma_start3A_1824 : memref<128xi32, #tpu.memory_space<vmem>>) semaphore(%arg10 : memref<!tpu.dma_semaphore, #tpu.memory_space<semaphore_mem>>)
        %scan3A_1830 = arith.constant 7 : i32
        %scan3A_1831 = arith.addi %scan3A_1684, %scan3A_1830 : i32
        %mul3A_1832 = arith.constant 1 : i32
        %mul3A_1833 = arith.muli %scan3A_1831, %mul3A_1832 : i32
        %add3A_1834 = arith.constant 0 : i32
        %add3A_1835 = arith.addi %add3A_1834, %mul3A_1833 : i32
        %add3A_1836 = arith.constant 96 : i32
        %add3A_1837 = arith.addi %add3A_1836, %add3A_1835 : i32
        %dma_start3A_1838 = arith.constant 0 : i32
        %dma_start3A_1839 = arith.constant 0 : i32
        %dma_start3A_1840 = arith.constant 0 : i32
        %dma_start3A_1841 = tpu.memref_slice %arg6[%dma_start3A_1839, %add3A_1835, %dma_start3A_1840] : memref<2x48x128xf32, #tpu.memory_space<vmem>> -> memref<1x1x128xf32, #tpu.memory_space<vmem>>
        %dma_start3A_1842 = tpu.memref_squeeze %dma_start3A_1841 : memref<1x1x128xf32, #tpu.memory_space<vmem>> -> memref<128xf32, #tpu.memory_space<vmem>>
        %dma_start3A_1843 = arith.constant 0 : i32
        %dma_start3A_1844 = tpu.memref_slice %arg5[%add3A_1837, %dma_start3A_1843] : memref<400x128xi32, #tpu.memory_space<vmem>> -> memref<1x128xi32, #tpu.memory_space<vmem>>
        %dma_start3A_1845 = tpu.memref_squeeze %dma_start3A_1844 : memref<1x128xi32, #tpu.memory_space<vmem>> -> memref<128xi32, #tpu.memory_space<vmem>>
        %dma_start3A_1846 = arith.constant 0 : i32
        %dma_start3A_1847 = tpu.memref_slice %arg8[%dma_start3A_1838, %dma_start3A_1846] : memref<1x1000000xf32, #tpu.memory_space<vmem_shared>> -> memref<1x1000000xf32, #tpu.memory_space<vmem_shared>>
        %dma_start3A_1848 = tpu.memref_squeeze %dma_start3A_1847 : memref<1x1000000xf32, #tpu.memory_space<vmem_shared>> -> memref<1000000xf32, #tpu.memory_space<vmem_shared>>
        %dma_start3A_1849 = arith.constant 0 : i32
        %dma_start3A_1850 = tpu.memref_slice %dma_start3A_1848[%dma_start3A_1849] : memref<1000000xf32, #tpu.memory_space<vmem_shared>> -> memref<1000000xf32, #tpu.memory_space<vmem_shared>>
        tpu.enqueue_indirect_dma source(%dma_start3A_1850 : memref<1000000xf32, #tpu.memory_space<vmem_shared>>) target(%dma_start3A_1842 : memref<128xf32, #tpu.memory_space<vmem>>) offsets(%dma_start3A_1845 : memref<128xi32, #tpu.memory_space<vmem>>) semaphore(%arg10 : memref<!tpu.dma_semaphore, #tpu.memory_space<semaphore_mem>>)
      }
      %scan3A_404 = arith.constant 48 : i32
      %dma_wait3A_405 = arith.constant 0 : i32
      %dma_wait3A_406 = arith.constant 0 : i32
      %dma_wait3A_407 = arith.constant 0 : i32
      %dma_wait3A_408 = tpu.memref_slice %arg6[%dma_wait3A_405, %dma_wait3A_406, %dma_wait3A_407] : memref<2x48x128xf32, #tpu.memory_space<vmem>> -> memref<1x48x128xf32, #tpu.memory_space<vmem>>
      %dma_wait3A_409 = tpu.memref_squeeze %dma_wait3A_408 : memref<1x48x128xf32, #tpu.memory_space<vmem>> -> memref<48x128xf32, #tpu.memory_space<vmem>>
      %dma_wait3A_410 = arith.constant 0 : i32
      %dma_wait3A_411 = arith.constant 0 : i32
      %dma_wait3A_412 = tpu.memref_slice %arg3[%dma_wait3A_410, %dma_wait3A_411] : memref<64x1000000xf32, #tpu.memory_space<hbm>> -> memref<48x128xf32, #tpu.memory_space<hbm>>
      %dma_wait3A_413 = arith.constant 0 : i32
      %dma_wait3A_414 = arith.constant 0 : i32
      %dma_wait3A_415 = tpu.memref_slice %arg6[%dma_wait3A_405, %dma_wait3A_413, %dma_wait3A_414] : memref<2x48x128xf32, #tpu.memory_space<vmem>> -> memref<1x48x128xf32, #tpu.memory_space<vmem>>
      %dma_wait3A_416 = tpu.memref_squeeze %dma_wait3A_415 : memref<1x48x128xf32, #tpu.memory_space<vmem>> -> memref<48x128xf32, #tpu.memory_space<vmem>>
      %dma_wait3A_417 = arith.constant 0 : i32
      %dma_wait3A_418 = arith.constant 0 : i32
      %dma_wait3A_419 = tpu.memref_slice %arg3[%dma_wait3A_417, %dma_wait3A_418] : memref<64x1000000xf32, #tpu.memory_space<hbm>> -> memref<48x128xf32, #tpu.memory_space<hbm>>
      tpu.wait_dma2 semaphore(%arg10 : memref<!tpu.dma_semaphore, #tpu.memory_space<semaphore_mem>>) src(%dma_wait3A_419 : memref<48x128xf32, #tpu.memory_space<hbm>>) dst(%dma_wait3A_416 : memref<48x128xf32, #tpu.memory_space<vmem>>)
      %jit3A_420 = arith.constant 8 : i32
      %div3A_421 = arith.divsi %add3A_38, %jit3A_420 : i32
      %sign3A_422 = arith.constant 0 : i32
      %sign3A_423 = arith.cmpi sgt, %add3A_38, %sign3A_422 : i32
      %sign3A_424 = arith.extui %sign3A_423 : i1 to i32
      %sign3A_425 = arith.constant 0 : i32
      %sign3A_426 = arith.cmpi slt, %add3A_38, %sign3A_425 : i32
      %sign3A_427 = arith.extui %sign3A_426 : i1 to i32
      %sign3A_428 = arith.subi %sign3A_424, %sign3A_427 : i32
      %sign3A_429 = arith.constant 0 : i32
      %sign3A_430 = arith.cmpi sgt, %jit3A_420, %sign3A_429 : i32
      %sign3A_431 = arith.extui %sign3A_430 : i1 to i32
      %sign3A_432 = arith.constant 0 : i32
      %sign3A_433 = arith.cmpi slt, %jit3A_420, %sign3A_432 : i32
      %sign3A_434 = arith.extui %sign3A_433 : i1 to i32
      %sign3A_435 = arith.subi %sign3A_431, %sign3A_434 : i32
      %ne3A_436 = arith.cmpi ne, %sign3A_428, %sign3A_435 : i32
      %rem3A_437 = arith.remsi %add3A_38, %jit3A_420 : i32
      %ne3A_438 = arith.constant 0 : i32
      %ne3A_439 = arith.cmpi ne, %rem3A_437, %ne3A_438 : i32
      %and3A_440 = arith.andi %ne3A_436, %ne3A_439 : i1
      %sub3A_441 = arith.constant 1 : i32
      %sub3A_442 = arith.subi %div3A_421, %sub3A_441 : i32
      %select_n3A_443 = arith.select %and3A_440, %sub3A_442, %div3A_421 : i32
      %mul3A_444 = arith.constant 256 : i32
      %mul3A_445 = arith.muli %select_n3A_443, %mul3A_444 : i32
      %jit3A_446 = arith.constant 8 : i32
      %eq3A_447 = arith.constant 0 : i32
      %eq3A_448 = arith.cmpi eq, %jit3A_446, %eq3A_447 : i32
      %jit3A_449 = arith.constant 1 : i32
      %select_n3A_450 = arith.select %eq3A_448, %jit3A_449, %jit3A_446 : i32
      %rem3A_451 = arith.remsi %add3A_38, %select_n3A_450 : i32
      %ne3A_452 = arith.constant 0 : i32
      %ne3A_453 = arith.cmpi ne, %rem3A_451, %ne3A_452 : i32
      %lt3A_454 = arith.constant 0 : i32
      %lt3A_455 = arith.cmpi slt, %rem3A_451, %lt3A_454 : i32
      %lt3A_456 = arith.constant 0 : i32
      %lt3A_457 = arith.cmpi slt, %select_n3A_450, %lt3A_456 : i32
      %ne3A_458 = arith.xori %lt3A_455, %lt3A_457 : i1
      %and3A_459 = arith.andi %ne3A_458, %ne3A_453 : i1
      %add3A_460 = arith.addi %rem3A_451, %select_n3A_450 : i32
      %select_n3A_461 = arith.select %and3A_459, %add3A_460, %rem3A_451 : i32
      %add3A_462 = arith.addi %mul3A_445, %select_n3A_461 : i32
      %mul3A_463 = arith.constant 2 : i32
      %mul3A_464 = arith.muli %mul3A_463, %arg1 : i32
      %mul3A_465 = arith.constant 8 : i32
      %mul3A_466 = arith.muli %mul3A_464, %mul3A_465 : i32
      %add3A_467 = arith.addi %add3A_462, %mul3A_466 : i32
      %iota3A_468 = tpu.iota {dimensions = array<i32: 0>} : vector<16xi32>
      %add3A_469 = arith.constant 96 : i32
      %add3A_470 = vector.broadcast %add3A_469 : i32 to vector<16xi32>
      %add3A_471 = arith.addi %iota3A_468, %add3A_470 : vector<16xi32>
      %ge3A_472 = arith.constant 200 : i32
      %ge3A_473 = vector.broadcast %ge3A_472 : i32 to vector<16xi32>
      %ge3A_474 = arith.cmpi sge, %add3A_471, %ge3A_473 : vector<16xi32>
      %jit3A_475 = arith.constant 1 : i32
      %jit3A_476 = arith.constant 0 : i32
      %broadcast_in_dim3A_477 = vector.broadcast %jit3A_475 : i32 to vector<16xi32>
      %broadcast_in_dim3A_478 = vector.broadcast %jit3A_476 : i32 to vector<16xi32>
      %select_n3A_479 = arith.select %ge3A_474, %broadcast_in_dim3A_477, %broadcast_in_dim3A_478 : vector<16xi1>, vector<16xi32>
      %mul3A_480 = arith.constant 200 : i32
      %mul3A_481 = vector.broadcast %mul3A_480 : i32 to vector<16xi32>
      %mul3A_482 = arith.muli %select_n3A_479, %mul3A_481 : vector<16xi32>
      %sub3A_483 = arith.subi %add3A_471, %mul3A_482 : vector<16xi32>
      %mul3A_484 = arith.constant 2048 : i32
      %mul3A_485 = vector.broadcast %mul3A_484 : i32 to vector<16xi32>
      %mul3A_486 = arith.muli %sub3A_483, %mul3A_485 : vector<16xi32>
      %add3A_487 = vector.broadcast %add3A_467 : i32 to vector<16xi32>
      %add3A_488 = arith.addi %mul3A_486, %add3A_487 : vector<16xi32>
      %mul3A_489 = arith.constant 8 : i32
      %mul3A_490 = vector.broadcast %mul3A_489 : i32 to vector<16xi32>
      %mul3A_491 = arith.muli %select_n3A_479, %mul3A_490 : vector<16xi32>
      %add3A_492 = arith.addi %add3A_488, %mul3A_491 : vector<16xi32>
      %swap3A_493 = arith.constant 2 : i32
      %swap3A_494 = arith.index_cast %swap3A_493 : i32 to index
      %swap3A_495 = arith.constant 0 : index
      %swap3A_496 = tpu.vector_load %arg7[%swap3A_494, %swap3A_495] {strides = array<i32>} : memref<9x48xi32, #tpu.memory_space<vmem>>, vector<1x16xi32>,
      %swap3A_497 = vector.shape_cast %swap3A_496 : vector<1x16xi32> to vector<16xi32>
      %swap3A_498 = vector.shape_cast %add3A_492 : vector<16xi32> to vector<1x16xi32>
      tpu.vector_store %arg7[%swap3A_494, %swap3A_495], %swap3A_498 {strides = array<i32>} : memref<9x48xi32, #tpu.memory_space<vmem>>, vector<1x16xi32>,
      %iota3A_499 = tpu.iota {dimensions = array<i32: 0>} : vector<16xi32>
      %add3A_500 = arith.constant 112 : i32
      %add3A_501 = vector.broadcast %add3A_500 : i32 to vector<16xi32>
      %add3A_502 = arith.addi %iota3A_499, %add3A_501 : vector<16xi32>
      %ge3A_503 = arith.constant 200 : i32
      %ge3A_504 = vector.broadcast %ge3A_503 : i32 to vector<16xi32>
      %ge3A_505 = arith.cmpi sge, %add3A_502, %ge3A_504 : vector<16xi32>
      %jit3A_506 = arith.constant 1 : i32
      %jit3A_507 = arith.constant 0 : i32
      %broadcast_in_dim3A_508 = vector.broadcast %jit3A_506 : i32 to vector<16xi32>
      %broadcast_in_dim3A_509 = vector.broadcast %jit3A_507 : i32 to vector<16xi32>
      %select_n3A_510 = arith.select %ge3A_505, %broadcast_in_dim3A_508, %broadcast_in_dim3A_509 : vector<16xi1>, vector<16xi32>
      %mul3A_511 = arith.constant 200 : i32
      %mul3A_512 = vector.broadcast %mul3A_511 : i32 to vector<16xi32>
      %mul3A_513 = arith.muli %select_n3A_510, %mul3A_512 : vector<16xi32>
      %sub3A_514 = arith.subi %add3A_502, %mul3A_513 : vector<16xi32>
      %mul3A_515 = arith.constant 2048 : i32
      %mul3A_516 = vector.broadcast %mul3A_515 : i32 to vector<16xi32>
      %mul3A_517 = arith.muli %sub3A_514, %mul3A_516 : vector<16xi32>
      %add3A_518 = vector.broadcast %add3A_467 : i32 to vector<16xi32>
      %add3A_519 = arith.addi %mul3A_517, %add3A_518 : vector<16xi32>
      %mul3A_520 = arith.constant 8 : i32
      %mul3A_521 = vector.broadcast %mul3A_520 : i32 to vector<16xi32>
      %mul3A_522 = arith.muli %select_n3A_510, %mul3A_521 : vector<16xi32>
      %add3A_523 = arith.addi %add3A_519, %mul3A_522 : vector<16xi32>
      %swap3A_524 = arith.constant 2 : i32
      %swap3A_525 = arith.index_cast %swap3A_524 : i32 to index
      %swap3A_526 = arith.constant 16 : index
      %swap3A_527 = tpu.vector_load %arg7[%swap3A_525, %swap3A_526] {strides = array<i32>} : memref<9x48xi32, #tpu.memory_space<vmem>>, vector<1x16xi32>,
      %swap3A_528 = vector.shape_cast %swap3A_527 : vector<1x16xi32> to vector<16xi32>
      %swap3A_529 = vector.shape_cast %add3A_523 : vector<16xi32> to vector<1x16xi32>
      tpu.vector_store %arg7[%swap3A_525, %swap3A_526], %swap3A_529 {strides = array<i32>} : memref<9x48xi32, #tpu.memory_space<vmem>>, vector<1x16xi32>,
      %iota3A_530 = tpu.iota {dimensions = array<i32: 0>} : vector<16xi32>
      %add3A_531 = arith.constant 128 : i32
      %add3A_532 = vector.broadcast %add3A_531 : i32 to vector<16xi32>
      %add3A_533 = arith.addi %iota3A_530, %add3A_532 : vector<16xi32>
      %ge3A_534 = arith.constant 200 : i32
      %ge3A_535 = vector.broadcast %ge3A_534 : i32 to vector<16xi32>
      %ge3A_536 = arith.cmpi sge, %add3A_533, %ge3A_535 : vector<16xi32>
      %jit3A_537 = arith.constant 1 : i32
      %jit3A_538 = arith.constant 0 : i32
      %broadcast_in_dim3A_539 = vector.broadcast %jit3A_537 : i32 to vector<16xi32>
      %broadcast_in_dim3A_540 = vector.broadcast %jit3A_538 : i32 to vector<16xi32>
      %select_n3A_541 = arith.select %ge3A_536, %broadcast_in_dim3A_539, %broadcast_in_dim3A_540 : vector<16xi1>, vector<16xi32>
      %mul3A_542 = arith.constant 200 : i32
      %mul3A_543 = vector.broadcast %mul3A_542 : i32 to vector<16xi32>
      %mul3A_544 = arith.muli %select_n3A_541, %mul3A_543 : vector<16xi32>
      %sub3A_545 = arith.subi %add3A_533, %mul3A_544 : vector<16xi32>
      %mul3A_546 = arith.constant 2048 : i32
      %mul3A_547 = vector.broadcast %mul3A_546 : i32 to vector<16xi32>
      %mul3A_548 = arith.muli %sub3A_545, %mul3A_547 : vector<16xi32>
      %add3A_549 = vector.broadcast %add3A_467 : i32 to vector<16xi32>
      %add3A_550 = arith.addi %mul3A_548, %add3A_549 : vector<16xi32>
      %mul3A_551 = arith.constant 8 : i32
      %mul3A_552 = vector.broadcast %mul3A_551 : i32 to vector<16xi32>
      %mul3A_553 = arith.muli %select_n3A_541, %mul3A_552 : vector<16xi32>
      %add3A_554 = arith.addi %add3A_550, %mul3A_553 : vector<16xi32>
      %swap3A_555 = arith.constant 2 : i32
      %swap3A_556 = arith.index_cast %swap3A_555 : i32 to index
      %swap3A_557 = arith.constant 32 : index
      %swap3A_558 = tpu.vector_load %arg7[%swap3A_556, %swap3A_557] {strides = array<i32>} : memref<9x48xi32, #tpu.memory_space<vmem>>, vector<1x16xi32>,
      %swap3A_559 = vector.shape_cast %swap3A_558 : vector<1x16xi32> to vector<16xi32>
      %swap3A_560 = vector.shape_cast %add3A_554 : vector<16xi32> to vector<1x16xi32>
      tpu.vector_store %arg7[%swap3A_556, %swap3A_557], %swap3A_560 {strides = array<i32>} : memref<9x48xi32, #tpu.memory_space<vmem>>, vector<1x16xi32>,
      %dma_start3A_561 = arith.constant 0 : i32
      %dma_start3A_562 = arith.constant 2 : i32
      %dma_start3A_563 = arith.constant 0 : i32
      %dma_start3A_564 = arith.constant 0 : i32
      %dma_start3A_565 = tpu.memref_slice %arg6[%dma_start3A_561, %dma_start3A_563, %dma_start3A_564] : memref<2x48x128xf32, #tpu.memory_space<vmem>> -> memref<1x48x128xf32, #tpu.memory_space<vmem>>
      %dma_start3A_566 = tpu.memref_squeeze %dma_start3A_565 : memref<1x48x128xf32, #tpu.memory_space<vmem>> -> memref<48x128xf32, #tpu.memory_space<vmem>>
      %dma_start3A_567 = arith.constant 0 : i32
      %dma_start3A_568 = tpu.memref_slice %arg7[%dma_start3A_562, %dma_start3A_567] : memref<9x48xi32, #tpu.memory_space<vmem>> -> memref<1x48xi32, #tpu.memory_space<vmem>>
      %dma_start3A_569 = tpu.memref_squeeze %dma_start3A_568 : memref<1x48xi32, #tpu.memory_space<vmem>> -> memref<48xi32, #tpu.memory_space<vmem>>
      %dma_start3A_570 = arith.constant 0 : i32
      %dma_start3A_571 = arith.constant 0 : i32
      %dma_start3A_572 = tpu.memref_slice %arg4[%dma_start3A_570, %dma_start3A_571] : memref<409600x128xf32, #tpu.memory_space<hbm>> -> memref<409600x128xf32, #tpu.memory_space<hbm>>
      tpu.enqueue_indirect_dma source(%dma_start3A_566 : memref<48x128xf32, #tpu.memory_space<vmem>>) target(%dma_start3A_572 : memref<409600x128xf32, #tpu.memory_space<hbm>>) offsets(%dma_start3A_569 : memref<48xi32, #tpu.memory_space<vmem>>) semaphore(%arg11 : memref<!tpu.dma_semaphore, #tpu.memory_space<semaphore_mem>>)
      %dma_wait3A_573 = arith.constant 1 : i32
      %dma_wait3A_574 = arith.constant 1 : i32
      %dma_wait3A_575 = arith.constant 0 : i32
      %dma_wait3A_576 = arith.constant 0 : i32
      %dma_wait3A_577 = tpu.memref_slice %arg6[%dma_wait3A_573, %dma_wait3A_575, %dma_wait3A_576] : memref<2x48x128xf32, #tpu.memory_space<vmem>> -> memref<1x48x128xf32, #tpu.memory_space<vmem>>
      %dma_wait3A_578 = tpu.memref_squeeze %dma_wait3A_577 : memref<1x48x128xf32, #tpu.memory_space<vmem>> -> memref<48x128xf32, #tpu.memory_space<vmem>>
      %dma_wait3A_579 = arith.constant 0 : i32
      %dma_wait3A_580 = tpu.memref_slice %arg7[%dma_wait3A_574, %dma_wait3A_579] : memref<9x48xi32, #tpu.memory_space<vmem>> -> memref<1x48xi32, #tpu.memory_space<vmem>>
      %dma_wait3A_581 = tpu.memref_squeeze %dma_wait3A_580 : memref<1x48xi32, #tpu.memory_space<vmem>> -> memref<48xi32, #tpu.memory_space<vmem>>
      %dma_wait3A_582 = arith.constant 0 : i32
      %dma_wait3A_583 = arith.constant 0 : i32
      %dma_wait3A_584 = tpu.memref_slice %arg4[%dma_wait3A_582, %dma_wait3A_583] : memref<409600x128xf32, #tpu.memory_space<hbm>> -> memref<409600x128xf32, #tpu.memory_space<hbm>>
      tpu.wait_indirect_dma semaphore(%arg12 : memref<!tpu.dma_semaphore, #tpu.memory_space<semaphore_mem>>) src(%dma_wait3A_578 : memref<48x128xf32, #tpu.memory_space<vmem>>) dst(%dma_wait3A_584 : memref<409600x128xf32, #tpu.memory_space<hbm>>)
      %scan3A_585 = arith.constant 0 : i32
      %scan3A_586 = arith.constant 48 : i32
      %scan3A_587 = arith.addi %scan3A_585, %scan3A_586 : i32
      %scan3A_588 = arith.constant 8 : i32
      scf.for %scan3A_1684 = %scan3A_585 to %scan3A_587 step %scan3A_588  : i32 {
        %mul3A_1685 = arith.constant 1 : i32
        %mul3A_1686 = arith.muli %scan3A_1684, %mul3A_1685 : i32
        %add3A_1687 = arith.constant 0 : i32
        %add3A_1688 = arith.addi %add3A_1687, %mul3A_1686 : i32
        %add3A_1689 = arith.constant 144 : i32
        %add3A_1690 = arith.addi %add3A_1689, %add3A_1688 : i32
        %dma_start3A_1691 = arith.constant 0 : i32
        %dma_start3A_1692 = arith.constant 1 : i32
        %dma_start3A_1693 = arith.constant 0 : i32
        %dma_start3A_1694 = tpu.memref_slice %arg6[%dma_start3A_1692, %add3A_1688, %dma_start3A_1693] : memref<2x48x128xf32, #tpu.memory_space<vmem>> -> memref<1x1x128xf32, #tpu.memory_space<vmem>>
        %dma_start3A_1695 = tpu.memref_squeeze %dma_start3A_1694 : memref<1x1x128xf32, #tpu.memory_space<vmem>> -> memref<128xf32, #tpu.memory_space<vmem>>
        %dma_start3A_1696 = arith.constant 0 : i32
        %dma_start3A_1697 = tpu.memref_slice %arg5[%add3A_1690, %dma_start3A_1696] : memref<400x128xi32, #tpu.memory_space<vmem>> -> memref<1x128xi32, #tpu.memory_space<vmem>>
        %dma_start3A_1698 = tpu.memref_squeeze %dma_start3A_1697 : memref<1x128xi32, #tpu.memory_space<vmem>> -> memref<128xi32, #tpu.memory_space<vmem>>
        %dma_start3A_1699 = arith.constant 0 : i32
        %dma_start3A_1700 = tpu.memref_slice %arg8[%dma_start3A_1691, %dma_start3A_1699] : memref<1x1000000xf32, #tpu.memory_space<vmem_shared>> -> memref<1x1000000xf32, #tpu.memory_space<vmem_shared>>
        %dma_start3A_1701 = tpu.memref_squeeze %dma_start3A_1700 : memref<1x1000000xf32, #tpu.memory_space<vmem_shared>> -> memref<1000000xf32, #tpu.memory_space<vmem_shared>>
        %dma_start3A_1702 = arith.constant 0 : i32
        %dma_start3A_1703 = tpu.memref_slice %dma_start3A_1701[%dma_start3A_1702] : memref<1000000xf32, #tpu.memory_space<vmem_shared>> -> memref<1000000xf32, #tpu.memory_space<vmem_shared>>
        tpu.enqueue_indirect_dma source(%dma_start3A_1703 : memref<1000000xf32, #tpu.memory_space<vmem_shared>>) target(%dma_start3A_1695 : memref<128xf32, #tpu.memory_space<vmem>>) offsets(%dma_start3A_1698 : memref<128xi32, #tpu.memory_space<vmem>>) semaphore(%arg10 : memref<!tpu.dma_semaphore, #tpu.memory_space<semaphore_mem>>)
        %scan3A_1704 = arith.constant 1 : i32
        %scan3A_1705 = arith.addi %scan3A_1684, %scan3A_1704 : i32
        %mul3A_1706 = arith.constant 1 : i32
        %mul3A_1707 = arith.muli %scan3A_1705, %mul3A_1706 : i32
        %add3A_1708 = arith.constant 0 : i32
        %add3A_1709 = arith.addi %add3A_1708, %mul3A_1707 : i32
        %add3A_1710 = arith.constant 144 : i32
        %add3A_1711 = arith.addi %add3A_1710, %add3A_1709 : i32
        %dma_start3A_1712 = arith.constant 0 : i32
        %dma_start3A_1713 = arith.constant 1 : i32
        %dma_start3A_1714 = arith.constant 0 : i32
        %dma_start3A_1715 = tpu.memref_slice %arg6[%dma_start3A_1713, %add3A_1709, %dma_start3A_1714] : memref<2x48x128xf32, #tpu.memory_space<vmem>> -> memref<1x1x128xf32, #tpu.memory_space<vmem>>
        %dma_start3A_1716 = tpu.memref_squeeze %dma_start3A_1715 : memref<1x1x128xf32, #tpu.memory_space<vmem>> -> memref<128xf32, #tpu.memory_space<vmem>>
        %dma_start3A_1717 = arith.constant 0 : i32
        %dma_start3A_1718 = tpu.memref_slice %arg5[%add3A_1711, %dma_start3A_1717] : memref<400x128xi32, #tpu.memory_space<vmem>> -> memref<1x128xi32, #tpu.memory_space<vmem>>
        %dma_start3A_1719 = tpu.memref_squeeze %dma_start3A_1718 : memref<1x128xi32, #tpu.memory_space<vmem>> -> memref<128xi32, #tpu.memory_space<vmem>>
        %dma_start3A_1720 = arith.constant 0 : i32
        %dma_start3A_1721 = tpu.memref_slice %arg8[%dma_start3A_1712, %dma_start3A_1720] : memref<1x1000000xf32, #tpu.memory_space<vmem_shared>> -> memref<1x1000000xf32, #tpu.memory_space<vmem_shared>>
        %dma_start3A_1722 = tpu.memref_squeeze %dma_start3A_1721 : memref<1x1000000xf32, #tpu.memory_space<vmem_shared>> -> memref<1000000xf32, #tpu.memory_space<vmem_shared>>
        %dma_start3A_1723 = arith.constant 0 : i32
        %dma_start3A_1724 = tpu.memref_slice %dma_start3A_1722[%dma_start3A_1723] : memref<1000000xf32, #tpu.memory_space<vmem_shared>> -> memref<1000000xf32, #tpu.memory_space<vmem_shared>>
        tpu.enqueue_indirect_dma source(%dma_start3A_1724 : memref<1000000xf32, #tpu.memory_space<vmem_shared>>) target(%dma_start3A_1716 : memref<128xf32, #tpu.memory_space<vmem>>) offsets(%dma_start3A_1719 : memref<128xi32, #tpu.memory_space<vmem>>) semaphore(%arg10 : memref<!tpu.dma_semaphore, #tpu.memory_space<semaphore_mem>>)
        %scan3A_1725 = arith.constant 2 : i32
        %scan3A_1726 = arith.addi %scan3A_1684, %scan3A_1725 : i32
        %mul3A_1727 = arith.constant 1 : i32
        %mul3A_1728 = arith.muli %scan3A_1726, %mul3A_1727 : i32
        %add3A_1729 = arith.constant 0 : i32
        %add3A_1730 = arith.addi %add3A_1729, %mul3A_1728 : i32
        %add3A_1731 = arith.constant 144 : i32
        %add3A_1732 = arith.addi %add3A_1731, %add3A_1730 : i32
        %dma_start3A_1733 = arith.constant 0 : i32
        %dma_start3A_1734 = arith.constant 1 : i32
        %dma_start3A_1735 = arith.constant 0 : i32
        %dma_start3A_1736 = tpu.memref_slice %arg6[%dma_start3A_1734, %add3A_1730, %dma_start3A_1735] : memref<2x48x128xf32, #tpu.memory_space<vmem>> -> memref<1x1x128xf32, #tpu.memory_space<vmem>>
        %dma_start3A_1737 = tpu.memref_squeeze %dma_start3A_1736 : memref<1x1x128xf32, #tpu.memory_space<vmem>> -> memref<128xf32, #tpu.memory_space<vmem>>
        %dma_start3A_1738 = arith.constant 0 : i32
        %dma_start3A_1739 = tpu.memref_slice %arg5[%add3A_1732, %dma_start3A_1738] : memref<400x128xi32, #tpu.memory_space<vmem>> -> memref<1x128xi32, #tpu.memory_space<vmem>>
        %dma_start3A_1740 = tpu.memref_squeeze %dma_start3A_1739 : memref<1x128xi32, #tpu.memory_space<vmem>> -> memref<128xi32, #tpu.memory_space<vmem>>
        %dma_start3A_1741 = arith.constant 0 : i32
        %dma_start3A_1742 = tpu.memref_slice %arg8[%dma_start3A_1733, %dma_start3A_1741] : memref<1x1000000xf32, #tpu.memory_space<vmem_shared>> -> memref<1x1000000xf32, #tpu.memory_space<vmem_shared>>
        %dma_start3A_1743 = tpu.memref_squeeze %dma_start3A_1742 : memref<1x1000000xf32, #tpu.memory_space<vmem_shared>> -> memref<1000000xf32, #tpu.memory_space<vmem_shared>>
        %dma_start3A_1744 = arith.constant 0 : i32
        %dma_start3A_1745 = tpu.memref_slice %dma_start3A_1743[%dma_start3A_1744] : memref<1000000xf32, #tpu.memory_space<vmem_shared>> -> memref<1000000xf32, #tpu.memory_space<vmem_shared>>
        tpu.enqueue_indirect_dma source(%dma_start3A_1745 : memref<1000000xf32, #tpu.memory_space<vmem_shared>>) target(%dma_start3A_1737 : memref<128xf32, #tpu.memory_space<vmem>>) offsets(%dma_start3A_1740 : memref<128xi32, #tpu.memory_space<vmem>>) semaphore(%arg10 : memref<!tpu.dma_semaphore, #tpu.memory_space<semaphore_mem>>)
        %scan3A_1746 = arith.constant 3 : i32
        %scan3A_1747 = arith.addi %scan3A_1684, %scan3A_1746 : i32
        %mul3A_1748 = arith.constant 1 : i32
        %mul3A_1749 = arith.muli %scan3A_1747, %mul3A_1748 : i32
        %add3A_1750 = arith.constant 0 : i32
        %add3A_1751 = arith.addi %add3A_1750, %mul3A_1749 : i32
        %add3A_1752 = arith.constant 144 : i32
        %add3A_1753 = arith.addi %add3A_1752, %add3A_1751 : i32
        %dma_start3A_1754 = arith.constant 0 : i32
        %dma_start3A_1755 = arith.constant 1 : i32
        %dma_start3A_1756 = arith.constant 0 : i32
        %dma_start3A_1757 = tpu.memref_slice %arg6[%dma_start3A_1755, %add3A_1751, %dma_start3A_1756] : memref<2x48x128xf32, #tpu.memory_space<vmem>> -> memref<1x1x128xf32, #tpu.memory_space<vmem>>
        %dma_start3A_1758 = tpu.memref_squeeze %dma_start3A_1757 : memref<1x1x128xf32, #tpu.memory_space<vmem>> -> memref<128xf32, #tpu.memory_space<vmem>>
        %dma_start3A_1759 = arith.constant 0 : i32
        %dma_start3A_1760 = tpu.memref_slice %arg5[%add3A_1753, %dma_start3A_1759] : memref<400x128xi32, #tpu.memory_space<vmem>> -> memref<1x128xi32, #tpu.memory_space<vmem>>
        %dma_start3A_1761 = tpu.memref_squeeze %dma_start3A_1760 : memref<1x128xi32, #tpu.memory_space<vmem>> -> memref<128xi32, #tpu.memory_space<vmem>>
        %dma_start3A_1762 = arith.constant 0 : i32
        %dma_start3A_1763 = tpu.memref_slice %arg8[%dma_start3A_1754, %dma_start3A_1762] : memref<1x1000000xf32, #tpu.memory_space<vmem_shared>> -> memref<1x1000000xf32, #tpu.memory_space<vmem_shared>>
        %dma_start3A_1764 = tpu.memref_squeeze %dma_start3A_1763 : memref<1x1000000xf32, #tpu.memory_space<vmem_shared>> -> memref<1000000xf32, #tpu.memory_space<vmem_shared>>
        %dma_start3A_1765 = arith.constant 0 : i32
        %dma_start3A_1766 = tpu.memref_slice %dma_start3A_1764[%dma_start3A_1765] : memref<1000000xf32, #tpu.memory_space<vmem_shared>> -> memref<1000000xf32, #tpu.memory_space<vmem_shared>>
        tpu.enqueue_indirect_dma source(%dma_start3A_1766 : memref<1000000xf32, #tpu.memory_space<vmem_shared>>) target(%dma_start3A_1758 : memref<128xf32, #tpu.memory_space<vmem>>) offsets(%dma_start3A_1761 : memref<128xi32, #tpu.memory_space<vmem>>) semaphore(%arg10 : memref<!tpu.dma_semaphore, #tpu.memory_space<semaphore_mem>>)
        %scan3A_1767 = arith.constant 4 : i32
        %scan3A_1768 = arith.addi %scan3A_1684, %scan3A_1767 : i32
        %mul3A_1769 = arith.constant 1 : i32
        %mul3A_1770 = arith.muli %scan3A_1768, %mul3A_1769 : i32
        %add3A_1771 = arith.constant 0 : i32
        %add3A_1772 = arith.addi %add3A_1771, %mul3A_1770 : i32
        %add3A_1773 = arith.constant 144 : i32
        %add3A_1774 = arith.addi %add3A_1773, %add3A_1772 : i32
        %dma_start3A_1775 = arith.constant 0 : i32
        %dma_start3A_1776 = arith.constant 1 : i32
        %dma_start3A_1777 = arith.constant 0 : i32
        %dma_start3A_1778 = tpu.memref_slice %arg6[%dma_start3A_1776, %add3A_1772, %dma_start3A_1777] : memref<2x48x128xf32, #tpu.memory_space<vmem>> -> memref<1x1x128xf32, #tpu.memory_space<vmem>>
        %dma_start3A_1779 = tpu.memref_squeeze %dma_start3A_1778 : memref<1x1x128xf32, #tpu.memory_space<vmem>> -> memref<128xf32, #tpu.memory_space<vmem>>
        %dma_start3A_1780 = arith.constant 0 : i32
        %dma_start3A_1781 = tpu.memref_slice %arg5[%add3A_1774, %dma_start3A_1780] : memref<400x128xi32, #tpu.memory_space<vmem>> -> memref<1x128xi32, #tpu.memory_space<vmem>>
        %dma_start3A_1782 = tpu.memref_squeeze %dma_start3A_1781 : memref<1x128xi32, #tpu.memory_space<vmem>> -> memref<128xi32, #tpu.memory_space<vmem>>
        %dma_start3A_1783 = arith.constant 0 : i32
        %dma_start3A_1784 = tpu.memref_slice %arg8[%dma_start3A_1775, %dma_start3A_1783] : memref<1x1000000xf32, #tpu.memory_space<vmem_shared>> -> memref<1x1000000xf32, #tpu.memory_space<vmem_shared>>
        %dma_start3A_1785 = tpu.memref_squeeze %dma_start3A_1784 : memref<1x1000000xf32, #tpu.memory_space<vmem_shared>> -> memref<1000000xf32, #tpu.memory_space<vmem_shared>>
        %dma_start3A_1786 = arith.constant 0 : i32
        %dma_start3A_1787 = tpu.memref_slice %dma_start3A_1785[%dma_start3A_1786] : memref<1000000xf32, #tpu.memory_space<vmem_shared>> -> memref<1000000xf32, #tpu.memory_space<vmem_shared>>
        tpu.enqueue_indirect_dma source(%dma_start3A_1787 : memref<1000000xf32, #tpu.memory_space<vmem_shared>>) target(%dma_start3A_1779 : memref<128xf32, #tpu.memory_space<vmem>>) offsets(%dma_start3A_1782 : memref<128xi32, #tpu.memory_space<vmem>>) semaphore(%arg10 : memref<!tpu.dma_semaphore, #tpu.memory_space<semaphore_mem>>)
        %scan3A_1788 = arith.constant 5 : i32
        %scan3A_1789 = arith.addi %scan3A_1684, %scan3A_1788 : i32
        %mul3A_1790 = arith.constant 1 : i32
        %mul3A_1791 = arith.muli %scan3A_1789, %mul3A_1790 : i32
        %add3A_1792 = arith.constant 0 : i32
        %add3A_1793 = arith.addi %add3A_1792, %mul3A_1791 : i32
        %add3A_1794 = arith.constant 144 : i32
        %add3A_1795 = arith.addi %add3A_1794, %add3A_1793 : i32
        %dma_start3A_1796 = arith.constant 0 : i32
        %dma_start3A_1797 = arith.constant 1 : i32
        %dma_start3A_1798 = arith.constant 0 : i32
        %dma_start3A_1799 = tpu.memref_slice %arg6[%dma_start3A_1797, %add3A_1793, %dma_start3A_1798] : memref<2x48x128xf32, #tpu.memory_space<vmem>> -> memref<1x1x128xf32, #tpu.memory_space<vmem>>
        %dma_start3A_1800 = tpu.memref_squeeze %dma_start3A_1799 : memref<1x1x128xf32, #tpu.memory_space<vmem>> -> memref<128xf32, #tpu.memory_space<vmem>>
        %dma_start3A_1801 = arith.constant 0 : i32
        %dma_start3A_1802 = tpu.memref_slice %arg5[%add3A_1795, %dma_start3A_1801] : memref<400x128xi32, #tpu.memory_space<vmem>> -> memref<1x128xi32, #tpu.memory_space<vmem>>
        %dma_start3A_1803 = tpu.memref_squeeze %dma_start3A_1802 : memref<1x128xi32, #tpu.memory_space<vmem>> -> memref<128xi32, #tpu.memory_space<vmem>>
        %dma_start3A_1804 = arith.constant 0 : i32
        %dma_start3A_1805 = tpu.memref_slice %arg8[%dma_start3A_1796, %dma_start3A_1804] : memref<1x1000000xf32, #tpu.memory_space<vmem_shared>> -> memref<1x1000000xf32, #tpu.memory_space<vmem_shared>>
        %dma_start3A_1806 = tpu.memref_squeeze %dma_start3A_1805 : memref<1x1000000xf32, #tpu.memory_space<vmem_shared>> -> memref<1000000xf32, #tpu.memory_space<vmem_shared>>
        %dma_start3A_1807 = arith.constant 0 : i32
        %dma_start3A_1808 = tpu.memref_slice %dma_start3A_1806[%dma_start3A_1807] : memref<1000000xf32, #tpu.memory_space<vmem_shared>> -> memref<1000000xf32, #tpu.memory_space<vmem_shared>>
        tpu.enqueue_indirect_dma source(%dma_start3A_1808 : memref<1000000xf32, #tpu.memory_space<vmem_shared>>) target(%dma_start3A_1800 : memref<128xf32, #tpu.memory_space<vmem>>) offsets(%dma_start3A_1803 : memref<128xi32, #tpu.memory_space<vmem>>) semaphore(%arg10 : memref<!tpu.dma_semaphore, #tpu.memory_space<semaphore_mem>>)
        %scan3A_1809 = arith.constant 6 : i32
        %scan3A_1810 = arith.addi %scan3A_1684, %scan3A_1809 : i32
        %mul3A_1811 = arith.constant 1 : i32
        %mul3A_1812 = arith.muli %scan3A_1810, %mul3A_1811 : i32
        %add3A_1813 = arith.constant 0 : i32
        %add3A_1814 = arith.addi %add3A_1813, %mul3A_1812 : i32
        %add3A_1815 = arith.constant 144 : i32
        %add3A_1816 = arith.addi %add3A_1815, %add3A_1814 : i32
        %dma_start3A_1817 = arith.constant 0 : i32
        %dma_start3A_1818 = arith.constant 1 : i32
        %dma_start3A_1819 = arith.constant 0 : i32
        %dma_start3A_1820 = tpu.memref_slice %arg6[%dma_start3A_1818, %add3A_1814, %dma_start3A_1819] : memref<2x48x128xf32, #tpu.memory_space<vmem>> -> memref<1x1x128xf32, #tpu.memory_space<vmem>>
        %dma_start3A_1821 = tpu.memref_squeeze %dma_start3A_1820 : memref<1x1x128xf32, #tpu.memory_space<vmem>> -> memref<128xf32, #tpu.memory_space<vmem>>
        %dma_start3A_1822 = arith.constant 0 : i32
        %dma_start3A_1823 = tpu.memref_slice %arg5[%add3A_1816, %dma_start3A_1822] : memref<400x128xi32, #tpu.memory_space<vmem>> -> memref<1x128xi32, #tpu.memory_space<vmem>>
        %dma_start3A_1824 = tpu.memref_squeeze %dma_start3A_1823 : memref<1x128xi32, #tpu.memory_space<vmem>> -> memref<128xi32, #tpu.memory_space<vmem>>
        %dma_start3A_1825 = arith.constant 0 : i32
        %dma_start3A_1826 = tpu.memref_slice %arg8[%dma_start3A_1817, %dma_start3A_1825] : memref<1x1000000xf32, #tpu.memory_space<vmem_shared>> -> memref<1x1000000xf32, #tpu.memory_space<vmem_shared>>
        %dma_start3A_1827 = tpu.memref_squeeze %dma_start3A_1826 : memref<1x1000000xf32, #tpu.memory_space<vmem_shared>> -> memref<1000000xf32, #tpu.memory_space<vmem_shared>>
        %dma_start3A_1828 = arith.constant 0 : i32
        %dma_start3A_1829 = tpu.memref_slice %dma_start3A_1827[%dma_start3A_1828] : memref<1000000xf32, #tpu.memory_space<vmem_shared>> -> memref<1000000xf32, #tpu.memory_space<vmem_shared>>
        tpu.enqueue_indirect_dma source(%dma_start3A_1829 : memref<1000000xf32, #tpu.memory_space<vmem_shared>>) target(%dma_start3A_1821 : memref<128xf32, #tpu.memory_space<vmem>>) offsets(%dma_start3A_1824 : memref<128xi32, #tpu.memory_space<vmem>>) semaphore(%arg10 : memref<!tpu.dma_semaphore, #tpu.memory_space<semaphore_mem>>)
        %scan3A_1830 = arith.constant 7 : i32
        %scan3A_1831 = arith.addi %scan3A_1684, %scan3A_1830 : i32
        %mul3A_1832 = arith.constant 1 : i32
        %mul3A_1833 = arith.muli %scan3A_1831, %mul3A_1832 : i32
        %add3A_1834 = arith.constant 0 : i32
        %add3A_1835 = arith.addi %add3A_1834, %mul3A_1833 : i32
        %add3A_1836 = arith.constant 144 : i32
        %add3A_1837 = arith.addi %add3A_1836, %add3A_1835 : i32
        %dma_start3A_1838 = arith.constant 0 : i32
        %dma_start3A_1839 = arith.constant 1 : i32
        %dma_start3A_1840 = arith.constant 0 : i32
        %dma_start3A_1841 = tpu.memref_slice %arg6[%dma_start3A_1839, %add3A_1835, %dma_start3A_1840] : memref<2x48x128xf32, #tpu.memory_space<vmem>> -> memref<1x1x128xf32, #tpu.memory_space<vmem>>
        %dma_start3A_1842 = tpu.memref_squeeze %dma_start3A_1841 : memref<1x1x128xf32, #tpu.memory_space<vmem>> -> memref<128xf32, #tpu.memory_space<vmem>>
        %dma_start3A_1843 = arith.constant 0 : i32
        %dma_start3A_1844 = tpu.memref_slice %arg5[%add3A_1837, %dma_start3A_1843] : memref<400x128xi32, #tpu.memory_space<vmem>> -> memref<1x128xi32, #tpu.memory_space<vmem>>
        %dma_start3A_1845 = tpu.memref_squeeze %dma_start3A_1844 : memref<1x128xi32, #tpu.memory_space<vmem>> -> memref<128xi32, #tpu.memory_space<vmem>>
        %dma_start3A_1846 = arith.constant 0 : i32
        %dma_start3A_1847 = tpu.memref_slice %arg8[%dma_start3A_1838, %dma_start3A_1846] : memref<1x1000000xf32, #tpu.memory_space<vmem_shared>> -> memref<1x1000000xf32, #tpu.memory_space<vmem_shared>>
        %dma_start3A_1848 = tpu.memref_squeeze %dma_start3A_1847 : memref<1x1000000xf32, #tpu.memory_space<vmem_shared>> -> memref<1000000xf32, #tpu.memory_space<vmem_shared>>
        %dma_start3A_1849 = arith.constant 0 : i32
        %dma_start3A_1850 = tpu.memref_slice %dma_start3A_1848[%dma_start3A_1849] : memref<1000000xf32, #tpu.memory_space<vmem_shared>> -> memref<1000000xf32, #tpu.memory_space<vmem_shared>>
        tpu.enqueue_indirect_dma source(%dma_start3A_1850 : memref<1000000xf32, #tpu.memory_space<vmem_shared>>) target(%dma_start3A_1842 : memref<128xf32, #tpu.memory_space<vmem>>) offsets(%dma_start3A_1845 : memref<128xi32, #tpu.memory_space<vmem>>) semaphore(%arg10 : memref<!tpu.dma_semaphore, #tpu.memory_space<semaphore_mem>>)
      }
      %scan3A_589 = arith.constant 48 : i32
      %dma_wait3A_590 = arith.constant 1 : i32
      %dma_wait3A_591 = arith.constant 0 : i32
      %dma_wait3A_592 = arith.constant 0 : i32
      %dma_wait3A_593 = tpu.memref_slice %arg6[%dma_wait3A_590, %dma_wait3A_591, %dma_wait3A_592] : memref<2x48x128xf32, #tpu.memory_space<vmem>> -> memref<1x48x128xf32, #tpu.memory_space<vmem>>
      %dma_wait3A_594 = tpu.memref_squeeze %dma_wait3A_593 : memref<1x48x128xf32, #tpu.memory_space<vmem>> -> memref<48x128xf32, #tpu.memory_space<vmem>>
      %dma_wait3A_595 = arith.constant 0 : i32
      %dma_wait3A_596 = arith.constant 0 : i32
      %dma_wait3A_597 = tpu.memref_slice %arg3[%dma_wait3A_595, %dma_wait3A_596] : memref<64x1000000xf32, #tpu.memory_space<hbm>> -> memref<48x128xf32, #tpu.memory_space<hbm>>
      %dma_wait3A_598 = arith.constant 0 : i32
      %dma_wait3A_599 = arith.constant 0 : i32
      %dma_wait3A_600 = tpu.memref_slice %arg6[%dma_wait3A_590, %dma_wait3A_598, %dma_wait3A_599] : memref<2x48x128xf32, #tpu.memory_space<vmem>> -> memref<1x48x128xf32, #tpu.memory_space<vmem>>
      %dma_wait3A_601 = tpu.memref_squeeze %dma_wait3A_600 : memref<1x48x128xf32, #tpu.memory_space<vmem>> -> memref<48x128xf32, #tpu.memory_space<vmem>>
      %dma_wait3A_602 = arith.constant 0 : i32
      %dma_wait3A_603 = arith.constant 0 : i32
      %dma_wait3A_604 = tpu.memref_slice %arg3[%dma_wait3A_602, %dma_wait3A_603] : memref<64x1000000xf32, #tpu.memory_space<hbm>> -> memref<48x128xf32, #tpu.memory_space<hbm>>
      tpu.wait_dma2 semaphore(%arg10 : memref<!tpu.dma_semaphore, #tpu.memory_space<semaphore_mem>>) src(%dma_wait3A_604 : memref<48x128xf32, #tpu.memory_space<hbm>>) dst(%dma_wait3A_601 : memref<48x128xf32, #tpu.memory_space<vmem>>)
      %jit3A_605 = arith.constant 8 : i32
      %div3A_606 = arith.divsi %add3A_38, %jit3A_605 : i32
      %sign3A_607 = arith.constant 0 : i32
      %sign3A_608 = arith.cmpi sgt, %add3A_38, %sign3A_607 : i32
      %sign3A_609 = arith.extui %sign3A_608 : i1 to i32
      %sign3A_610 = arith.constant 0 : i32
      %sign3A_611 = arith.cmpi slt, %add3A_38, %sign3A_610 : i32
      %sign3A_612 = arith.extui %sign3A_611 : i1 to i32
      %sign3A_613 = arith.subi %sign3A_609, %sign3A_612 : i32
      %sign3A_614 = arith.constant 0 : i32
      %sign3A_615 = arith.cmpi sgt, %jit3A_605, %sign3A_614 : i32
      %sign3A_616 = arith.extui %sign3A_615 : i1 to i32
      %sign3A_617 = arith.constant 0 : i32
      %sign3A_618 = arith.cmpi slt, %jit3A_605, %sign3A_617 : i32
      %sign3A_619 = arith.extui %sign3A_618 : i1 to i32
      %sign3A_620 = arith.subi %sign3A_616, %sign3A_619 : i32
      %ne3A_621 = arith.cmpi ne, %sign3A_613, %sign3A_620 : i32
      %rem3A_622 = arith.remsi %add3A_38, %jit3A_605 : i32
      %ne3A_623 = arith.constant 0 : i32
      %ne3A_624 = arith.cmpi ne, %rem3A_622, %ne3A_623 : i32
      %and3A_625 = arith.andi %ne3A_621, %ne3A_624 : i1
      %sub3A_626 = arith.constant 1 : i32
      %sub3A_627 = arith.subi %div3A_606, %sub3A_626 : i32
      %select_n3A_628 = arith.select %and3A_625, %sub3A_627, %div3A_606 : i32
      %mul3A_629 = arith.constant 256 : i32
      %mul3A_630 = arith.muli %select_n3A_628, %mul3A_629 : i32
      %jit3A_631 = arith.constant 8 : i32
      %eq3A_632 = arith.constant 0 : i32
      %eq3A_633 = arith.cmpi eq, %jit3A_631, %eq3A_632 : i32
      %jit3A_634 = arith.constant 1 : i32
      %select_n3A_635 = arith.select %eq3A_633, %jit3A_634, %jit3A_631 : i32
      %rem3A_636 = arith.remsi %add3A_38, %select_n3A_635 : i32
      %ne3A_637 = arith.constant 0 : i32
      %ne3A_638 = arith.cmpi ne, %rem3A_636, %ne3A_637 : i32
      %lt3A_639 = arith.constant 0 : i32
      %lt3A_640 = arith.cmpi slt, %rem3A_636, %lt3A_639 : i32
      %lt3A_641 = arith.constant 0 : i32
      %lt3A_642 = arith.cmpi slt, %select_n3A_635, %lt3A_641 : i32
      %ne3A_643 = arith.xori %lt3A_640, %lt3A_642 : i1
      %and3A_644 = arith.andi %ne3A_643, %ne3A_638 : i1
      %add3A_645 = arith.addi %rem3A_636, %select_n3A_635 : i32
      %select_n3A_646 = arith.select %and3A_644, %add3A_645, %rem3A_636 : i32
      %add3A_647 = arith.addi %mul3A_630, %select_n3A_646 : i32
      %mul3A_648 = arith.constant 2 : i32
      %mul3A_649 = arith.muli %mul3A_648, %arg1 : i32
      %mul3A_650 = arith.constant 8 : i32
      %mul3A_651 = arith.muli %mul3A_649, %mul3A_650 : i32
      %add3A_652 = arith.addi %add3A_647, %mul3A_651 : i32
      %iota3A_653 = tpu.iota {dimensions = array<i32: 0>} : vector<16xi32>
      %add3A_654 = arith.constant 144 : i32
      %add3A_655 = vector.broadcast %add3A_654 : i32 to vector<16xi32>
      %add3A_656 = arith.addi %iota3A_653, %add3A_655 : vector<16xi32>
      %ge3A_657 = arith.constant 200 : i32
      %ge3A_658 = vector.broadcast %ge3A_657 : i32 to vector<16xi32>
      %ge3A_659 = arith.cmpi sge, %add3A_656, %ge3A_658 : vector<16xi32>
      %jit3A_660 = arith.constant 1 : i32
      %jit3A_661 = arith.constant 0 : i32
      %broadcast_in_dim3A_662 = vector.broadcast %jit3A_660 : i32 to vector<16xi32>
      %broadcast_in_dim3A_663 = vector.broadcast %jit3A_661 : i32 to vector<16xi32>
      %select_n3A_664 = arith.select %ge3A_659, %broadcast_in_dim3A_662, %broadcast_in_dim3A_663 : vector<16xi1>, vector<16xi32>
      %mul3A_665 = arith.constant 200 : i32
      %mul3A_666 = vector.broadcast %mul3A_665 : i32 to vector<16xi32>
      %mul3A_667 = arith.muli %select_n3A_664, %mul3A_666 : vector<16xi32>
      %sub3A_668 = arith.subi %add3A_656, %mul3A_667 : vector<16xi32>
      %mul3A_669 = arith.constant 2048 : i32
      %mul3A_670 = vector.broadcast %mul3A_669 : i32 to vector<16xi32>
      %mul3A_671 = arith.muli %sub3A_668, %mul3A_670 : vector<16xi32>
      %add3A_672 = vector.broadcast %add3A_652 : i32 to vector<16xi32>
      %add3A_673 = arith.addi %mul3A_671, %add3A_672 : vector<16xi32>
      %mul3A_674 = arith.constant 8 : i32
      %mul3A_675 = vector.broadcast %mul3A_674 : i32 to vector<16xi32>
      %mul3A_676 = arith.muli %select_n3A_664, %mul3A_675 : vector<16xi32>
      %add3A_677 = arith.addi %add3A_673, %mul3A_676 : vector<16xi32>
      %swap3A_678 = arith.constant 3 : i32
      %swap3A_679 = arith.index_cast %swap3A_678 : i32 to index
      %swap3A_680 = arith.constant 0 : index
      %swap3A_681 = tpu.vector_load %arg7[%swap3A_679, %swap3A_680] {strides = array<i32>} : memref<9x48xi32, #tpu.memory_space<vmem>>, vector<1x16xi32>,
      %swap3A_682 = vector.shape_cast %swap3A_681 : vector<1x16xi32> to vector<16xi32>
      %swap3A_683 = vector.shape_cast %add3A_677 : vector<16xi32> to vector<1x16xi32>
      tpu.vector_store %arg7[%swap3A_679, %swap3A_680], %swap3A_683 {strides = array<i32>} : memref<9x48xi32, #tpu.memory_space<vmem>>, vector<1x16xi32>,
      %iota3A_684 = tpu.iota {dimensions = array<i32: 0>} : vector<16xi32>
      %add3A_685 = arith.constant 160 : i32
      %add3A_686 = vector.broadcast %add3A_685 : i32 to vector<16xi32>
      %add3A_687 = arith.addi %iota3A_684, %add3A_686 : vector<16xi32>
      %ge3A_688 = arith.constant 200 : i32
      %ge3A_689 = vector.broadcast %ge3A_688 : i32 to vector<16xi32>
      %ge3A_690 = arith.cmpi sge, %add3A_687, %ge3A_689 : vector<16xi32>
      %jit3A_691 = arith.constant 1 : i32
      %jit3A_692 = arith.constant 0 : i32
      %broadcast_in_dim3A_693 = vector.broadcast %jit3A_691 : i32 to vector<16xi32>
      %broadcast_in_dim3A_694 = vector.broadcast %jit3A_692 : i32 to vector<16xi32>
      %select_n3A_695 = arith.select %ge3A_690, %broadcast_in_dim3A_693, %broadcast_in_dim3A_694 : vector<16xi1>, vector<16xi32>
      %mul3A_696 = arith.constant 200 : i32
      %mul3A_697 = vector.broadcast %mul3A_696 : i32 to vector<16xi32>
      %mul3A_698 = arith.muli %select_n3A_695, %mul3A_697 : vector<16xi32>
      %sub3A_699 = arith.subi %add3A_687, %mul3A_698 : vector<16xi32>
      %mul3A_700 = arith.constant 2048 : i32
      %mul3A_701 = vector.broadcast %mul3A_700 : i32 to vector<16xi32>
      %mul3A_702 = arith.muli %sub3A_699, %mul3A_701 : vector<16xi32>
      %add3A_703 = vector.broadcast %add3A_652 : i32 to vector<16xi32>
      %add3A_704 = arith.addi %mul3A_702, %add3A_703 : vector<16xi32>
      %mul3A_705 = arith.constant 8 : i32
      %mul3A_706 = vector.broadcast %mul3A_705 : i32 to vector<16xi32>
      %mul3A_707 = arith.muli %select_n3A_695, %mul3A_706 : vector<16xi32>
      %add3A_708 = arith.addi %add3A_704, %mul3A_707 : vector<16xi32>
      %swap3A_709 = arith.constant 3 : i32
      %swap3A_710 = arith.index_cast %swap3A_709 : i32 to index
      %swap3A_711 = arith.constant 16 : index
      %swap3A_712 = tpu.vector_load %arg7[%swap3A_710, %swap3A_711] {strides = array<i32>} : memref<9x48xi32, #tpu.memory_space<vmem>>, vector<1x16xi32>,
      %swap3A_713 = vector.shape_cast %swap3A_712 : vector<1x16xi32> to vector<16xi32>
      %swap3A_714 = vector.shape_cast %add3A_708 : vector<16xi32> to vector<1x16xi32>
      tpu.vector_store %arg7[%swap3A_710, %swap3A_711], %swap3A_714 {strides = array<i32>} : memref<9x48xi32, #tpu.memory_space<vmem>>, vector<1x16xi32>,
      %iota3A_715 = tpu.iota {dimensions = array<i32: 0>} : vector<16xi32>
      %add3A_716 = arith.constant 176 : i32
      %add3A_717 = vector.broadcast %add3A_716 : i32 to vector<16xi32>
      %add3A_718 = arith.addi %iota3A_715, %add3A_717 : vector<16xi32>
      %ge3A_719 = arith.constant 200 : i32
      %ge3A_720 = vector.broadcast %ge3A_719 : i32 to vector<16xi32>
      %ge3A_721 = arith.cmpi sge, %add3A_718, %ge3A_720 : vector<16xi32>
      %jit3A_722 = arith.constant 1 : i32
      %jit3A_723 = arith.constant 0 : i32
      %broadcast_in_dim3A_724 = vector.broadcast %jit3A_722 : i32 to vector<16xi32>
      %broadcast_in_dim3A_725 = vector.broadcast %jit3A_723 : i32 to vector<16xi32>
      %select_n3A_726 = arith.select %ge3A_721, %broadcast_in_dim3A_724, %broadcast_in_dim3A_725 : vector<16xi1>, vector<16xi32>
      %mul3A_727 = arith.constant 200 : i32
      %mul3A_728 = vector.broadcast %mul3A_727 : i32 to vector<16xi32>
      %mul3A_729 = arith.muli %select_n3A_726, %mul3A_728 : vector<16xi32>
      %sub3A_730 = arith.subi %add3A_718, %mul3A_729 : vector<16xi32>
      %mul3A_731 = arith.constant 2048 : i32
      %mul3A_732 = vector.broadcast %mul3A_731 : i32 to vector<16xi32>
      %mul3A_733 = arith.muli %sub3A_730, %mul3A_732 : vector<16xi32>
      %add3A_734 = vector.broadcast %add3A_652 : i32 to vector<16xi32>
      %add3A_735 = arith.addi %mul3A_733, %add3A_734 : vector<16xi32>
      %mul3A_736 = arith.constant 8 : i32
      %mul3A_737 = vector.broadcast %mul3A_736 : i32 to vector<16xi32>
      %mul3A_738 = arith.muli %select_n3A_726, %mul3A_737 : vector<16xi32>
      %add3A_739 = arith.addi %add3A_735, %mul3A_738 : vector<16xi32>
      %swap3A_740 = arith.constant 3 : i32
      %swap3A_741 = arith.index_cast %swap3A_740 : i32 to index
      %swap3A_742 = arith.constant 32 : index
      %swap3A_743 = tpu.vector_load %arg7[%swap3A_741, %swap3A_742] {strides = array<i32>} : memref<9x48xi32, #tpu.memory_space<vmem>>, vector<1x16xi32>,
      %swap3A_744 = vector.shape_cast %swap3A_743 : vector<1x16xi32> to vector<16xi32>
      %swap3A_745 = vector.shape_cast %add3A_739 : vector<16xi32> to vector<1x16xi32>
      tpu.vector_store %arg7[%swap3A_741, %swap3A_742], %swap3A_745 {strides = array<i32>} : memref<9x48xi32, #tpu.memory_space<vmem>>, vector<1x16xi32>,
      %dma_start3A_746 = arith.constant 1 : i32
      %dma_start3A_747 = arith.constant 3 : i32
      %dma_start3A_748 = arith.constant 0 : i32
      %dma_start3A_749 = arith.constant 0 : i32
      %dma_start3A_750 = tpu.memref_slice %arg6[%dma_start3A_746, %dma_start3A_748, %dma_start3A_749] : memref<2x48x128xf32, #tpu.memory_space<vmem>> -> memref<1x48x128xf32, #tpu.memory_space<vmem>>
      %dma_start3A_751 = tpu.memref_squeeze %dma_start3A_750 : memref<1x48x128xf32, #tpu.memory_space<vmem>> -> memref<48x128xf32, #tpu.memory_space<vmem>>
      %dma_start3A_752 = arith.constant 0 : i32
      %dma_start3A_753 = tpu.memref_slice %arg7[%dma_start3A_747, %dma_start3A_752] : memref<9x48xi32, #tpu.memory_space<vmem>> -> memref<1x48xi32, #tpu.memory_space<vmem>>
      %dma_start3A_754 = tpu.memref_squeeze %dma_start3A_753 : memref<1x48xi32, #tpu.memory_space<vmem>> -> memref<48xi32, #tpu.memory_space<vmem>>
      %dma_start3A_755 = arith.constant 0 : i32
      %dma_start3A_756 = arith.constant 0 : i32
      %dma_start3A_757 = tpu.memref_slice %arg4[%dma_start3A_755, %dma_start3A_756] : memref<409600x128xf32, #tpu.memory_space<hbm>> -> memref<409600x128xf32, #tpu.memory_space<hbm>>
      tpu.enqueue_indirect_dma source(%dma_start3A_751 : memref<48x128xf32, #tpu.memory_space<vmem>>) target(%dma_start3A_757 : memref<409600x128xf32, #tpu.memory_space<hbm>>) offsets(%dma_start3A_754 : memref<48xi32, #tpu.memory_space<vmem>>) semaphore(%arg12 : memref<!tpu.dma_semaphore, #tpu.memory_space<semaphore_mem>>)
      %dma_wait3A_758 = arith.constant 0 : i32
      %dma_wait3A_759 = arith.constant 2 : i32
      %dma_wait3A_760 = arith.constant 0 : i32
      %dma_wait3A_761 = arith.constant 0 : i32
      %dma_wait3A_762 = tpu.memref_slice %arg6[%dma_wait3A_758, %dma_wait3A_760, %dma_wait3A_761] : memref<2x48x128xf32, #tpu.memory_space<vmem>> -> memref<1x48x128xf32, #tpu.memory_space<vmem>>
      %dma_wait3A_763 = tpu.memref_squeeze %dma_wait3A_762 : memref<1x48x128xf32, #tpu.memory_space<vmem>> -> memref<48x128xf32, #tpu.memory_space<vmem>>
      %dma_wait3A_764 = arith.constant 0 : i32
      %dma_wait3A_765 = tpu.memref_slice %arg7[%dma_wait3A_759, %dma_wait3A_764] : memref<9x48xi32, #tpu.memory_space<vmem>> -> memref<1x48xi32, #tpu.memory_space<vmem>>
      %dma_wait3A_766 = tpu.memref_squeeze %dma_wait3A_765 : memref<1x48xi32, #tpu.memory_space<vmem>> -> memref<48xi32, #tpu.memory_space<vmem>>
      %dma_wait3A_767 = arith.constant 0 : i32
      %dma_wait3A_768 = arith.constant 0 : i32
      %dma_wait3A_769 = tpu.memref_slice %arg4[%dma_wait3A_767, %dma_wait3A_768] : memref<409600x128xf32, #tpu.memory_space<hbm>> -> memref<409600x128xf32, #tpu.memory_space<hbm>>
      tpu.wait_indirect_dma semaphore(%arg11 : memref<!tpu.dma_semaphore, #tpu.memory_space<semaphore_mem>>) src(%dma_wait3A_763 : memref<48x128xf32, #tpu.memory_space<vmem>>) dst(%dma_wait3A_769 : memref<409600x128xf32, #tpu.memory_space<hbm>>)
      %scan3A_770 = arith.constant 0 : i32
      %scan3A_771 = arith.constant 48 : i32
      %scan3A_772 = arith.addi %scan3A_770, %scan3A_771 : i32
      %scan3A_773 = arith.constant 8 : i32
      scf.for %scan3A_1684 = %scan3A_770 to %scan3A_772 step %scan3A_773  : i32 {
        %mul3A_1685 = arith.constant 1 : i32
        %mul3A_1686 = arith.muli %scan3A_1684, %mul3A_1685 : i32
        %add3A_1687 = arith.constant 0 : i32
        %add3A_1688 = arith.addi %add3A_1687, %mul3A_1686 : i32
        %add3A_1689 = arith.constant 192 : i32
        %add3A_1690 = arith.addi %add3A_1689, %add3A_1688 : i32
        %dma_start3A_1691 = arith.constant 0 : i32
        %dma_start3A_1692 = arith.constant 0 : i32
        %dma_start3A_1693 = arith.constant 0 : i32
        %dma_start3A_1694 = tpu.memref_slice %arg6[%dma_start3A_1692, %add3A_1688, %dma_start3A_1693] : memref<2x48x128xf32, #tpu.memory_space<vmem>> -> memref<1x1x128xf32, #tpu.memory_space<vmem>>
        %dma_start3A_1695 = tpu.memref_squeeze %dma_start3A_1694 : memref<1x1x128xf32, #tpu.memory_space<vmem>> -> memref<128xf32, #tpu.memory_space<vmem>>
        %dma_start3A_1696 = arith.constant 0 : i32
        %dma_start3A_1697 = tpu.memref_slice %arg5[%add3A_1690, %dma_start3A_1696] : memref<400x128xi32, #tpu.memory_space<vmem>> -> memref<1x128xi32, #tpu.memory_space<vmem>>
        %dma_start3A_1698 = tpu.memref_squeeze %dma_start3A_1697 : memref<1x128xi32, #tpu.memory_space<vmem>> -> memref<128xi32, #tpu.memory_space<vmem>>
        %dma_start3A_1699 = arith.constant 0 : i32
        %dma_start3A_1700 = tpu.memref_slice %arg8[%dma_start3A_1691, %dma_start3A_1699] : memref<1x1000000xf32, #tpu.memory_space<vmem_shared>> -> memref<1x1000000xf32, #tpu.memory_space<vmem_shared>>
        %dma_start3A_1701 = tpu.memref_squeeze %dma_start3A_1700 : memref<1x1000000xf32, #tpu.memory_space<vmem_shared>> -> memref<1000000xf32, #tpu.memory_space<vmem_shared>>
        %dma_start3A_1702 = arith.constant 0 : i32
        %dma_start3A_1703 = tpu.memref_slice %dma_start3A_1701[%dma_start3A_1702] : memref<1000000xf32, #tpu.memory_space<vmem_shared>> -> memref<1000000xf32, #tpu.memory_space<vmem_shared>>
        tpu.enqueue_indirect_dma source(%dma_start3A_1703 : memref<1000000xf32, #tpu.memory_space<vmem_shared>>) target(%dma_start3A_1695 : memref<128xf32, #tpu.memory_space<vmem>>) offsets(%dma_start3A_1698 : memref<128xi32, #tpu.memory_space<vmem>>) semaphore(%arg10 : memref<!tpu.dma_semaphore, #tpu.memory_space<semaphore_mem>>)
        %scan3A_1704 = arith.constant 1 : i32
        %scan3A_1705 = arith.addi %scan3A_1684, %scan3A_1704 : i32
        %mul3A_1706 = arith.constant 1 : i32
        %mul3A_1707 = arith.muli %scan3A_1705, %mul3A_1706 : i32
        %add3A_1708 = arith.constant 0 : i32
        %add3A_1709 = arith.addi %add3A_1708, %mul3A_1707 : i32
        %add3A_1710 = arith.constant 192 : i32
        %add3A_1711 = arith.addi %add3A_1710, %add3A_1709 : i32
        %dma_start3A_1712 = arith.constant 0 : i32
        %dma_start3A_1713 = arith.constant 0 : i32
        %dma_start3A_1714 = arith.constant 0 : i32
        %dma_start3A_1715 = tpu.memref_slice %arg6[%dma_start3A_1713, %add3A_1709, %dma_start3A_1714] : memref<2x48x128xf32, #tpu.memory_space<vmem>> -> memref<1x1x128xf32, #tpu.memory_space<vmem>>
        %dma_start3A_1716 = tpu.memref_squeeze %dma_start3A_1715 : memref<1x1x128xf32, #tpu.memory_space<vmem>> -> memref<128xf32, #tpu.memory_space<vmem>>
        %dma_start3A_1717 = arith.constant 0 : i32
        %dma_start3A_1718 = tpu.memref_slice %arg5[%add3A_1711, %dma_start3A_1717] : memref<400x128xi32, #tpu.memory_space<vmem>> -> memref<1x128xi32, #tpu.memory_space<vmem>>
        %dma_start3A_1719 = tpu.memref_squeeze %dma_start3A_1718 : memref<1x128xi32, #tpu.memory_space<vmem>> -> memref<128xi32, #tpu.memory_space<vmem>>
        %dma_start3A_1720 = arith.constant 0 : i32
        %dma_start3A_1721 = tpu.memref_slice %arg8[%dma_start3A_1712, %dma_start3A_1720] : memref<1x1000000xf32, #tpu.memory_space<vmem_shared>> -> memref<1x1000000xf32, #tpu.memory_space<vmem_shared>>
        %dma_start3A_1722 = tpu.memref_squeeze %dma_start3A_1721 : memref<1x1000000xf32, #tpu.memory_space<vmem_shared>> -> memref<1000000xf32, #tpu.memory_space<vmem_shared>>
        %dma_start3A_1723 = arith.constant 0 : i32
        %dma_start3A_1724 = tpu.memref_slice %dma_start3A_1722[%dma_start3A_1723] : memref<1000000xf32, #tpu.memory_space<vmem_shared>> -> memref<1000000xf32, #tpu.memory_space<vmem_shared>>
        tpu.enqueue_indirect_dma source(%dma_start3A_1724 : memref<1000000xf32, #tpu.memory_space<vmem_shared>>) target(%dma_start3A_1716 : memref<128xf32, #tpu.memory_space<vmem>>) offsets(%dma_start3A_1719 : memref<128xi32, #tpu.memory_space<vmem>>) semaphore(%arg10 : memref<!tpu.dma_semaphore, #tpu.memory_space<semaphore_mem>>)
        %scan3A_1725 = arith.constant 2 : i32
        %scan3A_1726 = arith.addi %scan3A_1684, %scan3A_1725 : i32
        %mul3A_1727 = arith.constant 1 : i32
        %mul3A_1728 = arith.muli %scan3A_1726, %mul3A_1727 : i32
        %add3A_1729 = arith.constant 0 : i32
        %add3A_1730 = arith.addi %add3A_1729, %mul3A_1728 : i32
        %add3A_1731 = arith.constant 192 : i32
        %add3A_1732 = arith.addi %add3A_1731, %add3A_1730 : i32
        %dma_start3A_1733 = arith.constant 0 : i32
        %dma_start3A_1734 = arith.constant 0 : i32
        %dma_start3A_1735 = arith.constant 0 : i32
        %dma_start3A_1736 = tpu.memref_slice %arg6[%dma_start3A_1734, %add3A_1730, %dma_start3A_1735] : memref<2x48x128xf32, #tpu.memory_space<vmem>> -> memref<1x1x128xf32, #tpu.memory_space<vmem>>
        %dma_start3A_1737 = tpu.memref_squeeze %dma_start3A_1736 : memref<1x1x128xf32, #tpu.memory_space<vmem>> -> memref<128xf32, #tpu.memory_space<vmem>>
        %dma_start3A_1738 = arith.constant 0 : i32
        %dma_start3A_1739 = tpu.memref_slice %arg5[%add3A_1732, %dma_start3A_1738] : memref<400x128xi32, #tpu.memory_space<vmem>> -> memref<1x128xi32, #tpu.memory_space<vmem>>
        %dma_start3A_1740 = tpu.memref_squeeze %dma_start3A_1739 : memref<1x128xi32, #tpu.memory_space<vmem>> -> memref<128xi32, #tpu.memory_space<vmem>>
        %dma_start3A_1741 = arith.constant 0 : i32
        %dma_start3A_1742 = tpu.memref_slice %arg8[%dma_start3A_1733, %dma_start3A_1741] : memref<1x1000000xf32, #tpu.memory_space<vmem_shared>> -> memref<1x1000000xf32, #tpu.memory_space<vmem_shared>>
        %dma_start3A_1743 = tpu.memref_squeeze %dma_start3A_1742 : memref<1x1000000xf32, #tpu.memory_space<vmem_shared>> -> memref<1000000xf32, #tpu.memory_space<vmem_shared>>
        %dma_start3A_1744 = arith.constant 0 : i32
        %dma_start3A_1745 = tpu.memref_slice %dma_start3A_1743[%dma_start3A_1744] : memref<1000000xf32, #tpu.memory_space<vmem_shared>> -> memref<1000000xf32, #tpu.memory_space<vmem_shared>>
        tpu.enqueue_indirect_dma source(%dma_start3A_1745 : memref<1000000xf32, #tpu.memory_space<vmem_shared>>) target(%dma_start3A_1737 : memref<128xf32, #tpu.memory_space<vmem>>) offsets(%dma_start3A_1740 : memref<128xi32, #tpu.memory_space<vmem>>) semaphore(%arg10 : memref<!tpu.dma_semaphore, #tpu.memory_space<semaphore_mem>>)
        %scan3A_1746 = arith.constant 3 : i32
        %scan3A_1747 = arith.addi %scan3A_1684, %scan3A_1746 : i32
        %mul3A_1748 = arith.constant 1 : i32
        %mul3A_1749 = arith.muli %scan3A_1747, %mul3A_1748 : i32
        %add3A_1750 = arith.constant 0 : i32
        %add3A_1751 = arith.addi %add3A_1750, %mul3A_1749 : i32
        %add3A_1752 = arith.constant 192 : i32
        %add3A_1753 = arith.addi %add3A_1752, %add3A_1751 : i32
        %dma_start3A_1754 = arith.constant 0 : i32
        %dma_start3A_1755 = arith.constant 0 : i32
        %dma_start3A_1756 = arith.constant 0 : i32
        %dma_start3A_1757 = tpu.memref_slice %arg6[%dma_start3A_1755, %add3A_1751, %dma_start3A_1756] : memref<2x48x128xf32, #tpu.memory_space<vmem>> -> memref<1x1x128xf32, #tpu.memory_space<vmem>>
        %dma_start3A_1758 = tpu.memref_squeeze %dma_start3A_1757 : memref<1x1x128xf32, #tpu.memory_space<vmem>> -> memref<128xf32, #tpu.memory_space<vmem>>
        %dma_start3A_1759 = arith.constant 0 : i32
        %dma_start3A_1760 = tpu.memref_slice %arg5[%add3A_1753, %dma_start3A_1759] : memref<400x128xi32, #tpu.memory_space<vmem>> -> memref<1x128xi32, #tpu.memory_space<vmem>>
        %dma_start3A_1761 = tpu.memref_squeeze %dma_start3A_1760 : memref<1x128xi32, #tpu.memory_space<vmem>> -> memref<128xi32, #tpu.memory_space<vmem>>
        %dma_start3A_1762 = arith.constant 0 : i32
        %dma_start3A_1763 = tpu.memref_slice %arg8[%dma_start3A_1754, %dma_start3A_1762] : memref<1x1000000xf32, #tpu.memory_space<vmem_shared>> -> memref<1x1000000xf32, #tpu.memory_space<vmem_shared>>
        %dma_start3A_1764 = tpu.memref_squeeze %dma_start3A_1763 : memref<1x1000000xf32, #tpu.memory_space<vmem_shared>> -> memref<1000000xf32, #tpu.memory_space<vmem_shared>>
        %dma_start3A_1765 = arith.constant 0 : i32
        %dma_start3A_1766 = tpu.memref_slice %dma_start3A_1764[%dma_start3A_1765] : memref<1000000xf32, #tpu.memory_space<vmem_shared>> -> memref<1000000xf32, #tpu.memory_space<vmem_shared>>
        tpu.enqueue_indirect_dma source(%dma_start3A_1766 : memref<1000000xf32, #tpu.memory_space<vmem_shared>>) target(%dma_start3A_1758 : memref<128xf32, #tpu.memory_space<vmem>>) offsets(%dma_start3A_1761 : memref<128xi32, #tpu.memory_space<vmem>>) semaphore(%arg10 : memref<!tpu.dma_semaphore, #tpu.memory_space<semaphore_mem>>)
        %scan3A_1767 = arith.constant 4 : i32
        %scan3A_1768 = arith.addi %scan3A_1684, %scan3A_1767 : i32
        %mul3A_1769 = arith.constant 1 : i32
        %mul3A_1770 = arith.muli %scan3A_1768, %mul3A_1769 : i32
        %add3A_1771 = arith.constant 0 : i32
        %add3A_1772 = arith.addi %add3A_1771, %mul3A_1770 : i32
        %add3A_1773 = arith.constant 192 : i32
        %add3A_1774 = arith.addi %add3A_1773, %add3A_1772 : i32
        %dma_start3A_1775 = arith.constant 0 : i32
        %dma_start3A_1776 = arith.constant 0 : i32
        %dma_start3A_1777 = arith.constant 0 : i32
        %dma_start3A_1778 = tpu.memref_slice %arg6[%dma_start3A_1776, %add3A_1772, %dma_start3A_1777] : memref<2x48x128xf32, #tpu.memory_space<vmem>> -> memref<1x1x128xf32, #tpu.memory_space<vmem>>
        %dma_start3A_1779 = tpu.memref_squeeze %dma_start3A_1778 : memref<1x1x128xf32, #tpu.memory_space<vmem>> -> memref<128xf32, #tpu.memory_space<vmem>>
        %dma_start3A_1780 = arith.constant 0 : i32
        %dma_start3A_1781 = tpu.memref_slice %arg5[%add3A_1774, %dma_start3A_1780] : memref<400x128xi32, #tpu.memory_space<vmem>> -> memref<1x128xi32, #tpu.memory_space<vmem>>
        %dma_start3A_1782 = tpu.memref_squeeze %dma_start3A_1781 : memref<1x128xi32, #tpu.memory_space<vmem>> -> memref<128xi32, #tpu.memory_space<vmem>>
        %dma_start3A_1783 = arith.constant 0 : i32
        %dma_start3A_1784 = tpu.memref_slice %arg8[%dma_start3A_1775, %dma_start3A_1783] : memref<1x1000000xf32, #tpu.memory_space<vmem_shared>> -> memref<1x1000000xf32, #tpu.memory_space<vmem_shared>>
        %dma_start3A_1785 = tpu.memref_squeeze %dma_start3A_1784 : memref<1x1000000xf32, #tpu.memory_space<vmem_shared>> -> memref<1000000xf32, #tpu.memory_space<vmem_shared>>
        %dma_start3A_1786 = arith.constant 0 : i32
        %dma_start3A_1787 = tpu.memref_slice %dma_start3A_1785[%dma_start3A_1786] : memref<1000000xf32, #tpu.memory_space<vmem_shared>> -> memref<1000000xf32, #tpu.memory_space<vmem_shared>>
        tpu.enqueue_indirect_dma source(%dma_start3A_1787 : memref<1000000xf32, #tpu.memory_space<vmem_shared>>) target(%dma_start3A_1779 : memref<128xf32, #tpu.memory_space<vmem>>) offsets(%dma_start3A_1782 : memref<128xi32, #tpu.memory_space<vmem>>) semaphore(%arg10 : memref<!tpu.dma_semaphore, #tpu.memory_space<semaphore_mem>>)
        %scan3A_1788 = arith.constant 5 : i32
        %scan3A_1789 = arith.addi %scan3A_1684, %scan3A_1788 : i32
        %mul3A_1790 = arith.constant 1 : i32
        %mul3A_1791 = arith.muli %scan3A_1789, %mul3A_1790 : i32
        %add3A_1792 = arith.constant 0 : i32
        %add3A_1793 = arith.addi %add3A_1792, %mul3A_1791 : i32
        %add3A_1794 = arith.constant 192 : i32
        %add3A_1795 = arith.addi %add3A_1794, %add3A_1793 : i32
        %dma_start3A_1796 = arith.constant 0 : i32
        %dma_start3A_1797 = arith.constant 0 : i32
        %dma_start3A_1798 = arith.constant 0 : i32
        %dma_start3A_1799 = tpu.memref_slice %arg6[%dma_start3A_1797, %add3A_1793, %dma_start3A_1798] : memref<2x48x128xf32, #tpu.memory_space<vmem>> -> memref<1x1x128xf32, #tpu.memory_space<vmem>>
        %dma_start3A_1800 = tpu.memref_squeeze %dma_start3A_1799 : memref<1x1x128xf32, #tpu.memory_space<vmem>> -> memref<128xf32, #tpu.memory_space<vmem>>
        %dma_start3A_1801 = arith.constant 0 : i32
        %dma_start3A_1802 = tpu.memref_slice %arg5[%add3A_1795, %dma_start3A_1801] : memref<400x128xi32, #tpu.memory_space<vmem>> -> memref<1x128xi32, #tpu.memory_space<vmem>>
        %dma_start3A_1803 = tpu.memref_squeeze %dma_start3A_1802 : memref<1x128xi32, #tpu.memory_space<vmem>> -> memref<128xi32, #tpu.memory_space<vmem>>
        %dma_start3A_1804 = arith.constant 0 : i32
        %dma_start3A_1805 = tpu.memref_slice %arg8[%dma_start3A_1796, %dma_start3A_1804] : memref<1x1000000xf32, #tpu.memory_space<vmem_shared>> -> memref<1x1000000xf32, #tpu.memory_space<vmem_shared>>
        %dma_start3A_1806 = tpu.memref_squeeze %dma_start3A_1805 : memref<1x1000000xf32, #tpu.memory_space<vmem_shared>> -> memref<1000000xf32, #tpu.memory_space<vmem_shared>>
        %dma_start3A_1807 = arith.constant 0 : i32
        %dma_start3A_1808 = tpu.memref_slice %dma_start3A_1806[%dma_start3A_1807] : memref<1000000xf32, #tpu.memory_space<vmem_shared>> -> memref<1000000xf32, #tpu.memory_space<vmem_shared>>
        tpu.enqueue_indirect_dma source(%dma_start3A_1808 : memref<1000000xf32, #tpu.memory_space<vmem_shared>>) target(%dma_start3A_1800 : memref<128xf32, #tpu.memory_space<vmem>>) offsets(%dma_start3A_1803 : memref<128xi32, #tpu.memory_space<vmem>>) semaphore(%arg10 : memref<!tpu.dma_semaphore, #tpu.memory_space<semaphore_mem>>)
        %scan3A_1809 = arith.constant 6 : i32
        %scan3A_1810 = arith.addi %scan3A_1684, %scan3A_1809 : i32
        %mul3A_1811 = arith.constant 1 : i32
        %mul3A_1812 = arith.muli %scan3A_1810, %mul3A_1811 : i32
        %add3A_1813 = arith.constant 0 : i32
        %add3A_1814 = arith.addi %add3A_1813, %mul3A_1812 : i32
        %add3A_1815 = arith.constant 192 : i32
        %add3A_1816 = arith.addi %add3A_1815, %add3A_1814 : i32
        %dma_start3A_1817 = arith.constant 0 : i32
        %dma_start3A_1818 = arith.constant 0 : i32
        %dma_start3A_1819 = arith.constant 0 : i32
        %dma_start3A_1820 = tpu.memref_slice %arg6[%dma_start3A_1818, %add3A_1814, %dma_start3A_1819] : memref<2x48x128xf32, #tpu.memory_space<vmem>> -> memref<1x1x128xf32, #tpu.memory_space<vmem>>
        %dma_start3A_1821 = tpu.memref_squeeze %dma_start3A_1820 : memref<1x1x128xf32, #tpu.memory_space<vmem>> -> memref<128xf32, #tpu.memory_space<vmem>>
        %dma_start3A_1822 = arith.constant 0 : i32
        %dma_start3A_1823 = tpu.memref_slice %arg5[%add3A_1816, %dma_start3A_1822] : memref<400x128xi32, #tpu.memory_space<vmem>> -> memref<1x128xi32, #tpu.memory_space<vmem>>
        %dma_start3A_1824 = tpu.memref_squeeze %dma_start3A_1823 : memref<1x128xi32, #tpu.memory_space<vmem>> -> memref<128xi32, #tpu.memory_space<vmem>>
        %dma_start3A_1825 = arith.constant 0 : i32
        %dma_start3A_1826 = tpu.memref_slice %arg8[%dma_start3A_1817, %dma_start3A_1825] : memref<1x1000000xf32, #tpu.memory_space<vmem_shared>> -> memref<1x1000000xf32, #tpu.memory_space<vmem_shared>>
        %dma_start3A_1827 = tpu.memref_squeeze %dma_start3A_1826 : memref<1x1000000xf32, #tpu.memory_space<vmem_shared>> -> memref<1000000xf32, #tpu.memory_space<vmem_shared>>
        %dma_start3A_1828 = arith.constant 0 : i32
        %dma_start3A_1829 = tpu.memref_slice %dma_start3A_1827[%dma_start3A_1828] : memref<1000000xf32, #tpu.memory_space<vmem_shared>> -> memref<1000000xf32, #tpu.memory_space<vmem_shared>>
        tpu.enqueue_indirect_dma source(%dma_start3A_1829 : memref<1000000xf32, #tpu.memory_space<vmem_shared>>) target(%dma_start3A_1821 : memref<128xf32, #tpu.memory_space<vmem>>) offsets(%dma_start3A_1824 : memref<128xi32, #tpu.memory_space<vmem>>) semaphore(%arg10 : memref<!tpu.dma_semaphore, #tpu.memory_space<semaphore_mem>>)
        %scan3A_1830 = arith.constant 7 : i32
        %scan3A_1831 = arith.addi %scan3A_1684, %scan3A_1830 : i32
        %mul3A_1832 = arith.constant 1 : i32
        %mul3A_1833 = arith.muli %scan3A_1831, %mul3A_1832 : i32
        %add3A_1834 = arith.constant 0 : i32
        %add3A_1835 = arith.addi %add3A_1834, %mul3A_1833 : i32
        %add3A_1836 = arith.constant 192 : i32
        %add3A_1837 = arith.addi %add3A_1836, %add3A_1835 : i32
        %dma_start3A_1838 = arith.constant 0 : i32
        %dma_start3A_1839 = arith.constant 0 : i32
        %dma_start3A_1840 = arith.constant 0 : i32
        %dma_start3A_1841 = tpu.memref_slice %arg6[%dma_start3A_1839, %add3A_1835, %dma_start3A_1840] : memref<2x48x128xf32, #tpu.memory_space<vmem>> -> memref<1x1x128xf32, #tpu.memory_space<vmem>>
        %dma_start3A_1842 = tpu.memref_squeeze %dma_start3A_1841 : memref<1x1x128xf32, #tpu.memory_space<vmem>> -> memref<128xf32, #tpu.memory_space<vmem>>
        %dma_start3A_1843 = arith.constant 0 : i32
        %dma_start3A_1844 = tpu.memref_slice %arg5[%add3A_1837, %dma_start3A_1843] : memref<400x128xi32, #tpu.memory_space<vmem>> -> memref<1x128xi32, #tpu.memory_space<vmem>>
        %dma_start3A_1845 = tpu.memref_squeeze %dma_start3A_1844 : memref<1x128xi32, #tpu.memory_space<vmem>> -> memref<128xi32, #tpu.memory_space<vmem>>
        %dma_start3A_1846 = arith.constant 0 : i32
        %dma_start3A_1847 = tpu.memref_slice %arg8[%dma_start3A_1838, %dma_start3A_1846] : memref<1x1000000xf32, #tpu.memory_space<vmem_shared>> -> memref<1x1000000xf32, #tpu.memory_space<vmem_shared>>
        %dma_start3A_1848 = tpu.memref_squeeze %dma_start3A_1847 : memref<1x1000000xf32, #tpu.memory_space<vmem_shared>> -> memref<1000000xf32, #tpu.memory_space<vmem_shared>>
        %dma_start3A_1849 = arith.constant 0 : i32
        %dma_start3A_1850 = tpu.memref_slice %dma_start3A_1848[%dma_start3A_1849] : memref<1000000xf32, #tpu.memory_space<vmem_shared>> -> memref<1000000xf32, #tpu.memory_space<vmem_shared>>
        tpu.enqueue_indirect_dma source(%dma_start3A_1850 : memref<1000000xf32, #tpu.memory_space<vmem_shared>>) target(%dma_start3A_1842 : memref<128xf32, #tpu.memory_space<vmem>>) offsets(%dma_start3A_1845 : memref<128xi32, #tpu.memory_space<vmem>>) semaphore(%arg10 : memref<!tpu.dma_semaphore, #tpu.memory_space<semaphore_mem>>)
      }
      %scan3A_774 = arith.constant 48 : i32
      %dma_wait3A_775 = arith.constant 0 : i32
      %dma_wait3A_776 = arith.constant 0 : i32
      %dma_wait3A_777 = arith.constant 0 : i32
      %dma_wait3A_778 = tpu.memref_slice %arg6[%dma_wait3A_775, %dma_wait3A_776, %dma_wait3A_777] : memref<2x48x128xf32, #tpu.memory_space<vmem>> -> memref<1x48x128xf32, #tpu.memory_space<vmem>>
      %dma_wait3A_779 = tpu.memref_squeeze %dma_wait3A_778 : memref<1x48x128xf32, #tpu.memory_space<vmem>> -> memref<48x128xf32, #tpu.memory_space<vmem>>
      %dma_wait3A_780 = arith.constant 0 : i32
      %dma_wait3A_781 = arith.constant 0 : i32
      %dma_wait3A_782 = tpu.memref_slice %arg3[%dma_wait3A_780, %dma_wait3A_781] : memref<64x1000000xf32, #tpu.memory_space<hbm>> -> memref<48x128xf32, #tpu.memory_space<hbm>>
      %dma_wait3A_783 = arith.constant 0 : i32
      %dma_wait3A_784 = arith.constant 0 : i32
      %dma_wait3A_785 = tpu.memref_slice %arg6[%dma_wait3A_775, %dma_wait3A_783, %dma_wait3A_784] : memref<2x48x128xf32, #tpu.memory_space<vmem>> -> memref<1x48x128xf32, #tpu.memory_space<vmem>>
      %dma_wait3A_786 = tpu.memref_squeeze %dma_wait3A_785 : memref<1x48x128xf32, #tpu.memory_space<vmem>> -> memref<48x128xf32, #tpu.memory_space<vmem>>
      %dma_wait3A_787 = arith.constant 0 : i32
      %dma_wait3A_788 = arith.constant 0 : i32
      %dma_wait3A_789 = tpu.memref_slice %arg3[%dma_wait3A_787, %dma_wait3A_788] : memref<64x1000000xf32, #tpu.memory_space<hbm>> -> memref<48x128xf32, #tpu.memory_space<hbm>>
      tpu.wait_dma2 semaphore(%arg10 : memref<!tpu.dma_semaphore, #tpu.memory_space<semaphore_mem>>) src(%dma_wait3A_789 : memref<48x128xf32, #tpu.memory_space<hbm>>) dst(%dma_wait3A_786 : memref<48x128xf32, #tpu.memory_space<vmem>>)
      %jit3A_790 = arith.constant 8 : i32
      %div3A_791 = arith.divsi %add3A_38, %jit3A_790 : i32
      %sign3A_792 = arith.constant 0 : i32
      %sign3A_793 = arith.cmpi sgt, %add3A_38, %sign3A_792 : i32
      %sign3A_794 = arith.extui %sign3A_793 : i1 to i32
      %sign3A_795 = arith.constant 0 : i32
      %sign3A_796 = arith.cmpi slt, %add3A_38, %sign3A_795 : i32
      %sign3A_797 = arith.extui %sign3A_796 : i1 to i32
      %sign3A_798 = arith.subi %sign3A_794, %sign3A_797 : i32
      %sign3A_799 = arith.constant 0 : i32
      %sign3A_800 = arith.cmpi sgt, %jit3A_790, %sign3A_799 : i32
      %sign3A_801 = arith.extui %sign3A_800 : i1 to i32
      %sign3A_802 = arith.constant 0 : i32
      %sign3A_803 = arith.cmpi slt, %jit3A_790, %sign3A_802 : i32
      %sign3A_804 = arith.extui %sign3A_803 : i1 to i32
      %sign3A_805 = arith.subi %sign3A_801, %sign3A_804 : i32
      %ne3A_806 = arith.cmpi ne, %sign3A_798, %sign3A_805 : i32
      %rem3A_807 = arith.remsi %add3A_38, %jit3A_790 : i32
      %ne3A_808 = arith.constant 0 : i32
      %ne3A_809 = arith.cmpi ne, %rem3A_807, %ne3A_808 : i32
      %and3A_810 = arith.andi %ne3A_806, %ne3A_809 : i1
      %sub3A_811 = arith.constant 1 : i32
      %sub3A_812 = arith.subi %div3A_791, %sub3A_811 : i32
      %select_n3A_813 = arith.select %and3A_810, %sub3A_812, %div3A_791 : i32
      %mul3A_814 = arith.constant 256 : i32
      %mul3A_815 = arith.muli %select_n3A_813, %mul3A_814 : i32
      %jit3A_816 = arith.constant 8 : i32
      %eq3A_817 = arith.constant 0 : i32
      %eq3A_818 = arith.cmpi eq, %jit3A_816, %eq3A_817 : i32
      %jit3A_819 = arith.constant 1 : i32
      %select_n3A_820 = arith.select %eq3A_818, %jit3A_819, %jit3A_816 : i32
      %rem3A_821 = arith.remsi %add3A_38, %select_n3A_820 : i32
      %ne3A_822 = arith.constant 0 : i32
      %ne3A_823 = arith.cmpi ne, %rem3A_821, %ne3A_822 : i32
      %lt3A_824 = arith.constant 0 : i32
      %lt3A_825 = arith.cmpi slt, %rem3A_821, %lt3A_824 : i32
      %lt3A_826 = arith.constant 0 : i32
      %lt3A_827 = arith.cmpi slt, %select_n3A_820, %lt3A_826 : i32
      %ne3A_828 = arith.xori %lt3A_825, %lt3A_827 : i1
      %and3A_829 = arith.andi %ne3A_828, %ne3A_823 : i1
      %add3A_830 = arith.addi %rem3A_821, %select_n3A_820 : i32
      %select_n3A_831 = arith.select %and3A_829, %add3A_830, %rem3A_821 : i32
      %add3A_832 = arith.addi %mul3A_815, %select_n3A_831 : i32
      %mul3A_833 = arith.constant 2 : i32
      %mul3A_834 = arith.muli %mul3A_833, %arg1 : i32
      %mul3A_835 = arith.constant 8 : i32
      %mul3A_836 = arith.muli %mul3A_834, %mul3A_835 : i32
      %add3A_837 = arith.addi %add3A_832, %mul3A_836 : i32
      %iota3A_838 = tpu.iota {dimensions = array<i32: 0>} : vector<16xi32>
      %add3A_839 = arith.constant 192 : i32
      %add3A_840 = vector.broadcast %add3A_839 : i32 to vector<16xi32>
      %add3A_841 = arith.addi %iota3A_838, %add3A_840 : vector<16xi32>
      %ge3A_842 = arith.constant 200 : i32
      %ge3A_843 = vector.broadcast %ge3A_842 : i32 to vector<16xi32>
      %ge3A_844 = arith.cmpi sge, %add3A_841, %ge3A_843 : vector<16xi32>
      %jit3A_845 = arith.constant 1 : i32
      %jit3A_846 = arith.constant 0 : i32
      %broadcast_in_dim3A_847 = vector.broadcast %jit3A_845 : i32 to vector<16xi32>
      %broadcast_in_dim3A_848 = vector.broadcast %jit3A_846 : i32 to vector<16xi32>
      %select_n3A_849 = arith.select %ge3A_844, %broadcast_in_dim3A_847, %broadcast_in_dim3A_848 : vector<16xi1>, vector<16xi32>
      %mul3A_850 = arith.constant 200 : i32
      %mul3A_851 = vector.broadcast %mul3A_850 : i32 to vector<16xi32>
      %mul3A_852 = arith.muli %select_n3A_849, %mul3A_851 : vector<16xi32>
      %sub3A_853 = arith.subi %add3A_841, %mul3A_852 : vector<16xi32>
      %mul3A_854 = arith.constant 2048 : i32
      %mul3A_855 = vector.broadcast %mul3A_854 : i32 to vector<16xi32>
      %mul3A_856 = arith.muli %sub3A_853, %mul3A_855 : vector<16xi32>
      %add3A_857 = vector.broadcast %add3A_837 : i32 to vector<16xi32>
      %add3A_858 = arith.addi %mul3A_856, %add3A_857 : vector<16xi32>
      %mul3A_859 = arith.constant 8 : i32
      %mul3A_860 = vector.broadcast %mul3A_859 : i32 to vector<16xi32>
      %mul3A_861 = arith.muli %select_n3A_849, %mul3A_860 : vector<16xi32>
      %add3A_862 = arith.addi %add3A_858, %mul3A_861 : vector<16xi32>
      %swap3A_863 = arith.constant 4 : i32
      %swap3A_864 = arith.index_cast %swap3A_863 : i32 to index
      %swap3A_865 = arith.constant 0 : index
      %swap3A_866 = tpu.vector_load %arg7[%swap3A_864, %swap3A_865] {strides = array<i32>} : memref<9x48xi32, #tpu.memory_space<vmem>>, vector<1x16xi32>,
      %swap3A_867 = vector.shape_cast %swap3A_866 : vector<1x16xi32> to vector<16xi32>
      %swap3A_868 = vector.shape_cast %add3A_862 : vector<16xi32> to vector<1x16xi32>
      tpu.vector_store %arg7[%swap3A_864, %swap3A_865], %swap3A_868 {strides = array<i32>} : memref<9x48xi32, #tpu.memory_space<vmem>>, vector<1x16xi32>,
      %iota3A_869 = tpu.iota {dimensions = array<i32: 0>} : vector<16xi32>
      %add3A_870 = arith.constant 208 : i32
      %add3A_871 = vector.broadcast %add3A_870 : i32 to vector<16xi32>
      %add3A_872 = arith.addi %iota3A_869, %add3A_871 : vector<16xi32>
      %ge3A_873 = arith.constant 200 : i32
      %ge3A_874 = vector.broadcast %ge3A_873 : i32 to vector<16xi32>
      %ge3A_875 = arith.cmpi sge, %add3A_872, %ge3A_874 : vector<16xi32>
      %jit3A_876 = arith.constant 1 : i32
      %jit3A_877 = arith.constant 0 : i32
      %broadcast_in_dim3A_878 = vector.broadcast %jit3A_876 : i32 to vector<16xi32>
      %broadcast_in_dim3A_879 = vector.broadcast %jit3A_877 : i32 to vector<16xi32>
      %select_n3A_880 = arith.select %ge3A_875, %broadcast_in_dim3A_878, %broadcast_in_dim3A_879 : vector<16xi1>, vector<16xi32>
      %mul3A_881 = arith.constant 200 : i32
      %mul3A_882 = vector.broadcast %mul3A_881 : i32 to vector<16xi32>
      %mul3A_883 = arith.muli %select_n3A_880, %mul3A_882 : vector<16xi32>
      %sub3A_884 = arith.subi %add3A_872, %mul3A_883 : vector<16xi32>
      %mul3A_885 = arith.constant 2048 : i32
      %mul3A_886 = vector.broadcast %mul3A_885 : i32 to vector<16xi32>
      %mul3A_887 = arith.muli %sub3A_884, %mul3A_886 : vector<16xi32>
      %add3A_888 = vector.broadcast %add3A_837 : i32 to vector<16xi32>
      %add3A_889 = arith.addi %mul3A_887, %add3A_888 : vector<16xi32>
      %mul3A_890 = arith.constant 8 : i32
      %mul3A_891 = vector.broadcast %mul3A_890 : i32 to vector<16xi32>
      %mul3A_892 = arith.muli %select_n3A_880, %mul3A_891 : vector<16xi32>
      %add3A_893 = arith.addi %add3A_889, %mul3A_892 : vector<16xi32>
      %swap3A_894 = arith.constant 4 : i32
      %swap3A_895 = arith.index_cast %swap3A_894 : i32 to index
      %swap3A_896 = arith.constant 16 : index
      %swap3A_897 = tpu.vector_load %arg7[%swap3A_895, %swap3A_896] {strides = array<i32>} : memref<9x48xi32, #tpu.memory_space<vmem>>, vector<1x16xi32>,
      %swap3A_898 = vector.shape_cast %swap3A_897 : vector<1x16xi32> to vector<16xi32>
      %swap3A_899 = vector.shape_cast %add3A_893 : vector<16xi32> to vector<1x16xi32>
      tpu.vector_store %arg7[%swap3A_895, %swap3A_896], %swap3A_899 {strides = array<i32>} : memref<9x48xi32, #tpu.memory_space<vmem>>, vector<1x16xi32>,
      %iota3A_900 = tpu.iota {dimensions = array<i32: 0>} : vector<16xi32>
      %add3A_901 = arith.constant 224 : i32
      %add3A_902 = vector.broadcast %add3A_901 : i32 to vector<16xi32>
      %add3A_903 = arith.addi %iota3A_900, %add3A_902 : vector<16xi32>
      %ge3A_904 = arith.constant 200 : i32
      %ge3A_905 = vector.broadcast %ge3A_904 : i32 to vector<16xi32>
      %ge3A_906 = arith.cmpi sge, %add3A_903, %ge3A_905 : vector<16xi32>
      %jit3A_907 = arith.constant 1 : i32
      %jit3A_908 = arith.constant 0 : i32
      %broadcast_in_dim3A_909 = vector.broadcast %jit3A_907 : i32 to vector<16xi32>
      %broadcast_in_dim3A_910 = vector.broadcast %jit3A_908 : i32 to vector<16xi32>
      %select_n3A_911 = arith.select %ge3A_906, %broadcast_in_dim3A_909, %broadcast_in_dim3A_910 : vector<16xi1>, vector<16xi32>
      %mul3A_912 = arith.constant 200 : i32
      %mul3A_913 = vector.broadcast %mul3A_912 : i32 to vector<16xi32>
      %mul3A_914 = arith.muli %select_n3A_911, %mul3A_913 : vector<16xi32>
      %sub3A_915 = arith.subi %add3A_903, %mul3A_914 : vector<16xi32>
      %mul3A_916 = arith.constant 2048 : i32
      %mul3A_917 = vector.broadcast %mul3A_916 : i32 to vector<16xi32>
      %mul3A_918 = arith.muli %sub3A_915, %mul3A_917 : vector<16xi32>
      %add3A_919 = vector.broadcast %add3A_837 : i32 to vector<16xi32>
      %add3A_920 = arith.addi %mul3A_918, %add3A_919 : vector<16xi32>
      %mul3A_921 = arith.constant 8 : i32
      %mul3A_922 = vector.broadcast %mul3A_921 : i32 to vector<16xi32>
      %mul3A_923 = arith.muli %select_n3A_911, %mul3A_922 : vector<16xi32>
      %add3A_924 = arith.addi %add3A_920, %mul3A_923 : vector<16xi32>
      %swap3A_925 = arith.constant 4 : i32
      %swap3A_926 = arith.index_cast %swap3A_925 : i32 to index
      %swap3A_927 = arith.constant 32 : index
      %swap3A_928 = tpu.vector_load %arg7[%swap3A_926, %swap3A_927] {strides = array<i32>} : memref<9x48xi32, #tpu.memory_space<vmem>>, vector<1x16xi32>,
      %swap3A_929 = vector.shape_cast %swap3A_928 : vector<1x16xi32> to vector<16xi32>
      %swap3A_930 = vector.shape_cast %add3A_924 : vector<16xi32> to vector<1x16xi32>
      tpu.vector_store %arg7[%swap3A_926, %swap3A_927], %swap3A_930 {strides = array<i32>} : memref<9x48xi32, #tpu.memory_space<vmem>>, vector<1x16xi32>,
      %dma_start3A_931 = arith.constant 0 : i32
      %dma_start3A_932 = arith.constant 4 : i32
      %dma_start3A_933 = arith.constant 0 : i32
      %dma_start3A_934 = arith.constant 0 : i32
      %dma_start3A_935 = tpu.memref_slice %arg6[%dma_start3A_931, %dma_start3A_933, %dma_start3A_934] : memref<2x48x128xf32, #tpu.memory_space<vmem>> -> memref<1x48x128xf32, #tpu.memory_space<vmem>>
      %dma_start3A_936 = tpu.memref_squeeze %dma_start3A_935 : memref<1x48x128xf32, #tpu.memory_space<vmem>> -> memref<48x128xf32, #tpu.memory_space<vmem>>
      %dma_start3A_937 = arith.constant 0 : i32
      %dma_start3A_938 = tpu.memref_slice %arg7[%dma_start3A_932, %dma_start3A_937] : memref<9x48xi32, #tpu.memory_space<vmem>> -> memref<1x48xi32, #tpu.memory_space<vmem>>
      %dma_start3A_939 = tpu.memref_squeeze %dma_start3A_938 : memref<1x48xi32, #tpu.memory_space<vmem>> -> memref<48xi32, #tpu.memory_space<vmem>>
      %dma_start3A_940 = arith.constant 0 : i32
      %dma_start3A_941 = arith.constant 0 : i32
      %dma_start3A_942 = tpu.memref_slice %arg4[%dma_start3A_940, %dma_start3A_941] : memref<409600x128xf32, #tpu.memory_space<hbm>> -> memref<409600x128xf32, #tpu.memory_space<hbm>>
      tpu.enqueue_indirect_dma source(%dma_start3A_936 : memref<48x128xf32, #tpu.memory_space<vmem>>) target(%dma_start3A_942 : memref<409600x128xf32, #tpu.memory_space<hbm>>) offsets(%dma_start3A_939 : memref<48xi32, #tpu.memory_space<vmem>>) semaphore(%arg11 : memref<!tpu.dma_semaphore, #tpu.memory_space<semaphore_mem>>)
      %dma_wait3A_943 = arith.constant 1 : i32
      %dma_wait3A_944 = arith.constant 3 : i32
      %dma_wait3A_945 = arith.constant 0 : i32
      %dma_wait3A_946 = arith.constant 0 : i32
      %dma_wait3A_947 = tpu.memref_slice %arg6[%dma_wait3A_943, %dma_wait3A_945, %dma_wait3A_946] : memref<2x48x128xf32, #tpu.memory_space<vmem>> -> memref<1x48x128xf32, #tpu.memory_space<vmem>>
      %dma_wait3A_948 = tpu.memref_squeeze %dma_wait3A_947 : memref<1x48x128xf32, #tpu.memory_space<vmem>> -> memref<48x128xf32, #tpu.memory_space<vmem>>
      %dma_wait3A_949 = arith.constant 0 : i32
      %dma_wait3A_950 = tpu.memref_slice %arg7[%dma_wait3A_944, %dma_wait3A_949] : memref<9x48xi32, #tpu.memory_space<vmem>> -> memref<1x48xi32, #tpu.memory_space<vmem>>
      %dma_wait3A_951 = tpu.memref_squeeze %dma_wait3A_950 : memref<1x48xi32, #tpu.memory_space<vmem>> -> memref<48xi32, #tpu.memory_space<vmem>>
      %dma_wait3A_952 = arith.constant 0 : i32
      %dma_wait3A_953 = arith.constant 0 : i32
      %dma_wait3A_954 = tpu.memref_slice %arg4[%dma_wait3A_952, %dma_wait3A_953] : memref<409600x128xf32, #tpu.memory_space<hbm>> -> memref<409600x128xf32, #tpu.memory_space<hbm>>
      tpu.wait_indirect_dma semaphore(%arg12 : memref<!tpu.dma_semaphore, #tpu.memory_space<semaphore_mem>>) src(%dma_wait3A_948 : memref<48x128xf32, #tpu.memory_space<vmem>>) dst(%dma_wait3A_954 : memref<409600x128xf32, #tpu.memory_space<hbm>>)
      %scan3A_955 = arith.constant 0 : i32
      %scan3A_956 = arith.constant 48 : i32
      %scan3A_957 = arith.addi %scan3A_955, %scan3A_956 : i32
      %scan3A_958 = arith.constant 8 : i32
      scf.for %scan3A_1684 = %scan3A_955 to %scan3A_957 step %scan3A_958  : i32 {
        %mul3A_1685 = arith.constant 1 : i32
        %mul3A_1686 = arith.muli %scan3A_1684, %mul3A_1685 : i32
        %add3A_1687 = arith.constant 0 : i32
        %add3A_1688 = arith.addi %add3A_1687, %mul3A_1686 : i32
        %add3A_1689 = arith.constant 240 : i32
        %add3A_1690 = arith.addi %add3A_1689, %add3A_1688 : i32
        %dma_start3A_1691 = arith.constant 0 : i32
        %dma_start3A_1692 = arith.constant 1 : i32
        %dma_start3A_1693 = arith.constant 0 : i32
        %dma_start3A_1694 = tpu.memref_slice %arg6[%dma_start3A_1692, %add3A_1688, %dma_start3A_1693] : memref<2x48x128xf32, #tpu.memory_space<vmem>> -> memref<1x1x128xf32, #tpu.memory_space<vmem>>
        %dma_start3A_1695 = tpu.memref_squeeze %dma_start3A_1694 : memref<1x1x128xf32, #tpu.memory_space<vmem>> -> memref<128xf32, #tpu.memory_space<vmem>>
        %dma_start3A_1696 = arith.constant 0 : i32
        %dma_start3A_1697 = tpu.memref_slice %arg5[%add3A_1690, %dma_start3A_1696] : memref<400x128xi32, #tpu.memory_space<vmem>> -> memref<1x128xi32, #tpu.memory_space<vmem>>
        %dma_start3A_1698 = tpu.memref_squeeze %dma_start3A_1697 : memref<1x128xi32, #tpu.memory_space<vmem>> -> memref<128xi32, #tpu.memory_space<vmem>>
        %dma_start3A_1699 = arith.constant 0 : i32
        %dma_start3A_1700 = tpu.memref_slice %arg8[%dma_start3A_1691, %dma_start3A_1699] : memref<1x1000000xf32, #tpu.memory_space<vmem_shared>> -> memref<1x1000000xf32, #tpu.memory_space<vmem_shared>>
        %dma_start3A_1701 = tpu.memref_squeeze %dma_start3A_1700 : memref<1x1000000xf32, #tpu.memory_space<vmem_shared>> -> memref<1000000xf32, #tpu.memory_space<vmem_shared>>
        %dma_start3A_1702 = arith.constant 0 : i32
        %dma_start3A_1703 = tpu.memref_slice %dma_start3A_1701[%dma_start3A_1702] : memref<1000000xf32, #tpu.memory_space<vmem_shared>> -> memref<1000000xf32, #tpu.memory_space<vmem_shared>>
        tpu.enqueue_indirect_dma source(%dma_start3A_1703 : memref<1000000xf32, #tpu.memory_space<vmem_shared>>) target(%dma_start3A_1695 : memref<128xf32, #tpu.memory_space<vmem>>) offsets(%dma_start3A_1698 : memref<128xi32, #tpu.memory_space<vmem>>) semaphore(%arg10 : memref<!tpu.dma_semaphore, #tpu.memory_space<semaphore_mem>>)
        %scan3A_1704 = arith.constant 1 : i32
        %scan3A_1705 = arith.addi %scan3A_1684, %scan3A_1704 : i32
        %mul3A_1706 = arith.constant 1 : i32
        %mul3A_1707 = arith.muli %scan3A_1705, %mul3A_1706 : i32
        %add3A_1708 = arith.constant 0 : i32
        %add3A_1709 = arith.addi %add3A_1708, %mul3A_1707 : i32
        %add3A_1710 = arith.constant 240 : i32
        %add3A_1711 = arith.addi %add3A_1710, %add3A_1709 : i32
        %dma_start3A_1712 = arith.constant 0 : i32
        %dma_start3A_1713 = arith.constant 1 : i32
        %dma_start3A_1714 = arith.constant 0 : i32
        %dma_start3A_1715 = tpu.memref_slice %arg6[%dma_start3A_1713, %add3A_1709, %dma_start3A_1714] : memref<2x48x128xf32, #tpu.memory_space<vmem>> -> memref<1x1x128xf32, #tpu.memory_space<vmem>>
        %dma_start3A_1716 = tpu.memref_squeeze %dma_start3A_1715 : memref<1x1x128xf32, #tpu.memory_space<vmem>> -> memref<128xf32, #tpu.memory_space<vmem>>
        %dma_start3A_1717 = arith.constant 0 : i32
        %dma_start3A_1718 = tpu.memref_slice %arg5[%add3A_1711, %dma_start3A_1717] : memref<400x128xi32, #tpu.memory_space<vmem>> -> memref<1x128xi32, #tpu.memory_space<vmem>>
        %dma_start3A_1719 = tpu.memref_squeeze %dma_start3A_1718 : memref<1x128xi32, #tpu.memory_space<vmem>> -> memref<128xi32, #tpu.memory_space<vmem>>
        %dma_start3A_1720 = arith.constant 0 : i32
        %dma_start3A_1721 = tpu.memref_slice %arg8[%dma_start3A_1712, %dma_start3A_1720] : memref<1x1000000xf32, #tpu.memory_space<vmem_shared>> -> memref<1x1000000xf32, #tpu.memory_space<vmem_shared>>
        %dma_start3A_1722 = tpu.memref_squeeze %dma_start3A_1721 : memref<1x1000000xf32, #tpu.memory_space<vmem_shared>> -> memref<1000000xf32, #tpu.memory_space<vmem_shared>>
        %dma_start3A_1723 = arith.constant 0 : i32
        %dma_start3A_1724 = tpu.memref_slice %dma_start3A_1722[%dma_start3A_1723] : memref<1000000xf32, #tpu.memory_space<vmem_shared>> -> memref<1000000xf32, #tpu.memory_space<vmem_shared>>
        tpu.enqueue_indirect_dma source(%dma_start3A_1724 : memref<1000000xf32, #tpu.memory_space<vmem_shared>>) target(%dma_start3A_1716 : memref<128xf32, #tpu.memory_space<vmem>>) offsets(%dma_start3A_1719 : memref<128xi32, #tpu.memory_space<vmem>>) semaphore(%arg10 : memref<!tpu.dma_semaphore, #tpu.memory_space<semaphore_mem>>)
        %scan3A_1725 = arith.constant 2 : i32
        %scan3A_1726 = arith.addi %scan3A_1684, %scan3A_1725 : i32
        %mul3A_1727 = arith.constant 1 : i32
        %mul3A_1728 = arith.muli %scan3A_1726, %mul3A_1727 : i32
        %add3A_1729 = arith.constant 0 : i32
        %add3A_1730 = arith.addi %add3A_1729, %mul3A_1728 : i32
        %add3A_1731 = arith.constant 240 : i32
        %add3A_1732 = arith.addi %add3A_1731, %add3A_1730 : i32
        %dma_start3A_1733 = arith.constant 0 : i32
        %dma_start3A_1734 = arith.constant 1 : i32
        %dma_start3A_1735 = arith.constant 0 : i32
        %dma_start3A_1736 = tpu.memref_slice %arg6[%dma_start3A_1734, %add3A_1730, %dma_start3A_1735] : memref<2x48x128xf32, #tpu.memory_space<vmem>> -> memref<1x1x128xf32, #tpu.memory_space<vmem>>
        %dma_start3A_1737 = tpu.memref_squeeze %dma_start3A_1736 : memref<1x1x128xf32, #tpu.memory_space<vmem>> -> memref<128xf32, #tpu.memory_space<vmem>>
        %dma_start3A_1738 = arith.constant 0 : i32
        %dma_start3A_1739 = tpu.memref_slice %arg5[%add3A_1732, %dma_start3A_1738] : memref<400x128xi32, #tpu.memory_space<vmem>> -> memref<1x128xi32, #tpu.memory_space<vmem>>
        %dma_start3A_1740 = tpu.memref_squeeze %dma_start3A_1739 : memref<1x128xi32, #tpu.memory_space<vmem>> -> memref<128xi32, #tpu.memory_space<vmem>>
        %dma_start3A_1741 = arith.constant 0 : i32
        %dma_start3A_1742 = tpu.memref_slice %arg8[%dma_start3A_1733, %dma_start3A_1741] : memref<1x1000000xf32, #tpu.memory_space<vmem_shared>> -> memref<1x1000000xf32, #tpu.memory_space<vmem_shared>>
        %dma_start3A_1743 = tpu.memref_squeeze %dma_start3A_1742 : memref<1x1000000xf32, #tpu.memory_space<vmem_shared>> -> memref<1000000xf32, #tpu.memory_space<vmem_shared>>
        %dma_start3A_1744 = arith.constant 0 : i32
        %dma_start3A_1745 = tpu.memref_slice %dma_start3A_1743[%dma_start3A_1744] : memref<1000000xf32, #tpu.memory_space<vmem_shared>> -> memref<1000000xf32, #tpu.memory_space<vmem_shared>>
        tpu.enqueue_indirect_dma source(%dma_start3A_1745 : memref<1000000xf32, #tpu.memory_space<vmem_shared>>) target(%dma_start3A_1737 : memref<128xf32, #tpu.memory_space<vmem>>) offsets(%dma_start3A_1740 : memref<128xi32, #tpu.memory_space<vmem>>) semaphore(%arg10 : memref<!tpu.dma_semaphore, #tpu.memory_space<semaphore_mem>>)
        %scan3A_1746 = arith.constant 3 : i32
        %scan3A_1747 = arith.addi %scan3A_1684, %scan3A_1746 : i32
        %mul3A_1748 = arith.constant 1 : i32
        %mul3A_1749 = arith.muli %scan3A_1747, %mul3A_1748 : i32
        %add3A_1750 = arith.constant 0 : i32
        %add3A_1751 = arith.addi %add3A_1750, %mul3A_1749 : i32
        %add3A_1752 = arith.constant 240 : i32
        %add3A_1753 = arith.addi %add3A_1752, %add3A_1751 : i32
        %dma_start3A_1754 = arith.constant 0 : i32
        %dma_start3A_1755 = arith.constant 1 : i32
        %dma_start3A_1756 = arith.constant 0 : i32
        %dma_start3A_1757 = tpu.memref_slice %arg6[%dma_start3A_1755, %add3A_1751, %dma_start3A_1756] : memref<2x48x128xf32, #tpu.memory_space<vmem>> -> memref<1x1x128xf32, #tpu.memory_space<vmem>>
        %dma_start3A_1758 = tpu.memref_squeeze %dma_start3A_1757 : memref<1x1x128xf32, #tpu.memory_space<vmem>> -> memref<128xf32, #tpu.memory_space<vmem>>
        %dma_start3A_1759 = arith.constant 0 : i32
        %dma_start3A_1760 = tpu.memref_slice %arg5[%add3A_1753, %dma_start3A_1759] : memref<400x128xi32, #tpu.memory_space<vmem>> -> memref<1x128xi32, #tpu.memory_space<vmem>>
        %dma_start3A_1761 = tpu.memref_squeeze %dma_start3A_1760 : memref<1x128xi32, #tpu.memory_space<vmem>> -> memref<128xi32, #tpu.memory_space<vmem>>
        %dma_start3A_1762 = arith.constant 0 : i32
        %dma_start3A_1763 = tpu.memref_slice %arg8[%dma_start3A_1754, %dma_start3A_1762] : memref<1x1000000xf32, #tpu.memory_space<vmem_shared>> -> memref<1x1000000xf32, #tpu.memory_space<vmem_shared>>
        %dma_start3A_1764 = tpu.memref_squeeze %dma_start3A_1763 : memref<1x1000000xf32, #tpu.memory_space<vmem_shared>> -> memref<1000000xf32, #tpu.memory_space<vmem_shared>>
        %dma_start3A_1765 = arith.constant 0 : i32
        %dma_start3A_1766 = tpu.memref_slice %dma_start3A_1764[%dma_start3A_1765] : memref<1000000xf32, #tpu.memory_space<vmem_shared>> -> memref<1000000xf32, #tpu.memory_space<vmem_shared>>
        tpu.enqueue_indirect_dma source(%dma_start3A_1766 : memref<1000000xf32, #tpu.memory_space<vmem_shared>>) target(%dma_start3A_1758 : memref<128xf32, #tpu.memory_space<vmem>>) offsets(%dma_start3A_1761 : memref<128xi32, #tpu.memory_space<vmem>>) semaphore(%arg10 : memref<!tpu.dma_semaphore, #tpu.memory_space<semaphore_mem>>)
        %scan3A_1767 = arith.constant 4 : i32
        %scan3A_1768 = arith.addi %scan3A_1684, %scan3A_1767 : i32
        %mul3A_1769 = arith.constant 1 : i32
        %mul3A_1770 = arith.muli %scan3A_1768, %mul3A_1769 : i32
        %add3A_1771 = arith.constant 0 : i32
        %add3A_1772 = arith.addi %add3A_1771, %mul3A_1770 : i32
        %add3A_1773 = arith.constant 240 : i32
        %add3A_1774 = arith.addi %add3A_1773, %add3A_1772 : i32
        %dma_start3A_1775 = arith.constant 0 : i32
        %dma_start3A_1776 = arith.constant 1 : i32
        %dma_start3A_1777 = arith.constant 0 : i32
        %dma_start3A_1778 = tpu.memref_slice %arg6[%dma_start3A_1776, %add3A_1772, %dma_start3A_1777] : memref<2x48x128xf32, #tpu.memory_space<vmem>> -> memref<1x1x128xf32, #tpu.memory_space<vmem>>
        %dma_start3A_1779 = tpu.memref_squeeze %dma_start3A_1778 : memref<1x1x128xf32, #tpu.memory_space<vmem>> -> memref<128xf32, #tpu.memory_space<vmem>>
        %dma_start3A_1780 = arith.constant 0 : i32
        %dma_start3A_1781 = tpu.memref_slice %arg5[%add3A_1774, %dma_start3A_1780] : memref<400x128xi32, #tpu.memory_space<vmem>> -> memref<1x128xi32, #tpu.memory_space<vmem>>
        %dma_start3A_1782 = tpu.memref_squeeze %dma_start3A_1781 : memref<1x128xi32, #tpu.memory_space<vmem>> -> memref<128xi32, #tpu.memory_space<vmem>>
        %dma_start3A_1783 = arith.constant 0 : i32
        %dma_start3A_1784 = tpu.memref_slice %arg8[%dma_start3A_1775, %dma_start3A_1783] : memref<1x1000000xf32, #tpu.memory_space<vmem_shared>> -> memref<1x1000000xf32, #tpu.memory_space<vmem_shared>>
        %dma_start3A_1785 = tpu.memref_squeeze %dma_start3A_1784 : memref<1x1000000xf32, #tpu.memory_space<vmem_shared>> -> memref<1000000xf32, #tpu.memory_space<vmem_shared>>
        %dma_start3A_1786 = arith.constant 0 : i32
        %dma_start3A_1787 = tpu.memref_slice %dma_start3A_1785[%dma_start3A_1786] : memref<1000000xf32, #tpu.memory_space<vmem_shared>> -> memref<1000000xf32, #tpu.memory_space<vmem_shared>>
        tpu.enqueue_indirect_dma source(%dma_start3A_1787 : memref<1000000xf32, #tpu.memory_space<vmem_shared>>) target(%dma_start3A_1779 : memref<128xf32, #tpu.memory_space<vmem>>) offsets(%dma_start3A_1782 : memref<128xi32, #tpu.memory_space<vmem>>) semaphore(%arg10 : memref<!tpu.dma_semaphore, #tpu.memory_space<semaphore_mem>>)
        %scan3A_1788 = arith.constant 5 : i32
        %scan3A_1789 = arith.addi %scan3A_1684, %scan3A_1788 : i32
        %mul3A_1790 = arith.constant 1 : i32
        %mul3A_1791 = arith.muli %scan3A_1789, %mul3A_1790 : i32
        %add3A_1792 = arith.constant 0 : i32
        %add3A_1793 = arith.addi %add3A_1792, %mul3A_1791 : i32
        %add3A_1794 = arith.constant 240 : i32
        %add3A_1795 = arith.addi %add3A_1794, %add3A_1793 : i32
        %dma_start3A_1796 = arith.constant 0 : i32
        %dma_start3A_1797 = arith.constant 1 : i32
        %dma_start3A_1798 = arith.constant 0 : i32
        %dma_start3A_1799 = tpu.memref_slice %arg6[%dma_start3A_1797, %add3A_1793, %dma_start3A_1798] : memref<2x48x128xf32, #tpu.memory_space<vmem>> -> memref<1x1x128xf32, #tpu.memory_space<vmem>>
        %dma_start3A_1800 = tpu.memref_squeeze %dma_start3A_1799 : memref<1x1x128xf32, #tpu.memory_space<vmem>> -> memref<128xf32, #tpu.memory_space<vmem>>
        %dma_start3A_1801 = arith.constant 0 : i32
        %dma_start3A_1802 = tpu.memref_slice %arg5[%add3A_1795, %dma_start3A_1801] : memref<400x128xi32, #tpu.memory_space<vmem>> -> memref<1x128xi32, #tpu.memory_space<vmem>>
        %dma_start3A_1803 = tpu.memref_squeeze %dma_start3A_1802 : memref<1x128xi32, #tpu.memory_space<vmem>> -> memref<128xi32, #tpu.memory_space<vmem>>
        %dma_start3A_1804 = arith.constant 0 : i32
        %dma_start3A_1805 = tpu.memref_slice %arg8[%dma_start3A_1796, %dma_start3A_1804] : memref<1x1000000xf32, #tpu.memory_space<vmem_shared>> -> memref<1x1000000xf32, #tpu.memory_space<vmem_shared>>
        %dma_start3A_1806 = tpu.memref_squeeze %dma_start3A_1805 : memref<1x1000000xf32, #tpu.memory_space<vmem_shared>> -> memref<1000000xf32, #tpu.memory_space<vmem_shared>>
        %dma_start3A_1807 = arith.constant 0 : i32
        %dma_start3A_1808 = tpu.memref_slice %dma_start3A_1806[%dma_start3A_1807] : memref<1000000xf32, #tpu.memory_space<vmem_shared>> -> memref<1000000xf32, #tpu.memory_space<vmem_shared>>
        tpu.enqueue_indirect_dma source(%dma_start3A_1808 : memref<1000000xf32, #tpu.memory_space<vmem_shared>>) target(%dma_start3A_1800 : memref<128xf32, #tpu.memory_space<vmem>>) offsets(%dma_start3A_1803 : memref<128xi32, #tpu.memory_space<vmem>>) semaphore(%arg10 : memref<!tpu.dma_semaphore, #tpu.memory_space<semaphore_mem>>)
        %scan3A_1809 = arith.constant 6 : i32
        %scan3A_1810 = arith.addi %scan3A_1684, %scan3A_1809 : i32
        %mul3A_1811 = arith.constant 1 : i32
        %mul3A_1812 = arith.muli %scan3A_1810, %mul3A_1811 : i32
        %add3A_1813 = arith.constant 0 : i32
        %add3A_1814 = arith.addi %add3A_1813, %mul3A_1812 : i32
        %add3A_1815 = arith.constant 240 : i32
        %add3A_1816 = arith.addi %add3A_1815, %add3A_1814 : i32
        %dma_start3A_1817 = arith.constant 0 : i32
        %dma_start3A_1818 = arith.constant 1 : i32
        %dma_start3A_1819 = arith.constant 0 : i32
        %dma_start3A_1820 = tpu.memref_slice %arg6[%dma_start3A_1818, %add3A_1814, %dma_start3A_1819] : memref<2x48x128xf32, #tpu.memory_space<vmem>> -> memref<1x1x128xf32, #tpu.memory_space<vmem>>
        %dma_start3A_1821 = tpu.memref_squeeze %dma_start3A_1820 : memref<1x1x128xf32, #tpu.memory_space<vmem>> -> memref<128xf32, #tpu.memory_space<vmem>>
        %dma_start3A_1822 = arith.constant 0 : i32
        %dma_start3A_1823 = tpu.memref_slice %arg5[%add3A_1816, %dma_start3A_1822] : memref<400x128xi32, #tpu.memory_space<vmem>> -> memref<1x128xi32, #tpu.memory_space<vmem>>
        %dma_start3A_1824 = tpu.memref_squeeze %dma_start3A_1823 : memref<1x128xi32, #tpu.memory_space<vmem>> -> memref<128xi32, #tpu.memory_space<vmem>>
        %dma_start3A_1825 = arith.constant 0 : i32
        %dma_start3A_1826 = tpu.memref_slice %arg8[%dma_start3A_1817, %dma_start3A_1825] : memref<1x1000000xf32, #tpu.memory_space<vmem_shared>> -> memref<1x1000000xf32, #tpu.memory_space<vmem_shared>>
        %dma_start3A_1827 = tpu.memref_squeeze %dma_start3A_1826 : memref<1x1000000xf32, #tpu.memory_space<vmem_shared>> -> memref<1000000xf32, #tpu.memory_space<vmem_shared>>
        %dma_start3A_1828 = arith.constant 0 : i32
        %dma_start3A_1829 = tpu.memref_slice %dma_start3A_1827[%dma_start3A_1828] : memref<1000000xf32, #tpu.memory_space<vmem_shared>> -> memref<1000000xf32, #tpu.memory_space<vmem_shared>>
        tpu.enqueue_indirect_dma source(%dma_start3A_1829 : memref<1000000xf32, #tpu.memory_space<vmem_shared>>) target(%dma_start3A_1821 : memref<128xf32, #tpu.memory_space<vmem>>) offsets(%dma_start3A_1824 : memref<128xi32, #tpu.memory_space<vmem>>) semaphore(%arg10 : memref<!tpu.dma_semaphore, #tpu.memory_space<semaphore_mem>>)
        %scan3A_1830 = arith.constant 7 : i32
        %scan3A_1831 = arith.addi %scan3A_1684, %scan3A_1830 : i32
        %mul3A_1832 = arith.constant 1 : i32
        %mul3A_1833 = arith.muli %scan3A_1831, %mul3A_1832 : i32
        %add3A_1834 = arith.constant 0 : i32
        %add3A_1835 = arith.addi %add3A_1834, %mul3A_1833 : i32
        %add3A_1836 = arith.constant 240 : i32
        %add3A_1837 = arith.addi %add3A_1836, %add3A_1835 : i32
        %dma_start3A_1838 = arith.constant 0 : i32
        %dma_start3A_1839 = arith.constant 1 : i32
        %dma_start3A_1840 = arith.constant 0 : i32
        %dma_start3A_1841 = tpu.memref_slice %arg6[%dma_start3A_1839, %add3A_1835, %dma_start3A_1840] : memref<2x48x128xf32, #tpu.memory_space<vmem>> -> memref<1x1x128xf32, #tpu.memory_space<vmem>>
        %dma_start3A_1842 = tpu.memref_squeeze %dma_start3A_1841 : memref<1x1x128xf32, #tpu.memory_space<vmem>> -> memref<128xf32, #tpu.memory_space<vmem>>
        %dma_start3A_1843 = arith.constant 0 : i32
        %dma_start3A_1844 = tpu.memref_slice %arg5[%add3A_1837, %dma_start3A_1843] : memref<400x128xi32, #tpu.memory_space<vmem>> -> memref<1x128xi32, #tpu.memory_space<vmem>>
        %dma_start3A_1845 = tpu.memref_squeeze %dma_start3A_1844 : memref<1x128xi32, #tpu.memory_space<vmem>> -> memref<128xi32, #tpu.memory_space<vmem>>
        %dma_start3A_1846 = arith.constant 0 : i32
        %dma_start3A_1847 = tpu.memref_slice %arg8[%dma_start3A_1838, %dma_start3A_1846] : memref<1x1000000xf32, #tpu.memory_space<vmem_shared>> -> memref<1x1000000xf32, #tpu.memory_space<vmem_shared>>
        %dma_start3A_1848 = tpu.memref_squeeze %dma_start3A_1847 : memref<1x1000000xf32, #tpu.memory_space<vmem_shared>> -> memref<1000000xf32, #tpu.memory_space<vmem_shared>>
        %dma_start3A_1849 = arith.constant 0 : i32
        %dma_start3A_1850 = tpu.memref_slice %dma_start3A_1848[%dma_start3A_1849] : memref<1000000xf32, #tpu.memory_space<vmem_shared>> -> memref<1000000xf32, #tpu.memory_space<vmem_shared>>
        tpu.enqueue_indirect_dma source(%dma_start3A_1850 : memref<1000000xf32, #tpu.memory_space<vmem_shared>>) target(%dma_start3A_1842 : memref<128xf32, #tpu.memory_space<vmem>>) offsets(%dma_start3A_1845 : memref<128xi32, #tpu.memory_space<vmem>>) semaphore(%arg10 : memref<!tpu.dma_semaphore, #tpu.memory_space<semaphore_mem>>)
      }
      %scan3A_959 = arith.constant 48 : i32
      %dma_wait3A_960 = arith.constant 1 : i32
      %dma_wait3A_961 = arith.constant 0 : i32
      %dma_wait3A_962 = arith.constant 0 : i32
      %dma_wait3A_963 = tpu.memref_slice %arg6[%dma_wait3A_960, %dma_wait3A_961, %dma_wait3A_962] : memref<2x48x128xf32, #tpu.memory_space<vmem>> -> memref<1x48x128xf32, #tpu.memory_space<vmem>>
      %dma_wait3A_964 = tpu.memref_squeeze %dma_wait3A_963 : memref<1x48x128xf32, #tpu.memory_space<vmem>> -> memref<48x128xf32, #tpu.memory_space<vmem>>
      %dma_wait3A_965 = arith.constant 0 : i32
      %dma_wait3A_966 = arith.constant 0 : i32
      %dma_wait3A_967 = tpu.memref_slice %arg3[%dma_wait3A_965, %dma_wait3A_966] : memref<64x1000000xf32, #tpu.memory_space<hbm>> -> memref<48x128xf32, #tpu.memory_space<hbm>>
      %dma_wait3A_968 = arith.constant 0 : i32
      %dma_wait3A_969 = arith.constant 0 : i32
      %dma_wait3A_970 = tpu.memref_slice %arg6[%dma_wait3A_960, %dma_wait3A_968, %dma_wait3A_969] : memref<2x48x128xf32, #tpu.memory_space<vmem>> -> memref<1x48x128xf32, #tpu.memory_space<vmem>>
      %dma_wait3A_971 = tpu.memref_squeeze %dma_wait3A_970 : memref<1x48x128xf32, #tpu.memory_space<vmem>> -> memref<48x128xf32, #tpu.memory_space<vmem>>
      %dma_wait3A_972 = arith.constant 0 : i32
      %dma_wait3A_973 = arith.constant 0 : i32
      %dma_wait3A_974 = tpu.memref_slice %arg3[%dma_wait3A_972, %dma_wait3A_973] : memref<64x1000000xf32, #tpu.memory_space<hbm>> -> memref<48x128xf32, #tpu.memory_space<hbm>>
      tpu.wait_dma2 semaphore(%arg10 : memref<!tpu.dma_semaphore, #tpu.memory_space<semaphore_mem>>) src(%dma_wait3A_974 : memref<48x128xf32, #tpu.memory_space<hbm>>) dst(%dma_wait3A_971 : memref<48x128xf32, #tpu.memory_space<vmem>>)
      %jit3A_975 = arith.constant 8 : i32
      %div3A_976 = arith.divsi %add3A_38, %jit3A_975 : i32
      %sign3A_977 = arith.constant 0 : i32
      %sign3A_978 = arith.cmpi sgt, %add3A_38, %sign3A_977 : i32
      %sign3A_979 = arith.extui %sign3A_978 : i1 to i32
      %sign3A_980 = arith.constant 0 : i32
      %sign3A_981 = arith.cmpi slt, %add3A_38, %sign3A_980 : i32
      %sign3A_982 = arith.extui %sign3A_981 : i1 to i32
      %sign3A_983 = arith.subi %sign3A_979, %sign3A_982 : i32
      %sign3A_984 = arith.constant 0 : i32
      %sign3A_985 = arith.cmpi sgt, %jit3A_975, %sign3A_984 : i32
      %sign3A_986 = arith.extui %sign3A_985 : i1 to i32
      %sign3A_987 = arith.constant 0 : i32
      %sign3A_988 = arith.cmpi slt, %jit3A_975, %sign3A_987 : i32
      %sign3A_989 = arith.extui %sign3A_988 : i1 to i32
      %sign3A_990 = arith.subi %sign3A_986, %sign3A_989 : i32
      %ne3A_991 = arith.cmpi ne, %sign3A_983, %sign3A_990 : i32
      %rem3A_992 = arith.remsi %add3A_38, %jit3A_975 : i32
      %ne3A_993 = arith.constant 0 : i32
      %ne3A_994 = arith.cmpi ne, %rem3A_992, %ne3A_993 : i32
      %and3A_995 = arith.andi %ne3A_991, %ne3A_994 : i1
      %sub3A_996 = arith.constant 1 : i32
      %sub3A_997 = arith.subi %div3A_976, %sub3A_996 : i32
      %select_n3A_998 = arith.select %and3A_995, %sub3A_997, %div3A_976 : i32
      %mul3A_999 = arith.constant 256 : i32
      %mul3A_1000 = arith.muli %select_n3A_998, %mul3A_999 : i32
      %jit3A_1001 = arith.constant 8 : i32
      %eq3A_1002 = arith.constant 0 : i32
      %eq3A_1003 = arith.cmpi eq, %jit3A_1001, %eq3A_1002 : i32
      %jit3A_1004 = arith.constant 1 : i32
      %select_n3A_1005 = arith.select %eq3A_1003, %jit3A_1004, %jit3A_1001 : i32
      %rem3A_1006 = arith.remsi %add3A_38, %select_n3A_1005 : i32
      %ne3A_1007 = arith.constant 0 : i32
      %ne3A_1008 = arith.cmpi ne, %rem3A_1006, %ne3A_1007 : i32
      %lt3A_1009 = arith.constant 0 : i32
      %lt3A_1010 = arith.cmpi slt, %rem3A_1006, %lt3A_1009 : i32
      %lt3A_1011 = arith.constant 0 : i32
      %lt3A_1012 = arith.cmpi slt, %select_n3A_1005, %lt3A_1011 : i32
      %ne3A_1013 = arith.xori %lt3A_1010, %lt3A_1012 : i1
      %and3A_1014 = arith.andi %ne3A_1013, %ne3A_1008 : i1
      %add3A_1015 = arith.addi %rem3A_1006, %select_n3A_1005 : i32
      %select_n3A_1016 = arith.select %and3A_1014, %add3A_1015, %rem3A_1006 : i32
      %add3A_1017 = arith.addi %mul3A_1000, %select_n3A_1016 : i32
      %mul3A_1018 = arith.constant 2 : i32
      %mul3A_1019 = arith.muli %mul3A_1018, %arg1 : i32
      %mul3A_1020 = arith.constant 8 : i32
      %mul3A_1021 = arith.muli %mul3A_1019, %mul3A_1020 : i32
      %add3A_1022 = arith.addi %add3A_1017, %mul3A_1021 : i32
      %iota3A_1023 = tpu.iota {dimensions = array<i32: 0>} : vector<16xi32>
      %add3A_1024 = arith.constant 240 : i32
      %add3A_1025 = vector.broadcast %add3A_1024 : i32 to vector<16xi32>
      %add3A_1026 = arith.addi %iota3A_1023, %add3A_1025 : vector<16xi32>
      %ge3A_1027 = arith.constant 200 : i32
      %ge3A_1028 = vector.broadcast %ge3A_1027 : i32 to vector<16xi32>
      %ge3A_1029 = arith.cmpi sge, %add3A_1026, %ge3A_1028 : vector<16xi32>
      %jit3A_1030 = arith.constant 1 : i32
      %jit3A_1031 = arith.constant 0 : i32
      %broadcast_in_dim3A_1032 = vector.broadcast %jit3A_1030 : i32 to vector<16xi32>
      %broadcast_in_dim3A_1033 = vector.broadcast %jit3A_1031 : i32 to vector<16xi32>
      %select_n3A_1034 = arith.select %ge3A_1029, %broadcast_in_dim3A_1032, %broadcast_in_dim3A_1033 : vector<16xi1>, vector<16xi32>
      %mul3A_1035 = arith.constant 200 : i32
      %mul3A_1036 = vector.broadcast %mul3A_1035 : i32 to vector<16xi32>
      %mul3A_1037 = arith.muli %select_n3A_1034, %mul3A_1036 : vector<16xi32>
      %sub3A_1038 = arith.subi %add3A_1026, %mul3A_1037 : vector<16xi32>
      %mul3A_1039 = arith.constant 2048 : i32
      %mul3A_1040 = vector.broadcast %mul3A_1039 : i32 to vector<16xi32>
      %mul3A_1041 = arith.muli %sub3A_1038, %mul3A_1040 : vector<16xi32>
      %add3A_1042 = vector.broadcast %add3A_1022 : i32 to vector<16xi32>
      %add3A_1043 = arith.addi %mul3A_1041, %add3A_1042 : vector<16xi32>
      %mul3A_1044 = arith.constant 8 : i32
      %mul3A_1045 = vector.broadcast %mul3A_1044 : i32 to vector<16xi32>
      %mul3A_1046 = arith.muli %select_n3A_1034, %mul3A_1045 : vector<16xi32>
      %add3A_1047 = arith.addi %add3A_1043, %mul3A_1046 : vector<16xi32>
      %swap3A_1048 = arith.constant 5 : i32
      %swap3A_1049 = arith.index_cast %swap3A_1048 : i32 to index
      %swap3A_1050 = arith.constant 0 : index
      %swap3A_1051 = tpu.vector_load %arg7[%swap3A_1049, %swap3A_1050] {strides = array<i32>} : memref<9x48xi32, #tpu.memory_space<vmem>>, vector<1x16xi32>,
      %swap3A_1052 = vector.shape_cast %swap3A_1051 : vector<1x16xi32> to vector<16xi32>
      %swap3A_1053 = vector.shape_cast %add3A_1047 : vector<16xi32> to vector<1x16xi32>
      tpu.vector_store %arg7[%swap3A_1049, %swap3A_1050], %swap3A_1053 {strides = array<i32>} : memref<9x48xi32, #tpu.memory_space<vmem>>, vector<1x16xi32>,
      %iota3A_1054 = tpu.iota {dimensions = array<i32: 0>} : vector<16xi32>
      %add3A_1055 = arith.constant 256 : i32
      %add3A_1056 = vector.broadcast %add3A_1055 : i32 to vector<16xi32>
      %add3A_1057 = arith.addi %iota3A_1054, %add3A_1056 : vector<16xi32>
      %ge3A_1058 = arith.constant 200 : i32
      %ge3A_1059 = vector.broadcast %ge3A_1058 : i32 to vector<16xi32>
      %ge3A_1060 = arith.cmpi sge, %add3A_1057, %ge3A_1059 : vector<16xi32>
      %jit3A_1061 = arith.constant 1 : i32
      %jit3A_1062 = arith.constant 0 : i32
      %broadcast_in_dim3A_1063 = vector.broadcast %jit3A_1061 : i32 to vector<16xi32>
      %broadcast_in_dim3A_1064 = vector.broadcast %jit3A_1062 : i32 to vector<16xi32>
      %select_n3A_1065 = arith.select %ge3A_1060, %broadcast_in_dim3A_1063, %broadcast_in_dim3A_1064 : vector<16xi1>, vector<16xi32>
      %mul3A_1066 = arith.constant 200 : i32
      %mul3A_1067 = vector.broadcast %mul3A_1066 : i32 to vector<16xi32>
      %mul3A_1068 = arith.muli %select_n3A_1065, %mul3A_1067 : vector<16xi32>
      %sub3A_1069 = arith.subi %add3A_1057, %mul3A_1068 : vector<16xi32>
      %mul3A_1070 = arith.constant 2048 : i32
      %mul3A_1071 = vector.broadcast %mul3A_1070 : i32 to vector<16xi32>
      %mul3A_1072 = arith.muli %sub3A_1069, %mul3A_1071 : vector<16xi32>
      %add3A_1073 = vector.broadcast %add3A_1022 : i32 to vector<16xi32>
      %add3A_1074 = arith.addi %mul3A_1072, %add3A_1073 : vector<16xi32>
      %mul3A_1075 = arith.constant 8 : i32
      %mul3A_1076 = vector.broadcast %mul3A_1075 : i32 to vector<16xi32>
      %mul3A_1077 = arith.muli %select_n3A_1065, %mul3A_1076 : vector<16xi32>
      %add3A_1078 = arith.addi %add3A_1074, %mul3A_1077 : vector<16xi32>
      %swap3A_1079 = arith.constant 5 : i32
      %swap3A_1080 = arith.index_cast %swap3A_1079 : i32 to index
      %swap3A_1081 = arith.constant 16 : index
      %swap3A_1082 = tpu.vector_load %arg7[%swap3A_1080, %swap3A_1081] {strides = array<i32>} : memref<9x48xi32, #tpu.memory_space<vmem>>, vector<1x16xi32>,
      %swap3A_1083 = vector.shape_cast %swap3A_1082 : vector<1x16xi32> to vector<16xi32>
      %swap3A_1084 = vector.shape_cast %add3A_1078 : vector<16xi32> to vector<1x16xi32>
      tpu.vector_store %arg7[%swap3A_1080, %swap3A_1081], %swap3A_1084 {strides = array<i32>} : memref<9x48xi32, #tpu.memory_space<vmem>>, vector<1x16xi32>,
      %iota3A_1085 = tpu.iota {dimensions = array<i32: 0>} : vector<16xi32>
      %add3A_1086 = arith.constant 272 : i32
      %add3A_1087 = vector.broadcast %add3A_1086 : i32 to vector<16xi32>
      %add3A_1088 = arith.addi %iota3A_1085, %add3A_1087 : vector<16xi32>
      %ge3A_1089 = arith.constant 200 : i32
      %ge3A_1090 = vector.broadcast %ge3A_1089 : i32 to vector<16xi32>
      %ge3A_1091 = arith.cmpi sge, %add3A_1088, %ge3A_1090 : vector<16xi32>
      %jit3A_1092 = arith.constant 1 : i32
      %jit3A_1093 = arith.constant 0 : i32
      %broadcast_in_dim3A_1094 = vector.broadcast %jit3A_1092 : i32 to vector<16xi32>
      %broadcast_in_dim3A_1095 = vector.broadcast %jit3A_1093 : i32 to vector<16xi32>
      %select_n3A_1096 = arith.select %ge3A_1091, %broadcast_in_dim3A_1094, %broadcast_in_dim3A_1095 : vector<16xi1>, vector<16xi32>
      %mul3A_1097 = arith.constant 200 : i32
      %mul3A_1098 = vector.broadcast %mul3A_1097 : i32 to vector<16xi32>
      %mul3A_1099 = arith.muli %select_n3A_1096, %mul3A_1098 : vector<16xi32>
      %sub3A_1100 = arith.subi %add3A_1088, %mul3A_1099 : vector<16xi32>
      %mul3A_1101 = arith.constant 2048 : i32
      %mul3A_1102 = vector.broadcast %mul3A_1101 : i32 to vector<16xi32>
      %mul3A_1103 = arith.muli %sub3A_1100, %mul3A_1102 : vector<16xi32>
      %add3A_1104 = vector.broadcast %add3A_1022 : i32 to vector<16xi32>
      %add3A_1105 = arith.addi %mul3A_1103, %add3A_1104 : vector<16xi32>
      %mul3A_1106 = arith.constant 8 : i32
      %mul3A_1107 = vector.broadcast %mul3A_1106 : i32 to vector<16xi32>
      %mul3A_1108 = arith.muli %select_n3A_1096, %mul3A_1107 : vector<16xi32>
      %add3A_1109 = arith.addi %add3A_1105, %mul3A_1108 : vector<16xi32>
      %swap3A_1110 = arith.constant 5 : i32
      %swap3A_1111 = arith.index_cast %swap3A_1110 : i32 to index
      %swap3A_1112 = arith.constant 32 : index
      %swap3A_1113 = tpu.vector_load %arg7[%swap3A_1111, %swap3A_1112] {strides = array<i32>} : memref<9x48xi32, #tpu.memory_space<vmem>>, vector<1x16xi32>,
      %swap3A_1114 = vector.shape_cast %swap3A_1113 : vector<1x16xi32> to vector<16xi32>
      %swap3A_1115 = vector.shape_cast %add3A_1109 : vector<16xi32> to vector<1x16xi32>
      tpu.vector_store %arg7[%swap3A_1111, %swap3A_1112], %swap3A_1115 {strides = array<i32>} : memref<9x48xi32, #tpu.memory_space<vmem>>, vector<1x16xi32>,
      %dma_start3A_1116 = arith.constant 1 : i32
      %dma_start3A_1117 = arith.constant 5 : i32
      %dma_start3A_1118 = arith.constant 0 : i32
      %dma_start3A_1119 = arith.constant 0 : i32
      %dma_start3A_1120 = tpu.memref_slice %arg6[%dma_start3A_1116, %dma_start3A_1118, %dma_start3A_1119] : memref<2x48x128xf32, #tpu.memory_space<vmem>> -> memref<1x48x128xf32, #tpu.memory_space<vmem>>
      %dma_start3A_1121 = tpu.memref_squeeze %dma_start3A_1120 : memref<1x48x128xf32, #tpu.memory_space<vmem>> -> memref<48x128xf32, #tpu.memory_space<vmem>>
      %dma_start3A_1122 = arith.constant 0 : i32
      %dma_start3A_1123 = tpu.memref_slice %arg7[%dma_start3A_1117, %dma_start3A_1122] : memref<9x48xi32, #tpu.memory_space<vmem>> -> memref<1x48xi32, #tpu.memory_space<vmem>>
      %dma_start3A_1124 = tpu.memref_squeeze %dma_start3A_1123 : memref<1x48xi32, #tpu.memory_space<vmem>> -> memref<48xi32, #tpu.memory_space<vmem>>
      %dma_start3A_1125 = arith.constant 0 : i32
      %dma_start3A_1126 = arith.constant 0 : i32
      %dma_start3A_1127 = tpu.memref_slice %arg4[%dma_start3A_1125, %dma_start3A_1126] : memref<409600x128xf32, #tpu.memory_space<hbm>> -> memref<409600x128xf32, #tpu.memory_space<hbm>>
      tpu.enqueue_indirect_dma source(%dma_start3A_1121 : memref<48x128xf32, #tpu.memory_space<vmem>>) target(%dma_start3A_1127 : memref<409600x128xf32, #tpu.memory_space<hbm>>) offsets(%dma_start3A_1124 : memref<48xi32, #tpu.memory_space<vmem>>) semaphore(%arg12 : memref<!tpu.dma_semaphore, #tpu.memory_space<semaphore_mem>>)
      %dma_wait3A_1128 = arith.constant 0 : i32
      %dma_wait3A_1129 = arith.constant 4 : i32
      %dma_wait3A_1130 = arith.constant 0 : i32
      %dma_wait3A_1131 = arith.constant 0 : i32
      %dma_wait3A_1132 = tpu.memref_slice %arg6[%dma_wait3A_1128, %dma_wait3A_1130, %dma_wait3A_1131] : memref<2x48x128xf32, #tpu.memory_space<vmem>> -> memref<1x48x128xf32, #tpu.memory_space<vmem>>
      %dma_wait3A_1133 = tpu.memref_squeeze %dma_wait3A_1132 : memref<1x48x128xf32, #tpu.memory_space<vmem>> -> memref<48x128xf32, #tpu.memory_space<vmem>>
      %dma_wait3A_1134 = arith.constant 0 : i32
      %dma_wait3A_1135 = tpu.memref_slice %arg7[%dma_wait3A_1129, %dma_wait3A_1134] : memref<9x48xi32, #tpu.memory_space<vmem>> -> memref<1x48xi32, #tpu.memory_space<vmem>>
      %dma_wait3A_1136 = tpu.memref_squeeze %dma_wait3A_1135 : memref<1x48xi32, #tpu.memory_space<vmem>> -> memref<48xi32, #tpu.memory_space<vmem>>
      %dma_wait3A_1137 = arith.constant 0 : i32
      %dma_wait3A_1138 = arith.constant 0 : i32
      %dma_wait3A_1139 = tpu.memref_slice %arg4[%dma_wait3A_1137, %dma_wait3A_1138] : memref<409600x128xf32, #tpu.memory_space<hbm>> -> memref<409600x128xf32, #tpu.memory_space<hbm>>
      tpu.wait_indirect_dma semaphore(%arg11 : memref<!tpu.dma_semaphore, #tpu.memory_space<semaphore_mem>>) src(%dma_wait3A_1133 : memref<48x128xf32, #tpu.memory_space<vmem>>) dst(%dma_wait3A_1139 : memref<409600x128xf32, #tpu.memory_space<hbm>>)
      %scan3A_1140 = arith.constant 0 : i32
      %scan3A_1141 = arith.constant 48 : i32
      %scan3A_1142 = arith.addi %scan3A_1140, %scan3A_1141 : i32
      %scan3A_1143 = arith.constant 8 : i32
      scf.for %scan3A_1684 = %scan3A_1140 to %scan3A_1142 step %scan3A_1143  : i32 {
        %mul3A_1685 = arith.constant 1 : i32
        %mul3A_1686 = arith.muli %scan3A_1684, %mul3A_1685 : i32
        %add3A_1687 = arith.constant 0 : i32
        %add3A_1688 = arith.addi %add3A_1687, %mul3A_1686 : i32
        %add3A_1689 = arith.constant 288 : i32
        %add3A_1690 = arith.addi %add3A_1689, %add3A_1688 : i32
        %dma_start3A_1691 = arith.constant 0 : i32
        %dma_start3A_1692 = arith.constant 0 : i32
        %dma_start3A_1693 = arith.constant 0 : i32
        %dma_start3A_1694 = tpu.memref_slice %arg6[%dma_start3A_1692, %add3A_1688, %dma_start3A_1693] : memref<2x48x128xf32, #tpu.memory_space<vmem>> -> memref<1x1x128xf32, #tpu.memory_space<vmem>>
        %dma_start3A_1695 = tpu.memref_squeeze %dma_start3A_1694 : memref<1x1x128xf32, #tpu.memory_space<vmem>> -> memref<128xf32, #tpu.memory_space<vmem>>
        %dma_start3A_1696 = arith.constant 0 : i32
        %dma_start3A_1697 = tpu.memref_slice %arg5[%add3A_1690, %dma_start3A_1696] : memref<400x128xi32, #tpu.memory_space<vmem>> -> memref<1x128xi32, #tpu.memory_space<vmem>>
        %dma_start3A_1698 = tpu.memref_squeeze %dma_start3A_1697 : memref<1x128xi32, #tpu.memory_space<vmem>> -> memref<128xi32, #tpu.memory_space<vmem>>
        %dma_start3A_1699 = arith.constant 0 : i32
        %dma_start3A_1700 = tpu.memref_slice %arg8[%dma_start3A_1691, %dma_start3A_1699] : memref<1x1000000xf32, #tpu.memory_space<vmem_shared>> -> memref<1x1000000xf32, #tpu.memory_space<vmem_shared>>
        %dma_start3A_1701 = tpu.memref_squeeze %dma_start3A_1700 : memref<1x1000000xf32, #tpu.memory_space<vmem_shared>> -> memref<1000000xf32, #tpu.memory_space<vmem_shared>>
        %dma_start3A_1702 = arith.constant 0 : i32
        %dma_start3A_1703 = tpu.memref_slice %dma_start3A_1701[%dma_start3A_1702] : memref<1000000xf32, #tpu.memory_space<vmem_shared>> -> memref<1000000xf32, #tpu.memory_space<vmem_shared>>
        tpu.enqueue_indirect_dma source(%dma_start3A_1703 : memref<1000000xf32, #tpu.memory_space<vmem_shared>>) target(%dma_start3A_1695 : memref<128xf32, #tpu.memory_space<vmem>>) offsets(%dma_start3A_1698 : memref<128xi32, #tpu.memory_space<vmem>>) semaphore(%arg10 : memref<!tpu.dma_semaphore, #tpu.memory_space<semaphore_mem>>)
        %scan3A_1704 = arith.constant 1 : i32
        %scan3A_1705 = arith.addi %scan3A_1684, %scan3A_1704 : i32
        %mul3A_1706 = arith.constant 1 : i32
        %mul3A_1707 = arith.muli %scan3A_1705, %mul3A_1706 : i32
        %add3A_1708 = arith.constant 0 : i32
        %add3A_1709 = arith.addi %add3A_1708, %mul3A_1707 : i32
        %add3A_1710 = arith.constant 288 : i32
        %add3A_1711 = arith.addi %add3A_1710, %add3A_1709 : i32
        %dma_start3A_1712 = arith.constant 0 : i32
        %dma_start3A_1713 = arith.constant 0 : i32
        %dma_start3A_1714 = arith.constant 0 : i32
        %dma_start3A_1715 = tpu.memref_slice %arg6[%dma_start3A_1713, %add3A_1709, %dma_start3A_1714] : memref<2x48x128xf32, #tpu.memory_space<vmem>> -> memref<1x1x128xf32, #tpu.memory_space<vmem>>
        %dma_start3A_1716 = tpu.memref_squeeze %dma_start3A_1715 : memref<1x1x128xf32, #tpu.memory_space<vmem>> -> memref<128xf32, #tpu.memory_space<vmem>>
        %dma_start3A_1717 = arith.constant 0 : i32
        %dma_start3A_1718 = tpu.memref_slice %arg5[%add3A_1711, %dma_start3A_1717] : memref<400x128xi32, #tpu.memory_space<vmem>> -> memref<1x128xi32, #tpu.memory_space<vmem>>
        %dma_start3A_1719 = tpu.memref_squeeze %dma_start3A_1718 : memref<1x128xi32, #tpu.memory_space<vmem>> -> memref<128xi32, #tpu.memory_space<vmem>>
        %dma_start3A_1720 = arith.constant 0 : i32
        %dma_start3A_1721 = tpu.memref_slice %arg8[%dma_start3A_1712, %dma_start3A_1720] : memref<1x1000000xf32, #tpu.memory_space<vmem_shared>> -> memref<1x1000000xf32, #tpu.memory_space<vmem_shared>>
        %dma_start3A_1722 = tpu.memref_squeeze %dma_start3A_1721 : memref<1x1000000xf32, #tpu.memory_space<vmem_shared>> -> memref<1000000xf32, #tpu.memory_space<vmem_shared>>
        %dma_start3A_1723 = arith.constant 0 : i32
        %dma_start3A_1724 = tpu.memref_slice %dma_start3A_1722[%dma_start3A_1723] : memref<1000000xf32, #tpu.memory_space<vmem_shared>> -> memref<1000000xf32, #tpu.memory_space<vmem_shared>>
        tpu.enqueue_indirect_dma source(%dma_start3A_1724 : memref<1000000xf32, #tpu.memory_space<vmem_shared>>) target(%dma_start3A_1716 : memref<128xf32, #tpu.memory_space<vmem>>) offsets(%dma_start3A_1719 : memref<128xi32, #tpu.memory_space<vmem>>) semaphore(%arg10 : memref<!tpu.dma_semaphore, #tpu.memory_space<semaphore_mem>>)
        %scan3A_1725 = arith.constant 2 : i32
        %scan3A_1726 = arith.addi %scan3A_1684, %scan3A_1725 : i32
        %mul3A_1727 = arith.constant 1 : i32
        %mul3A_1728 = arith.muli %scan3A_1726, %mul3A_1727 : i32
        %add3A_1729 = arith.constant 0 : i32
        %add3A_1730 = arith.addi %add3A_1729, %mul3A_1728 : i32
        %add3A_1731 = arith.constant 288 : i32
        %add3A_1732 = arith.addi %add3A_1731, %add3A_1730 : i32
        %dma_start3A_1733 = arith.constant 0 : i32
        %dma_start3A_1734 = arith.constant 0 : i32
        %dma_start3A_1735 = arith.constant 0 : i32
        %dma_start3A_1736 = tpu.memref_slice %arg6[%dma_start3A_1734, %add3A_1730, %dma_start3A_1735] : memref<2x48x128xf32, #tpu.memory_space<vmem>> -> memref<1x1x128xf32, #tpu.memory_space<vmem>>
        %dma_start3A_1737 = tpu.memref_squeeze %dma_start3A_1736 : memref<1x1x128xf32, #tpu.memory_space<vmem>> -> memref<128xf32, #tpu.memory_space<vmem>>
        %dma_start3A_1738 = arith.constant 0 : i32
        %dma_start3A_1739 = tpu.memref_slice %arg5[%add3A_1732, %dma_start3A_1738] : memref<400x128xi32, #tpu.memory_space<vmem>> -> memref<1x128xi32, #tpu.memory_space<vmem>>
        %dma_start3A_1740 = tpu.memref_squeeze %dma_start3A_1739 : memref<1x128xi32, #tpu.memory_space<vmem>> -> memref<128xi32, #tpu.memory_space<vmem>>
        %dma_start3A_1741 = arith.constant 0 : i32
        %dma_start3A_1742 = tpu.memref_slice %arg8[%dma_start3A_1733, %dma_start3A_1741] : memref<1x1000000xf32, #tpu.memory_space<vmem_shared>> -> memref<1x1000000xf32, #tpu.memory_space<vmem_shared>>
        %dma_start3A_1743 = tpu.memref_squeeze %dma_start3A_1742 : memref<1x1000000xf32, #tpu.memory_space<vmem_shared>> -> memref<1000000xf32, #tpu.memory_space<vmem_shared>>
        %dma_start3A_1744 = arith.constant 0 : i32
        %dma_start3A_1745 = tpu.memref_slice %dma_start3A_1743[%dma_start3A_1744] : memref<1000000xf32, #tpu.memory_space<vmem_shared>> -> memref<1000000xf32, #tpu.memory_space<vmem_shared>>
        tpu.enqueue_indirect_dma source(%dma_start3A_1745 : memref<1000000xf32, #tpu.memory_space<vmem_shared>>) target(%dma_start3A_1737 : memref<128xf32, #tpu.memory_space<vmem>>) offsets(%dma_start3A_1740 : memref<128xi32, #tpu.memory_space<vmem>>) semaphore(%arg10 : memref<!tpu.dma_semaphore, #tpu.memory_space<semaphore_mem>>)
        %scan3A_1746 = arith.constant 3 : i32
        %scan3A_1747 = arith.addi %scan3A_1684, %scan3A_1746 : i32
        %mul3A_1748 = arith.constant 1 : i32
        %mul3A_1749 = arith.muli %scan3A_1747, %mul3A_1748 : i32
        %add3A_1750 = arith.constant 0 : i32
        %add3A_1751 = arith.addi %add3A_1750, %mul3A_1749 : i32
        %add3A_1752 = arith.constant 288 : i32
        %add3A_1753 = arith.addi %add3A_1752, %add3A_1751 : i32
        %dma_start3A_1754 = arith.constant 0 : i32
        %dma_start3A_1755 = arith.constant 0 : i32
        %dma_start3A_1756 = arith.constant 0 : i32
        %dma_start3A_1757 = tpu.memref_slice %arg6[%dma_start3A_1755, %add3A_1751, %dma_start3A_1756] : memref<2x48x128xf32, #tpu.memory_space<vmem>> -> memref<1x1x128xf32, #tpu.memory_space<vmem>>
        %dma_start3A_1758 = tpu.memref_squeeze %dma_start3A_1757 : memref<1x1x128xf32, #tpu.memory_space<vmem>> -> memref<128xf32, #tpu.memory_space<vmem>>
        %dma_start3A_1759 = arith.constant 0 : i32
        %dma_start3A_1760 = tpu.memref_slice %arg5[%add3A_1753, %dma_start3A_1759] : memref<400x128xi32, #tpu.memory_space<vmem>> -> memref<1x128xi32, #tpu.memory_space<vmem>>
        %dma_start3A_1761 = tpu.memref_squeeze %dma_start3A_1760 : memref<1x128xi32, #tpu.memory_space<vmem>> -> memref<128xi32, #tpu.memory_space<vmem>>
        %dma_start3A_1762 = arith.constant 0 : i32
        %dma_start3A_1763 = tpu.memref_slice %arg8[%dma_start3A_1754, %dma_start3A_1762] : memref<1x1000000xf32, #tpu.memory_space<vmem_shared>> -> memref<1x1000000xf32, #tpu.memory_space<vmem_shared>>
        %dma_start3A_1764 = tpu.memref_squeeze %dma_start3A_1763 : memref<1x1000000xf32, #tpu.memory_space<vmem_shared>> -> memref<1000000xf32, #tpu.memory_space<vmem_shared>>
        %dma_start3A_1765 = arith.constant 0 : i32
        %dma_start3A_1766 = tpu.memref_slice %dma_start3A_1764[%dma_start3A_1765] : memref<1000000xf32, #tpu.memory_space<vmem_shared>> -> memref<1000000xf32, #tpu.memory_space<vmem_shared>>
        tpu.enqueue_indirect_dma source(%dma_start3A_1766 : memref<1000000xf32, #tpu.memory_space<vmem_shared>>) target(%dma_start3A_1758 : memref<128xf32, #tpu.memory_space<vmem>>) offsets(%dma_start3A_1761 : memref<128xi32, #tpu.memory_space<vmem>>) semaphore(%arg10 : memref<!tpu.dma_semaphore, #tpu.memory_space<semaphore_mem>>)
        %scan3A_1767 = arith.constant 4 : i32
        %scan3A_1768 = arith.addi %scan3A_1684, %scan3A_1767 : i32
        %mul3A_1769 = arith.constant 1 : i32
        %mul3A_1770 = arith.muli %scan3A_1768, %mul3A_1769 : i32
        %add3A_1771 = arith.constant 0 : i32
        %add3A_1772 = arith.addi %add3A_1771, %mul3A_1770 : i32
        %add3A_1773 = arith.constant 288 : i32
        %add3A_1774 = arith.addi %add3A_1773, %add3A_1772 : i32
        %dma_start3A_1775 = arith.constant 0 : i32
        %dma_start3A_1776 = arith.constant 0 : i32
        %dma_start3A_1777 = arith.constant 0 : i32
        %dma_start3A_1778 = tpu.memref_slice %arg6[%dma_start3A_1776, %add3A_1772, %dma_start3A_1777] : memref<2x48x128xf32, #tpu.memory_space<vmem>> -> memref<1x1x128xf32, #tpu.memory_space<vmem>>
        %dma_start3A_1779 = tpu.memref_squeeze %dma_start3A_1778 : memref<1x1x128xf32, #tpu.memory_space<vmem>> -> memref<128xf32, #tpu.memory_space<vmem>>
        %dma_start3A_1780 = arith.constant 0 : i32
        %dma_start3A_1781 = tpu.memref_slice %arg5[%add3A_1774, %dma_start3A_1780] : memref<400x128xi32, #tpu.memory_space<vmem>> -> memref<1x128xi32, #tpu.memory_space<vmem>>
        %dma_start3A_1782 = tpu.memref_squeeze %dma_start3A_1781 : memref<1x128xi32, #tpu.memory_space<vmem>> -> memref<128xi32, #tpu.memory_space<vmem>>
        %dma_start3A_1783 = arith.constant 0 : i32
        %dma_start3A_1784 = tpu.memref_slice %arg8[%dma_start3A_1775, %dma_start3A_1783] : memref<1x1000000xf32, #tpu.memory_space<vmem_shared>> -> memref<1x1000000xf32, #tpu.memory_space<vmem_shared>>
        %dma_start3A_1785 = tpu.memref_squeeze %dma_start3A_1784 : memref<1x1000000xf32, #tpu.memory_space<vmem_shared>> -> memref<1000000xf32, #tpu.memory_space<vmem_shared>>
        %dma_start3A_1786 = arith.constant 0 : i32
        %dma_start3A_1787 = tpu.memref_slice %dma_start3A_1785[%dma_start3A_1786] : memref<1000000xf32, #tpu.memory_space<vmem_shared>> -> memref<1000000xf32, #tpu.memory_space<vmem_shared>>
        tpu.enqueue_indirect_dma source(%dma_start3A_1787 : memref<1000000xf32, #tpu.memory_space<vmem_shared>>) target(%dma_start3A_1779 : memref<128xf32, #tpu.memory_space<vmem>>) offsets(%dma_start3A_1782 : memref<128xi32, #tpu.memory_space<vmem>>) semaphore(%arg10 : memref<!tpu.dma_semaphore, #tpu.memory_space<semaphore_mem>>)
        %scan3A_1788 = arith.constant 5 : i32
        %scan3A_1789 = arith.addi %scan3A_1684, %scan3A_1788 : i32
        %mul3A_1790 = arith.constant 1 : i32
        %mul3A_1791 = arith.muli %scan3A_1789, %mul3A_1790 : i32
        %add3A_1792 = arith.constant 0 : i32
        %add3A_1793 = arith.addi %add3A_1792, %mul3A_1791 : i32
        %add3A_1794 = arith.constant 288 : i32
        %add3A_1795 = arith.addi %add3A_1794, %add3A_1793 : i32
        %dma_start3A_1796 = arith.constant 0 : i32
        %dma_start3A_1797 = arith.constant 0 : i32
        %dma_start3A_1798 = arith.constant 0 : i32
        %dma_start3A_1799 = tpu.memref_slice %arg6[%dma_start3A_1797, %add3A_1793, %dma_start3A_1798] : memref<2x48x128xf32, #tpu.memory_space<vmem>> -> memref<1x1x128xf32, #tpu.memory_space<vmem>>
        %dma_start3A_1800 = tpu.memref_squeeze %dma_start3A_1799 : memref<1x1x128xf32, #tpu.memory_space<vmem>> -> memref<128xf32, #tpu.memory_space<vmem>>
        %dma_start3A_1801 = arith.constant 0 : i32
        %dma_start3A_1802 = tpu.memref_slice %arg5[%add3A_1795, %dma_start3A_1801] : memref<400x128xi32, #tpu.memory_space<vmem>> -> memref<1x128xi32, #tpu.memory_space<vmem>>
        %dma_start3A_1803 = tpu.memref_squeeze %dma_start3A_1802 : memref<1x128xi32, #tpu.memory_space<vmem>> -> memref<128xi32, #tpu.memory_space<vmem>>
        %dma_start3A_1804 = arith.constant 0 : i32
        %dma_start3A_1805 = tpu.memref_slice %arg8[%dma_start3A_1796, %dma_start3A_1804] : memref<1x1000000xf32, #tpu.memory_space<vmem_shared>> -> memref<1x1000000xf32, #tpu.memory_space<vmem_shared>>
        %dma_start3A_1806 = tpu.memref_squeeze %dma_start3A_1805 : memref<1x1000000xf32, #tpu.memory_space<vmem_shared>> -> memref<1000000xf32, #tpu.memory_space<vmem_shared>>
        %dma_start3A_1807 = arith.constant 0 : i32
        %dma_start3A_1808 = tpu.memref_slice %dma_start3A_1806[%dma_start3A_1807] : memref<1000000xf32, #tpu.memory_space<vmem_shared>> -> memref<1000000xf32, #tpu.memory_space<vmem_shared>>
        tpu.enqueue_indirect_dma source(%dma_start3A_1808 : memref<1000000xf32, #tpu.memory_space<vmem_shared>>) target(%dma_start3A_1800 : memref<128xf32, #tpu.memory_space<vmem>>) offsets(%dma_start3A_1803 : memref<128xi32, #tpu.memory_space<vmem>>) semaphore(%arg10 : memref<!tpu.dma_semaphore, #tpu.memory_space<semaphore_mem>>)
        %scan3A_1809 = arith.constant 6 : i32
        %scan3A_1810 = arith.addi %scan3A_1684, %scan3A_1809 : i32
        %mul3A_1811 = arith.constant 1 : i32
        %mul3A_1812 = arith.muli %scan3A_1810, %mul3A_1811 : i32
        %add3A_1813 = arith.constant 0 : i32
        %add3A_1814 = arith.addi %add3A_1813, %mul3A_1812 : i32
        %add3A_1815 = arith.constant 288 : i32
        %add3A_1816 = arith.addi %add3A_1815, %add3A_1814 : i32
        %dma_start3A_1817 = arith.constant 0 : i32
        %dma_start3A_1818 = arith.constant 0 : i32
        %dma_start3A_1819 = arith.constant 0 : i32
        %dma_start3A_1820 = tpu.memref_slice %arg6[%dma_start3A_1818, %add3A_1814, %dma_start3A_1819] : memref<2x48x128xf32, #tpu.memory_space<vmem>> -> memref<1x1x128xf32, #tpu.memory_space<vmem>>
        %dma_start3A_1821 = tpu.memref_squeeze %dma_start3A_1820 : memref<1x1x128xf32, #tpu.memory_space<vmem>> -> memref<128xf32, #tpu.memory_space<vmem>>
        %dma_start3A_1822 = arith.constant 0 : i32
        %dma_start3A_1823 = tpu.memref_slice %arg5[%add3A_1816, %dma_start3A_1822] : memref<400x128xi32, #tpu.memory_space<vmem>> -> memref<1x128xi32, #tpu.memory_space<vmem>>
        %dma_start3A_1824 = tpu.memref_squeeze %dma_start3A_1823 : memref<1x128xi32, #tpu.memory_space<vmem>> -> memref<128xi32, #tpu.memory_space<vmem>>
        %dma_start3A_1825 = arith.constant 0 : i32
        %dma_start3A_1826 = tpu.memref_slice %arg8[%dma_start3A_1817, %dma_start3A_1825] : memref<1x1000000xf32, #tpu.memory_space<vmem_shared>> -> memref<1x1000000xf32, #tpu.memory_space<vmem_shared>>
        %dma_start3A_1827 = tpu.memref_squeeze %dma_start3A_1826 : memref<1x1000000xf32, #tpu.memory_space<vmem_shared>> -> memref<1000000xf32, #tpu.memory_space<vmem_shared>>
        %dma_start3A_1828 = arith.constant 0 : i32
        %dma_start3A_1829 = tpu.memref_slice %dma_start3A_1827[%dma_start3A_1828] : memref<1000000xf32, #tpu.memory_space<vmem_shared>> -> memref<1000000xf32, #tpu.memory_space<vmem_shared>>
        tpu.enqueue_indirect_dma source(%dma_start3A_1829 : memref<1000000xf32, #tpu.memory_space<vmem_shared>>) target(%dma_start3A_1821 : memref<128xf32, #tpu.memory_space<vmem>>) offsets(%dma_start3A_1824 : memref<128xi32, #tpu.memory_space<vmem>>) semaphore(%arg10 : memref<!tpu.dma_semaphore, #tpu.memory_space<semaphore_mem>>)
        %scan3A_1830 = arith.constant 7 : i32
        %scan3A_1831 = arith.addi %scan3A_1684, %scan3A_1830 : i32
        %mul3A_1832 = arith.constant 1 : i32
        %mul3A_1833 = arith.muli %scan3A_1831, %mul3A_1832 : i32
        %add3A_1834 = arith.constant 0 : i32
        %add3A_1835 = arith.addi %add3A_1834, %mul3A_1833 : i32
        %add3A_1836 = arith.constant 288 : i32
        %add3A_1837 = arith.addi %add3A_1836, %add3A_1835 : i32
        %dma_start3A_1838 = arith.constant 0 : i32
        %dma_start3A_1839 = arith.constant 0 : i32
        %dma_start3A_1840 = arith.constant 0 : i32
        %dma_start3A_1841 = tpu.memref_slice %arg6[%dma_start3A_1839, %add3A_1835, %dma_start3A_1840] : memref<2x48x128xf32, #tpu.memory_space<vmem>> -> memref<1x1x128xf32, #tpu.memory_space<vmem>>
        %dma_start3A_1842 = tpu.memref_squeeze %dma_start3A_1841 : memref<1x1x128xf32, #tpu.memory_space<vmem>> -> memref<128xf32, #tpu.memory_space<vmem>>
        %dma_start3A_1843 = arith.constant 0 : i32
        %dma_start3A_1844 = tpu.memref_slice %arg5[%add3A_1837, %dma_start3A_1843] : memref<400x128xi32, #tpu.memory_space<vmem>> -> memref<1x128xi32, #tpu.memory_space<vmem>>
        %dma_start3A_1845 = tpu.memref_squeeze %dma_start3A_1844 : memref<1x128xi32, #tpu.memory_space<vmem>> -> memref<128xi32, #tpu.memory_space<vmem>>
        %dma_start3A_1846 = arith.constant 0 : i32
        %dma_start3A_1847 = tpu.memref_slice %arg8[%dma_start3A_1838, %dma_start3A_1846] : memref<1x1000000xf32, #tpu.memory_space<vmem_shared>> -> memref<1x1000000xf32, #tpu.memory_space<vmem_shared>>
        %dma_start3A_1848 = tpu.memref_squeeze %dma_start3A_1847 : memref<1x1000000xf32, #tpu.memory_space<vmem_shared>> -> memref<1000000xf32, #tpu.memory_space<vmem_shared>>
        %dma_start3A_1849 = arith.constant 0 : i32
        %dma_start3A_1850 = tpu.memref_slice %dma_start3A_1848[%dma_start3A_1849] : memref<1000000xf32, #tpu.memory_space<vmem_shared>> -> memref<1000000xf32, #tpu.memory_space<vmem_shared>>
        tpu.enqueue_indirect_dma source(%dma_start3A_1850 : memref<1000000xf32, #tpu.memory_space<vmem_shared>>) target(%dma_start3A_1842 : memref<128xf32, #tpu.memory_space<vmem>>) offsets(%dma_start3A_1845 : memref<128xi32, #tpu.memory_space<vmem>>) semaphore(%arg10 : memref<!tpu.dma_semaphore, #tpu.memory_space<semaphore_mem>>)
      }
      %scan3A_1144 = arith.constant 48 : i32
      %dma_wait3A_1145 = arith.constant 0 : i32
      %dma_wait3A_1146 = arith.constant 0 : i32
      %dma_wait3A_1147 = arith.constant 0 : i32
      %dma_wait3A_1148 = tpu.memref_slice %arg6[%dma_wait3A_1145, %dma_wait3A_1146, %dma_wait3A_1147] : memref<2x48x128xf32, #tpu.memory_space<vmem>> -> memref<1x48x128xf32, #tpu.memory_space<vmem>>
      %dma_wait3A_1149 = tpu.memref_squeeze %dma_wait3A_1148 : memref<1x48x128xf32, #tpu.memory_space<vmem>> -> memref<48x128xf32, #tpu.memory_space<vmem>>
      %dma_wait3A_1150 = arith.constant 0 : i32
      %dma_wait3A_1151 = arith.constant 0 : i32
      %dma_wait3A_1152 = tpu.memref_slice %arg3[%dma_wait3A_1150, %dma_wait3A_1151] : memref<64x1000000xf32, #tpu.memory_space<hbm>> -> memref<48x128xf32, #tpu.memory_space<hbm>>
      %dma_wait3A_1153 = arith.constant 0 : i32
      %dma_wait3A_1154 = arith.constant 0 : i32
      %dma_wait3A_1155 = tpu.memref_slice %arg6[%dma_wait3A_1145, %dma_wait3A_1153, %dma_wait3A_1154] : memref<2x48x128xf32, #tpu.memory_space<vmem>> -> memref<1x48x128xf32, #tpu.memory_space<vmem>>
      %dma_wait3A_1156 = tpu.memref_squeeze %dma_wait3A_1155 : memref<1x48x128xf32, #tpu.memory_space<vmem>> -> memref<48x128xf32, #tpu.memory_space<vmem>>
      %dma_wait3A_1157 = arith.constant 0 : i32
      %dma_wait3A_1158 = arith.constant 0 : i32
      %dma_wait3A_1159 = tpu.memref_slice %arg3[%dma_wait3A_1157, %dma_wait3A_1158] : memref<64x1000000xf32, #tpu.memory_space<hbm>> -> memref<48x128xf32, #tpu.memory_space<hbm>>
      tpu.wait_dma2 semaphore(%arg10 : memref<!tpu.dma_semaphore, #tpu.memory_space<semaphore_mem>>) src(%dma_wait3A_1159 : memref<48x128xf32, #tpu.memory_space<hbm>>) dst(%dma_wait3A_1156 : memref<48x128xf32, #tpu.memory_space<vmem>>)
      %jit3A_1160 = arith.constant 8 : i32
      %div3A_1161 = arith.divsi %add3A_38, %jit3A_1160 : i32
      %sign3A_1162 = arith.constant 0 : i32
      %sign3A_1163 = arith.cmpi sgt, %add3A_38, %sign3A_1162 : i32
      %sign3A_1164 = arith.extui %sign3A_1163 : i1 to i32
      %sign3A_1165 = arith.constant 0 : i32
      %sign3A_1166 = arith.cmpi slt, %add3A_38, %sign3A_1165 : i32
      %sign3A_1167 = arith.extui %sign3A_1166 : i1 to i32
      %sign3A_1168 = arith.subi %sign3A_1164, %sign3A_1167 : i32
      %sign3A_1169 = arith.constant 0 : i32
      %sign3A_1170 = arith.cmpi sgt, %jit3A_1160, %sign3A_1169 : i32
      %sign3A_1171 = arith.extui %sign3A_1170 : i1 to i32
      %sign3A_1172 = arith.constant 0 : i32
      %sign3A_1173 = arith.cmpi slt, %jit3A_1160, %sign3A_1172 : i32
      %sign3A_1174 = arith.extui %sign3A_1173 : i1 to i32
      %sign3A_1175 = arith.subi %sign3A_1171, %sign3A_1174 : i32
      %ne3A_1176 = arith.cmpi ne, %sign3A_1168, %sign3A_1175 : i32
      %rem3A_1177 = arith.remsi %add3A_38, %jit3A_1160 : i32
      %ne3A_1178 = arith.constant 0 : i32
      %ne3A_1179 = arith.cmpi ne, %rem3A_1177, %ne3A_1178 : i32
      %and3A_1180 = arith.andi %ne3A_1176, %ne3A_1179 : i1
      %sub3A_1181 = arith.constant 1 : i32
      %sub3A_1182 = arith.subi %div3A_1161, %sub3A_1181 : i32
      %select_n3A_1183 = arith.select %and3A_1180, %sub3A_1182, %div3A_1161 : i32
      %mul3A_1184 = arith.constant 256 : i32
      %mul3A_1185 = arith.muli %select_n3A_1183, %mul3A_1184 : i32
      %jit3A_1186 = arith.constant 8 : i32
      %eq3A_1187 = arith.constant 0 : i32
      %eq3A_1188 = arith.cmpi eq, %jit3A_1186, %eq3A_1187 : i32
      %jit3A_1189 = arith.constant 1 : i32
      %select_n3A_1190 = arith.select %eq3A_1188, %jit3A_1189, %jit3A_1186 : i32
      %rem3A_1191 = arith.remsi %add3A_38, %select_n3A_1190 : i32
      %ne3A_1192 = arith.constant 0 : i32
      %ne3A_1193 = arith.cmpi ne, %rem3A_1191, %ne3A_1192 : i32
      %lt3A_1194 = arith.constant 0 : i32
      %lt3A_1195 = arith.cmpi slt, %rem3A_1191, %lt3A_1194 : i32
      %lt3A_1196 = arith.constant 0 : i32
      %lt3A_1197 = arith.cmpi slt, %select_n3A_1190, %lt3A_1196 : i32
      %ne3A_1198 = arith.xori %lt3A_1195, %lt3A_1197 : i1
      %and3A_1199 = arith.andi %ne3A_1198, %ne3A_1193 : i1
      %add3A_1200 = arith.addi %rem3A_1191, %select_n3A_1190 : i32
      %select_n3A_1201 = arith.select %and3A_1199, %add3A_1200, %rem3A_1191 : i32
      %add3A_1202 = arith.addi %mul3A_1185, %select_n3A_1201 : i32
      %mul3A_1203 = arith.constant 2 : i32
      %mul3A_1204 = arith.muli %mul3A_1203, %arg1 : i32
      %mul3A_1205 = arith.constant 8 : i32
      %mul3A_1206 = arith.muli %mul3A_1204, %mul3A_1205 : i32
      %add3A_1207 = arith.addi %add3A_1202, %mul3A_1206 : i32
      %iota3A_1208 = tpu.iota {dimensions = array<i32: 0>} : vector<16xi32>
      %add3A_1209 = arith.constant 288 : i32
      %add3A_1210 = vector.broadcast %add3A_1209 : i32 to vector<16xi32>
      %add3A_1211 = arith.addi %iota3A_1208, %add3A_1210 : vector<16xi32>
      %ge3A_1212 = arith.constant 200 : i32
      %ge3A_1213 = vector.broadcast %ge3A_1212 : i32 to vector<16xi32>
      %ge3A_1214 = arith.cmpi sge, %add3A_1211, %ge3A_1213 : vector<16xi32>
      %jit3A_1215 = arith.constant 1 : i32
      %jit3A_1216 = arith.constant 0 : i32
      %broadcast_in_dim3A_1217 = vector.broadcast %jit3A_1215 : i32 to vector<16xi32>
      %broadcast_in_dim3A_1218 = vector.broadcast %jit3A_1216 : i32 to vector<16xi32>
      %select_n3A_1219 = arith.select %ge3A_1214, %broadcast_in_dim3A_1217, %broadcast_in_dim3A_1218 : vector<16xi1>, vector<16xi32>
      %mul3A_1220 = arith.constant 200 : i32
      %mul3A_1221 = vector.broadcast %mul3A_1220 : i32 to vector<16xi32>
      %mul3A_1222 = arith.muli %select_n3A_1219, %mul3A_1221 : vector<16xi32>
      %sub3A_1223 = arith.subi %add3A_1211, %mul3A_1222 : vector<16xi32>
      %mul3A_1224 = arith.constant 2048 : i32
      %mul3A_1225 = vector.broadcast %mul3A_1224 : i32 to vector<16xi32>
      %mul3A_1226 = arith.muli %sub3A_1223, %mul3A_1225 : vector<16xi32>
      %add3A_1227 = vector.broadcast %add3A_1207 : i32 to vector<16xi32>
      %add3A_1228 = arith.addi %mul3A_1226, %add3A_1227 : vector<16xi32>
      %mul3A_1229 = arith.constant 8 : i32
      %mul3A_1230 = vector.broadcast %mul3A_1229 : i32 to vector<16xi32>
      %mul3A_1231 = arith.muli %select_n3A_1219, %mul3A_1230 : vector<16xi32>
      %add3A_1232 = arith.addi %add3A_1228, %mul3A_1231 : vector<16xi32>
      %swap3A_1233 = arith.constant 6 : i32
      %swap3A_1234 = arith.index_cast %swap3A_1233 : i32 to index
      %swap3A_1235 = arith.constant 0 : index
      %swap3A_1236 = tpu.vector_load %arg7[%swap3A_1234, %swap3A_1235] {strides = array<i32>} : memref<9x48xi32, #tpu.memory_space<vmem>>, vector<1x16xi32>,
      %swap3A_1237 = vector.shape_cast %swap3A_1236 : vector<1x16xi32> to vector<16xi32>
      %swap3A_1238 = vector.shape_cast %add3A_1232 : vector<16xi32> to vector<1x16xi32>
      tpu.vector_store %arg7[%swap3A_1234, %swap3A_1235], %swap3A_1238 {strides = array<i32>} : memref<9x48xi32, #tpu.memory_space<vmem>>, vector<1x16xi32>,
      %iota3A_1239 = tpu.iota {dimensions = array<i32: 0>} : vector<16xi32>
      %add3A_1240 = arith.constant 304 : i32
      %add3A_1241 = vector.broadcast %add3A_1240 : i32 to vector<16xi32>
      %add3A_1242 = arith.addi %iota3A_1239, %add3A_1241 : vector<16xi32>
      %ge3A_1243 = arith.constant 200 : i32
      %ge3A_1244 = vector.broadcast %ge3A_1243 : i32 to vector<16xi32>
      %ge3A_1245 = arith.cmpi sge, %add3A_1242, %ge3A_1244 : vector<16xi32>
      %jit3A_1246 = arith.constant 1 : i32
      %jit3A_1247 = arith.constant 0 : i32
      %broadcast_in_dim3A_1248 = vector.broadcast %jit3A_1246 : i32 to vector<16xi32>
      %broadcast_in_dim3A_1249 = vector.broadcast %jit3A_1247 : i32 to vector<16xi32>
      %select_n3A_1250 = arith.select %ge3A_1245, %broadcast_in_dim3A_1248, %broadcast_in_dim3A_1249 : vector<16xi1>, vector<16xi32>
      %mul3A_1251 = arith.constant 200 : i32
      %mul3A_1252 = vector.broadcast %mul3A_1251 : i32 to vector<16xi32>
      %mul3A_1253 = arith.muli %select_n3A_1250, %mul3A_1252 : vector<16xi32>
      %sub3A_1254 = arith.subi %add3A_1242, %mul3A_1253 : vector<16xi32>
      %mul3A_1255 = arith.constant 2048 : i32
      %mul3A_1256 = vector.broadcast %mul3A_1255 : i32 to vector<16xi32>
      %mul3A_1257 = arith.muli %sub3A_1254, %mul3A_1256 : vector<16xi32>
      %add3A_1258 = vector.broadcast %add3A_1207 : i32 to vector<16xi32>
      %add3A_1259 = arith.addi %mul3A_1257, %add3A_1258 : vector<16xi32>
      %mul3A_1260 = arith.constant 8 : i32
      %mul3A_1261 = vector.broadcast %mul3A_1260 : i32 to vector<16xi32>
      %mul3A_1262 = arith.muli %select_n3A_1250, %mul3A_1261 : vector<16xi32>
      %add3A_1263 = arith.addi %add3A_1259, %mul3A_1262 : vector<16xi32>
      %swap3A_1264 = arith.constant 6 : i32
      %swap3A_1265 = arith.index_cast %swap3A_1264 : i32 to index
      %swap3A_1266 = arith.constant 16 : index
      %swap3A_1267 = tpu.vector_load %arg7[%swap3A_1265, %swap3A_1266] {strides = array<i32>} : memref<9x48xi32, #tpu.memory_space<vmem>>, vector<1x16xi32>,
      %swap3A_1268 = vector.shape_cast %swap3A_1267 : vector<1x16xi32> to vector<16xi32>
      %swap3A_1269 = vector.shape_cast %add3A_1263 : vector<16xi32> to vector<1x16xi32>
      tpu.vector_store %arg7[%swap3A_1265, %swap3A_1266], %swap3A_1269 {strides = array<i32>} : memref<9x48xi32, #tpu.memory_space<vmem>>, vector<1x16xi32>,
      %iota3A_1270 = tpu.iota {dimensions = array<i32: 0>} : vector<16xi32>
      %add3A_1271 = arith.constant 320 : i32
      %add3A_1272 = vector.broadcast %add3A_1271 : i32 to vector<16xi32>
      %add3A_1273 = arith.addi %iota3A_1270, %add3A_1272 : vector<16xi32>
      %ge3A_1274 = arith.constant 200 : i32
      %ge3A_1275 = vector.broadcast %ge3A_1274 : i32 to vector<16xi32>
      %ge3A_1276 = arith.cmpi sge, %add3A_1273, %ge3A_1275 : vector<16xi32>
      %jit3A_1277 = arith.constant 1 : i32
      %jit3A_1278 = arith.constant 0 : i32
      %broadcast_in_dim3A_1279 = vector.broadcast %jit3A_1277 : i32 to vector<16xi32>
      %broadcast_in_dim3A_1280 = vector.broadcast %jit3A_1278 : i32 to vector<16xi32>
      %select_n3A_1281 = arith.select %ge3A_1276, %broadcast_in_dim3A_1279, %broadcast_in_dim3A_1280 : vector<16xi1>, vector<16xi32>
      %mul3A_1282 = arith.constant 200 : i32
      %mul3A_1283 = vector.broadcast %mul3A_1282 : i32 to vector<16xi32>
      %mul3A_1284 = arith.muli %select_n3A_1281, %mul3A_1283 : vector<16xi32>
      %sub3A_1285 = arith.subi %add3A_1273, %mul3A_1284 : vector<16xi32>
      %mul3A_1286 = arith.constant 2048 : i32
      %mul3A_1287 = vector.broadcast %mul3A_1286 : i32 to vector<16xi32>
      %mul3A_1288 = arith.muli %sub3A_1285, %mul3A_1287 : vector<16xi32>
      %add3A_1289 = vector.broadcast %add3A_1207 : i32 to vector<16xi32>
      %add3A_1290 = arith.addi %mul3A_1288, %add3A_1289 : vector<16xi32>
      %mul3A_1291 = arith.constant 8 : i32
      %mul3A_1292 = vector.broadcast %mul3A_1291 : i32 to vector<16xi32>
      %mul3A_1293 = arith.muli %select_n3A_1281, %mul3A_1292 : vector<16xi32>
      %add3A_1294 = arith.addi %add3A_1290, %mul3A_1293 : vector<16xi32>
      %swap3A_1295 = arith.constant 6 : i32
      %swap3A_1296 = arith.index_cast %swap3A_1295 : i32 to index
      %swap3A_1297 = arith.constant 32 : index
      %swap3A_1298 = tpu.vector_load %arg7[%swap3A_1296, %swap3A_1297] {strides = array<i32>} : memref<9x48xi32, #tpu.memory_space<vmem>>, vector<1x16xi32>,
      %swap3A_1299 = vector.shape_cast %swap3A_1298 : vector<1x16xi32> to vector<16xi32>
      %swap3A_1300 = vector.shape_cast %add3A_1294 : vector<16xi32> to vector<1x16xi32>
      tpu.vector_store %arg7[%swap3A_1296, %swap3A_1297], %swap3A_1300 {strides = array<i32>} : memref<9x48xi32, #tpu.memory_space<vmem>>, vector<1x16xi32>,
      %dma_start3A_1301 = arith.constant 0 : i32
      %dma_start3A_1302 = arith.constant 6 : i32
      %dma_start3A_1303 = arith.constant 0 : i32
      %dma_start3A_1304 = arith.constant 0 : i32
      %dma_start3A_1305 = tpu.memref_slice %arg6[%dma_start3A_1301, %dma_start3A_1303, %dma_start3A_1304] : memref<2x48x128xf32, #tpu.memory_space<vmem>> -> memref<1x48x128xf32, #tpu.memory_space<vmem>>
      %dma_start3A_1306 = tpu.memref_squeeze %dma_start3A_1305 : memref<1x48x128xf32, #tpu.memory_space<vmem>> -> memref<48x128xf32, #tpu.memory_space<vmem>>
      %dma_start3A_1307 = arith.constant 0 : i32
      %dma_start3A_1308 = tpu.memref_slice %arg7[%dma_start3A_1302, %dma_start3A_1307] : memref<9x48xi32, #tpu.memory_space<vmem>> -> memref<1x48xi32, #tpu.memory_space<vmem>>
      %dma_start3A_1309 = tpu.memref_squeeze %dma_start3A_1308 : memref<1x48xi32, #tpu.memory_space<vmem>> -> memref<48xi32, #tpu.memory_space<vmem>>
      %dma_start3A_1310 = arith.constant 0 : i32
      %dma_start3A_1311 = arith.constant 0 : i32
      %dma_start3A_1312 = tpu.memref_slice %arg4[%dma_start3A_1310, %dma_start3A_1311] : memref<409600x128xf32, #tpu.memory_space<hbm>> -> memref<409600x128xf32, #tpu.memory_space<hbm>>
      tpu.enqueue_indirect_dma source(%dma_start3A_1306 : memref<48x128xf32, #tpu.memory_space<vmem>>) target(%dma_start3A_1312 : memref<409600x128xf32, #tpu.memory_space<hbm>>) offsets(%dma_start3A_1309 : memref<48xi32, #tpu.memory_space<vmem>>) semaphore(%arg11 : memref<!tpu.dma_semaphore, #tpu.memory_space<semaphore_mem>>)
      %dma_wait3A_1313 = arith.constant 1 : i32
      %dma_wait3A_1314 = arith.constant 5 : i32
      %dma_wait3A_1315 = arith.constant 0 : i32
      %dma_wait3A_1316 = arith.constant 0 : i32
      %dma_wait3A_1317 = tpu.memref_slice %arg6[%dma_wait3A_1313, %dma_wait3A_1315, %dma_wait3A_1316] : memref<2x48x128xf32, #tpu.memory_space<vmem>> -> memref<1x48x128xf32, #tpu.memory_space<vmem>>
      %dma_wait3A_1318 = tpu.memref_squeeze %dma_wait3A_1317 : memref<1x48x128xf32, #tpu.memory_space<vmem>> -> memref<48x128xf32, #tpu.memory_space<vmem>>
      %dma_wait3A_1319 = arith.constant 0 : i32
      %dma_wait3A_1320 = tpu.memref_slice %arg7[%dma_wait3A_1314, %dma_wait3A_1319] : memref<9x48xi32, #tpu.memory_space<vmem>> -> memref<1x48xi32, #tpu.memory_space<vmem>>
      %dma_wait3A_1321 = tpu.memref_squeeze %dma_wait3A_1320 : memref<1x48xi32, #tpu.memory_space<vmem>> -> memref<48xi32, #tpu.memory_space<vmem>>
      %dma_wait3A_1322 = arith.constant 0 : i32
      %dma_wait3A_1323 = arith.constant 0 : i32
      %dma_wait3A_1324 = tpu.memref_slice %arg4[%dma_wait3A_1322, %dma_wait3A_1323] : memref<409600x128xf32, #tpu.memory_space<hbm>> -> memref<409600x128xf32, #tpu.memory_space<hbm>>
      tpu.wait_indirect_dma semaphore(%arg12 : memref<!tpu.dma_semaphore, #tpu.memory_space<semaphore_mem>>) src(%dma_wait3A_1318 : memref<48x128xf32, #tpu.memory_space<vmem>>) dst(%dma_wait3A_1324 : memref<409600x128xf32, #tpu.memory_space<hbm>>)
      %scan3A_1325 = arith.constant 0 : i32
      %scan3A_1326 = arith.constant 48 : i32
      %scan3A_1327 = arith.addi %scan3A_1325, %scan3A_1326 : i32
      %scan3A_1328 = arith.constant 8 : i32
      scf.for %scan3A_1684 = %scan3A_1325 to %scan3A_1327 step %scan3A_1328  : i32 {
        %mul3A_1685 = arith.constant 1 : i32
        %mul3A_1686 = arith.muli %scan3A_1684, %mul3A_1685 : i32
        %add3A_1687 = arith.constant 0 : i32
        %add3A_1688 = arith.addi %add3A_1687, %mul3A_1686 : i32
        %add3A_1689 = arith.constant 336 : i32
        %add3A_1690 = arith.addi %add3A_1689, %add3A_1688 : i32
        %dma_start3A_1691 = arith.constant 0 : i32
        %dma_start3A_1692 = arith.constant 1 : i32
        %dma_start3A_1693 = arith.constant 0 : i32
        %dma_start3A_1694 = tpu.memref_slice %arg6[%dma_start3A_1692, %add3A_1688, %dma_start3A_1693] : memref<2x48x128xf32, #tpu.memory_space<vmem>> -> memref<1x1x128xf32, #tpu.memory_space<vmem>>
        %dma_start3A_1695 = tpu.memref_squeeze %dma_start3A_1694 : memref<1x1x128xf32, #tpu.memory_space<vmem>> -> memref<128xf32, #tpu.memory_space<vmem>>
        %dma_start3A_1696 = arith.constant 0 : i32
        %dma_start3A_1697 = tpu.memref_slice %arg5[%add3A_1690, %dma_start3A_1696] : memref<400x128xi32, #tpu.memory_space<vmem>> -> memref<1x128xi32, #tpu.memory_space<vmem>>
        %dma_start3A_1698 = tpu.memref_squeeze %dma_start3A_1697 : memref<1x128xi32, #tpu.memory_space<vmem>> -> memref<128xi32, #tpu.memory_space<vmem>>
        %dma_start3A_1699 = arith.constant 0 : i32
        %dma_start3A_1700 = tpu.memref_slice %arg8[%dma_start3A_1691, %dma_start3A_1699] : memref<1x1000000xf32, #tpu.memory_space<vmem_shared>> -> memref<1x1000000xf32, #tpu.memory_space<vmem_shared>>
        %dma_start3A_1701 = tpu.memref_squeeze %dma_start3A_1700 : memref<1x1000000xf32, #tpu.memory_space<vmem_shared>> -> memref<1000000xf32, #tpu.memory_space<vmem_shared>>
        %dma_start3A_1702 = arith.constant 0 : i32
        %dma_start3A_1703 = tpu.memref_slice %dma_start3A_1701[%dma_start3A_1702] : memref<1000000xf32, #tpu.memory_space<vmem_shared>> -> memref<1000000xf32, #tpu.memory_space<vmem_shared>>
        tpu.enqueue_indirect_dma source(%dma_start3A_1703 : memref<1000000xf32, #tpu.memory_space<vmem_shared>>) target(%dma_start3A_1695 : memref<128xf32, #tpu.memory_space<vmem>>) offsets(%dma_start3A_1698 : memref<128xi32, #tpu.memory_space<vmem>>) semaphore(%arg10 : memref<!tpu.dma_semaphore, #tpu.memory_space<semaphore_mem>>)
        %scan3A_1704 = arith.constant 1 : i32
        %scan3A_1705 = arith.addi %scan3A_1684, %scan3A_1704 : i32
        %mul3A_1706 = arith.constant 1 : i32
        %mul3A_1707 = arith.muli %scan3A_1705, %mul3A_1706 : i32
        %add3A_1708 = arith.constant 0 : i32
        %add3A_1709 = arith.addi %add3A_1708, %mul3A_1707 : i32
        %add3A_1710 = arith.constant 336 : i32
        %add3A_1711 = arith.addi %add3A_1710, %add3A_1709 : i32
        %dma_start3A_1712 = arith.constant 0 : i32
        %dma_start3A_1713 = arith.constant 1 : i32
        %dma_start3A_1714 = arith.constant 0 : i32
        %dma_start3A_1715 = tpu.memref_slice %arg6[%dma_start3A_1713, %add3A_1709, %dma_start3A_1714] : memref<2x48x128xf32, #tpu.memory_space<vmem>> -> memref<1x1x128xf32, #tpu.memory_space<vmem>>
        %dma_start3A_1716 = tpu.memref_squeeze %dma_start3A_1715 : memref<1x1x128xf32, #tpu.memory_space<vmem>> -> memref<128xf32, #tpu.memory_space<vmem>>
        %dma_start3A_1717 = arith.constant 0 : i32
        %dma_start3A_1718 = tpu.memref_slice %arg5[%add3A_1711, %dma_start3A_1717] : memref<400x128xi32, #tpu.memory_space<vmem>> -> memref<1x128xi32, #tpu.memory_space<vmem>>
        %dma_start3A_1719 = tpu.memref_squeeze %dma_start3A_1718 : memref<1x128xi32, #tpu.memory_space<vmem>> -> memref<128xi32, #tpu.memory_space<vmem>>
        %dma_start3A_1720 = arith.constant 0 : i32
        %dma_start3A_1721 = tpu.memref_slice %arg8[%dma_start3A_1712, %dma_start3A_1720] : memref<1x1000000xf32, #tpu.memory_space<vmem_shared>> -> memref<1x1000000xf32, #tpu.memory_space<vmem_shared>>
        %dma_start3A_1722 = tpu.memref_squeeze %dma_start3A_1721 : memref<1x1000000xf32, #tpu.memory_space<vmem_shared>> -> memref<1000000xf32, #tpu.memory_space<vmem_shared>>
        %dma_start3A_1723 = arith.constant 0 : i32
        %dma_start3A_1724 = tpu.memref_slice %dma_start3A_1722[%dma_start3A_1723] : memref<1000000xf32, #tpu.memory_space<vmem_shared>> -> memref<1000000xf32, #tpu.memory_space<vmem_shared>>
        tpu.enqueue_indirect_dma source(%dma_start3A_1724 : memref<1000000xf32, #tpu.memory_space<vmem_shared>>) target(%dma_start3A_1716 : memref<128xf32, #tpu.memory_space<vmem>>) offsets(%dma_start3A_1719 : memref<128xi32, #tpu.memory_space<vmem>>) semaphore(%arg10 : memref<!tpu.dma_semaphore, #tpu.memory_space<semaphore_mem>>)
        %scan3A_1725 = arith.constant 2 : i32
        %scan3A_1726 = arith.addi %scan3A_1684, %scan3A_1725 : i32
        %mul3A_1727 = arith.constant 1 : i32
        %mul3A_1728 = arith.muli %scan3A_1726, %mul3A_1727 : i32
        %add3A_1729 = arith.constant 0 : i32
        %add3A_1730 = arith.addi %add3A_1729, %mul3A_1728 : i32
        %add3A_1731 = arith.constant 336 : i32
        %add3A_1732 = arith.addi %add3A_1731, %add3A_1730 : i32
        %dma_start3A_1733 = arith.constant 0 : i32
        %dma_start3A_1734 = arith.constant 1 : i32
        %dma_start3A_1735 = arith.constant 0 : i32
        %dma_start3A_1736 = tpu.memref_slice %arg6[%dma_start3A_1734, %add3A_1730, %dma_start3A_1735] : memref<2x48x128xf32, #tpu.memory_space<vmem>> -> memref<1x1x128xf32, #tpu.memory_space<vmem>>
        %dma_start3A_1737 = tpu.memref_squeeze %dma_start3A_1736 : memref<1x1x128xf32, #tpu.memory_space<vmem>> -> memref<128xf32, #tpu.memory_space<vmem>>
        %dma_start3A_1738 = arith.constant 0 : i32
        %dma_start3A_1739 = tpu.memref_slice %arg5[%add3A_1732, %dma_start3A_1738] : memref<400x128xi32, #tpu.memory_space<vmem>> -> memref<1x128xi32, #tpu.memory_space<vmem>>
        %dma_start3A_1740 = tpu.memref_squeeze %dma_start3A_1739 : memref<1x128xi32, #tpu.memory_space<vmem>> -> memref<128xi32, #tpu.memory_space<vmem>>
        %dma_start3A_1741 = arith.constant 0 : i32
        %dma_start3A_1742 = tpu.memref_slice %arg8[%dma_start3A_1733, %dma_start3A_1741] : memref<1x1000000xf32, #tpu.memory_space<vmem_shared>> -> memref<1x1000000xf32, #tpu.memory_space<vmem_shared>>
        %dma_start3A_1743 = tpu.memref_squeeze %dma_start3A_1742 : memref<1x1000000xf32, #tpu.memory_space<vmem_shared>> -> memref<1000000xf32, #tpu.memory_space<vmem_shared>>
        %dma_start3A_1744 = arith.constant 0 : i32
        %dma_start3A_1745 = tpu.memref_slice %dma_start3A_1743[%dma_start3A_1744] : memref<1000000xf32, #tpu.memory_space<vmem_shared>> -> memref<1000000xf32, #tpu.memory_space<vmem_shared>>
        tpu.enqueue_indirect_dma source(%dma_start3A_1745 : memref<1000000xf32, #tpu.memory_space<vmem_shared>>) target(%dma_start3A_1737 : memref<128xf32, #tpu.memory_space<vmem>>) offsets(%dma_start3A_1740 : memref<128xi32, #tpu.memory_space<vmem>>) semaphore(%arg10 : memref<!tpu.dma_semaphore, #tpu.memory_space<semaphore_mem>>)
        %scan3A_1746 = arith.constant 3 : i32
        %scan3A_1747 = arith.addi %scan3A_1684, %scan3A_1746 : i32
        %mul3A_1748 = arith.constant 1 : i32
        %mul3A_1749 = arith.muli %scan3A_1747, %mul3A_1748 : i32
        %add3A_1750 = arith.constant 0 : i32
        %add3A_1751 = arith.addi %add3A_1750, %mul3A_1749 : i32
        %add3A_1752 = arith.constant 336 : i32
        %add3A_1753 = arith.addi %add3A_1752, %add3A_1751 : i32
        %dma_start3A_1754 = arith.constant 0 : i32
        %dma_start3A_1755 = arith.constant 1 : i32
        %dma_start3A_1756 = arith.constant 0 : i32
        %dma_start3A_1757 = tpu.memref_slice %arg6[%dma_start3A_1755, %add3A_1751, %dma_start3A_1756] : memref<2x48x128xf32, #tpu.memory_space<vmem>> -> memref<1x1x128xf32, #tpu.memory_space<vmem>>
        %dma_start3A_1758 = tpu.memref_squeeze %dma_start3A_1757 : memref<1x1x128xf32, #tpu.memory_space<vmem>> -> memref<128xf32, #tpu.memory_space<vmem>>
        %dma_start3A_1759 = arith.constant 0 : i32
        %dma_start3A_1760 = tpu.memref_slice %arg5[%add3A_1753, %dma_start3A_1759] : memref<400x128xi32, #tpu.memory_space<vmem>> -> memref<1x128xi32, #tpu.memory_space<vmem>>
        %dma_start3A_1761 = tpu.memref_squeeze %dma_start3A_1760 : memref<1x128xi32, #tpu.memory_space<vmem>> -> memref<128xi32, #tpu.memory_space<vmem>>
        %dma_start3A_1762 = arith.constant 0 : i32
        %dma_start3A_1763 = tpu.memref_slice %arg8[%dma_start3A_1754, %dma_start3A_1762] : memref<1x1000000xf32, #tpu.memory_space<vmem_shared>> -> memref<1x1000000xf32, #tpu.memory_space<vmem_shared>>
        %dma_start3A_1764 = tpu.memref_squeeze %dma_start3A_1763 : memref<1x1000000xf32, #tpu.memory_space<vmem_shared>> -> memref<1000000xf32, #tpu.memory_space<vmem_shared>>
        %dma_start3A_1765 = arith.constant 0 : i32
        %dma_start3A_1766 = tpu.memref_slice %dma_start3A_1764[%dma_start3A_1765] : memref<1000000xf32, #tpu.memory_space<vmem_shared>> -> memref<1000000xf32, #tpu.memory_space<vmem_shared>>
        tpu.enqueue_indirect_dma source(%dma_start3A_1766 : memref<1000000xf32, #tpu.memory_space<vmem_shared>>) target(%dma_start3A_1758 : memref<128xf32, #tpu.memory_space<vmem>>) offsets(%dma_start3A_1761 : memref<128xi32, #tpu.memory_space<vmem>>) semaphore(%arg10 : memref<!tpu.dma_semaphore, #tpu.memory_space<semaphore_mem>>)
        %scan3A_1767 = arith.constant 4 : i32
        %scan3A_1768 = arith.addi %scan3A_1684, %scan3A_1767 : i32
        %mul3A_1769 = arith.constant 1 : i32
        %mul3A_1770 = arith.muli %scan3A_1768, %mul3A_1769 : i32
        %add3A_1771 = arith.constant 0 : i32
        %add3A_1772 = arith.addi %add3A_1771, %mul3A_1770 : i32
        %add3A_1773 = arith.constant 336 : i32
        %add3A_1774 = arith.addi %add3A_1773, %add3A_1772 : i32
        %dma_start3A_1775 = arith.constant 0 : i32
        %dma_start3A_1776 = arith.constant 1 : i32
        %dma_start3A_1777 = arith.constant 0 : i32
        %dma_start3A_1778 = tpu.memref_slice %arg6[%dma_start3A_1776, %add3A_1772, %dma_start3A_1777] : memref<2x48x128xf32, #tpu.memory_space<vmem>> -> memref<1x1x128xf32, #tpu.memory_space<vmem>>
        %dma_start3A_1779 = tpu.memref_squeeze %dma_start3A_1778 : memref<1x1x128xf32, #tpu.memory_space<vmem>> -> memref<128xf32, #tpu.memory_space<vmem>>
        %dma_start3A_1780 = arith.constant 0 : i32
        %dma_start3A_1781 = tpu.memref_slice %arg5[%add3A_1774, %dma_start3A_1780] : memref<400x128xi32, #tpu.memory_space<vmem>> -> memref<1x128xi32, #tpu.memory_space<vmem>>
        %dma_start3A_1782 = tpu.memref_squeeze %dma_start3A_1781 : memref<1x128xi32, #tpu.memory_space<vmem>> -> memref<128xi32, #tpu.memory_space<vmem>>
        %dma_start3A_1783 = arith.constant 0 : i32
        %dma_start3A_1784 = tpu.memref_slice %arg8[%dma_start3A_1775, %dma_start3A_1783] : memref<1x1000000xf32, #tpu.memory_space<vmem_shared>> -> memref<1x1000000xf32, #tpu.memory_space<vmem_shared>>
        %dma_start3A_1785 = tpu.memref_squeeze %dma_start3A_1784 : memref<1x1000000xf32, #tpu.memory_space<vmem_shared>> -> memref<1000000xf32, #tpu.memory_space<vmem_shared>>
        %dma_start3A_1786 = arith.constant 0 : i32
        %dma_start3A_1787 = tpu.memref_slice %dma_start3A_1785[%dma_start3A_1786] : memref<1000000xf32, #tpu.memory_space<vmem_shared>> -> memref<1000000xf32, #tpu.memory_space<vmem_shared>>
        tpu.enqueue_indirect_dma source(%dma_start3A_1787 : memref<1000000xf32, #tpu.memory_space<vmem_shared>>) target(%dma_start3A_1779 : memref<128xf32, #tpu.memory_space<vmem>>) offsets(%dma_start3A_1782 : memref<128xi32, #tpu.memory_space<vmem>>) semaphore(%arg10 : memref<!tpu.dma_semaphore, #tpu.memory_space<semaphore_mem>>)
        %scan3A_1788 = arith.constant 5 : i32
        %scan3A_1789 = arith.addi %scan3A_1684, %scan3A_1788 : i32
        %mul3A_1790 = arith.constant 1 : i32
        %mul3A_1791 = arith.muli %scan3A_1789, %mul3A_1790 : i32
        %add3A_1792 = arith.constant 0 : i32
        %add3A_1793 = arith.addi %add3A_1792, %mul3A_1791 : i32
        %add3A_1794 = arith.constant 336 : i32
        %add3A_1795 = arith.addi %add3A_1794, %add3A_1793 : i32
        %dma_start3A_1796 = arith.constant 0 : i32
        %dma_start3A_1797 = arith.constant 1 : i32
        %dma_start3A_1798 = arith.constant 0 : i32
        %dma_start3A_1799 = tpu.memref_slice %arg6[%dma_start3A_1797, %add3A_1793, %dma_start3A_1798] : memref<2x48x128xf32, #tpu.memory_space<vmem>> -> memref<1x1x128xf32, #tpu.memory_space<vmem>>
        %dma_start3A_1800 = tpu.memref_squeeze %dma_start3A_1799 : memref<1x1x128xf32, #tpu.memory_space<vmem>> -> memref<128xf32, #tpu.memory_space<vmem>>
        %dma_start3A_1801 = arith.constant 0 : i32
        %dma_start3A_1802 = tpu.memref_slice %arg5[%add3A_1795, %dma_start3A_1801] : memref<400x128xi32, #tpu.memory_space<vmem>> -> memref<1x128xi32, #tpu.memory_space<vmem>>
        %dma_start3A_1803 = tpu.memref_squeeze %dma_start3A_1802 : memref<1x128xi32, #tpu.memory_space<vmem>> -> memref<128xi32, #tpu.memory_space<vmem>>
        %dma_start3A_1804 = arith.constant 0 : i32
        %dma_start3A_1805 = tpu.memref_slice %arg8[%dma_start3A_1796, %dma_start3A_1804] : memref<1x1000000xf32, #tpu.memory_space<vmem_shared>> -> memref<1x1000000xf32, #tpu.memory_space<vmem_shared>>
        %dma_start3A_1806 = tpu.memref_squeeze %dma_start3A_1805 : memref<1x1000000xf32, #tpu.memory_space<vmem_shared>> -> memref<1000000xf32, #tpu.memory_space<vmem_shared>>
        %dma_start3A_1807 = arith.constant 0 : i32
        %dma_start3A_1808 = tpu.memref_slice %dma_start3A_1806[%dma_start3A_1807] : memref<1000000xf32, #tpu.memory_space<vmem_shared>> -> memref<1000000xf32, #tpu.memory_space<vmem_shared>>
        tpu.enqueue_indirect_dma source(%dma_start3A_1808 : memref<1000000xf32, #tpu.memory_space<vmem_shared>>) target(%dma_start3A_1800 : memref<128xf32, #tpu.memory_space<vmem>>) offsets(%dma_start3A_1803 : memref<128xi32, #tpu.memory_space<vmem>>) semaphore(%arg10 : memref<!tpu.dma_semaphore, #tpu.memory_space<semaphore_mem>>)
        %scan3A_1809 = arith.constant 6 : i32
        %scan3A_1810 = arith.addi %scan3A_1684, %scan3A_1809 : i32
        %mul3A_1811 = arith.constant 1 : i32
        %mul3A_1812 = arith.muli %scan3A_1810, %mul3A_1811 : i32
        %add3A_1813 = arith.constant 0 : i32
        %add3A_1814 = arith.addi %add3A_1813, %mul3A_1812 : i32
        %add3A_1815 = arith.constant 336 : i32
        %add3A_1816 = arith.addi %add3A_1815, %add3A_1814 : i32
        %dma_start3A_1817 = arith.constant 0 : i32
        %dma_start3A_1818 = arith.constant 1 : i32
        %dma_start3A_1819 = arith.constant 0 : i32
        %dma_start3A_1820 = tpu.memref_slice %arg6[%dma_start3A_1818, %add3A_1814, %dma_start3A_1819] : memref<2x48x128xf32, #tpu.memory_space<vmem>> -> memref<1x1x128xf32, #tpu.memory_space<vmem>>
        %dma_start3A_1821 = tpu.memref_squeeze %dma_start3A_1820 : memref<1x1x128xf32, #tpu.memory_space<vmem>> -> memref<128xf32, #tpu.memory_space<vmem>>
        %dma_start3A_1822 = arith.constant 0 : i32
        %dma_start3A_1823 = tpu.memref_slice %arg5[%add3A_1816, %dma_start3A_1822] : memref<400x128xi32, #tpu.memory_space<vmem>> -> memref<1x128xi32, #tpu.memory_space<vmem>>
        %dma_start3A_1824 = tpu.memref_squeeze %dma_start3A_1823 : memref<1x128xi32, #tpu.memory_space<vmem>> -> memref<128xi32, #tpu.memory_space<vmem>>
        %dma_start3A_1825 = arith.constant 0 : i32
        %dma_start3A_1826 = tpu.memref_slice %arg8[%dma_start3A_1817, %dma_start3A_1825] : memref<1x1000000xf32, #tpu.memory_space<vmem_shared>> -> memref<1x1000000xf32, #tpu.memory_space<vmem_shared>>
        %dma_start3A_1827 = tpu.memref_squeeze %dma_start3A_1826 : memref<1x1000000xf32, #tpu.memory_space<vmem_shared>> -> memref<1000000xf32, #tpu.memory_space<vmem_shared>>
        %dma_start3A_1828 = arith.constant 0 : i32
        %dma_start3A_1829 = tpu.memref_slice %dma_start3A_1827[%dma_start3A_1828] : memref<1000000xf32, #tpu.memory_space<vmem_shared>> -> memref<1000000xf32, #tpu.memory_space<vmem_shared>>
        tpu.enqueue_indirect_dma source(%dma_start3A_1829 : memref<1000000xf32, #tpu.memory_space<vmem_shared>>) target(%dma_start3A_1821 : memref<128xf32, #tpu.memory_space<vmem>>) offsets(%dma_start3A_1824 : memref<128xi32, #tpu.memory_space<vmem>>) semaphore(%arg10 : memref<!tpu.dma_semaphore, #tpu.memory_space<semaphore_mem>>)
        %scan3A_1830 = arith.constant 7 : i32
        %scan3A_1831 = arith.addi %scan3A_1684, %scan3A_1830 : i32
        %mul3A_1832 = arith.constant 1 : i32
        %mul3A_1833 = arith.muli %scan3A_1831, %mul3A_1832 : i32
        %add3A_1834 = arith.constant 0 : i32
        %add3A_1835 = arith.addi %add3A_1834, %mul3A_1833 : i32
        %add3A_1836 = arith.constant 336 : i32
        %add3A_1837 = arith.addi %add3A_1836, %add3A_1835 : i32
        %dma_start3A_1838 = arith.constant 0 : i32
        %dma_start3A_1839 = arith.constant 1 : i32
        %dma_start3A_1840 = arith.constant 0 : i32
        %dma_start3A_1841 = tpu.memref_slice %arg6[%dma_start3A_1839, %add3A_1835, %dma_start3A_1840] : memref<2x48x128xf32, #tpu.memory_space<vmem>> -> memref<1x1x128xf32, #tpu.memory_space<vmem>>
        %dma_start3A_1842 = tpu.memref_squeeze %dma_start3A_1841 : memref<1x1x128xf32, #tpu.memory_space<vmem>> -> memref<128xf32, #tpu.memory_space<vmem>>
        %dma_start3A_1843 = arith.constant 0 : i32
        %dma_start3A_1844 = tpu.memref_slice %arg5[%add3A_1837, %dma_start3A_1843] : memref<400x128xi32, #tpu.memory_space<vmem>> -> memref<1x128xi32, #tpu.memory_space<vmem>>
        %dma_start3A_1845 = tpu.memref_squeeze %dma_start3A_1844 : memref<1x128xi32, #tpu.memory_space<vmem>> -> memref<128xi32, #tpu.memory_space<vmem>>
        %dma_start3A_1846 = arith.constant 0 : i32
        %dma_start3A_1847 = tpu.memref_slice %arg8[%dma_start3A_1838, %dma_start3A_1846] : memref<1x1000000xf32, #tpu.memory_space<vmem_shared>> -> memref<1x1000000xf32, #tpu.memory_space<vmem_shared>>
        %dma_start3A_1848 = tpu.memref_squeeze %dma_start3A_1847 : memref<1x1000000xf32, #tpu.memory_space<vmem_shared>> -> memref<1000000xf32, #tpu.memory_space<vmem_shared>>
        %dma_start3A_1849 = arith.constant 0 : i32
        %dma_start3A_1850 = tpu.memref_slice %dma_start3A_1848[%dma_start3A_1849] : memref<1000000xf32, #tpu.memory_space<vmem_shared>> -> memref<1000000xf32, #tpu.memory_space<vmem_shared>>
        tpu.enqueue_indirect_dma source(%dma_start3A_1850 : memref<1000000xf32, #tpu.memory_space<vmem_shared>>) target(%dma_start3A_1842 : memref<128xf32, #tpu.memory_space<vmem>>) offsets(%dma_start3A_1845 : memref<128xi32, #tpu.memory_space<vmem>>) semaphore(%arg10 : memref<!tpu.dma_semaphore, #tpu.memory_space<semaphore_mem>>)
      }
      %scan3A_1329 = arith.constant 48 : i32
      %dma_wait3A_1330 = arith.constant 1 : i32
      %dma_wait3A_1331 = arith.constant 0 : i32
      %dma_wait3A_1332 = arith.constant 0 : i32
      %dma_wait3A_1333 = tpu.memref_slice %arg6[%dma_wait3A_1330, %dma_wait3A_1331, %dma_wait3A_1332] : memref<2x48x128xf32, #tpu.memory_space<vmem>> -> memref<1x48x128xf32, #tpu.memory_space<vmem>>
      %dma_wait3A_1334 = tpu.memref_squeeze %dma_wait3A_1333 : memref<1x48x128xf32, #tpu.memory_space<vmem>> -> memref<48x128xf32, #tpu.memory_space<vmem>>
      %dma_wait3A_1335 = arith.constant 0 : i32
      %dma_wait3A_1336 = arith.constant 0 : i32
      %dma_wait3A_1337 = tpu.memref_slice %arg3[%dma_wait3A_1335, %dma_wait3A_1336] : memref<64x1000000xf32, #tpu.memory_space<hbm>> -> memref<48x128xf32, #tpu.memory_space<hbm>>
      %dma_wait3A_1338 = arith.constant 0 : i32
      %dma_wait3A_1339 = arith.constant 0 : i32
      %dma_wait3A_1340 = tpu.memref_slice %arg6[%dma_wait3A_1330, %dma_wait3A_1338, %dma_wait3A_1339] : memref<2x48x128xf32, #tpu.memory_space<vmem>> -> memref<1x48x128xf32, #tpu.memory_space<vmem>>
      %dma_wait3A_1341 = tpu.memref_squeeze %dma_wait3A_1340 : memref<1x48x128xf32, #tpu.memory_space<vmem>> -> memref<48x128xf32, #tpu.memory_space<vmem>>
      %dma_wait3A_1342 = arith.constant 0 : i32
      %dma_wait3A_1343 = arith.constant 0 : i32
      %dma_wait3A_1344 = tpu.memref_slice %arg3[%dma_wait3A_1342, %dma_wait3A_1343] : memref<64x1000000xf32, #tpu.memory_space<hbm>> -> memref<48x128xf32, #tpu.memory_space<hbm>>
      tpu.wait_dma2 semaphore(%arg10 : memref<!tpu.dma_semaphore, #tpu.memory_space<semaphore_mem>>) src(%dma_wait3A_1344 : memref<48x128xf32, #tpu.memory_space<hbm>>) dst(%dma_wait3A_1341 : memref<48x128xf32, #tpu.memory_space<vmem>>)
      %jit3A_1345 = arith.constant 8 : i32
      %div3A_1346 = arith.divsi %add3A_38, %jit3A_1345 : i32
      %sign3A_1347 = arith.constant 0 : i32
      %sign3A_1348 = arith.cmpi sgt, %add3A_38, %sign3A_1347 : i32
      %sign3A_1349 = arith.extui %sign3A_1348 : i1 to i32
      %sign3A_1350 = arith.constant 0 : i32
      %sign3A_1351 = arith.cmpi slt, %add3A_38, %sign3A_1350 : i32
      %sign3A_1352 = arith.extui %sign3A_1351 : i1 to i32
      %sign3A_1353 = arith.subi %sign3A_1349, %sign3A_1352 : i32
      %sign3A_1354 = arith.constant 0 : i32
      %sign3A_1355 = arith.cmpi sgt, %jit3A_1345, %sign3A_1354 : i32
      %sign3A_1356 = arith.extui %sign3A_1355 : i1 to i32
      %sign3A_1357 = arith.constant 0 : i32
      %sign3A_1358 = arith.cmpi slt, %jit3A_1345, %sign3A_1357 : i32
      %sign3A_1359 = arith.extui %sign3A_1358 : i1 to i32
      %sign3A_1360 = arith.subi %sign3A_1356, %sign3A_1359 : i32
      %ne3A_1361 = arith.cmpi ne, %sign3A_1353, %sign3A_1360 : i32
      %rem3A_1362 = arith.remsi %add3A_38, %jit3A_1345 : i32
      %ne3A_1363 = arith.constant 0 : i32
      %ne3A_1364 = arith.cmpi ne, %rem3A_1362, %ne3A_1363 : i32
      %and3A_1365 = arith.andi %ne3A_1361, %ne3A_1364 : i1
      %sub3A_1366 = arith.constant 1 : i32
      %sub3A_1367 = arith.subi %div3A_1346, %sub3A_1366 : i32
      %select_n3A_1368 = arith.select %and3A_1365, %sub3A_1367, %div3A_1346 : i32
      %mul3A_1369 = arith.constant 256 : i32
      %mul3A_1370 = arith.muli %select_n3A_1368, %mul3A_1369 : i32
      %jit3A_1371 = arith.constant 8 : i32
      %eq3A_1372 = arith.constant 0 : i32
      %eq3A_1373 = arith.cmpi eq, %jit3A_1371, %eq3A_1372 : i32
      %jit3A_1374 = arith.constant 1 : i32
      %select_n3A_1375 = arith.select %eq3A_1373, %jit3A_1374, %jit3A_1371 : i32
      %rem3A_1376 = arith.remsi %add3A_38, %select_n3A_1375 : i32
      %ne3A_1377 = arith.constant 0 : i32
      %ne3A_1378 = arith.cmpi ne, %rem3A_1376, %ne3A_1377 : i32
      %lt3A_1379 = arith.constant 0 : i32
      %lt3A_1380 = arith.cmpi slt, %rem3A_1376, %lt3A_1379 : i32
      %lt3A_1381 = arith.constant 0 : i32
      %lt3A_1382 = arith.cmpi slt, %select_n3A_1375, %lt3A_1381 : i32
      %ne3A_1383 = arith.xori %lt3A_1380, %lt3A_1382 : i1
      %and3A_1384 = arith.andi %ne3A_1383, %ne3A_1378 : i1
      %add3A_1385 = arith.addi %rem3A_1376, %select_n3A_1375 : i32
      %select_n3A_1386 = arith.select %and3A_1384, %add3A_1385, %rem3A_1376 : i32
      %add3A_1387 = arith.addi %mul3A_1370, %select_n3A_1386 : i32
      %mul3A_1388 = arith.constant 2 : i32
      %mul3A_1389 = arith.muli %mul3A_1388, %arg1 : i32
      %mul3A_1390 = arith.constant 8 : i32
      %mul3A_1391 = arith.muli %mul3A_1389, %mul3A_1390 : i32
      %add3A_1392 = arith.addi %add3A_1387, %mul3A_1391 : i32
      %iota3A_1393 = tpu.iota {dimensions = array<i32: 0>} : vector<16xi32>
      %add3A_1394 = arith.constant 336 : i32
      %add3A_1395 = vector.broadcast %add3A_1394 : i32 to vector<16xi32>
      %add3A_1396 = arith.addi %iota3A_1393, %add3A_1395 : vector<16xi32>
      %ge3A_1397 = arith.constant 200 : i32
      %ge3A_1398 = vector.broadcast %ge3A_1397 : i32 to vector<16xi32>
      %ge3A_1399 = arith.cmpi sge, %add3A_1396, %ge3A_1398 : vector<16xi32>
      %jit3A_1400 = arith.constant 1 : i32
      %jit3A_1401 = arith.constant 0 : i32
      %broadcast_in_dim3A_1402 = vector.broadcast %jit3A_1400 : i32 to vector<16xi32>
      %broadcast_in_dim3A_1403 = vector.broadcast %jit3A_1401 : i32 to vector<16xi32>
      %select_n3A_1404 = arith.select %ge3A_1399, %broadcast_in_dim3A_1402, %broadcast_in_dim3A_1403 : vector<16xi1>, vector<16xi32>
      %mul3A_1405 = arith.constant 200 : i32
      %mul3A_1406 = vector.broadcast %mul3A_1405 : i32 to vector<16xi32>
      %mul3A_1407 = arith.muli %select_n3A_1404, %mul3A_1406 : vector<16xi32>
      %sub3A_1408 = arith.subi %add3A_1396, %mul3A_1407 : vector<16xi32>
      %mul3A_1409 = arith.constant 2048 : i32
      %mul3A_1410 = vector.broadcast %mul3A_1409 : i32 to vector<16xi32>
      %mul3A_1411 = arith.muli %sub3A_1408, %mul3A_1410 : vector<16xi32>
      %add3A_1412 = vector.broadcast %add3A_1392 : i32 to vector<16xi32>
      %add3A_1413 = arith.addi %mul3A_1411, %add3A_1412 : vector<16xi32>
      %mul3A_1414 = arith.constant 8 : i32
      %mul3A_1415 = vector.broadcast %mul3A_1414 : i32 to vector<16xi32>
      %mul3A_1416 = arith.muli %select_n3A_1404, %mul3A_1415 : vector<16xi32>
      %add3A_1417 = arith.addi %add3A_1413, %mul3A_1416 : vector<16xi32>
      %swap3A_1418 = arith.constant 7 : i32
      %swap3A_1419 = arith.index_cast %swap3A_1418 : i32 to index
      %swap3A_1420 = arith.constant 0 : index
      %swap3A_1421 = tpu.vector_load %arg7[%swap3A_1419, %swap3A_1420] {strides = array<i32>} : memref<9x48xi32, #tpu.memory_space<vmem>>, vector<1x16xi32>,
      %swap3A_1422 = vector.shape_cast %swap3A_1421 : vector<1x16xi32> to vector<16xi32>
      %swap3A_1423 = vector.shape_cast %add3A_1417 : vector<16xi32> to vector<1x16xi32>
      tpu.vector_store %arg7[%swap3A_1419, %swap3A_1420], %swap3A_1423 {strides = array<i32>} : memref<9x48xi32, #tpu.memory_space<vmem>>, vector<1x16xi32>,
      %iota3A_1424 = tpu.iota {dimensions = array<i32: 0>} : vector<16xi32>
      %add3A_1425 = arith.constant 352 : i32
      %add3A_1426 = vector.broadcast %add3A_1425 : i32 to vector<16xi32>
      %add3A_1427 = arith.addi %iota3A_1424, %add3A_1426 : vector<16xi32>
      %ge3A_1428 = arith.constant 200 : i32
      %ge3A_1429 = vector.broadcast %ge3A_1428 : i32 to vector<16xi32>
      %ge3A_1430 = arith.cmpi sge, %add3A_1427, %ge3A_1429 : vector<16xi32>
      %jit3A_1431 = arith.constant 1 : i32
      %jit3A_1432 = arith.constant 0 : i32
      %broadcast_in_dim3A_1433 = vector.broadcast %jit3A_1431 : i32 to vector<16xi32>
      %broadcast_in_dim3A_1434 = vector.broadcast %jit3A_1432 : i32 to vector<16xi32>
      %select_n3A_1435 = arith.select %ge3A_1430, %broadcast_in_dim3A_1433, %broadcast_in_dim3A_1434 : vector<16xi1>, vector<16xi32>
      %mul3A_1436 = arith.constant 200 : i32
      %mul3A_1437 = vector.broadcast %mul3A_1436 : i32 to vector<16xi32>
      %mul3A_1438 = arith.muli %select_n3A_1435, %mul3A_1437 : vector<16xi32>
      %sub3A_1439 = arith.subi %add3A_1427, %mul3A_1438 : vector<16xi32>
      %mul3A_1440 = arith.constant 2048 : i32
      %mul3A_1441 = vector.broadcast %mul3A_1440 : i32 to vector<16xi32>
      %mul3A_1442 = arith.muli %sub3A_1439, %mul3A_1441 : vector<16xi32>
      %add3A_1443 = vector.broadcast %add3A_1392 : i32 to vector<16xi32>
      %add3A_1444 = arith.addi %mul3A_1442, %add3A_1443 : vector<16xi32>
      %mul3A_1445 = arith.constant 8 : i32
      %mul3A_1446 = vector.broadcast %mul3A_1445 : i32 to vector<16xi32>
      %mul3A_1447 = arith.muli %select_n3A_1435, %mul3A_1446 : vector<16xi32>
      %add3A_1448 = arith.addi %add3A_1444, %mul3A_1447 : vector<16xi32>
      %swap3A_1449 = arith.constant 7 : i32
      %swap3A_1450 = arith.index_cast %swap3A_1449 : i32 to index
      %swap3A_1451 = arith.constant 16 : index
      %swap3A_1452 = tpu.vector_load %arg7[%swap3A_1450, %swap3A_1451] {strides = array<i32>} : memref<9x48xi32, #tpu.memory_space<vmem>>, vector<1x16xi32>,
      %swap3A_1453 = vector.shape_cast %swap3A_1452 : vector<1x16xi32> to vector<16xi32>
      %swap3A_1454 = vector.shape_cast %add3A_1448 : vector<16xi32> to vector<1x16xi32>
      tpu.vector_store %arg7[%swap3A_1450, %swap3A_1451], %swap3A_1454 {strides = array<i32>} : memref<9x48xi32, #tpu.memory_space<vmem>>, vector<1x16xi32>,
      %iota3A_1455 = tpu.iota {dimensions = array<i32: 0>} : vector<16xi32>
      %add3A_1456 = arith.constant 368 : i32
      %add3A_1457 = vector.broadcast %add3A_1456 : i32 to vector<16xi32>
      %add3A_1458 = arith.addi %iota3A_1455, %add3A_1457 : vector<16xi32>
      %ge3A_1459 = arith.constant 200 : i32
      %ge3A_1460 = vector.broadcast %ge3A_1459 : i32 to vector<16xi32>
      %ge3A_1461 = arith.cmpi sge, %add3A_1458, %ge3A_1460 : vector<16xi32>
      %jit3A_1462 = arith.constant 1 : i32
      %jit3A_1463 = arith.constant 0 : i32
      %broadcast_in_dim3A_1464 = vector.broadcast %jit3A_1462 : i32 to vector<16xi32>
      %broadcast_in_dim3A_1465 = vector.broadcast %jit3A_1463 : i32 to vector<16xi32>
      %select_n3A_1466 = arith.select %ge3A_1461, %broadcast_in_dim3A_1464, %broadcast_in_dim3A_1465 : vector<16xi1>, vector<16xi32>
      %mul3A_1467 = arith.constant 200 : i32
      %mul3A_1468 = vector.broadcast %mul3A_1467 : i32 to vector<16xi32>
      %mul3A_1469 = arith.muli %select_n3A_1466, %mul3A_1468 : vector<16xi32>
      %sub3A_1470 = arith.subi %add3A_1458, %mul3A_1469 : vector<16xi32>
      %mul3A_1471 = arith.constant 2048 : i32
      %mul3A_1472 = vector.broadcast %mul3A_1471 : i32 to vector<16xi32>
      %mul3A_1473 = arith.muli %sub3A_1470, %mul3A_1472 : vector<16xi32>
      %add3A_1474 = vector.broadcast %add3A_1392 : i32 to vector<16xi32>
      %add3A_1475 = arith.addi %mul3A_1473, %add3A_1474 : vector<16xi32>
      %mul3A_1476 = arith.constant 8 : i32
      %mul3A_1477 = vector.broadcast %mul3A_1476 : i32 to vector<16xi32>
      %mul3A_1478 = arith.muli %select_n3A_1466, %mul3A_1477 : vector<16xi32>
      %add3A_1479 = arith.addi %add3A_1475, %mul3A_1478 : vector<16xi32>
      %swap3A_1480 = arith.constant 7 : i32
      %swap3A_1481 = arith.index_cast %swap3A_1480 : i32 to index
      %swap3A_1482 = arith.constant 32 : index
      %swap3A_1483 = tpu.vector_load %arg7[%swap3A_1481, %swap3A_1482] {strides = array<i32>} : memref<9x48xi32, #tpu.memory_space<vmem>>, vector<1x16xi32>,
      %swap3A_1484 = vector.shape_cast %swap3A_1483 : vector<1x16xi32> to vector<16xi32>
      %swap3A_1485 = vector.shape_cast %add3A_1479 : vector<16xi32> to vector<1x16xi32>
      tpu.vector_store %arg7[%swap3A_1481, %swap3A_1482], %swap3A_1485 {strides = array<i32>} : memref<9x48xi32, #tpu.memory_space<vmem>>, vector<1x16xi32>,
      %dma_start3A_1486 = arith.constant 1 : i32
      %dma_start3A_1487 = arith.constant 7 : i32
      %dma_start3A_1488 = arith.constant 0 : i32
      %dma_start3A_1489 = arith.constant 0 : i32
      %dma_start3A_1490 = tpu.memref_slice %arg6[%dma_start3A_1486, %dma_start3A_1488, %dma_start3A_1489] : memref<2x48x128xf32, #tpu.memory_space<vmem>> -> memref<1x48x128xf32, #tpu.memory_space<vmem>>
      %dma_start3A_1491 = tpu.memref_squeeze %dma_start3A_1490 : memref<1x48x128xf32, #tpu.memory_space<vmem>> -> memref<48x128xf32, #tpu.memory_space<vmem>>
      %dma_start3A_1492 = arith.constant 0 : i32
      %dma_start3A_1493 = tpu.memref_slice %arg7[%dma_start3A_1487, %dma_start3A_1492] : memref<9x48xi32, #tpu.memory_space<vmem>> -> memref<1x48xi32, #tpu.memory_space<vmem>>
      %dma_start3A_1494 = tpu.memref_squeeze %dma_start3A_1493 : memref<1x48xi32, #tpu.memory_space<vmem>> -> memref<48xi32, #tpu.memory_space<vmem>>
      %dma_start3A_1495 = arith.constant 0 : i32
      %dma_start3A_1496 = arith.constant 0 : i32
      %dma_start3A_1497 = tpu.memref_slice %arg4[%dma_start3A_1495, %dma_start3A_1496] : memref<409600x128xf32, #tpu.memory_space<hbm>> -> memref<409600x128xf32, #tpu.memory_space<hbm>>
      tpu.enqueue_indirect_dma source(%dma_start3A_1491 : memref<48x128xf32, #tpu.memory_space<vmem>>) target(%dma_start3A_1497 : memref<409600x128xf32, #tpu.memory_space<hbm>>) offsets(%dma_start3A_1494 : memref<48xi32, #tpu.memory_space<vmem>>) semaphore(%arg12 : memref<!tpu.dma_semaphore, #tpu.memory_space<semaphore_mem>>)
      %dma_wait3A_1498 = arith.constant 0 : i32
      %dma_wait3A_1499 = arith.constant 6 : i32
      %dma_wait3A_1500 = arith.constant 0 : i32
      %dma_wait3A_1501 = arith.constant 0 : i32
      %dma_wait3A_1502 = tpu.memref_slice %arg6[%dma_wait3A_1498, %dma_wait3A_1500, %dma_wait3A_1501] : memref<2x48x128xf32, #tpu.memory_space<vmem>> -> memref<1x48x128xf32, #tpu.memory_space<vmem>>
      %dma_wait3A_1503 = tpu.memref_squeeze %dma_wait3A_1502 : memref<1x48x128xf32, #tpu.memory_space<vmem>> -> memref<48x128xf32, #tpu.memory_space<vmem>>
      %dma_wait3A_1504 = arith.constant 0 : i32
      %dma_wait3A_1505 = tpu.memref_slice %arg7[%dma_wait3A_1499, %dma_wait3A_1504] : memref<9x48xi32, #tpu.memory_space<vmem>> -> memref<1x48xi32, #tpu.memory_space<vmem>>
      %dma_wait3A_1506 = tpu.memref_squeeze %dma_wait3A_1505 : memref<1x48xi32, #tpu.memory_space<vmem>> -> memref<48xi32, #tpu.memory_space<vmem>>
      %dma_wait3A_1507 = arith.constant 0 : i32
      %dma_wait3A_1508 = arith.constant 0 : i32
      %dma_wait3A_1509 = tpu.memref_slice %arg4[%dma_wait3A_1507, %dma_wait3A_1508] : memref<409600x128xf32, #tpu.memory_space<hbm>> -> memref<409600x128xf32, #tpu.memory_space<hbm>>
      tpu.wait_indirect_dma semaphore(%arg11 : memref<!tpu.dma_semaphore, #tpu.memory_space<semaphore_mem>>) src(%dma_wait3A_1503 : memref<48x128xf32, #tpu.memory_space<vmem>>) dst(%dma_wait3A_1509 : memref<409600x128xf32, #tpu.memory_space<hbm>>)
      %scan3A_1510 = arith.constant 0 : i32
      %scan3A_1511 = arith.constant 48 : i32
      %scan3A_1512 = arith.addi %scan3A_1510, %scan3A_1511 : i32
      %scan3A_1513 = arith.constant 8 : i32
      scf.for %scan3A_1684 = %scan3A_1510 to %scan3A_1512 step %scan3A_1513  : i32 {
        %mul3A_1685 = arith.constant 1 : i32
        %mul3A_1686 = arith.muli %scan3A_1684, %mul3A_1685 : i32
        %add3A_1687 = arith.constant 0 : i32
        %add3A_1688 = arith.addi %add3A_1687, %mul3A_1686 : i32
        %add3A_1689 = arith.constant 352 : i32
        %add3A_1690 = arith.addi %add3A_1689, %add3A_1688 : i32
        %dma_start3A_1691 = arith.constant 0 : i32
        %dma_start3A_1692 = arith.constant 0 : i32
        %dma_start3A_1693 = arith.constant 0 : i32
        %dma_start3A_1694 = tpu.memref_slice %arg6[%dma_start3A_1692, %add3A_1688, %dma_start3A_1693] : memref<2x48x128xf32, #tpu.memory_space<vmem>> -> memref<1x1x128xf32, #tpu.memory_space<vmem>>
        %dma_start3A_1695 = tpu.memref_squeeze %dma_start3A_1694 : memref<1x1x128xf32, #tpu.memory_space<vmem>> -> memref<128xf32, #tpu.memory_space<vmem>>
        %dma_start3A_1696 = arith.constant 0 : i32
        %dma_start3A_1697 = tpu.memref_slice %arg5[%add3A_1690, %dma_start3A_1696] : memref<400x128xi32, #tpu.memory_space<vmem>> -> memref<1x128xi32, #tpu.memory_space<vmem>>
        %dma_start3A_1698 = tpu.memref_squeeze %dma_start3A_1697 : memref<1x128xi32, #tpu.memory_space<vmem>> -> memref<128xi32, #tpu.memory_space<vmem>>
        %dma_start3A_1699 = arith.constant 0 : i32
        %dma_start3A_1700 = tpu.memref_slice %arg8[%dma_start3A_1691, %dma_start3A_1699] : memref<1x1000000xf32, #tpu.memory_space<vmem_shared>> -> memref<1x1000000xf32, #tpu.memory_space<vmem_shared>>
        %dma_start3A_1701 = tpu.memref_squeeze %dma_start3A_1700 : memref<1x1000000xf32, #tpu.memory_space<vmem_shared>> -> memref<1000000xf32, #tpu.memory_space<vmem_shared>>
        %dma_start3A_1702 = arith.constant 0 : i32
        %dma_start3A_1703 = tpu.memref_slice %dma_start3A_1701[%dma_start3A_1702] : memref<1000000xf32, #tpu.memory_space<vmem_shared>> -> memref<1000000xf32, #tpu.memory_space<vmem_shared>>
        tpu.enqueue_indirect_dma source(%dma_start3A_1703 : memref<1000000xf32, #tpu.memory_space<vmem_shared>>) target(%dma_start3A_1695 : memref<128xf32, #tpu.memory_space<vmem>>) offsets(%dma_start3A_1698 : memref<128xi32, #tpu.memory_space<vmem>>) semaphore(%arg10 : memref<!tpu.dma_semaphore, #tpu.memory_space<semaphore_mem>>)
        %scan3A_1704 = arith.constant 1 : i32
        %scan3A_1705 = arith.addi %scan3A_1684, %scan3A_1704 : i32
        %mul3A_1706 = arith.constant 1 : i32
        %mul3A_1707 = arith.muli %scan3A_1705, %mul3A_1706 : i32
        %add3A_1708 = arith.constant 0 : i32
        %add3A_1709 = arith.addi %add3A_1708, %mul3A_1707 : i32
        %add3A_1710 = arith.constant 352 : i32
        %add3A_1711 = arith.addi %add3A_1710, %add3A_1709 : i32
        %dma_start3A_1712 = arith.constant 0 : i32
        %dma_start3A_1713 = arith.constant 0 : i32
        %dma_start3A_1714 = arith.constant 0 : i32
        %dma_start3A_1715 = tpu.memref_slice %arg6[%dma_start3A_1713, %add3A_1709, %dma_start3A_1714] : memref<2x48x128xf32, #tpu.memory_space<vmem>> -> memref<1x1x128xf32, #tpu.memory_space<vmem>>
        %dma_start3A_1716 = tpu.memref_squeeze %dma_start3A_1715 : memref<1x1x128xf32, #tpu.memory_space<vmem>> -> memref<128xf32, #tpu.memory_space<vmem>>
        %dma_start3A_1717 = arith.constant 0 : i32
        %dma_start3A_1718 = tpu.memref_slice %arg5[%add3A_1711, %dma_start3A_1717] : memref<400x128xi32, #tpu.memory_space<vmem>> -> memref<1x128xi32, #tpu.memory_space<vmem>>
        %dma_start3A_1719 = tpu.memref_squeeze %dma_start3A_1718 : memref<1x128xi32, #tpu.memory_space<vmem>> -> memref<128xi32, #tpu.memory_space<vmem>>
        %dma_start3A_1720 = arith.constant 0 : i32
        %dma_start3A_1721 = tpu.memref_slice %arg8[%dma_start3A_1712, %dma_start3A_1720] : memref<1x1000000xf32, #tpu.memory_space<vmem_shared>> -> memref<1x1000000xf32, #tpu.memory_space<vmem_shared>>
        %dma_start3A_1722 = tpu.memref_squeeze %dma_start3A_1721 : memref<1x1000000xf32, #tpu.memory_space<vmem_shared>> -> memref<1000000xf32, #tpu.memory_space<vmem_shared>>
        %dma_start3A_1723 = arith.constant 0 : i32
        %dma_start3A_1724 = tpu.memref_slice %dma_start3A_1722[%dma_start3A_1723] : memref<1000000xf32, #tpu.memory_space<vmem_shared>> -> memref<1000000xf32, #tpu.memory_space<vmem_shared>>
        tpu.enqueue_indirect_dma source(%dma_start3A_1724 : memref<1000000xf32, #tpu.memory_space<vmem_shared>>) target(%dma_start3A_1716 : memref<128xf32, #tpu.memory_space<vmem>>) offsets(%dma_start3A_1719 : memref<128xi32, #tpu.memory_space<vmem>>) semaphore(%arg10 : memref<!tpu.dma_semaphore, #tpu.memory_space<semaphore_mem>>)
        %scan3A_1725 = arith.constant 2 : i32
        %scan3A_1726 = arith.addi %scan3A_1684, %scan3A_1725 : i32
        %mul3A_1727 = arith.constant 1 : i32
        %mul3A_1728 = arith.muli %scan3A_1726, %mul3A_1727 : i32
        %add3A_1729 = arith.constant 0 : i32
        %add3A_1730 = arith.addi %add3A_1729, %mul3A_1728 : i32
        %add3A_1731 = arith.constant 352 : i32
        %add3A_1732 = arith.addi %add3A_1731, %add3A_1730 : i32
        %dma_start3A_1733 = arith.constant 0 : i32
        %dma_start3A_1734 = arith.constant 0 : i32
        %dma_start3A_1735 = arith.constant 0 : i32
        %dma_start3A_1736 = tpu.memref_slice %arg6[%dma_start3A_1734, %add3A_1730, %dma_start3A_1735] : memref<2x48x128xf32, #tpu.memory_space<vmem>> -> memref<1x1x128xf32, #tpu.memory_space<vmem>>
        %dma_start3A_1737 = tpu.memref_squeeze %dma_start3A_1736 : memref<1x1x128xf32, #tpu.memory_space<vmem>> -> memref<128xf32, #tpu.memory_space<vmem>>
        %dma_start3A_1738 = arith.constant 0 : i32
        %dma_start3A_1739 = tpu.memref_slice %arg5[%add3A_1732, %dma_start3A_1738] : memref<400x128xi32, #tpu.memory_space<vmem>> -> memref<1x128xi32, #tpu.memory_space<vmem>>
        %dma_start3A_1740 = tpu.memref_squeeze %dma_start3A_1739 : memref<1x128xi32, #tpu.memory_space<vmem>> -> memref<128xi32, #tpu.memory_space<vmem>>
        %dma_start3A_1741 = arith.constant 0 : i32
        %dma_start3A_1742 = tpu.memref_slice %arg8[%dma_start3A_1733, %dma_start3A_1741] : memref<1x1000000xf32, #tpu.memory_space<vmem_shared>> -> memref<1x1000000xf32, #tpu.memory_space<vmem_shared>>
        %dma_start3A_1743 = tpu.memref_squeeze %dma_start3A_1742 : memref<1x1000000xf32, #tpu.memory_space<vmem_shared>> -> memref<1000000xf32, #tpu.memory_space<vmem_shared>>
        %dma_start3A_1744 = arith.constant 0 : i32
        %dma_start3A_1745 = tpu.memref_slice %dma_start3A_1743[%dma_start3A_1744] : memref<1000000xf32, #tpu.memory_space<vmem_shared>> -> memref<1000000xf32, #tpu.memory_space<vmem_shared>>
        tpu.enqueue_indirect_dma source(%dma_start3A_1745 : memref<1000000xf32, #tpu.memory_space<vmem_shared>>) target(%dma_start3A_1737 : memref<128xf32, #tpu.memory_space<vmem>>) offsets(%dma_start3A_1740 : memref<128xi32, #tpu.memory_space<vmem>>) semaphore(%arg10 : memref<!tpu.dma_semaphore, #tpu.memory_space<semaphore_mem>>)
        %scan3A_1746 = arith.constant 3 : i32
        %scan3A_1747 = arith.addi %scan3A_1684, %scan3A_1746 : i32
        %mul3A_1748 = arith.constant 1 : i32
        %mul3A_1749 = arith.muli %scan3A_1747, %mul3A_1748 : i32
        %add3A_1750 = arith.constant 0 : i32
        %add3A_1751 = arith.addi %add3A_1750, %mul3A_1749 : i32
        %add3A_1752 = arith.constant 352 : i32
        %add3A_1753 = arith.addi %add3A_1752, %add3A_1751 : i32
        %dma_start3A_1754 = arith.constant 0 : i32
        %dma_start3A_1755 = arith.constant 0 : i32
        %dma_start3A_1756 = arith.constant 0 : i32
        %dma_start3A_1757 = tpu.memref_slice %arg6[%dma_start3A_1755, %add3A_1751, %dma_start3A_1756] : memref<2x48x128xf32, #tpu.memory_space<vmem>> -> memref<1x1x128xf32, #tpu.memory_space<vmem>>
        %dma_start3A_1758 = tpu.memref_squeeze %dma_start3A_1757 : memref<1x1x128xf32, #tpu.memory_space<vmem>> -> memref<128xf32, #tpu.memory_space<vmem>>
        %dma_start3A_1759 = arith.constant 0 : i32
        %dma_start3A_1760 = tpu.memref_slice %arg5[%add3A_1753, %dma_start3A_1759] : memref<400x128xi32, #tpu.memory_space<vmem>> -> memref<1x128xi32, #tpu.memory_space<vmem>>
        %dma_start3A_1761 = tpu.memref_squeeze %dma_start3A_1760 : memref<1x128xi32, #tpu.memory_space<vmem>> -> memref<128xi32, #tpu.memory_space<vmem>>
        %dma_start3A_1762 = arith.constant 0 : i32
        %dma_start3A_1763 = tpu.memref_slice %arg8[%dma_start3A_1754, %dma_start3A_1762] : memref<1x1000000xf32, #tpu.memory_space<vmem_shared>> -> memref<1x1000000xf32, #tpu.memory_space<vmem_shared>>
        %dma_start3A_1764 = tpu.memref_squeeze %dma_start3A_1763 : memref<1x1000000xf32, #tpu.memory_space<vmem_shared>> -> memref<1000000xf32, #tpu.memory_space<vmem_shared>>
        %dma_start3A_1765 = arith.constant 0 : i32
        %dma_start3A_1766 = tpu.memref_slice %dma_start3A_1764[%dma_start3A_1765] : memref<1000000xf32, #tpu.memory_space<vmem_shared>> -> memref<1000000xf32, #tpu.memory_space<vmem_shared>>
        tpu.enqueue_indirect_dma source(%dma_start3A_1766 : memref<1000000xf32, #tpu.memory_space<vmem_shared>>) target(%dma_start3A_1758 : memref<128xf32, #tpu.memory_space<vmem>>) offsets(%dma_start3A_1761 : memref<128xi32, #tpu.memory_space<vmem>>) semaphore(%arg10 : memref<!tpu.dma_semaphore, #tpu.memory_space<semaphore_mem>>)
        %scan3A_1767 = arith.constant 4 : i32
        %scan3A_1768 = arith.addi %scan3A_1684, %scan3A_1767 : i32
        %mul3A_1769 = arith.constant 1 : i32
        %mul3A_1770 = arith.muli %scan3A_1768, %mul3A_1769 : i32
        %add3A_1771 = arith.constant 0 : i32
        %add3A_1772 = arith.addi %add3A_1771, %mul3A_1770 : i32
        %add3A_1773 = arith.constant 352 : i32
        %add3A_1774 = arith.addi %add3A_1773, %add3A_1772 : i32
        %dma_start3A_1775 = arith.constant 0 : i32
        %dma_start3A_1776 = arith.constant 0 : i32
        %dma_start3A_1777 = arith.constant 0 : i32
        %dma_start3A_1778 = tpu.memref_slice %arg6[%dma_start3A_1776, %add3A_1772, %dma_start3A_1777] : memref<2x48x128xf32, #tpu.memory_space<vmem>> -> memref<1x1x128xf32, #tpu.memory_space<vmem>>
        %dma_start3A_1779 = tpu.memref_squeeze %dma_start3A_1778 : memref<1x1x128xf32, #tpu.memory_space<vmem>> -> memref<128xf32, #tpu.memory_space<vmem>>
        %dma_start3A_1780 = arith.constant 0 : i32
        %dma_start3A_1781 = tpu.memref_slice %arg5[%add3A_1774, %dma_start3A_1780] : memref<400x128xi32, #tpu.memory_space<vmem>> -> memref<1x128xi32, #tpu.memory_space<vmem>>
        %dma_start3A_1782 = tpu.memref_squeeze %dma_start3A_1781 : memref<1x128xi32, #tpu.memory_space<vmem>> -> memref<128xi32, #tpu.memory_space<vmem>>
        %dma_start3A_1783 = arith.constant 0 : i32
        %dma_start3A_1784 = tpu.memref_slice %arg8[%dma_start3A_1775, %dma_start3A_1783] : memref<1x1000000xf32, #tpu.memory_space<vmem_shared>> -> memref<1x1000000xf32, #tpu.memory_space<vmem_shared>>
        %dma_start3A_1785 = tpu.memref_squeeze %dma_start3A_1784 : memref<1x1000000xf32, #tpu.memory_space<vmem_shared>> -> memref<1000000xf32, #tpu.memory_space<vmem_shared>>
        %dma_start3A_1786 = arith.constant 0 : i32
        %dma_start3A_1787 = tpu.memref_slice %dma_start3A_1785[%dma_start3A_1786] : memref<1000000xf32, #tpu.memory_space<vmem_shared>> -> memref<1000000xf32, #tpu.memory_space<vmem_shared>>
        tpu.enqueue_indirect_dma source(%dma_start3A_1787 : memref<1000000xf32, #tpu.memory_space<vmem_shared>>) target(%dma_start3A_1779 : memref<128xf32, #tpu.memory_space<vmem>>) offsets(%dma_start3A_1782 : memref<128xi32, #tpu.memory_space<vmem>>) semaphore(%arg10 : memref<!tpu.dma_semaphore, #tpu.memory_space<semaphore_mem>>)
        %scan3A_1788 = arith.constant 5 : i32
        %scan3A_1789 = arith.addi %scan3A_1684, %scan3A_1788 : i32
        %mul3A_1790 = arith.constant 1 : i32
        %mul3A_1791 = arith.muli %scan3A_1789, %mul3A_1790 : i32
        %add3A_1792 = arith.constant 0 : i32
        %add3A_1793 = arith.addi %add3A_1792, %mul3A_1791 : i32
        %add3A_1794 = arith.constant 352 : i32
        %add3A_1795 = arith.addi %add3A_1794, %add3A_1793 : i32
        %dma_start3A_1796 = arith.constant 0 : i32
        %dma_start3A_1797 = arith.constant 0 : i32
        %dma_start3A_1798 = arith.constant 0 : i32
        %dma_start3A_1799 = tpu.memref_slice %arg6[%dma_start3A_1797, %add3A_1793, %dma_start3A_1798] : memref<2x48x128xf32, #tpu.memory_space<vmem>> -> memref<1x1x128xf32, #tpu.memory_space<vmem>>
        %dma_start3A_1800 = tpu.memref_squeeze %dma_start3A_1799 : memref<1x1x128xf32, #tpu.memory_space<vmem>> -> memref<128xf32, #tpu.memory_space<vmem>>
        %dma_start3A_1801 = arith.constant 0 : i32
        %dma_start3A_1802 = tpu.memref_slice %arg5[%add3A_1795, %dma_start3A_1801] : memref<400x128xi32, #tpu.memory_space<vmem>> -> memref<1x128xi32, #tpu.memory_space<vmem>>
        %dma_start3A_1803 = tpu.memref_squeeze %dma_start3A_1802 : memref<1x128xi32, #tpu.memory_space<vmem>> -> memref<128xi32, #tpu.memory_space<vmem>>
        %dma_start3A_1804 = arith.constant 0 : i32
        %dma_start3A_1805 = tpu.memref_slice %arg8[%dma_start3A_1796, %dma_start3A_1804] : memref<1x1000000xf32, #tpu.memory_space<vmem_shared>> -> memref<1x1000000xf32, #tpu.memory_space<vmem_shared>>
        %dma_start3A_1806 = tpu.memref_squeeze %dma_start3A_1805 : memref<1x1000000xf32, #tpu.memory_space<vmem_shared>> -> memref<1000000xf32, #tpu.memory_space<vmem_shared>>
        %dma_start3A_1807 = arith.constant 0 : i32
        %dma_start3A_1808 = tpu.memref_slice %dma_start3A_1806[%dma_start3A_1807] : memref<1000000xf32, #tpu.memory_space<vmem_shared>> -> memref<1000000xf32, #tpu.memory_space<vmem_shared>>
        tpu.enqueue_indirect_dma source(%dma_start3A_1808 : memref<1000000xf32, #tpu.memory_space<vmem_shared>>) target(%dma_start3A_1800 : memref<128xf32, #tpu.memory_space<vmem>>) offsets(%dma_start3A_1803 : memref<128xi32, #tpu.memory_space<vmem>>) semaphore(%arg10 : memref<!tpu.dma_semaphore, #tpu.memory_space<semaphore_mem>>)
        %scan3A_1809 = arith.constant 6 : i32
        %scan3A_1810 = arith.addi %scan3A_1684, %scan3A_1809 : i32
        %mul3A_1811 = arith.constant 1 : i32
        %mul3A_1812 = arith.muli %scan3A_1810, %mul3A_1811 : i32
        %add3A_1813 = arith.constant 0 : i32
        %add3A_1814 = arith.addi %add3A_1813, %mul3A_1812 : i32
        %add3A_1815 = arith.constant 352 : i32
        %add3A_1816 = arith.addi %add3A_1815, %add3A_1814 : i32
        %dma_start3A_1817 = arith.constant 0 : i32
        %dma_start3A_1818 = arith.constant 0 : i32
        %dma_start3A_1819 = arith.constant 0 : i32
        %dma_start3A_1820 = tpu.memref_slice %arg6[%dma_start3A_1818, %add3A_1814, %dma_start3A_1819] : memref<2x48x128xf32, #tpu.memory_space<vmem>> -> memref<1x1x128xf32, #tpu.memory_space<vmem>>
        %dma_start3A_1821 = tpu.memref_squeeze %dma_start3A_1820 : memref<1x1x128xf32, #tpu.memory_space<vmem>> -> memref<128xf32, #tpu.memory_space<vmem>>
        %dma_start3A_1822 = arith.constant 0 : i32
        %dma_start3A_1823 = tpu.memref_slice %arg5[%add3A_1816, %dma_start3A_1822] : memref<400x128xi32, #tpu.memory_space<vmem>> -> memref<1x128xi32, #tpu.memory_space<vmem>>
        %dma_start3A_1824 = tpu.memref_squeeze %dma_start3A_1823 : memref<1x128xi32, #tpu.memory_space<vmem>> -> memref<128xi32, #tpu.memory_space<vmem>>
        %dma_start3A_1825 = arith.constant 0 : i32
        %dma_start3A_1826 = tpu.memref_slice %arg8[%dma_start3A_1817, %dma_start3A_1825] : memref<1x1000000xf32, #tpu.memory_space<vmem_shared>> -> memref<1x1000000xf32, #tpu.memory_space<vmem_shared>>
        %dma_start3A_1827 = tpu.memref_squeeze %dma_start3A_1826 : memref<1x1000000xf32, #tpu.memory_space<vmem_shared>> -> memref<1000000xf32, #tpu.memory_space<vmem_shared>>
        %dma_start3A_1828 = arith.constant 0 : i32
        %dma_start3A_1829 = tpu.memref_slice %dma_start3A_1827[%dma_start3A_1828] : memref<1000000xf32, #tpu.memory_space<vmem_shared>> -> memref<1000000xf32, #tpu.memory_space<vmem_shared>>
        tpu.enqueue_indirect_dma source(%dma_start3A_1829 : memref<1000000xf32, #tpu.memory_space<vmem_shared>>) target(%dma_start3A_1821 : memref<128xf32, #tpu.memory_space<vmem>>) offsets(%dma_start3A_1824 : memref<128xi32, #tpu.memory_space<vmem>>) semaphore(%arg10 : memref<!tpu.dma_semaphore, #tpu.memory_space<semaphore_mem>>)
        %scan3A_1830 = arith.constant 7 : i32
        %scan3A_1831 = arith.addi %scan3A_1684, %scan3A_1830 : i32
        %mul3A_1832 = arith.constant 1 : i32
        %mul3A_1833 = arith.muli %scan3A_1831, %mul3A_1832 : i32
        %add3A_1834 = arith.constant 0 : i32
        %add3A_1835 = arith.addi %add3A_1834, %mul3A_1833 : i32
        %add3A_1836 = arith.constant 352 : i32
        %add3A_1837 = arith.addi %add3A_1836, %add3A_1835 : i32
        %dma_start3A_1838 = arith.constant 0 : i32
        %dma_start3A_1839 = arith.constant 0 : i32
        %dma_start3A_1840 = arith.constant 0 : i32
        %dma_start3A_1841 = tpu.memref_slice %arg6[%dma_start3A_1839, %add3A_1835, %dma_start3A_1840] : memref<2x48x128xf32, #tpu.memory_space<vmem>> -> memref<1x1x128xf32, #tpu.memory_space<vmem>>
        %dma_start3A_1842 = tpu.memref_squeeze %dma_start3A_1841 : memref<1x1x128xf32, #tpu.memory_space<vmem>> -> memref<128xf32, #tpu.memory_space<vmem>>
        %dma_start3A_1843 = arith.constant 0 : i32
        %dma_start3A_1844 = tpu.memref_slice %arg5[%add3A_1837, %dma_start3A_1843] : memref<400x128xi32, #tpu.memory_space<vmem>> -> memref<1x128xi32, #tpu.memory_space<vmem>>
        %dma_start3A_1845 = tpu.memref_squeeze %dma_start3A_1844 : memref<1x128xi32, #tpu.memory_space<vmem>> -> memref<128xi32, #tpu.memory_space<vmem>>
        %dma_start3A_1846 = arith.constant 0 : i32
        %dma_start3A_1847 = tpu.memref_slice %arg8[%dma_start3A_1838, %dma_start3A_1846] : memref<1x1000000xf32, #tpu.memory_space<vmem_shared>> -> memref<1x1000000xf32, #tpu.memory_space<vmem_shared>>
        %dma_start3A_1848 = tpu.memref_squeeze %dma_start3A_1847 : memref<1x1000000xf32, #tpu.memory_space<vmem_shared>> -> memref<1000000xf32, #tpu.memory_space<vmem_shared>>
        %dma_start3A_1849 = arith.constant 0 : i32
        %dma_start3A_1850 = tpu.memref_slice %dma_start3A_1848[%dma_start3A_1849] : memref<1000000xf32, #tpu.memory_space<vmem_shared>> -> memref<1000000xf32, #tpu.memory_space<vmem_shared>>
        tpu.enqueue_indirect_dma source(%dma_start3A_1850 : memref<1000000xf32, #tpu.memory_space<vmem_shared>>) target(%dma_start3A_1842 : memref<128xf32, #tpu.memory_space<vmem>>) offsets(%dma_start3A_1845 : memref<128xi32, #tpu.memory_space<vmem>>) semaphore(%arg10 : memref<!tpu.dma_semaphore, #tpu.memory_space<semaphore_mem>>)
      }
      %scan3A_1514 = arith.constant 48 : i32
      %dma_wait3A_1515 = arith.constant 0 : i32
      %dma_wait3A_1516 = arith.constant 0 : i32
      %dma_wait3A_1517 = arith.constant 0 : i32
      %dma_wait3A_1518 = tpu.memref_slice %arg6[%dma_wait3A_1515, %dma_wait3A_1516, %dma_wait3A_1517] : memref<2x48x128xf32, #tpu.memory_space<vmem>> -> memref<1x48x128xf32, #tpu.memory_space<vmem>>
      %dma_wait3A_1519 = tpu.memref_squeeze %dma_wait3A_1518 : memref<1x48x128xf32, #tpu.memory_space<vmem>> -> memref<48x128xf32, #tpu.memory_space<vmem>>
      %dma_wait3A_1520 = arith.constant 0 : i32
      %dma_wait3A_1521 = arith.constant 0 : i32
      %dma_wait3A_1522 = tpu.memref_slice %arg3[%dma_wait3A_1520, %dma_wait3A_1521] : memref<64x1000000xf32, #tpu.memory_space<hbm>> -> memref<48x128xf32, #tpu.memory_space<hbm>>
      %dma_wait3A_1523 = arith.constant 0 : i32
      %dma_wait3A_1524 = arith.constant 0 : i32
      %dma_wait3A_1525 = tpu.memref_slice %arg6[%dma_wait3A_1515, %dma_wait3A_1523, %dma_wait3A_1524] : memref<2x48x128xf32, #tpu.memory_space<vmem>> -> memref<1x48x128xf32, #tpu.memory_space<vmem>>
      %dma_wait3A_1526 = tpu.memref_squeeze %dma_wait3A_1525 : memref<1x48x128xf32, #tpu.memory_space<vmem>> -> memref<48x128xf32, #tpu.memory_space<vmem>>
      %dma_wait3A_1527 = arith.constant 0 : i32
      %dma_wait3A_1528 = arith.constant 0 : i32
      %dma_wait3A_1529 = tpu.memref_slice %arg3[%dma_wait3A_1527, %dma_wait3A_1528] : memref<64x1000000xf32, #tpu.memory_space<hbm>> -> memref<48x128xf32, #tpu.memory_space<hbm>>
      tpu.wait_dma2 semaphore(%arg10 : memref<!tpu.dma_semaphore, #tpu.memory_space<semaphore_mem>>) src(%dma_wait3A_1529 : memref<48x128xf32, #tpu.memory_space<hbm>>) dst(%dma_wait3A_1526 : memref<48x128xf32, #tpu.memory_space<vmem>>)
      %jit3A_1530 = arith.constant 8 : i32
      %div3A_1531 = arith.divsi %add3A_38, %jit3A_1530 : i32
      %sign3A_1532 = arith.constant 0 : i32
      %sign3A_1533 = arith.cmpi sgt, %add3A_38, %sign3A_1532 : i32
      %sign3A_1534 = arith.extui %sign3A_1533 : i1 to i32
      %sign3A_1535 = arith.constant 0 : i32
      %sign3A_1536 = arith.cmpi slt, %add3A_38, %sign3A_1535 : i32
      %sign3A_1537 = arith.extui %sign3A_1536 : i1 to i32
      %sign3A_1538 = arith.subi %sign3A_1534, %sign3A_1537 : i32
      %sign3A_1539 = arith.constant 0 : i32
      %sign3A_1540 = arith.cmpi sgt, %jit3A_1530, %sign3A_1539 : i32
      %sign3A_1541 = arith.extui %sign3A_1540 : i1 to i32
      %sign3A_1542 = arith.constant 0 : i32
      %sign3A_1543 = arith.cmpi slt, %jit3A_1530, %sign3A_1542 : i32
      %sign3A_1544 = arith.extui %sign3A_1543 : i1 to i32
      %sign3A_1545 = arith.subi %sign3A_1541, %sign3A_1544 : i32
      %ne3A_1546 = arith.cmpi ne, %sign3A_1538, %sign3A_1545 : i32
      %rem3A_1547 = arith.remsi %add3A_38, %jit3A_1530 : i32
      %ne3A_1548 = arith.constant 0 : i32
      %ne3A_1549 = arith.cmpi ne, %rem3A_1547, %ne3A_1548 : i32
      %and3A_1550 = arith.andi %ne3A_1546, %ne3A_1549 : i1
      %sub3A_1551 = arith.constant 1 : i32
      %sub3A_1552 = arith.subi %div3A_1531, %sub3A_1551 : i32
      %select_n3A_1553 = arith.select %and3A_1550, %sub3A_1552, %div3A_1531 : i32
      %mul3A_1554 = arith.constant 256 : i32
      %mul3A_1555 = arith.muli %select_n3A_1553, %mul3A_1554 : i32
      %jit3A_1556 = arith.constant 8 : i32
      %eq3A_1557 = arith.constant 0 : i32
      %eq3A_1558 = arith.cmpi eq, %jit3A_1556, %eq3A_1557 : i32
      %jit3A_1559 = arith.constant 1 : i32
      %select_n3A_1560 = arith.select %eq3A_1558, %jit3A_1559, %jit3A_1556 : i32
      %rem3A_1561 = arith.remsi %add3A_38, %select_n3A_1560 : i32
      %ne3A_1562 = arith.constant 0 : i32
      %ne3A_1563 = arith.cmpi ne, %rem3A_1561, %ne3A_1562 : i32
      %lt3A_1564 = arith.constant 0 : i32
      %lt3A_1565 = arith.cmpi slt, %rem3A_1561, %lt3A_1564 : i32
      %lt3A_1566 = arith.constant 0 : i32
      %lt3A_1567 = arith.cmpi slt, %select_n3A_1560, %lt3A_1566 : i32
      %ne3A_1568 = arith.xori %lt3A_1565, %lt3A_1567 : i1
      %and3A_1569 = arith.andi %ne3A_1568, %ne3A_1563 : i1
      %add3A_1570 = arith.addi %rem3A_1561, %select_n3A_1560 : i32
      %select_n3A_1571 = arith.select %and3A_1569, %add3A_1570, %rem3A_1561 : i32
      %add3A_1572 = arith.addi %mul3A_1555, %select_n3A_1571 : i32
      %mul3A_1573 = arith.constant 2 : i32
      %mul3A_1574 = arith.muli %mul3A_1573, %arg1 : i32
      %mul3A_1575 = arith.constant 8 : i32
      %mul3A_1576 = arith.muli %mul3A_1574, %mul3A_1575 : i32
      %add3A_1577 = arith.addi %add3A_1572, %mul3A_1576 : i32
      %iota3A_1578 = tpu.iota {dimensions = array<i32: 0>} : vector<16xi32>
      %add3A_1579 = arith.constant 352 : i32
      %add3A_1580 = vector.broadcast %add3A_1579 : i32 to vector<16xi32>
      %add3A_1581 = arith.addi %iota3A_1578, %add3A_1580 : vector<16xi32>
      %ge3A_1582 = arith.constant 200 : i32
      %ge3A_1583 = vector.broadcast %ge3A_1582 : i32 to vector<16xi32>
      %ge3A_1584 = arith.cmpi sge, %add3A_1581, %ge3A_1583 : vector<16xi32>
      %jit3A_1585 = arith.constant 1 : i32
      %jit3A_1586 = arith.constant 0 : i32
      %broadcast_in_dim3A_1587 = vector.broadcast %jit3A_1585 : i32 to vector<16xi32>
      %broadcast_in_dim3A_1588 = vector.broadcast %jit3A_1586 : i32 to vector<16xi32>
      %select_n3A_1589 = arith.select %ge3A_1584, %broadcast_in_dim3A_1587, %broadcast_in_dim3A_1588 : vector<16xi1>, vector<16xi32>
      %mul3A_1590 = arith.constant 200 : i32
      %mul3A_1591 = vector.broadcast %mul3A_1590 : i32 to vector<16xi32>
      %mul3A_1592 = arith.muli %select_n3A_1589, %mul3A_1591 : vector<16xi32>
      %sub3A_1593 = arith.subi %add3A_1581, %mul3A_1592 : vector<16xi32>
      %mul3A_1594 = arith.constant 2048 : i32
      %mul3A_1595 = vector.broadcast %mul3A_1594 : i32 to vector<16xi32>
      %mul3A_1596 = arith.muli %sub3A_1593, %mul3A_1595 : vector<16xi32>
      %add3A_1597 = vector.broadcast %add3A_1577 : i32 to vector<16xi32>
      %add3A_1598 = arith.addi %mul3A_1596, %add3A_1597 : vector<16xi32>
      %mul3A_1599 = arith.constant 8 : i32
      %mul3A_1600 = vector.broadcast %mul3A_1599 : i32 to vector<16xi32>
      %mul3A_1601 = arith.muli %select_n3A_1589, %mul3A_1600 : vector<16xi32>
      %add3A_1602 = arith.addi %add3A_1598, %mul3A_1601 : vector<16xi32>
      %swap3A_1603 = arith.constant 8 : i32
      %swap3A_1604 = arith.index_cast %swap3A_1603 : i32 to index
      %swap3A_1605 = arith.constant 0 : index
      %swap3A_1606 = tpu.vector_load %arg7[%swap3A_1604, %swap3A_1605] {strides = array<i32>} : memref<9x48xi32, #tpu.memory_space<vmem>>, vector<1x16xi32>,
      %swap3A_1607 = vector.shape_cast %swap3A_1606 : vector<1x16xi32> to vector<16xi32>
      %swap3A_1608 = vector.shape_cast %add3A_1602 : vector<16xi32> to vector<1x16xi32>
      tpu.vector_store %arg7[%swap3A_1604, %swap3A_1605], %swap3A_1608 {strides = array<i32>} : memref<9x48xi32, #tpu.memory_space<vmem>>, vector<1x16xi32>,
      %iota3A_1609 = tpu.iota {dimensions = array<i32: 0>} : vector<16xi32>
      %add3A_1610 = arith.constant 368 : i32
      %add3A_1611 = vector.broadcast %add3A_1610 : i32 to vector<16xi32>
      %add3A_1612 = arith.addi %iota3A_1609, %add3A_1611 : vector<16xi32>
      %ge3A_1613 = arith.constant 200 : i32
      %ge3A_1614 = vector.broadcast %ge3A_1613 : i32 to vector<16xi32>
      %ge3A_1615 = arith.cmpi sge, %add3A_1612, %ge3A_1614 : vector<16xi32>
      %jit3A_1616 = arith.constant 1 : i32
      %jit3A_1617 = arith.constant 0 : i32
      %broadcast_in_dim3A_1618 = vector.broadcast %jit3A_1616 : i32 to vector<16xi32>
      %broadcast_in_dim3A_1619 = vector.broadcast %jit3A_1617 : i32 to vector<16xi32>
      %select_n3A_1620 = arith.select %ge3A_1615, %broadcast_in_dim3A_1618, %broadcast_in_dim3A_1619 : vector<16xi1>, vector<16xi32>
      %mul3A_1621 = arith.constant 200 : i32
      %mul3A_1622 = vector.broadcast %mul3A_1621 : i32 to vector<16xi32>
      %mul3A_1623 = arith.muli %select_n3A_1620, %mul3A_1622 : vector<16xi32>
      %sub3A_1624 = arith.subi %add3A_1612, %mul3A_1623 : vector<16xi32>
      %mul3A_1625 = arith.constant 2048 : i32
      %mul3A_1626 = vector.broadcast %mul3A_1625 : i32 to vector<16xi32>
      %mul3A_1627 = arith.muli %sub3A_1624, %mul3A_1626 : vector<16xi32>
      %add3A_1628 = vector.broadcast %add3A_1577 : i32 to vector<16xi32>
      %add3A_1629 = arith.addi %mul3A_1627, %add3A_1628 : vector<16xi32>
      %mul3A_1630 = arith.constant 8 : i32
      %mul3A_1631 = vector.broadcast %mul3A_1630 : i32 to vector<16xi32>
      %mul3A_1632 = arith.muli %select_n3A_1620, %mul3A_1631 : vector<16xi32>
      %add3A_1633 = arith.addi %add3A_1629, %mul3A_1632 : vector<16xi32>
      %swap3A_1634 = arith.constant 8 : i32
      %swap3A_1635 = arith.index_cast %swap3A_1634 : i32 to index
      %swap3A_1636 = arith.constant 16 : index
      %swap3A_1637 = tpu.vector_load %arg7[%swap3A_1635, %swap3A_1636] {strides = array<i32>} : memref<9x48xi32, #tpu.memory_space<vmem>>, vector<1x16xi32>,
      %swap3A_1638 = vector.shape_cast %swap3A_1637 : vector<1x16xi32> to vector<16xi32>
      %swap3A_1639 = vector.shape_cast %add3A_1633 : vector<16xi32> to vector<1x16xi32>
      tpu.vector_store %arg7[%swap3A_1635, %swap3A_1636], %swap3A_1639 {strides = array<i32>} : memref<9x48xi32, #tpu.memory_space<vmem>>, vector<1x16xi32>,
      %iota3A_1640 = tpu.iota {dimensions = array<i32: 0>} : vector<16xi32>
      %add3A_1641 = arith.constant 384 : i32
      %add3A_1642 = vector.broadcast %add3A_1641 : i32 to vector<16xi32>
      %add3A_1643 = arith.addi %iota3A_1640, %add3A_1642 : vector<16xi32>
      %ge3A_1644 = arith.constant 200 : i32
      %ge3A_1645 = vector.broadcast %ge3A_1644 : i32 to vector<16xi32>
      %ge3A_1646 = arith.cmpi sge, %add3A_1643, %ge3A_1645 : vector<16xi32>
      %jit3A_1647 = arith.constant 1 : i32
      %jit3A_1648 = arith.constant 0 : i32
      %broadcast_in_dim3A_1649 = vector.broadcast %jit3A_1647 : i32 to vector<16xi32>
      %broadcast_in_dim3A_1650 = vector.broadcast %jit3A_1648 : i32 to vector<16xi32>
      %select_n3A_1651 = arith.select %ge3A_1646, %broadcast_in_dim3A_1649, %broadcast_in_dim3A_1650 : vector<16xi1>, vector<16xi32>
      %mul3A_1652 = arith.constant 200 : i32
      %mul3A_1653 = vector.broadcast %mul3A_1652 : i32 to vector<16xi32>
      %mul3A_1654 = arith.muli %select_n3A_1651, %mul3A_1653 : vector<16xi32>
      %sub3A_1655 = arith.subi %add3A_1643, %mul3A_1654 : vector<16xi32>
      %mul3A_1656 = arith.constant 2048 : i32
      %mul3A_1657 = vector.broadcast %mul3A_1656 : i32 to vector<16xi32>
      %mul3A_1658 = arith.muli %sub3A_1655, %mul3A_1657 : vector<16xi32>
      %add3A_1659 = vector.broadcast %add3A_1577 : i32 to vector<16xi32>
      %add3A_1660 = arith.addi %mul3A_1658, %add3A_1659 : vector<16xi32>
      %mul3A_1661 = arith.constant 8 : i32
      %mul3A_1662 = vector.broadcast %mul3A_1661 : i32 to vector<16xi32>
      %mul3A_1663 = arith.muli %select_n3A_1651, %mul3A_1662 : vector<16xi32>
      %add3A_1664 = arith.addi %add3A_1660, %mul3A_1663 : vector<16xi32>
      %swap3A_1665 = arith.constant 8 : i32
      %swap3A_1666 = arith.index_cast %swap3A_1665 : i32 to index
      %swap3A_1667 = arith.constant 32 : index
      %swap3A_1668 = tpu.vector_load %arg7[%swap3A_1666, %swap3A_1667] {strides = array<i32>} : memref<9x48xi32, #tpu.memory_space<vmem>>, vector<1x16xi32>,
      %swap3A_1669 = vector.shape_cast %swap3A_1668 : vector<1x16xi32> to vector<16xi32>
      %swap3A_1670 = vector.shape_cast %add3A_1664 : vector<16xi32> to vector<1x16xi32>
      tpu.vector_store %arg7[%swap3A_1666, %swap3A_1667], %swap3A_1670 {strides = array<i32>} : memref<9x48xi32, #tpu.memory_space<vmem>>, vector<1x16xi32>,
      %dma_start3A_1671 = arith.constant 0 : i32
      %dma_start3A_1672 = arith.constant 8 : i32
      %dma_start3A_1673 = arith.constant 0 : i32
      %dma_start3A_1674 = arith.constant 0 : i32
      %dma_start3A_1675 = tpu.memref_slice %arg6[%dma_start3A_1671, %dma_start3A_1673, %dma_start3A_1674] : memref<2x48x128xf32, #tpu.memory_space<vmem>> -> memref<1x48x128xf32, #tpu.memory_space<vmem>>
      %dma_start3A_1676 = tpu.memref_squeeze %dma_start3A_1675 : memref<1x48x128xf32, #tpu.memory_space<vmem>> -> memref<48x128xf32, #tpu.memory_space<vmem>>
      %dma_start3A_1677 = arith.constant 0 : i32
      %dma_start3A_1678 = tpu.memref_slice %arg7[%dma_start3A_1672, %dma_start3A_1677] : memref<9x48xi32, #tpu.memory_space<vmem>> -> memref<1x48xi32, #tpu.memory_space<vmem>>
      %dma_start3A_1679 = tpu.memref_squeeze %dma_start3A_1678 : memref<1x48xi32, #tpu.memory_space<vmem>> -> memref<48xi32, #tpu.memory_space<vmem>>
      %dma_start3A_1680 = arith.constant 0 : i32
      %dma_start3A_1681 = arith.constant 0 : i32
      %dma_start3A_1682 = tpu.memref_slice %arg4[%dma_start3A_1680, %dma_start3A_1681] : memref<409600x128xf32, #tpu.memory_space<hbm>> -> memref<409600x128xf32, #tpu.memory_space<hbm>>
      tpu.enqueue_indirect_dma source(%dma_start3A_1676 : memref<48x128xf32, #tpu.memory_space<vmem>>) target(%dma_start3A_1682 : memref<409600x128xf32, #tpu.memory_space<hbm>>) offsets(%dma_start3A_1679 : memref<48xi32, #tpu.memory_space<vmem>>) semaphore(%arg11 : memref<!tpu.dma_semaphore, #tpu.memory_space<semaphore_mem>>)
      %barrier3A_1683 = arith.constant 0 : index
      tpu.barrier barrier_id(%barrier3A_1683)
    }
    %scan3A_9 = arith.constant 32 : i32
    %dma_wait3A = arith.constant 1 : i32
    %dma_wait3A_10 = arith.constant 7 : i32
    %dma_wait3A_11 = arith.constant 0 : i32
    %dma_wait3A_12 = arith.constant 0 : i32
    %dma_wait3A_13 = tpu.memref_slice %arg6[%dma_wait3A, %dma_wait3A_11, %dma_wait3A_12] : memref<2x48x128xf32, #tpu.memory_space<vmem>> -> memref<1x48x128xf32, #tpu.memory_space<vmem>>
    %dma_wait3A_14 = tpu.memref_squeeze %dma_wait3A_13 : memref<1x48x128xf32, #tpu.memory_space<vmem>> -> memref<48x128xf32, #tpu.memory_space<vmem>>
    %dma_wait3A_15 = arith.constant 0 : i32
    %dma_wait3A_16 = tpu.memref_slice %arg7[%dma_wait3A_10, %dma_wait3A_15] : memref<9x48xi32, #tpu.memory_space<vmem>> -> memref<1x48xi32, #tpu.memory_space<vmem>>
    %dma_wait3A_17 = tpu.memref_squeeze %dma_wait3A_16 : memref<1x48xi32, #tpu.memory_space<vmem>> -> memref<48xi32, #tpu.memory_space<vmem>>
    %dma_wait3A_18 = arith.constant 0 : i32
    %dma_wait3A_19 = arith.constant 0 : i32
    %dma_wait3A_20 = tpu.memref_slice %arg4[%dma_wait3A_18, %dma_wait3A_19] : memref<409600x128xf32, #tpu.memory_space<hbm>> -> memref<409600x128xf32, #tpu.memory_space<hbm>>
    tpu.wait_indirect_dma semaphore(%arg12 : memref<!tpu.dma_semaphore, #tpu.memory_space<semaphore_mem>>) src(%dma_wait3A_14 : memref<48x128xf32, #tpu.memory_space<vmem>>) dst(%dma_wait3A_20 : memref<409600x128xf32, #tpu.memory_space<hbm>>)
    %dma_wait3A_21 = arith.constant 0 : i32
    %dma_wait3A_22 = arith.constant 8 : i32
    %dma_wait3A_23 = arith.constant 0 : i32
    %dma_wait3A_24 = arith.constant 0 : i32
    %dma_wait3A_25 = tpu.memref_slice %arg6[%dma_wait3A_21, %dma_wait3A_23, %dma_wait3A_24] : memref<2x48x128xf32, #tpu.memory_space<vmem>> -> memref<1x48x128xf32, #tpu.memory_space<vmem>>
    %dma_wait3A_26 = tpu.memref_squeeze %dma_wait3A_25 : memref<1x48x128xf32, #tpu.memory_space<vmem>> -> memref<48x128xf32, #tpu.memory_space<vmem>>
    %dma_wait3A_27 = arith.constant 0 : i32
    %dma_wait3A_28 = tpu.memref_slice %arg7[%dma_wait3A_22, %dma_wait3A_27] : memref<9x48xi32, #tpu.memory_space<vmem>> -> memref<1x48xi32, #tpu.memory_space<vmem>>
    %dma_wait3A_29 = tpu.memref_squeeze %dma_wait3A_28 : memref<1x48xi32, #tpu.memory_space<vmem>> -> memref<48xi32, #tpu.memory_space<vmem>>
    %dma_wait3A_30 = arith.constant 0 : i32
    %dma_wait3A_31 = arith.constant 0 : i32
    %dma_wait3A_32 = tpu.memref_slice %arg4[%dma_wait3A_30, %dma_wait3A_31] : memref<409600x128xf32, #tpu.memory_space<hbm>> -> memref<409600x128xf32, #tpu.memory_space<hbm>>
    tpu.wait_indirect_dma semaphore(%arg11 : memref<!tpu.dma_semaphore, #tpu.memory_space<semaphore_mem>>) src(%dma_wait3A_26 : memref<48x128xf32, #tpu.memory_space<vmem>>) dst(%dma_wait3A_32 : memref<409600x128xf32, #tpu.memory_space<hbm>>)
    return
  }
}

</mosaic_0001>

<sc_bundles>
// kernel: kernel.3.cloned.1.call-start
scs
__scs_entry_jumppad:
0x0: {  	(pc) =	sbr.rel $0x88, $3  }
0x1: {  	(tag) =	ssettag $0x0;
	lr =	simm.s32 $0x1  }
0x2: {  	[smem:$0x3F9F] =	sst lr;
	_ =	strace $0xD0000000  }
0x3: {  	_ = 	snop  }
0x4: {  	_ = 	snop  }
0x5: {  	_ = 	snop  }
0x6: {  	_ = 	snop  }
0x7: {  	_ = 	snop  }
__scs_overlays_trampoline_lowered:
0x8: {  	[smem:$0x3FAE] =	sst s0  }
0x9: {  	[smem:$0x3FAF] =	sst s1  }
0xa: {  	[smem:$0x3FB0] =	sst s2  }
0xb: {  	[smem:$0x3FB1] =	sst s3  }
0xc: {  	[smem:$0x3FB2] =	sst s4  }
0xd: {  	[smem:$0x3FB3] =	sst s5  }
0xe: {  	[smem:$0x3FB4] =	sst s6  }
0xf: {  	[smem:$0x3FB5] =	sst s7  }
0x10: {  	[smem:$0x3FB6] =	sst s8  }
0x11: {  	[smem:$0x3FB7] =	sst s9;
	s0 =	simm.s32 @!p0 $0x0  }
0x12: {  	s1 =	sld [smem:$0x3F9D];
	s0 =	simm.s32 @p0 $0x1  }
0x13: {  	[smem:$0x3FB8] =	sst s0;
	s0 =	simm.s32 @!p1 $0x0  }
0x14: {  	s2 =	sld [smem:$0x3F9C];
	s0 =	simm.s32 @p1 $0x1  }
0x15: {  	[smem:$0x3FB9] =	sst s0;
	s0 =	simm.s32 @!p2 $0x0  }
0x16: {  	s3 =	sld [smem:$0x3FDB];
	s0 =	simm.s32 @p2 $0x1  }
0x17: {  	s4 =	simm.s32 $0x1BF5;
	[smem:$0x3FBB] =	sst s0  }
0x18: {  	s0 =	sld [smem:$0x3F9E];
	_ =	swait.ge [sflag:s4], $0x0  }
0x19: {  	s7 =	sld [smem:$0x3F9F]  }
0x1a: {  	s8 =	sadd.s32 $0xFFFFE003, lr  }
0x1b: {  	s9 =	sadd.s32 $0xFFFFFEF7, lr;
	s5 =	simm.s32 $0xFFFFFFFF;
	p2 =	slt.u32 s8, $0xFFFFF086  }
0x1c: {  	p1 =	slt.u32 s9, $0xF7A;
	s5 =	simm.s32 @!p2 $0x0  }
0x1d: {  	s5 =	simm.s32 @p1 $0x1;
	p0 =	seq.s32 s7, s2  }
0x1e: {  	s7 =	smul.u32 @!p0 $0xF7A, s2;
	p2 =	seq.s32 @!p0 s5, $0x0  }
0x1f: {  	s9 =	smul.u32 $0xF7A, s1;
	s8 =	simm.s32 @!p0 $0x1BF5;
	p2 =	por !p2, p0  }
0x20: {  	[sflag:s8] =	ssyncset.s32 @!p0 $0xFFFFF086;
	s6 =	sadd.s32 @!p0 s3, s7;
	s7 =	simm.s32 @!p0 $0x108  }
0x21: {  	s3 =	sadd.s32 s3, s9;
	s6 =	sadd.s32 @!p0 $0x88, s6;
	s7 =	simm.s32 @p2 $0x1082  }
0x22: {  	[simem:s7], [sflag:s8] =	dma.local @!p0 [hbm:s6], $0xF7A  }
0x23: {  	s9 =	sor.u32 $0xD0000000, s2;
	s6 =	simm.s32 $0x108;
	_ =	swait.ge @!p0 [sflag:s8], $0x0  }
0x24: {  	s3 =	sadd.s32 $0x88, s3;
	s6 =	simm.s32 @!p1 $0x1082;
	[sflag:s4] =	ssyncset.s32 $0xFFFFF086  }
0x25: {  	[simem:s6], [sflag:s4] =	dma.local [hbm:s3], $0xF7A  }
0x26: {  	[smem:$0x3F9F] =	sst s1;
	(tag) =	ssettag s2;
	_ =	strace s9  }
0x27: {  	s1 =	sld [smem:$0x3FAF]  }
0x28: {  	s2 =	sld [smem:$0x3FB0]  }
0x29: {  	s4 =	sld [smem:$0x3FB2]  }
0x2a: {  	p0 =	seq.s32 s5, $0x0;
	s5 =	sld [smem:$0x3FB3]  }
0x2b: {  	s6 =	sld [smem:$0x3FB4]  }
0x2c: {  	s7 =	sld [smem:$0x3FB5]  }
0x2d: {  	s3 =	simm.s32 $0x108;
	s8 =	sld [smem:$0x3FB6]  }
0x2e: {  	s3 =	simm.s32 @!p0 $0x1082;
	s9 =	sld [smem:$0x3FB7]  }
0x2f: {  	lr =	sadd.s32 s0, s3;
	s0 =	sld [smem:$0x3FAE]  }
0x30: {  	s3 =	sld [smem:$0x3FB1]  }
0x31: {  	[smem:$0x3FBA] =	sst s10  }
0x32: {  	s10 =	sld [smem:$0x3FB8];
	_ =	sdelay $0x3  }
0x33: {  	p0 =	seq.s32 s10, $0x1;
	s10 =	sld [smem:$0x3FBA];
	_ =	sdelay $0x3  }
0x34: {  	[smem:$0x3FBA] =	sst s10  }
0x35: {  	s10 =	sld [smem:$0x3FB9];
	_ =	sdelay $0x3  }
0x36: {  	p1 =	seq.s32 s10, $0x1;
	s10 =	sld [smem:$0x3FBA];
	_ =	sdelay $0x3  }
0x37: {  	[smem:$0x3FBA] =	sst s10  }
0x38: {  	s10 =	sld [smem:$0x3FBB]  }
0x39: {  	_ = 	snop;
	(pc) =	sbr.ind lr, $3  }
0x3a: {  	_ = 	snop  }
0x3b: {  	_ = 	snop  }
0x3c: {  	p2 =	seq.s32 s10, $0x1;
	s10 =	sld [smem:$0x3FBA]  }
0x3d: {  	_ =	shalt  }
0x3e: {  	_ =	shalt  }
0x3f: {  	_ =	shalt  }
0x40: {  	_ =	shalt  }
0x41: {  	_ =	shalt  }
0x42: {  	_ =	shalt  }
0x43: {  	_ =	shalt  }
0x44: {  	_ =	shalt  }
0x45: {  	_ =	shalt  }
0x46: {  	_ =	shalt  }
0x47: {  	_ =	shalt  }
0x48: {  	_ =	shalt  }
0x49: {  	_ =	shalt  }
0x4a: {  	_ =	shalt  }
0x4b: {  	_ =	shalt  }
0x4c: {  	_ =	shalt  }
0x4d: {  	_ =	shalt  }
0x4e: {  	_ =	shalt  }
0x4f: {  	_ =	shalt  }
0x50: {  	_ =	shalt  }
0x51: {  	_ =	shalt  }
0x52: {  	_ =	shalt  }
0x53: {  	_ =	shalt  }
0x54: {  	_ =	shalt  }
0x55: {  	_ =	shalt  }
0x56: {  	_ =	shalt  }
0x57: {  	_ =	shalt  }
0x58: {  	_ =	shalt  }
0x59: {  	_ =	shalt  }
0x5a: {  	_ =	shalt  }
0x5b: {  	_ =	shalt  }
0x5c: {  	_ =	shalt  }
0x5d: {  	_ =	shalt  }
0x5e: {  	_ =	shalt  }
0x5f: {  	_ =	shalt  }
0x60: {  	_ =	shalt  }
0x61: {  	_ =	shalt  }
0x62: {  	_ =	shalt  }
0x63: {  	_ =	shalt  }
0x64: {  	_ =	shalt  }
0x65: {  	_ =	shalt  }
0x66: {  	_ =	shalt  }
0x67: {  	_ =	shalt  }
0x68: {  	_ =	shalt  }
0x69: {  	_ =	shalt  }
0x6a: {  	_ =	shalt  }
0x6b: {  	_ =	shalt  }
0x6c: {  	_ =	shalt  }
0x6d: {  	_ =	shalt  }
0x6e: {  	_ =	shalt  }
0x6f: {  	_ =	shalt  }
0x70: {  	_ =	shalt  }
0x71: {  	_ =	shalt  }
0x72: {  	_ =	shalt  }
0x73: {  	_ =	shalt  }
0x74: {  	_ =	shalt  }
0x75: {  	_ =	shalt  }
0x76: {  	_ =	shalt  }
0x77: {  	_ =	shalt  }
0x78: {  	_ =	shalt  }
0x79: {  	_ =	shalt  }
0x7a: {  	_ =	shalt  }
0x7b: {  	_ =	shalt  }
0x7c: {  	_ =	shalt  }
0x7d: {  	_ =	shalt  }
0x7e: {  	_ =	shalt  }
0x7f: {  	_ =	shalt  }
0x80: {  	_ =	shalt  }
0x81: {  	_ =	shalt  }
0x82: {  	_ =	shalt  }
0x83: {  	_ =	shalt  }
0x84: {  	_ =	shalt  }
0x85: {  	_ =	shalt  }
0x86: {  	_ =	shalt  }
0x87: {  	_ =	shalt  }
.Lfunc_end0:
.L_simem_size_0:
called_computation_lowered:
.L_overlay_start_0:
0x88: {  	s2 =	sld [smem:$0x3FD9]  }
0x89: {  	s3 =	sld [smem:$0x3FFE];
	_ =	sdelay $0x1  }
0x8a: {  	s1 =	srdreg.scid  }
0x8b: {  	s0 =	sand.u32 $0x1, s1  }
0x8c: {  	s18 =	sshll.u32 s0, $0xA;
	s2 =	sadd.s32 s3, s2  }
0x8d: {  	s2 =	sadd.s32 s2, s18  }
0x8e: {  	[smem:$0x3FC6] =	sst s2  }
0x8f: {  	_ = 	snop  }
0x90: {  	s2 =	sld [smem:$0x3FC9]  }
0x91: {  	s19 =	sld [smem:$0x3FC8]  }
0x92: {  	s4 =	sld [smem:$0x3FD0];
	(tm) =	ssettm $0x1  }
0x93: {  	s5 =	sld [smem:$0x3FFB];
	_ =	sdelay $0x3  }
0x94: {  	_ =	strace s5  }
0x95: {  	s5 =	sld [smem:$0x3FFC];
	_ =	sdelay $0x3  }
0x96: {  	_ =	strace s5  }
0x97: {  	s5 =	sld [smem:$0x3FFD];
	_ =	sdelay $0x3  }
0x98: {  	_ =	strace s5  }
0x99: {  	_ =	strace $0x8FFFFFFF  }
0x9a: {  	s20 =	sld [smem:$0x3FDB];
	_ =	sdelay $0x1  }
0x9b: {  	s6 =	simm.s32 $_scs_section_size  }
0x9c: {  	s7 =	simm.s32 $_size__tile_overlayer_lowered;
	s8 =	simm.s32 $_tile_overlayer_lowered  }
0x9d: {  	s23 =	simm.s32 $0x1BFF;
	s22 =	sshll.u32 s8, $0x1;
	s5 =	sadd.s32 s6, s20  }
0x9e: {  	s9 =	simm.s32 $0x0;
	s21 =	sshll.u32 s7, $0x1;
	s7 =	sadd.s32 s22, s5  }
0x9f: {  	[timem:s9], [sflag:s23] =	dma.local [hbm:s7], s21  }
0xa0: {  	_ =	swait.ge [sflag:s23], s21  }
0xa1: {  	s6 =	ssub.s32 $0x0, s21;
	[sflag:s23] =	ssyncset.done $0x0  }
0xa2: {  	[sflag:s23] =	ssyncadd.s32 s6;
	_ =	sdelay $0x1  }
0xa3: {  	s24 =	simm.s32 $0x1B8B  }
0xa4: {  	_ =	swait.ge [sflag:s24], $0x1  }
0xa5: {  	[sflag:s24] =	ssyncset.done $0x0  }
0xa6: {  	s25 =	simm.s32 $0x1B8E;
	[sflag:s24] =	ssyncadd.s32 $0xFFFFFFFF  }
0xa7: {  	s26 =	simm.s32 $execute0_lowered;
	[smem:$0x3FD2] =	sst s25  }
0xa8: {  	s6 =	sshll.u32 s26, $0x1;
	_ =	strace $0x80000046;
	[dreg:$0x1] =	wrdreg $0xFFFFFFFF  }
0xa9: {  	s28 =	simm.s32 $_size_execute0_lowered;
	s5 =	sadd.s32 s5, s6;
	[dreg:$0x0] =	wrdreg $0x0  }
0xaa: {  	s6 =	sshll.u32 s28, $0x1;
	[dreg:$0x2] =	wrdreg s5  }
0xab: {  	[dreg:$0x3] =	wrdreg s6  }
0xac: {  	[dreg:$0x4] =	wrdreg $0xC0  }
0xad: {  	_ =	task [dreg:s9], $0x5FFFF  }
0xae: {  	[dreg:$0x1] =	wrdreg $0xFFFFFFFF  }
0xaf: {  	[dreg:$0x0] =	wrdreg $0x60  }
0xb0: {  	[dreg:$0x2] =	wrdreg s2  }
0xb1: {  	[dreg:$0x3] =	wrdreg s19  }
0xb2: {  	[dreg:$0x4] =	wrdreg s4  }
0xb3: {  	[dreg:$0x5] =	wrdreg $0x100000  }
0xb4: {  	[dreg:$0x6] =	wrdreg $0x9  }
0xb5: {  	_ =	task.clear_ibuf [dreg:s9], $0x7FFFF;
	_ =	strace $0x90000046  }
0xb6: {  	s29 =	simm.s32 $0x9;
	_ =	strace $0x80000048  }
0xb7: {  	_ =	swait.ge [sflag:s29], $0x1  }
0xb8: {  	[sflag:s29] =	ssyncadd.s32 $0xFFFFFFFF  }
0xb9: {  	_ =	strace $0x90000048  }
0xba: {  	_ =	sfence  }
0xbb: {  	s30 =	sld [smem:$0x0];
	_ =	sdelay $0x2  }
0xbc: {  	s31 =	sshll.u32 s1, $0xD;
	s1 =	sshrl.u32 s1, $0x2  }
0xbd: {  	s3 =	sand.u32 $0x4000, s31;
	s1 =	sadd.s32 s1, s30  }
0xbe: {  	s0 =	sor.u32 s3, s0;
	s1 =	sshll.u32 s1, $0x11  }
0xbf: {  	s0 =	sor.u32 s1, s0  }
0xc0: {  	s0 =	sadd.s32 $0x8F2B, s0  }
0xc1: {  	[sflag:s0] =	ssyncadd.remote.s32 $0x1  }
0xc2: {  	_ =	sfence.sel $0xFFFF  }
0xc3: {  	[dreg:$0x0] =	wrdreg $0xFFFFFFFF;
	(pc) =	sbr.abs _section_cstart, $3  }
0xc4: {  	[dreg:$0x1] =	wrdreg $0xFFFFFFFF  }
0xc5: {  	_ =	task.clear_ibuf [dreg:s9], $0x2FFFF;
	_ =	strace $0x9FFFFFFF  }
0xc6: {  	(tm) =	ssettm $0x7FFFFFFF  }
0xc7: {  	_ =	shalt  }
tec
execute0_lowered:
.L_overlay_start_1:
0x0: {  	(tag) =	ssettag $0x1  }
0x1: {  	s0 =	rddreg [dreg:$0x0]  }
0x2: {  	s19 =	rddreg [dreg:$0x2]  }
0x3: {  	s4 =	rddreg [dreg:$0x3];
	s3 =	simm.s32 $0x0;
	s2 =	stileid.u32  }
0x4: {  	[smem:$0x7FF] =	sst s3;
	s9 =	sshll.u32 s2, $0x4  }
0x5: {  	s10 =	simm.s32 $0x100;
	_ =	strace $0x80000047;
	[dreg:$0x7] =	wrdreg s9  }
0x6: {  	s11 =	simm.s32 $0x180;
	[dreg:$0xb] =	wrdreg s10  }
0x7: {  	s12 =	simm.s32 $0x200;
	[dreg:$0xc] =	wrdreg s11  }
0x8: {  	s13 =	simm.s32 $0x280;
	[dreg:$0xd] =	wrdreg s12  }
0x9: {  	s14 =	simm.s32 $0x300;
	[dreg:$0xe] =	wrdreg s13  }
0xa: {  	s15 =	simm.s32 $0x380;
	[dreg:$0xf] =	wrdreg s14  }
0xb: {  	s16 =	simm.s32 $0x480;
	[dreg:$0x10] =	wrdreg s15  }
0xc: {  	s17 =	simm.s32 $0x500;
	[dreg:$0x11] =	wrdreg s16  }
0xd: {  	s18 =	simm.s32 $0x580;
	[dreg:$0x12] =	wrdreg s17  }
0xe: {  	s20 =	simm.s32 $0x600;
	[dreg:$0x13] =	wrdreg s18  }
0xf: {  	s21 =	simm.s32 $0x680;
	[dreg:$0x14] =	wrdreg s20  }
0x10: {  	s22 =	simm.s32 $0x700;
	[dreg:$0x15] =	wrdreg s21  }
0x11: {  	s23 =	simm.s32 $0x780;
	[dreg:$0x16] =	wrdreg s22  }
0x12: {  	s24 =	simm.s32 $0x800;
	[dreg:$0x17] =	wrdreg s23  }
0x13: {  	s25 =	simm.s32 $0x880;
	[dreg:$0x18] =	wrdreg s24  }
0x14: {  	s26 =	simm.s32 $0x900;
	[dreg:$0x19] =	wrdreg s25  }
0x15: {  	s28 =	simm.s32 $0x980;
	[dreg:$0x1a] =	wrdreg s26  }
0x16: {  	s1 =	srdreg.scid;
	s30 =	simm.s32 $0xA00;
	[dreg:$0x1b] =	wrdreg s28  }
0x17: {  	s31 =	simm.s32 $0xA80;
	s1 =	sand.u32 $0x1, s1;
	[dreg:$0x1c] =	wrdreg s30  }
0x18: {  	s7 =	smul.u32 $0x7A400, s2;
	s5 =	sshll.u32 s1, $0x5;
	[dreg:$0x1d] =	wrdreg s31  }
0x19: {  	[dreg:$0x5] =	wrdreg s5  }
0x1a: {  	s9 =	simm.s32 $0xD00;
	[dreg:$0x6] =	wrdreg s7  }
0x1b: {  	s10 =	simm.s32 $0xD80;
	[smem:$0x69D] =	sst s9  }
0x1c: {  	s11 =	simm.s32 $0xE00;
	[smem:$0x69E] =	sst s10  }
0x1d: {  	s12 =	simm.s32 $0xE80;
	[smem:$0x69F] =	sst s11  }
0x1e: {  	s13 =	simm.s32 $0xF00;
	[smem:$0x6A0] =	sst s12  }
0x1f: {  	s14 =	simm.s32 $0xF80;
	[smem:$0x6A1] =	sst s13  }
0x20: {  	s15 =	simm.s32 $0x1000;
	[smem:$0x6A2] =	sst s14  }
0x21: {  	s16 =	simm.s32 $0x1080;
	[smem:$0x6A3] =	sst s15  }
0x22: {  	s17 =	simm.s32 $0x1100;
	[smem:$0x6A4] =	sst s16  }
0x23: {  	s18 =	simm.s32 $0x1180;
	[smem:$0x6A5] =	sst s17  }
0x24: {  	s20 =	simm.s32 $0x1200;
	[smem:$0x6A6] =	sst s18  }
0x25: {  	s21 =	simm.s32 $0x1280;
	[smem:$0x6A7] =	sst s20  }
0x26: {  	s22 =	simm.s32 $0x1300;
	[smem:$0x6A8] =	sst s21  }
0x27: {  	s23 =	simm.s32 $0x1380;
	[smem:$0x6A9] =	sst s22  }
0x28: {  	s24 =	simm.s32 $0x1400;
	[smem:$0x6AA] =	sst s23  }
0x29: {  	s25 =	simm.s32 $0x1480;
	[smem:$0x6AB] =	sst s24  }
0x2a: {  	s26 =	simm.s32 $0x1500;
	[smem:$0x6AC] =	sst s25  }
0x2b: {  	s28 =	simm.s32 $0x1580;
	[smem:$0x6AD] =	sst s26  }
0x2c: {  	s30 =	simm.s32 $0x1600;
	[smem:$0x6AE] =	sst s28  }
0x2d: {  	s31 =	simm.s32 $0x1680;
	[smem:$0x6AF] =	sst s30  }
0x2e: {  	s7 =	simm.s32 $0xC00;
	[smem:$0x6B0] =	sst s31  }
0x2f: {  	s9 =	simm.s32 $0x1800;
	[smem:$0x69B] =	sst s7  }
0x30: {  	s10 =	simm.s32 $0x1880;
	[smem:$0x6B5] =	sst s9  }
0x31: {  	s11 =	simm.s32 $0x1900;
	[smem:$0x6B6] =	sst s10  }
0x32: {  	s12 =	simm.s32 $0x1980;
	[smem:$0x6B7] =	sst s11  }
0x33: {  	s13 =	simm.s32 $0x1A00;
	[smem:$0x6B8] =	sst s12  }
0x34: {  	s14 =	simm.s32 $0x1A80;
	[smem:$0x6B9] =	sst s13  }
0x35: {  	s15 =	simm.s32 $0x1B00;
	[smem:$0x6BA] =	sst s14  }
0x36: {  	s16 =	simm.s32 $0x1B80;
	[smem:$0x6BB] =	sst s15  }
0x37: {  	s17 =	simm.s32 $0x1C00;
	[smem:$0x6BC] =	sst s16  }
0x38: {  	s18 =	simm.s32 $0x1C80;
	[smem:$0x6BD] =	sst s17  }
0x39: {  	s20 =	simm.s32 $0x1D00;
	[smem:$0x6BE] =	sst s18  }
0x3a: {  	s21 =	simm.s32 $0x1D80;
	[smem:$0x6BF] =	sst s20  }
0x3b: {  	s22 =	simm.s32 $0x1E00;
	[smem:$0x6C0] =	sst s21  }
0x3c: {  	s23 =	simm.s32 $0x1E80;
	[smem:$0x6C1] =	sst s22  }
0x3d: {  	s24 =	simm.s32 $0x1F00;
	[smem:$0x6C2] =	sst s23  }
0x3e: {  	s25 =	simm.s32 $0x1F80;
	[smem:$0x6C3] =	sst s24  }
0x3f: {  	s26 =	simm.s32 $0x2000;
	[smem:$0x6C4] =	sst s25  }
0x40: {  	s6 =	smul.u32 $0x3D200, s2;
	s28 =	simm.s32 $0x2080;
	[smem:$0x6C5] =	sst s26  }
0x41: {  	p0 =	seq.s32 s2, $0xF;
	s30 =	simm.s32 $0x2100;
	[smem:$0x6C6] =	sst s28  }
0x42: {  	s5 =	sadd.s32 $0xE5380, s4;
	s31 =	simm.s32 $0x2180;
	[smem:$0x6C7] =	sst s30  }
0x43: {  	s8 =	sshrl.u32 s6, $0x2;
	s5 =	sshrl.u32 @p0 s5, $0x3;
	[smem:$0x6C8] =	sst s31  }
0x44: {  	s3 =	sadd.s32 s8, s4;
	s8 =	simm.s32 $0xC80;
	[dreg:$0xa] =	wrdreg s5  }
0x45: {  	s7 =	simm.s32 $0x1;
	[smem:$0x69C] =	sst s8  }
0x46: {  	s9 =	simm.s32 $0x2400;
	[smem:$0x6B3] =	sst s7  }
0x47: {  	s10 =	simm.s32 $0x2480;
	[smem:$0x6CD] =	sst s9  }
0x48: {  	s11 =	simm.s32 $0x2500;
	[smem:$0x6CE] =	sst s10  }
0x49: {  	s12 =	simm.s32 $0x2580;
	[smem:$0x6CF] =	sst s11  }
0x4a: {  	s13 =	simm.s32 $0x2600;
	[smem:$0x6D0] =	sst s12  }
0x4b: {  	s14 =	simm.s32 $0x2680;
	[smem:$0x6D1] =	sst s13  }
0x4c: {  	s15 =	simm.s32 $0x2700;
	[smem:$0x6D2] =	sst s14  }
0x4d: {  	s16 =	simm.s32 $0x2780;
	[smem:$0x6D3] =	sst s15  }
0x4e: {  	s17 =	simm.s32 $0x2800;
	[smem:$0x6D4] =	sst s16  }
0x4f: {  	s18 =	simm.s32 $0x2880;
	[smem:$0x6D5] =	sst s17  }
0x50: {  	s20 =	simm.s32 $0x2900;
	[smem:$0x6D6] =	sst s18  }
0x51: {  	s21 =	simm.s32 $0x2980;
	[smem:$0x6D7] =	sst s20  }
0x52: {  	s22 =	simm.s32 $0x2A00;
	[smem:$0x6D8] =	sst s21  }
0x53: {  	s23 =	simm.s32 $0x2A80;
	[smem:$0x6D9] =	sst s22  }
0x54: {  	s24 =	simm.s32 $0x2B00;
	[smem:$0x6DA] =	sst s23  }
0x55: {  	s25 =	simm.s32 $0x2B80;
	[smem:$0x6DB] =	sst s24  }
0x56: {  	s26 =	simm.s32 $0x2C00;
	[smem:$0x6DC] =	sst s25  }
0x57: {  	s28 =	simm.s32 $0x2C80;
	[smem:$0x6DD] =	sst s26  }
0x58: {  	s30 =	simm.s32 $0x2D00;
	[smem:$0x6DE] =	sst s28  }
0x59: {  	s6 =	sshll.u32 @!p0 s2, $0x6;
	s31 =	simm.s32 $0x2D80;
	[smem:$0x6DF] =	sst s30  }
0x5a: {  	s5 =	sor.u32 @!p0 $0x1C01, s6;
	[smem:$0x6E0] =	sst s31  }
0x5b: {  	s3 =	sshrl.u32 @!p0 s3, $0x3;
	[dreg:$0x8] =	wrdreg s5  }
0x5c: {  	s6 =	simm.s32 $0xB80;
	[dreg:$0x9] =	wrdreg s3  }
0x5d: {  	s8 =	simm.s32 $0xF800;
	[dreg:$0x1f] =	wrdreg s6  }
0x5e: {  	s7 =	simm.s32 $0x2300;
	[smem:$0x6B4] =	sst s8  }
0x5f: {  	s9 =	simm.s32 $0xF880;
	[smem:$0x6CB] =	sst s7  }
0x60: {  	s10 =	simm.s32 $0x3000;
	[smem:$0x6E5] =	sst s9  }
0x61: {  	s11 =	simm.s32 $0x3080;
	[smem:$0x6E6] =	sst s10  }
0x62: {  	s12 =	simm.s32 $0x3100;
	[smem:$0x6E7] =	sst s11  }
0x63: {  	s13 =	simm.s32 $0x3180;
	[smem:$0x6E8] =	sst s12  }
0x64: {  	s14 =	simm.s32 $0x3200;
	[smem:$0x6E9] =	sst s13  }
0x65: {  	s15 =	simm.s32 $0x3280;
	[smem:$0x6EA] =	sst s14  }
0x66: {  	s16 =	simm.s32 $0x3300;
	[smem:$0x6EB] =	sst s15  }
0x67: {  	s17 =	simm.s32 $0x3380;
	[smem:$0x6EC] =	sst s16  }
0x68: {  	s18 =	simm.s32 $0x3400;
	[smem:$0x6ED] =	sst s17  }
0x69: {  	s20 =	simm.s32 $0x3480;
	[smem:$0x6EE] =	sst s18  }
0x6a: {  	s21 =	simm.s32 $0x3500;
	[smem:$0x6EF] =	sst s20  }
0x6b: {  	s22 =	simm.s32 $0x3580;
	[smem:$0x6F0] =	sst s21  }
0x6c: {  	s23 =	simm.s32 $0x3600;
	[smem:$0x6F1] =	sst s22  }
0x6d: {  	s24 =	simm.s32 $0x3680;
	[smem:$0x6F2] =	sst s23  }
0x6e: {  	s25 =	simm.s32 $0x3700;
	[smem:$0x6F3] =	sst s24  }
0x6f: {  	s26 =	simm.s32 $0x3780;
	[smem:$0x6F4] =	sst s25  }
0x70: {  	s28 =	simm.s32 $0x3800;
	[smem:$0x6F5] =	sst s26  }
0x71: {  	s30 =	simm.s32 $0x3880;
	[smem:$0x6F6] =	sst s28  }
0x72: {  	s31 =	simm.s32 $0x3900;
	[smem:$0x6F7] =	sst s30  }
0x73: {  	s5 =	simm.s32 $0xB00;
	[smem:$0x6F8] =	sst s31  }
0x74: {  	s6 =	simm.s32 $0x1780;
	[dreg:$0x1e] =	wrdreg s5  }
0x75: {  	s8 =	simm.s32 $0x2380;
	[smem:$0x6B2] =	sst s6  }
0x76: {  	s7 =	simm.s32 $0x2F00;
	[smem:$0x6CC] =	sst s8  }
0x77: {  	s9 =	simm.s32 $0x3B80;
	[smem:$0x6E3] =	sst s7  }
0x78: {  	s10 =	simm.s32 $0x3C00;
	[smem:$0x6FD] =	sst s9  }
0x79: {  	s11 =	simm.s32 $0x3C80;
	[smem:$0x6FE] =	sst s10  }
0x7a: {  	s12 =	simm.s32 $0x3D00;
	[smem:$0x6FF] =	sst s11  }
0x7b: {  	s13 =	simm.s32 $0x3D80;
	[smem:$0x700] =	sst s12  }
0x7c: {  	s14 =	simm.s32 $0x3E00;
	[smem:$0x701] =	sst s13  }
0x7d: {  	s15 =	simm.s32 $0x3E80;
	[smem:$0x702] =	sst s14  }
0x7e: {  	s16 =	simm.s32 $0x3F00;
	[smem:$0x703] =	sst s15  }
0x7f: {  	s17 =	simm.s32 $0x3F80;
	[smem:$0x704] =	sst s16  }
0x80: {  	s18 =	simm.s32 $0x4000;
	[smem:$0x705] =	sst s17  }
0x81: {  	s20 =	simm.s32 $0x4080;
	[smem:$0x706] =	sst s18  }
0x82: {  	s21 =	simm.s32 $0x4100;
	[smem:$0x707] =	sst s20  }
0x83: {  	s22 =	simm.s32 $0x4180;
	[smem:$0x708] =	sst s21  }
0x84: {  	s23 =	simm.s32 $0x4200;
	[smem:$0x709] =	sst s22  }
0x85: {  	s24 =	simm.s32 $0x4280;
	[smem:$0x70A] =	sst s23  }
0x86: {  	s25 =	simm.s32 $0x4300;
	[smem:$0x70B] =	sst s24  }
0x87: {  	s26 =	simm.s32 $0x4380;
	[smem:$0x70C] =	sst s25  }
0x88: {  	s28 =	simm.s32 $0x4400;
	[smem:$0x70D] =	sst s26  }
0x89: {  	s30 =	simm.s32 $0x4480;
	[smem:$0x70E] =	sst s28  }
0x8a: {  	s31 =	simm.s32 $0x4500;
	[smem:$0x70F] =	sst s30  }
0x8b: {  	s5 =	simm.s32 $0x1700;
	[smem:$0x710] =	sst s31  }
0x8c: {  	s6 =	simm.s32 $0x2280;
	[smem:$0x6B1] =	sst s5  }
0x8d: {  	s8 =	simm.s32 $0x2F80;
	[smem:$0x6CA] =	sst s6  }
0x8e: {  	s7 =	simm.s32 $0x3A80;
	[smem:$0x6E4] =	sst s8  }
0x8f: {  	s9 =	simm.s32 $0x4780;
	[smem:$0x6FB] =	sst s7  }
0x90: {  	s10 =	simm.s32 $0xF900;
	[smem:$0x715] =	sst s9  }
0x91: {  	s11 =	simm.s32 $0x4800;
	[smem:$0x716] =	sst s10  }
0x92: {  	s12 =	simm.s32 $0x4880;
	[smem:$0x717] =	sst s11  }
0x93: {  	s13 =	simm.s32 $0x4900;
	[smem:$0x718] =	sst s12  }
0x94: {  	s14 =	simm.s32 $0x4980;
	[smem:$0x719] =	sst s13  }
0x95: {  	s15 =	simm.s32 $0x4A00;
	[smem:$0x71A] =	sst s14  }
0x96: {  	s16 =	simm.s32 $0x4A80;
	[smem:$0x71B] =	sst s15  }
0x97: {  	s17 =	simm.s32 $0x4B00;
	[smem:$0x71C] =	sst s16  }
0x98: {  	s18 =	simm.s32 $0x4B80;
	[smem:$0x71D] =	sst s17  }
0x99: {  	s20 =	simm.s32 $0x4C00;
	[smem:$0x71E] =	sst s18  }
0x9a: {  	s21 =	simm.s32 $0x4C80;
	[smem:$0x71F] =	sst s20  }
0x9b: {  	s22 =	simm.s32 $0x4D00;
	[smem:$0x720] =	sst s21  }
0x9c: {  	s23 =	simm.s32 $0x4D80;
	[smem:$0x721] =	sst s22  }
0x9d: {  	s24 =	simm.s32 $0x4E00;
	[smem:$0x722] =	sst s23  }
0x9e: {  	s25 =	simm.s32 $0x4E80;
	[smem:$0x723] =	sst s24  }
0x9f: {  	s26 =	simm.s32 $0x4F00;
	[smem:$0x724] =	sst s25  }
0xa0: {  	s28 =	simm.s32 $0x4F80;
	[smem:$0x725] =	sst s26  }
0xa1: {  	s30 =	simm.s32 $0x5000;
	[smem:$0x726] =	sst s28  }
0xa2: {  	s31 =	simm.s32 $0x5080;
	[smem:$0x727] =	sst s30  }
0xa3: {  	s5 =	simm.s32 $0x2200;
	[smem:$0x728] =	sst s31  }
0xa4: {  	s6 =	simm.s32 $0x2E80;
	[smem:$0x6C9] =	sst s5  }
0xa5: {  	s8 =	simm.s32 $0x3B00;
	[smem:$0x6E2] =	sst s6  }
0xa6: {  	s7 =	simm.s32 $0x4680;
	[smem:$0x6FC] =	sst s8  }
0xa7: {  	s9 =	simm.s32 $0x5300;
	[smem:$0x713] =	sst s7  }
0xa8: {  	s10 =	simm.s32 $0x5380;
	[smem:$0x72D] =	sst s9  }
0xa9: {  	s11 =	simm.s32 $0x5400;
	[smem:$0x72E] =	sst s10  }
0xaa: {  	s12 =	simm.s32 $0x5480;
	[smem:$0x72F] =	sst s11  }
0xab: {  	s13 =	simm.s32 $0x5500;
	[smem:$0x730] =	sst s12  }
0xac: {  	s14 =	simm.s32 $0x5580;
	[smem:$0x731] =	sst s13  }
0xad: {  	s15 =	simm.s32 $0x5600;
	[smem:$0x732] =	sst s14  }
0xae: {  	s16 =	simm.s32 $0x5680;
	[smem:$0x733] =	sst s15  }
0xaf: {  	s17 =	simm.s32 $0x5700;
	[smem:$0x734] =	sst s16  }
0xb0: {  	s18 =	simm.s32 $0x5780;
	[smem:$0x735] =	sst s17  }
0xb1: {  	s20 =	simm.s32 $0x5800;
	[smem:$0x736] =	sst s18  }
0xb2: {  	s21 =	simm.s32 $0x5880;
	[smem:$0x737] =	sst s20  }
0xb3: {  	s22 =	simm.s32 $0x5900;
	[smem:$0x738] =	sst s21  }
0xb4: {  	s23 =	simm.s32 $0x5980;
	[smem:$0x739] =	sst s22  }
0xb5: {  	s24 =	simm.s32 $0x5A00;
	[smem:$0x73A] =	sst s23  }
0xb6: {  	s25 =	simm.s32 $0x5A80;
	[smem:$0x73B] =	sst s24  }
0xb7: {  	s26 =	simm.s32 $0x5B00;
	[smem:$0x73C] =	sst s25  }
0xb8: {  	s28 =	simm.s32 $0x5B80;
	[smem:$0x73D] =	sst s26  }
0xb9: {  	s30 =	simm.s32 $0x5C00;
	[smem:$0x73E] =	sst s28  }
0xba: {  	s31 =	simm.s32 $0x5C80;
	[smem:$0x73F] =	sst s30  }
0xbb: {  	s5 =	simm.s32 $0x2E00;
	[smem:$0x740] =	sst s31  }
0xbc: {  	s6 =	simm.s32 $0x3A00;
	[smem:$0x6E1] =	sst s5  }
0xbd: {  	s8 =	simm.s32 $0x4700;
	[smem:$0x6FA] =	sst s6  }
0xbe: {  	s7 =	simm.s32 $0x5200;
	[smem:$0x714] =	sst s8  }
0xbf: {  	s9 =	simm.s32 $0x5F00;
	[smem:$0x72B] =	sst s7  }
0xc0: {  	s10 =	simm.s32 $0x5F80;
	[smem:$0x745] =	sst s9  }
0xc1: {  	s11 =	simm.s32 $0xF980;
	[smem:$0x746] =	sst s10  }
0xc2: {  	s12 =	simm.s32 $0x6000;
	[smem:$0x747] =	sst s11  }
0xc3: {  	s13 =	simm.s32 $0x6080;
	[smem:$0x748] =	sst s12  }
0xc4: {  	s14 =	simm.s32 $0x6100;
	[smem:$0x749] =	sst s13  }
0xc5: {  	s15 =	simm.s32 $0x6180;
	[smem:$0x74A] =	sst s14  }
0xc6: {  	s16 =	simm.s32 $0x6200;
	[smem:$0x74B] =	sst s15  }
0xc7: {  	s17 =	simm.s32 $0x6280;
	[smem:$0x74C] =	sst s16  }
0xc8: {  	s18 =	simm.s32 $0x6300;
	[smem:$0x74D] =	sst s17  }
0xc9: {  	s20 =	simm.s32 $0x6380;
	[smem:$0x74E] =	sst s18  }
0xca: {  	s21 =	simm.s32 $0x6480;
	[smem:$0x74F] =	sst s20  }
0xcb: {  	s22 =	simm.s32 $0x6500;
	[smem:$0x750] =	sst s21  }
0xcc: {  	s23 =	simm.s32 $0x6580;
	[smem:$0x751] =	sst s22  }
0xcd: {  	s24 =	simm.s32 $0x6600;
	[smem:$0x752] =	sst s23  }
0xce: {  	s25 =	simm.s32 $0x6680;
	[smem:$0x753] =	sst s24  }
0xcf: {  	s26 =	simm.s32 $0x6700;
	[smem:$0x754] =	sst s25  }
0xd0: {  	s28 =	simm.s32 $0x6780;
	[smem:$0x755] =	sst s26  }
0xd1: {  	s30 =	simm.s32 $0x6800;
	[smem:$0x756] =	sst s28  }
0xd2: {  	s31 =	simm.s32 $0x6880;
	[smem:$0x757] =	sst s30  }
0xd3: {  	s5 =	simm.s32 $0x3980;
	[smem:$0x758] =	sst s31  }
0xd4: {  	s6 =	simm.s32 $0x4600;
	[smem:$0x6F9] =	sst s5  }
0xd5: {  	s8 =	simm.s32 $0x5280;
	[smem:$0x712] =	sst s6  }
0xd6: {  	s7 =	simm.s32 $0x5E00;
	[smem:$0x72C] =	sst s8  }
0xd7: {  	s9 =	simm.s32 $0x6B00;
	[smem:$0x743] =	sst s7  }
0xd8: {  	s10 =	simm.s32 $0x6B80;
	[smem:$0x75D] =	sst s9  }
0xd9: {  	s11 =	simm.s32 $0x6C00;
	[smem:$0x75E] =	sst s10  }
0xda: {  	s12 =	simm.s32 $0x6C80;
	[smem:$0x75F] =	sst s11  }
0xdb: {  	s13 =	simm.s32 $0x6D00;
	[smem:$0x760] =	sst s12  }
0xdc: {  	s14 =	simm.s32 $0x6D80;
	[smem:$0x761] =	sst s13  }
0xdd: {  	s15 =	simm.s32 $0x6E00;
	[smem:$0x762] =	sst s14  }
0xde: {  	s16 =	simm.s32 $0x6E80;
	[smem:$0x763] =	sst s15  }
0xdf: {  	s17 =	simm.s32 $0x6F00;
	[smem:$0x764] =	sst s16  }
0xe0: {  	s18 =	simm.s32 $0x6F80;
	[smem:$0x765] =	sst s17  }
0xe1: {  	s20 =	simm.s32 $0x7000;
	[smem:$0x766] =	sst s18  }
0xe2: {  	s21 =	simm.s32 $0x7080;
	[smem:$0x767] =	sst s20  }
0xe3: {  	s22 =	simm.s32 $0x7100;
	[smem:$0x768] =	sst s21  }
0xe4: {  	s23 =	simm.s32 $0x7180;
	[smem:$0x769] =	sst s22  }
0xe5: {  	s24 =	simm.s32 $0x7200;
	[smem:$0x76A] =	sst s23  }
0xe6: {  	s25 =	simm.s32 $0x7280;
	[smem:$0x76B] =	sst s24  }
0xe7: {  	s26 =	simm.s32 $0x7300;
	[smem:$0x76C] =	sst s25  }
0xe8: {  	s28 =	simm.s32 $0x7380;
	[smem:$0x76D] =	sst s26  }
0xe9: {  	s30 =	simm.s32 $0x7400;
	[smem:$0x76E] =	sst s28  }
0xea: {  	s31 =	simm.s32 $0x7480;
	[smem:$0x76F] =	sst s30  }
0xeb: {  	s5 =	simm.s32 $0x4580;
	[smem:$0x770] =	sst s31  }
0xec: {  	s6 =	simm.s32 $0x5180;
	[smem:$0x711] =	sst s5  }
0xed: {  	s8 =	simm.s32 $0x5E80;
	[smem:$0x72A] =	sst s6  }
0xee: {  	s7 =	simm.s32 $0x6A00;
	[smem:$0x744] =	sst s8  }
0xef: {  	s9 =	simm.s32 $0x7700;
	[smem:$0x75B] =	sst s7  }
0xf0: {  	s10 =	simm.s32 $0x7780;
	[smem:$0x775] =	sst s9  }
0xf1: {  	s11 =	simm.s32 $0xFA00;
	[smem:$0x776] =	sst s10  }
0xf2: {  	s12 =	simm.s32 $0x7800;
	[smem:$0x777] =	sst s11  }
0xf3: {  	s13 =	simm.s32 $0x7880;
	[smem:$0x778] =	sst s12  }
0xf4: {  	s14 =	simm.s32 $0x7900;
	[smem:$0x779] =	sst s13  }
0xf5: {  	s15 =	simm.s32 $0x7980;
	[smem:$0x77A] =	sst s14  }
0xf6: {  	s16 =	simm.s32 $0x7A00;
	[smem:$0x77B] =	sst s15  }
0xf7: {  	s17 =	simm.s32 $0x7A80;
	[smem:$0x77C] =	sst s16  }
0xf8: {  	s18 =	simm.s32 $0x7B00;
	[smem:$0x77D] =	sst s17  }
0xf9: {  	s20 =	simm.s32 $0x7B80;
	[smem:$0x77E] =	sst s18  }
0xfa: {  	s21 =	simm.s32 $0x7C00;
	[smem:$0x77F] =	sst s20  }
0xfb: {  	s22 =	simm.s32 $0x7C80;
	[smem:$0x780] =	sst s21  }
0xfc: {  	s23 =	simm.s32 $0x7D00;
	[smem:$0x781] =	sst s22  }
0xfd: {  	s24 =	simm.s32 $0x7D80;
	[smem:$0x782] =	sst s23  }
0xfe: {  	s25 =	simm.s32 $0x7E00;
	[smem:$0x783] =	sst s24  }
0xff: {  	s26 =	simm.s32 $0x7E80;
	[smem:$0x784] =	sst s25  }
0x100: {  	s28 =	simm.s32 $0x7F00;
	[smem:$0x785] =	sst s26  }
0x101: {  	s30 =	simm.s32 $0x7F80;
	[smem:$0x786] =	sst s28  }
0x102: {  	s31 =	simm.s32 $0x8080;
	[smem:$0x787] =	sst s30  }
0x103: {  	s5 =	simm.s32 $0x5100;
	[smem:$0x788] =	sst s31  }
0x104: {  	s6 =	simm.s32 $0x5D80;
	[smem:$0x729] =	sst s5  }
0x105: {  	s8 =	simm.s32 $0x6A80;
	[smem:$0x742] =	sst s6  }
0x106: {  	s7 =	simm.s32 $0x7600;
	[smem:$0x75C] =	sst s8  }
0x107: {  	s9 =	simm.s32 $0x8280;
	[smem:$0x773] =	sst s7  }
0x108: {  	s10 =	simm.s32 $0x8300;
	[smem:$0x78C] =	sst s9  }
0x109: {  	s11 =	simm.s32 $0x8380;
	[smem:$0x78D] =	sst s10  }
0x10a: {  	s12 =	simm.s32 $0x8400;
	[smem:$0x78E] =	sst s11  }
0x10b: {  	s13 =	simm.s32 $0x8480;
	[smem:$0x78F] =	sst s12  }
0x10c: {  	s14 =	simm.s32 $0x8500;
	[smem:$0x790] =	sst s13  }
0x10d: {  	s15 =	simm.s32 $0x8580;
	[smem:$0x791] =	sst s14  }
0x10e: {  	s16 =	simm.s32 $0x8600;
	[smem:$0x792] =	sst s15  }
0x10f: {  	s17 =	simm.s32 $0x8680;
	[smem:$0x793] =	sst s16  }
0x110: {  	s18 =	simm.s32 $0xC000;
	[smem:$0x794] =	sst s17  }
0x111: {  	s20 =	simm.s32 $0xFB80;
	[smem:$0x795] =	sst s18  }
0x112: {  	s21 =	simm.s32 $0x8700;
	[smem:$0x796] =	sst s20  }
0x113: {  	s22 =	simm.s32 $0x8780;
	[smem:$0x797] =	sst s21  }
0x114: {  	s23 =	simm.s32 $0x8800;
	[smem:$0x798] =	sst s22  }
0x115: {  	s24 =	simm.s32 $0x8880;
	[smem:$0x799] =	sst s23  }
0x116: {  	s25 =	simm.s32 $0x8900;
	[smem:$0x79A] =	sst s24  }
0x117: {  	s26 =	simm.s32 $0x8980;
	[smem:$0x79B] =	sst s25  }
0x118: {  	s28 =	simm.s32 $0x8A00;
	[smem:$0x79C] =	sst s26  }
0x119: {  	s30 =	simm.s32 $0x8A80;
	[smem:$0x79D] =	sst s28  }
0x11a: {  	s31 =	simm.s32 $0x8B00;
	[smem:$0x79E] =	sst s30  }
0x11b: {  	s5 =	simm.s32 $0x5D00;
	[smem:$0x79F] =	sst s31  }
0x11c: {  	s6 =	simm.s32 $0x6980;
	[smem:$0x741] =	sst s5  }
0x11d: {  	s8 =	simm.s32 $0x7680;
	[smem:$0x75A] =	sst s6  }
0x11e: {  	s7 =	simm.s32 $0x8180;
	[smem:$0x774] =	sst s8  }
0x11f: {  	s9 =	simm.s32 $0x8D00;
	[smem:$0x78A] =	sst s7  }
0x120: {  	s10 =	simm.s32 $0x8D80;
	[smem:$0x7A3] =	sst s9  }
0x121: {  	s11 =	simm.s32 $0x8E00;
	[smem:$0x7A4] =	sst s10  }
0x122: {  	s12 =	simm.s32 $0x8E80;
	[smem:$0x7A5] =	sst s11  }
0x123: {  	s13 =	simm.s32 $0x8F00;
	[smem:$0x7A6] =	sst s12  }
0x124: {  	s14 =	simm.s32 $0x8F80;
	[smem:$0x7A7] =	sst s13  }
0x125: {  	s15 =	simm.s32 $0xFA80;
	[smem:$0x7A8] =	sst s14  }
0x126: {  	s16 =	simm.s32 $0x9000;
	[smem:$0x7A9] =	sst s15  }
0x127: {  	s17 =	simm.s32 $0x9080;
	[smem:$0x7AA] =	sst s16  }
0x128: {  	s18 =	simm.s32 $0x9100;
	[smem:$0x7AB] =	sst s17  }
0x129: {  	s20 =	simm.s32 $0x9180;
	[smem:$0x7AC] =	sst s18  }
0x12a: {  	s21 =	simm.s32 $0x9200;
	[smem:$0x7AD] =	sst s20  }
0x12b: {  	s22 =	simm.s32 $0x9280;
	[smem:$0x7AE] =	sst s21  }
0x12c: {  	s23 =	simm.s32 $0x9300;
	[smem:$0x7AF] =	sst s22  }
0x12d: {  	s24 =	simm.s32 $0x9380;
	[smem:$0x7B0] =	sst s23  }
0x12e: {  	s25 =	simm.s32 $0x9400;
	[smem:$0x7B1] =	sst s24  }
0x12f: {  	s26 =	simm.s32 $0x9480;
	[smem:$0x7B2] =	sst s25  }
0x130: {  	s28 =	simm.s32 $0x9500;
	[smem:$0x7B3] =	sst s26  }
0x131: {  	s30 =	simm.s32 $0x9580;
	[smem:$0x7B4] =	sst s28  }
0x132: {  	s31 =	simm.s32 $0x9600;
	[smem:$0x7B5] =	sst s30  }
0x133: {  	s5 =	simm.s32 $0x6900;
	[smem:$0x7B6] =	sst s31  }
0x134: {  	s6 =	simm.s32 $0x7580;
	[smem:$0x759] =	sst s5  }
0x135: {  	s8 =	simm.s32 $0x8200;
	[smem:$0x772] =	sst s6  }
0x136: {  	s7 =	simm.s32 $0x8C00;
	[smem:$0x78B] =	sst s8  }
0x137: {  	s9 =	simm.s32 $0x9800;
	[smem:$0x7A1] =	sst s7  }
0x138: {  	s10 =	simm.s32 $0x9880;
	[smem:$0x7BA] =	sst s9  }
0x139: {  	s11 =	simm.s32 $0x9900;
	[smem:$0x7BB] =	sst s10  }
0x13a: {  	s12 =	simm.s32 $0x9980;
	[smem:$0x7BC] =	sst s11  }
0x13b: {  	s13 =	simm.s32 $0x9A00;
	[smem:$0x7BD] =	sst s12  }
0x13c: {  	s14 =	simm.s32 $0x9A80;
	[smem:$0x7BE] =	sst s13  }
0x13d: {  	s15 =	simm.s32 $0x9B00;
	[smem:$0x7BF] =	sst s14  }
0x13e: {  	s16 =	simm.s32 $0x9B80;
	[smem:$0x7C0] =	sst s15  }
0x13f: {  	s17 =	simm.s32 $0x9C00;
	[smem:$0x7C1] =	sst s16  }
0x140: {  	s18 =	simm.s32 $0x9C80;
	[smem:$0x7C2] =	sst s17  }
0x141: {  	s20 =	simm.s32 $0x9D00;
	[smem:$0x7C3] =	sst s18  }
0x142: {  	s21 =	simm.s32 $0x9D80;
	[smem:$0x7C4] =	sst s20  }
0x143: {  	s22 =	simm.s32 $0x9E00;
	[smem:$0x7C5] =	sst s21  }
0x144: {  	s23 =	simm.s32 $0x9E80;
	[smem:$0x7C6] =	sst s22  }
0x145: {  	s24 =	simm.s32 $0x9F00;
	[smem:$0x7C7] =	sst s23  }
0x146: {  	s25 =	simm.s32 $0xC080;
	[smem:$0x7C8] =	sst s24  }
0x147: {  	s26 =	simm.s32 $0xC100;
	[smem:$0x7C9] =	sst s25  }
0x148: {  	s28 =	simm.s32 $0xC180;
	[smem:$0x7CA] =	sst s26  }
0x149: {  	s30 =	simm.s32 $0x9F80;
	[smem:$0x7CB] =	sst s28  }
0x14a: {  	s31 =	simm.s32 $0xA000;
	[smem:$0x7CC] =	sst s30  }
0x14b: {  	s5 =	simm.s32 $0x7500;
	[smem:$0x7CD] =	sst s31  }
0x14c: {  	s6 =	simm.s32 $0x8100;
	[smem:$0x771] =	sst s5  }
0x14d: {  	s8 =	simm.s32 $0x8C80;
	[smem:$0x789] =	sst s6  }
0x14e: {  	s7 =	simm.s32 $0x9700;
	[smem:$0x7A2] =	sst s8  }
0x14f: {  	s9 =	simm.s32 $0xA200;
	[smem:$0x7B8] =	sst s7  }
0x150: {  	s10 =	simm.s32 $0xA280;
	[smem:$0x7D1] =	sst s9  }
0x151: {  	s11 =	simm.s32 $0xA300;
	[smem:$0x7D2] =	sst s10  }
0x152: {  	s12 =	simm.s32 $0xA380;
	[smem:$0x7D3] =	sst s11  }
0x153: {  	s13 =	simm.s32 $0xA400;
	[smem:$0x7D4] =	sst s12  }
0x154: {  	s14 =	simm.s32 $0xA480;
	[smem:$0x7D5] =	sst s13  }
0x155: {  	s15 =	simm.s32 $0xA500;
	[smem:$0x7D6] =	sst s14  }
0x156: {  	s16 =	simm.s32 $0xA580;
	[smem:$0x7D7] =	sst s15  }
0x157: {  	s17 =	simm.s32 $0xA600;
	[smem:$0x7D8] =	sst s16  }
0x158: {  	s18 =	simm.s32 $0xA680;
	[smem:$0x7D9] =	sst s17  }
0x159: {  	s20 =	simm.s32 $0xA700;
	[smem:$0x7DA] =	sst s18  }
0x15a: {  	s21 =	simm.s32 $0xA780;
	[smem:$0x7DB] =	sst s20  }
0x15b: {  	s22 =	simm.s32 $0xFB00;
	[smem:$0x7DC] =	sst s21  }
0x15c: {  	s23 =	simm.s32 $0xA800;
	[smem:$0x7DD] =	sst s22  }
0x15d: {  	s24 =	simm.s32 $0xA880;
	[smem:$0x7DE] =	sst s23  }
0x15e: {  	s25 =	simm.s32 $0xA900;
	[smem:$0x7DF] =	sst s24  }
0x15f: {  	s26 =	simm.s32 $0xA980;
	[smem:$0x7E0] =	sst s25  }
0x160: {  	s28 =	simm.s32 $0xAA00;
	[smem:$0x7E1] =	sst s26  }
0x161: {  	s30 =	simm.s32 $0xAA80;
	[smem:$0x7E2] =	sst s28  }
0x162: {  	s31 =	simm.s32 $0xAB00;
	[smem:$0x7E3] =	sst s30  }
0x163: {  	s6 =	simm.s32 $0x8B80;
	[smem:$0x7E4] =	sst s31  }
0x164: {  	s8 =	simm.s32 $0x9780;
	[smem:$0x7A0] =	sst s6  }
0x165: {  	s7 =	simm.s32 $0xA100;
	[smem:$0x7B9] =	sst s8  }
0x166: {  	s10 =	simm.s32 $0xAD00;
	[smem:$0x7CF] =	sst s7  }
0x167: {  	s11 =	simm.s32 $0xAD80;
	[smem:$0x7E8] =	sst s10  }
0x168: {  	s13 =	simm.s32 $0xAE80;
	[smem:$0x7E9] =	sst s11  }
0x169: {  	s14 =	simm.s32 $0xAF00;
	[smem:$0x7EB] =	sst s13  }
0x16a: {  	s15 =	simm.s32 $0xAF80;
	[smem:$0x7EC] =	sst s14  }
0x16b: {  	s16 =	simm.s32 $0xC200;
	[smem:$0x7ED] =	sst s15  }
0x16c: {  	s17 =	simm.s32 $0xC280;
	[smem:$0x7EE] =	sst s16  }
0x16d: {  	s18 =	simm.s32 $0xC300;
	[smem:$0x7EF] =	sst s17  }
0x16e: {  	s20 =	simm.s32 $0xC380;
	[smem:$0x7F0] =	sst s18  }
0x16f: {  	s21 =	simm.s32 $0xC400;
	[smem:$0x7F1] =	sst s20  }
0x170: {  	v0 =	vimm.s32 $0x3808;
	vm0 =	vcmask $0x300;
	s22 =	simm.s32 $0xC480;
	[smem:$0x7F2] =	sst s21  }
0x171: {  	vm14 =	vcmask $0x704;
	vm15 =	vcmask $0xB08;
	v1 =	vlaneseq.u32;
	s23 =	simm.s32 $0xC500;
	[smem:$0x7F3] =	sst s22  }
0x172: {  	vm4 =	vcmask $0xF0C;
	vm5 =	vcmask $0x1310;
	vm6 =	vcmask $0x1714;
	s24 =	simm.s32 $0xC580;
	[smem:$0x7F4] =	sst s23  }
0x173: {  	vm7 =	vcmask $0x1B18;
	vm8 =	vcmask $0x1F1C;
	v0 =	vsel vm0, $0x60000, v0;
	s25 =	simm.s32 $0xC600;
	[smem:$0x7F5] =	sst s24  }
0x174: {  	vm9 =	vcmask $0x2320;
	vm10 =	vcmask $0x2724;
	v0 =	vsel vm14, $0x60800, v0;
	s26 =	simm.s32 $0xC680;
	[smem:$0x7F6] =	sst s25  }
0x175: {  	vm11 =	vcmask $0x2B28;
	vm12 =	vcmask $0x2F2C;
	v2 =	vsel vm15, $0x61000, v0;
	s28 =	simm.s32 $0xC700;
	[smem:$0x7F7] =	sst s26  }
0x176: {  	vm13 =	vcmask $0x3330;
	v0 =	vmul.u32 $0x800, v1;
	v1 =	vsel vm4, $0x61800, v2;
	s30 =	simm.s32 $0xC780;
	[smem:$0x7F8] =	sst s28  }
0x177: {  	vm14 =	vcmask $0x3734;
	vm15 =	vcmask $0x3B38;
	v2 =	vsel vm5, $0x62000, v1;
	s31 =	simm.s32 $0xFC00;
	[smem:$0x7F9] =	sst s30  }
0x178: {  	v1 =	vor.u32 $0x8000, v0;
	v11 =	vor.u32 $0x58000, v0;
	v13 =	vadd.s32 $0x4008, v0;
	s6 =	simm.s32 $0x9680;
	[smem:$0x7FA] =	sst s31  }
0x179: {  	v14 =	vadd.s32 $0xC008, v0;
	v15 =	vadd.s32 $0x14008, v0;
	v3 =	vsel vm6, $0x62800, v2;
	s8 =	simm.s32 $0xA180;
	[smem:$0x7B7] =	sst s6  }
0x17a: {  	v16 =	vadd.s32 $0x1C008, v0;
	v17 =	vadd.s32 $0x24008, v0;
	v4 =	vsel vm7, $0x63000, v3;
	s12 =	sshll.u32 s2, $0x8;
	s7 =	simm.s32 $0xAC00;
	[smem:$0x7D0] =	sst s8  }
0x17b: {  	v18 =	vadd.s32 $0x2C008, v0;
	v19 =	vadd.s32 $0x34008, v0;
	v5 =	vsel vm8, $0x63800, v4;
	s0 =	sadd.s32 s0, s12;
	[smem:$0x7E6] =	sst s7  }
0x17c: {  	s1 =	ssub.s32 $0x2, s1;
	v20 =	vadd.s32 $0x3C008, v0;
	v21 =	vadd.s32 $0x44008, v0;
	v6 =	vsel vm9, $0x8, v5;
	s6 =	simm.s32 $0xA080;
	[smem:$0x7FC] =	sst s0  }
0x17d: {  	v22 =	vadd.s32 $0x4C008, v0;
	v23 =	vadd.s32 $0x54008, v0;
	v7 =	vsel vm10, $0x808, v6;
	s9 =	sshrl.u32 s1, $0x1;
	s8 =	simm.s32 $0xAC80;
	[smem:$0x7CE] =	sst s6  }
0x17e: {  	v24 =	vadd.s32 $0x5C008, v0;
	v2 =	vor.u32 $0x10000, v0;
	v8 =	vsel vm11, $0x1008, v7;
	s1 =	ssub.s32 s1, s9;
	s7 =	simm.s32 $0xAE00;
	[smem:$0x7E7] =	sst s8  }
0x17f: {  	s29 =	simm.s32 $0x2;
	v3 =	vor.u32 $0x18000, v0;
	v4 =	vor.u32 $0x20000, v0;
	v9 =	vsel vm12, $0x1808, v8;
	s1 =	smax.u32 s1, $0x1;
	[smem:$0x7EA] =	sst s7  }
0x180: {  	s3 =	simm.s32 $0x6400;
	v5 =	vor.u32 $0x28000, v0;
	v6 =	vor.u32 $0x30000, v0;
	v10 =	vsel vm13, $0x2008, v9;
	s0 =	sadd.s32 $0x80, s0;
	[smem:$0x7FB] =	sst s1  }
0x181: {  	v7 =	vor.u32 $0x38000, v0;
	v8 =	vor.u32 $0x40000, v0;
	v12 =	vsel vm14, $0x2808, v10;
	s2 =	simm.s32 $0x400;
	s6 =	simm.s32 $0xAB80;
	[smem:$0x7FD] =	sst s0  }
0x182: {  	v9 =	vor.u32 $0x48000, v0;
	v10 =	vor.u32 $0x50000, v0;
	v12 =	vsel vm15, $0x3008, v12;
	s5 =	simm.s32 $0x80;
	s1 =	simm.s32 $0x0;
	[smem:$0x7E5] =	sst s6  }
.LBB2_1:
0x183: {  	s28 =	sld [smem:$0x7FC]  }
0x184: {  	[smem:$0x69A] =	sst s1  }
0x185: {  	s0 =	simm.s32 $0x0;
	s6 =	simm.s32 $0x8000;
	s30 =	simm.s32 $0x5  }
0x186: {  	[tilespmem:s0], [sflag:$0x5] =	stream.strided.gather [hbm4b:s28+s2], $0x6400, s6, s2, $0x38;
	[tilespmem:$0x1F428] =	vst v63  }
0x187: {  	_ =	swait.ge [sflag:s30], $0x6400  }
0x188: {  	s31 =	sld [smem:$0x7FD]  }
0x189: {  	[sflag:s30] =	ssyncset.done $0x0  }
0x18a: {  	[sflag:s30] =	ssyncadd.s32 $0xFFFF9C00  }
0x18b: {  	[tilespmem:s3], [sflag:$0x5] =	stream.strided.gather [hbm4b:s31+s2], $0x6400, s6, s2, $0x38;
	[tilespmem:$0x1F428] =	vst v63  }
0x18c: {  	_ =	swait.ge [sflag:s30], $0x6400  }
0x18d: {  	[sflag:s30] =	ssyncset.done $0x0  }
0x18e: {  	s0 =	simm.s32 $0x0;
	s2 =	simm.s32 $0x0;
	[sflag:s30] =	ssyncadd.s32 $0xFFFF9C00  }
.LBB2_2:
0x18f: {  	s9 =	rddreg [dreg:$0x5]  }
0x190: {  	s10 =	sadd.s32 s0, s9  }
0x191: {  	s9 =	sshrl.u32 s10, $0x3  }
0x192: {  	[smem:$0x699] =	sst s0;
	s11 =	smul.u32 $0x7A1400, s9  }
0x193: {  	s12 =	sand.u32 $0x380, s2;
	[smem:$0x698] =	sst s2  }
0x194: {  	s14 =	rddreg [dreg:$0xa];
	s13 =	sadd.s32 @p0 s12, s11  }
0x195: {  	s1 =	smov.u32 s2;
	s16 =	rddreg [dreg:$0x1];
	s13 =	sadd.s32 @p0 $0x729C00, s13  }
0x196: {  	s15 =	simm.s32 @p0 $0x1;
	s18 =	simm.s32 @p0 $0x10;
	s13 =	sshrl.u32 @p0 s13, $0x3  }
0x197: {  	s2 =	simm.s32 @p0 $0x80;
	s17 =	simm.s32 @p0 $0x1FC1;
	s13 =	sadd.s32 @p0 s16, s13  }
0x198: {  	[spmem:s14@s18], [sflag:s17] =	dma.strided @p0 [hbm:s13@s2], $0x1DE0, s15, $0x10   }
0x199: {  	_ =	swait.ge @p0 [sflag:s15], $0x1DE0  }
0x19a: {  	s2 =	rddreg [dreg:$0x6]  }
0x19b: {  	s13 =	simm.s32 @!p0 $0x1;
	s2 =	sadd.s32 @!p0 s2, s11  }
0x19c: {  	s14 =	simm.s32 @!p0 $0x10;
	[sflag:s15] =	ssyncset.done @p0 $0x0;
	s2 =	sor.u32 @!p0 s12, s2  }
0x19d: {  	s11 =	rddreg [dreg:$0x8];
	[sflag:s15] =	ssyncadd.s32 @p0 $0xFFFFE220;
	s2 =	sshrl.u32 @!p0 s2, $0x3  }
0x19e: {  	s15 =	simm.s32 @!p0 $0x80;
	s12 =	rddreg [dreg:$0x9];
	s2 =	sadd.s32 @!p0 s16, s2  }
0x19f: {  	[spmem:s12@s14], [sflag:s11] =	dma.strided @!p0 [hbm:s2@s15], $0x1E90, s13, $0x10   }
0x1a0: {  	_ =	swait.ge @!p0 [sflag:s13], $0x1E90  }
0x1a1: {  	[sflag:s13] =	ssyncset.done @!p0 $0x0  }
0x1a2: {  	p1 =	seq.s32 s1, $0x0;
	[sflag:s13] =	ssyncadd.s32 @!p0 $0xFFFFE170  }
0x1a3: {  	s2 =	simm.s32 @!p1 $0x3;
	[bflag:$0x0] =	sbarrier.arrive $0xFFFF  }
0x1a4: {  	_ =	swait.ge @!p1 [sflag:s2], $0x1800  }
0x1a5: {  	[sflag:s2] =	ssyncset.done @!p1 $0x0  }
0x1a6: {  	s20 =	simm.s32 $0xC800;
	s18 =	simm.s32 $0x0;
	[sflag:s2] =	ssyncadd.s32 @!p1 $0xFFFFE800  }
0x1a7: {  	[tilespmem:s20], [sflag:$0x2] =	stream.indirect.gather [spmem:s4], $0x1, s18, s5, $0xb8;
	[tilespmem:$0x1F428] =	vst v63  }
0x1a8: {  	s3 =	simm.s32 $0xC880  }
0x1a9: {  	[tilespmem:s3], [sflag:$0x2] =	stream.indirect.gather [spmem:s4], $0x1, s5, s5, $0xb8;
	[tilespmem:$0x1F428] =	vst v63  }
0x1aa: {  	s24 =	simm.s32 $0xC900;
	s22 =	rddreg [dreg:$0xb]  }
0x1ab: {  	[tilespmem:s24], [sflag:$0x2] =	stream.indirect.gather [spmem:s4], $0x1, s22, s5, $0xb8;
	[tilespmem:$0x1F428] =	vst v63  }
0x1ac: {  	s26 =	simm.s32 $0xC980;
	s23 =	rddreg [dreg:$0xc]  }
0x1ad: {  	[tilespmem:s26], [sflag:$0x2] =	stream.indirect.gather [spmem:s4], $0x1, s23, s5, $0xb8;
	[tilespmem:$0x1F428] =	vst v63  }
0x1ae: {  	s30 =	simm.s32 $0xCA00;
	s25 =	rddreg [dreg:$0xd]  }
0x1af: {  	[tilespmem:s30], [sflag:$0x2] =	stream.indirect.gather [spmem:s4], $0x1, s25, s5, $0xb8;
	[tilespmem:$0x1F428] =	vst v63  }
0x1b0: {  	s1 =	simm.s32 $0xCA80;
	s28 =	rddreg [dreg:$0xe]  }
0x1b1: {  	[tilespmem:s1], [sflag:$0x2] =	stream.indirect.gather [spmem:s4], $0x1, s28, s5, $0xb8;
	[tilespmem:$0x1F428] =	vst v63  }
0x1b2: {  	s13 =	simm.s32 $0xCB00;
	s31 =	rddreg [dreg:$0xf]  }
0x1b3: {  	[tilespmem:s13], [sflag:$0x2] =	stream.indirect.gather [spmem:s4], $0x1, s31, s5, $0xb8;
	[tilespmem:$0x1F428] =	vst v63  }
0x1b4: {  	s14 =	simm.s32 $0xCB80;
	s3 =	rddreg [dreg:$0x10]  }
0x1b5: {  	[tilespmem:s14], [sflag:$0x2] =	stream.indirect.gather [spmem:s4], $0x1, s3, s5, $0xb8;
	[tilespmem:$0x1F428] =	vst v63  }
0x1b6: {  	s17 =	simm.s32 $0x400;
	s15 =	rddreg [dreg:$0x11];
	s18 =	simm.s32 $0xCC00  }
0x1b7: {  	[tilespmem:s18], [sflag:$0x2] =	stream.indirect.gather [spmem:s4], $0x1, s17, s5, $0xb8;
	[tilespmem:$0x1F428] =	vst v63  }
0x1b8: {  	s22 =	rddreg [dreg:$0x12];
	s23 =	simm.s32 $0xCC80  }
0x1b9: {  	[tilespmem:s23], [sflag:$0x2] =	stream.indirect.gather [spmem:s4], $0x1, s15, s5, $0xb8;
	[tilespmem:$0x1F428] =	vst v63  }
0x1ba: {  	s24 =	rddreg [dreg:$0x13];
	s25 =	simm.s32 $0xCD00  }
0x1bb: {  	[tilespmem:s25], [sflag:$0x2] =	stream.indirect.gather [spmem:s4], $0x1, s22, s5, $0xb8;
	[tilespmem:$0x1F428] =	vst v63  }
0x1bc: {  	s26 =	rddreg [dreg:$0x14];
	s28 =	simm.s32 $0xCD80  }
0x1bd: {  	[tilespmem:s28], [sflag:$0x2] =	stream.indirect.gather [spmem:s4], $0x1, s24, s5, $0xb8;
	[tilespmem:$0x1F428] =	vst v63  }
0x1be: {  	s30 =	rddreg [dreg:$0x15];
	s31 =	simm.s32 $0xCE00  }
0x1bf: {  	[tilespmem:s31], [sflag:$0x2] =	stream.indirect.gather [spmem:s4], $0x1, s26, s5, $0xb8;
	[tilespmem:$0x1F428] =	vst v63  }
0x1c0: {  	s1 =	rddreg [dreg:$0x16];
	s3 =	simm.s32 $0xCE80  }
0x1c1: {  	[tilespmem:s3], [sflag:$0x2] =	stream.indirect.gather [spmem:s4], $0x1, s30, s5, $0xb8;
	[tilespmem:$0x1F428] =	vst v63  }
0x1c2: {  	s13 =	rddreg [dreg:$0x17];
	s18 =	simm.s32 $0xCF00  }
0x1c3: {  	[tilespmem:s18], [sflag:$0x2] =	stream.indirect.gather [spmem:s4], $0x1, s1, s5, $0xb8;
	[tilespmem:$0x1F428] =	vst v63  }
0x1c4: {  	s23 =	simm.s32 $0xCF80;
	s22 =	rddreg [dreg:$0x18]  }
0x1c5: {  	[tilespmem:s23], [sflag:$0x2] =	stream.indirect.gather [spmem:s4], $0x1, s13, s5, $0xb8;
	[tilespmem:$0x1F428] =	vst v63  }
0x1c6: {  	s25 =	simm.s32 $0xD000;
	s24 =	rddreg [dreg:$0x19]  }
0x1c7: {  	[tilespmem:s25], [sflag:$0x2] =	stream.indirect.gather [spmem:s4], $0x1, s22, s5, $0xb8;
	[tilespmem:$0x1F428] =	vst v63  }
0x1c8: {  	s28 =	simm.s32 $0xD080;
	s26 =	rddreg [dreg:$0x1a]  }
0x1c9: {  	[tilespmem:s28], [sflag:$0x2] =	stream.indirect.gather [spmem:s4], $0x1, s24, s5, $0xb8;
	[tilespmem:$0x1F428] =	vst v63  }
0x1ca: {  	s31 =	simm.s32 $0xD100;
	s30 =	rddreg [dreg:$0x1b]  }
0x1cb: {  	[tilespmem:s31], [sflag:$0x2] =	stream.indirect.gather [spmem:s4], $0x1, s26, s5, $0xb8;
	[tilespmem:$0x1F428] =	vst v63  }
0x1cc: {  	s3 =	simm.s32 $0xD180;
	s1 =	rddreg [dreg:$0x1c]  }
0x1cd: {  	[tilespmem:s3], [sflag:$0x2] =	stream.indirect.gather [spmem:s4], $0x1, s30, s5, $0xb8;
	[tilespmem:$0x1F428] =	vst v63  }
0x1ce: {  	s13 =	rddreg [dreg:$0x1d];
	s22 =	simm.s32 $0xD200  }
0x1cf: {  	[tilespmem:s22], [sflag:$0x2] =	stream.indirect.gather [spmem:s4], $0x1, s1, s5, $0xb8;
	[tilespmem:$0x1F428] =	vst v63  }
0x1d0: {  	s25 =	simm.s32 $0xD280;
	s24 =	rddreg [dreg:$0x1e]  }
0x1d1: {  	[tilespmem:s25], [sflag:$0x2] =	stream.indirect.gather [spmem:s4], $0x1, s13, s5, $0xb8;
	[tilespmem:$0x1F428] =	vst v63  }
0x1d2: {  	s26 =	rddreg [dreg:$0x1f];
	s30 =	simm.s32 $0xD300  }
0x1d3: {  	[tilespmem:s30], [sflag:$0x2] =	stream.indirect.gather [spmem:s4], $0x1, s24, s5, $0xb8;
	[tilespmem:$0x1F428] =	vst v63  }
0x1d4: {  	s3 =	simm.s32 $0xD380;
	s1 =	sld [smem:$0x69B]  }
0x1d5: {  	[tilespmem:s3], [sflag:$0x2] =	stream.indirect.gather [spmem:s4], $0x1, s26, s5, $0xb8;
	[tilespmem:$0x1F428] =	vst v63  }
0x1d6: {  	s22 =	simm.s32 $0xD400;
	s13 =	sld [smem:$0x69C]  }
0x1d7: {  	[tilespmem:s22], [sflag:$0x2] =	stream.indirect.gather [spmem:s4], $0x1, s1, s5, $0xb8;
	[tilespmem:$0x1F428] =	vst v63  }
0x1d8: {  	s25 =	simm.s32 $0xD480;
	s24 =	sld [smem:$0x69D]  }
0x1d9: {  	[tilespmem:s25], [sflag:$0x2] =	stream.indirect.gather [spmem:s4], $0x1, s13, s5, $0xb8;
	[tilespmem:$0x1F428] =	vst v63  }
0x1da: {  	s30 =	simm.s32 $0xD500;
	s26 =	sld [smem:$0x69E]  }
0x1db: {  	[tilespmem:s30], [sflag:$0x2] =	stream.indirect.gather [spmem:s4], $0x1, s24, s5, $0xb8;
	[tilespmem:$0x1F428] =	vst v63  }
0x1dc: {  	s3 =	simm.s32 $0xD580;
	s1 =	sld [smem:$0x69F]  }
0x1dd: {  	[tilespmem:s3], [sflag:$0x2] =	stream.indirect.gather [spmem:s4], $0x1, s26, s5, $0xb8;
	[tilespmem:$0x1F428] =	vst v63  }
0x1de: {  	s22 =	simm.s32 $0xD600;
	s13 =	sld [smem:$0x6A0]  }
0x1df: {  	[tilespmem:s22], [sflag:$0x2] =	stream.indirect.gather [spmem:s4], $0x1, s1, s5, $0xb8;
	[tilespmem:$0x1F428] =	vst v63  }
0x1e0: {  	s25 =	simm.s32 $0xD680;
	s24 =	sld [smem:$0x6A1]  }
0x1e1: {  	[tilespmem:s25], [sflag:$0x2] =	stream.indirect.gather [spmem:s4], $0x1, s13, s5, $0xb8;
	[tilespmem:$0x1F428] =	vst v63  }
0x1e2: {  	s30 =	simm.s32 $0xD700;
	s26 =	sld [smem:$0x6A2]  }
0x1e3: {  	[tilespmem:s30], [sflag:$0x2] =	stream.indirect.gather [spmem:s4], $0x1, s24, s5, $0xb8;
	[tilespmem:$0x1F428] =	vst v63  }
0x1e4: {  	s3 =	simm.s32 $0xD780;
	s1 =	sld [smem:$0x6A3]  }
0x1e5: {  	[tilespmem:s3], [sflag:$0x2] =	stream.indirect.gather [spmem:s4], $0x1, s26, s5, $0xb8;
	[tilespmem:$0x1F428] =	vst v63  }
0x1e6: {  	s12 =	sld [smem:$0x6A4];
	s13 =	simm.s32 $0xD800  }
0x1e7: {  	[tilespmem:s13], [sflag:$0x2] =	stream.indirect.gather [spmem:s4], $0x1, s1, s5, $0xb8;
	[tilespmem:$0x1F428] =	vst v63  }
0x1e8: {  	s22 =	sld [smem:$0x6A5];
	s24 =	simm.s32 $0xD880  }
0x1e9: {  	[tilespmem:s24], [sflag:$0x2] =	stream.indirect.gather [spmem:s4], $0x1, s12, s5, $0xb8;
	[tilespmem:$0x1F428] =	vst v63  }
0x1ea: {  	s25 =	sld [smem:$0x6A6];
	s26 =	simm.s32 $0xD900  }
0x1eb: {  	[tilespmem:s26], [sflag:$0x2] =	stream.indirect.gather [spmem:s4], $0x1, s22, s5, $0xb8;
	[tilespmem:$0x1F428] =	vst v63  }
0x1ec: {  	s30 =	sld [smem:$0x6A7];
	s1 =	simm.s32 $0xD980  }
0x1ed: {  	[tilespmem:s1], [sflag:$0x2] =	stream.indirect.gather [spmem:s4], $0x1, s25, s5, $0xb8;
	[tilespmem:$0x1F428] =	vst v63  }
0x1ee: {  	s3 =	sld [smem:$0x6A8];
	s13 =	simm.s32 $0xDA00  }
0x1ef: {  	[tilespmem:s13], [sflag:$0x2] =	stream.indirect.gather [spmem:s4], $0x1, s30, s5, $0xb8;
	[tilespmem:$0x1F428] =	vst v63  }
0x1f0: {  	s24 =	simm.s32 $0xDA80;
	s22 =	sld [smem:$0x6A9]  }
0x1f1: {  	[tilespmem:s24], [sflag:$0x2] =	stream.indirect.gather [spmem:s4], $0x1, s3, s5, $0xb8;
	[tilespmem:$0x1F428] =	vst v63  }
0x1f2: {  	s26 =	simm.s32 $0xDB00;
	s25 =	sld [smem:$0x6AA]  }
0x1f3: {  	[tilespmem:s26], [sflag:$0x2] =	stream.indirect.gather [spmem:s4], $0x1, s22, s5, $0xb8;
	[tilespmem:$0x1F428] =	vst v63  }
0x1f4: {  	s1 =	simm.s32 $0xDB80;
	s30 =	sld [smem:$0x6AB]  }
0x1f5: {  	[tilespmem:s1], [sflag:$0x2] =	stream.indirect.gather [spmem:s4], $0x1, s25, s5, $0xb8;
	[tilespmem:$0x1F428] =	vst v63  }
0x1f6: {  	s13 =	simm.s32 $0xDC00;
	s3 =	sld [smem:$0x6AC]  }
0x1f7: {  	[tilespmem:s13], [sflag:$0x2] =	stream.indirect.gather [spmem:s4], $0x1, s30, s5, $0xb8;
	[tilespmem:$0x1F428] =	vst v63  }
0x1f8: {  	s24 =	simm.s32 $0xDC80;
	s22 =	sld [smem:$0x6AD]  }
0x1f9: {  	[tilespmem:s24], [sflag:$0x2] =	stream.indirect.gather [spmem:s4], $0x1, s3, s5, $0xb8;
	[tilespmem:$0x1F428] =	vst v63  }
0x1fa: {  	s26 =	simm.s32 $0xDD00;
	s25 =	sld [smem:$0x6AE]  }
0x1fb: {  	[tilespmem:s26], [sflag:$0x2] =	stream.indirect.gather [spmem:s4], $0x1, s22, s5, $0xb8;
	[tilespmem:$0x1F428] =	vst v63  }
0x1fc: {  	s1 =	simm.s32 $0xDD80;
	s30 =	sld [smem:$0x6AF]  }
0x1fd: {  	[tilespmem:s1], [sflag:$0x2] =	stream.indirect.gather [spmem:s4], $0x1, s25, s5, $0xb8;
	[tilespmem:$0x1F428] =	vst v63  }
0x1fe: {  	s13 =	simm.s32 $0xDE00;
	s3 =	sld [smem:$0x6B0]  }
0x1ff: {  	[tilespmem:s13], [sflag:$0x2] =	stream.indirect.gather [spmem:s4], $0x1, s30, s5, $0xb8;
	[tilespmem:$0x1F428] =	vst v63  }
0x200: {  	s24 =	simm.s32 $0xDE80;
	s22 =	sld [smem:$0x6B1]  }
0x201: {  	[tilespmem:s24], [sflag:$0x2] =	stream.indirect.gather [spmem:s4], $0x1, s3, s5, $0xb8;
	[tilespmem:$0x1F428] =	vst v63  }
0x202: {  	s26 =	simm.s32 $0xDF00;
	s25 =	sld [smem:$0x6B2]  }
0x203: {  	[tilespmem:s26], [sflag:$0x2] =	stream.indirect.gather [spmem:s4], $0x1, s22, s5, $0xb8;
	[tilespmem:$0x1F428] =	vst v63  }
0x204: {  	s30 =	simm.s32 $0xDF80  }
0x205: {  	[tilespmem:s30], [sflag:$0x2] =	stream.indirect.gather [spmem:s4], $0x1, s25, s5, $0xb8;
	[tilespmem:$0x1F428] =	vst v63  }
0x206: {  	_ =	swait.ge [sflag:s29], $0x1800  }
0x207: {  	s1 =	sld [smem:$0x699];
	_ =	sdelay $0x2  }
0x208: {  	s2 =	sand.u32 $0x7, s1  }
0x209: {  	p2 =	seq.s32 s10, $0x0;
	s10 =	sld [smem:$0x6B3];
	p3 =	sne.s32 s2, $0x0  }
0x20a: {  	p2 =	por !p2, !p3  }
0x20b: {  	p2 =	por !p2, !p2  }
0x20c: {  	s10 =	simm.s32 @!p2 $0x0  }
0x20d: {  	s9 =	ssub.s32 s9, s10  }
0x20e: {  	s3 =	rddreg [dreg:$0x7];
	s9 =	sshll.u32 s9, $0x8  }
0x20f: {  	s9 =	sor.u32 s3, s9  }
0x210: {  	[sflag:s29] =	ssyncset.done $0x0;
	s9 =	sor.u32 s2, s9  }
0x211: {  	[sflag:s29] =	ssyncadd.s32 $0xFFFFE800;
	v25 =	vadd.s32 s9, v0  }
0x212: {  	s13 =	sld [smem:$0x6B4];
	[tilespmem:$0xF800] =	vst v25;
	v25 =	vadd.s32 s9, v1  }
0x213: {  	[tilespmem:$0xF810] =	vst v25;
	v25 =	vadd.s32 s9, v2  }
0x214: {  	s22 =	simm.s32 $0x30;
	s2 =	simm.s32 @!p1 $0x4;
	[tilespmem:$0xF820] =	vst v25  }
0x215: {  	[hbm4b:s19+s22] =	stream.indirect.scatter [tilespmem:s20], [sflag:$0x3], $0x80, s13, s22, $0xb8;
	[tilespmem:$0x1F428] =	vst v63  }
0x216: {  	_ =	swait.ge @!p1 [sflag:s2], $0x1800  }
0x217: {  	s24 =	sld [smem:$0x6B5]  }
0x218: {  	[sflag:s2] =	ssyncset.done @!p1 $0x0  }
0x219: {  	s26 =	simm.s32 $0xE000;
	s25 =	sld [smem:$0x6B6];
	[sflag:s2] =	ssyncadd.s32 @!p1 $0xFFFFE800  }
0x21a: {  	[tilespmem:s26], [sflag:$0x2] =	stream.indirect.gather [spmem:s4], $0x1, s24, s5, $0xb8;
	[tilespmem:$0x1F428] =	vst v63  }
0x21b: {  	s0 =	simm.s32 $0xE080;
	s30 =	sld [smem:$0x6B7]  }
0x21c: {  	[tilespmem:s0], [sflag:$0x2] =	stream.indirect.gather [spmem:s4], $0x1, s25, s5, $0xb8;
	[tilespmem:$0x1F428] =	vst v63  }
0x21d: {  	s6 =	simm.s32 $0xE100;
	s0 =	sld [smem:$0x6B8]  }
0x21e: {  	[tilespmem:s6], [sflag:$0x2] =	stream.indirect.gather [spmem:s4], $0x1, s30, s5, $0xb8;
	[tilespmem:$0x1F428] =	vst v63  }
0x21f: {  	s16 =	simm.s32 $0xE180;
	s1 =	sld [smem:$0x6B9]  }
0x220: {  	[tilespmem:s16], [sflag:$0x2] =	stream.indirect.gather [spmem:s4], $0x1, s0, s5, $0xb8;
	[tilespmem:$0x1F428] =	vst v63  }
0x221: {  	s8 =	simm.s32 $0xE200;
	s6 =	sld [smem:$0x6BA]  }
0x222: {  	[tilespmem:s8], [sflag:$0x2] =	stream.indirect.gather [spmem:s4], $0x1, s1, s5, $0xb8;
	[tilespmem:$0x1F428] =	vst v63  }
0x223: {  	s7 =	simm.s32 $0xE280;
	s12 =	smov.u32 s19;
	s8 =	sld [smem:$0x6BB]  }
0x224: {  	[tilespmem:s7], [sflag:$0x2] =	stream.indirect.gather [spmem:s4], $0x1, s6, s5, $0xb8;
	[tilespmem:$0x1F428] =	vst v63  }
0x225: {  	s11 =	simm.s32 $0xE300;
	s3 =	smov.u32 s12;
	s12 =	sld [smem:$0x6BC]  }
0x226: {  	[tilespmem:s11], [sflag:$0x2] =	stream.indirect.gather [spmem:s4], $0x1, s8, s5, $0xb8;
	[tilespmem:$0x1F428] =	vst v63  }
0x227: {  	s21 =	simm.s32 $0xE380;
	s13 =	sld [smem:$0x6BD]  }
0x228: {  	[tilespmem:s21], [sflag:$0x2] =	stream.indirect.gather [spmem:s4], $0x1, s12, s5, $0xb8;
	[tilespmem:$0x1F428] =	vst v63  }
0x229: {  	s22 =	sld [smem:$0x6BE];
	s21 =	simm.s32 $0xE400  }
0x22a: {  	[tilespmem:s21], [sflag:$0x2] =	stream.indirect.gather [spmem:s4], $0x1, s13, s5, $0xb8;
	[tilespmem:$0x1F428] =	vst v63  }
0x22b: {  	s1 =	sld [smem:$0x6BF];
	s6 =	simm.s32 $0xE480  }
0x22c: {  	[tilespmem:s6], [sflag:$0x2] =	stream.indirect.gather [spmem:s4], $0x1, s22, s5, $0xb8;
	[tilespmem:$0x1F428] =	vst v63  }
0x22d: {  	s7 =	sld [smem:$0x6C0];
	s8 =	simm.s32 $0xE500  }
0x22e: {  	[tilespmem:s8], [sflag:$0x2] =	stream.indirect.gather [spmem:s4], $0x1, s1, s5, $0xb8;
	[tilespmem:$0x1F428] =	vst v63  }
0x22f: {  	s11 =	sld [smem:$0x6C1];
	s13 =	simm.s32 $0xE580  }
0x230: {  	[tilespmem:s13], [sflag:$0x2] =	stream.indirect.gather [spmem:s4], $0x1, s7, s5, $0xb8;
	[tilespmem:$0x1F428] =	vst v63  }
0x231: {  	s21 =	sld [smem:$0x6C2];
	s22 =	simm.s32 $0xE600  }
0x232: {  	[tilespmem:s22], [sflag:$0x2] =	stream.indirect.gather [spmem:s4], $0x1, s11, s5, $0xb8;
	[tilespmem:$0x1F428] =	vst v63  }
0x233: {  	s0 =	sld [smem:$0x6C3];
	s1 =	simm.s32 $0xE680  }
0x234: {  	[tilespmem:s1], [sflag:$0x2] =	stream.indirect.gather [spmem:s4], $0x1, s21, s5, $0xb8;
	[tilespmem:$0x1F428] =	vst v63  }
0x235: {  	s6 =	sld [smem:$0x6C4];
	s7 =	simm.s32 $0xE700  }
0x236: {  	[tilespmem:s7], [sflag:$0x2] =	stream.indirect.gather [spmem:s4], $0x1, s0, s5, $0xb8;
	[tilespmem:$0x1F428] =	vst v63  }
0x237: {  	s8 =	sld [smem:$0x6C5];
	s11 =	simm.s32 $0xE780  }
0x238: {  	[tilespmem:s11], [sflag:$0x2] =	stream.indirect.gather [spmem:s4], $0x1, s6, s5, $0xb8;
	[tilespmem:$0x1F428] =	vst v63  }
0x239: {  	s13 =	sld [smem:$0x6C6];
	s21 =	simm.s32 $0xE800  }
0x23a: {  	[tilespmem:s21], [sflag:$0x2] =	stream.indirect.gather [spmem:s4], $0x1, s8, s5, $0xb8;
	[tilespmem:$0x1F428] =	vst v63  }
0x23b: {  	s22 =	sld [smem:$0x6C7];
	s0 =	simm.s32 $0xE880  }
0x23c: {  	[tilespmem:s0], [sflag:$0x2] =	stream.indirect.gather [spmem:s4], $0x1, s13, s5, $0xb8;
	[tilespmem:$0x1F428] =	vst v63  }
0x23d: {  	s1 =	sld [smem:$0x6C8];
	s6 =	simm.s32 $0xE900  }
0x23e: {  	[tilespmem:s6], [sflag:$0x2] =	stream.indirect.gather [spmem:s4], $0x1, s22, s5, $0xb8;
	[tilespmem:$0x1F428] =	vst v63  }
0x23f: {  	s7 =	sld [smem:$0x6C9];
	s8 =	simm.s32 $0xE980  }
0x240: {  	[tilespmem:s8], [sflag:$0x2] =	stream.indirect.gather [spmem:s4], $0x1, s1, s5, $0xb8;
	[tilespmem:$0x1F428] =	vst v63  }
0x241: {  	s11 =	sld [smem:$0x6CA];
	s13 =	simm.s32 $0xEA00  }
0x242: {  	[tilespmem:s13], [sflag:$0x2] =	stream.indirect.gather [spmem:s4], $0x1, s7, s5, $0xb8;
	[tilespmem:$0x1F428] =	vst v63  }
0x243: {  	s21 =	sld [smem:$0x6CB];
	s22 =	simm.s32 $0xEA80  }
0x244: {  	[tilespmem:s22], [sflag:$0x2] =	stream.indirect.gather [spmem:s4], $0x1, s11, s5, $0xb8;
	[tilespmem:$0x1F428] =	vst v63  }
0x245: {  	s0 =	sld [smem:$0x6CC];
	s1 =	simm.s32 $0xEB00  }
0x246: {  	[tilespmem:s1], [sflag:$0x2] =	stream.indirect.gather [spmem:s4], $0x1, s21, s5, $0xb8;
	[tilespmem:$0x1F428] =	vst v63  }
0x247: {  	s6 =	sld [smem:$0x6CD];
	s7 =	simm.s32 $0xEB80  }
0x248: {  	[tilespmem:s7], [sflag:$0x2] =	stream.indirect.gather [spmem:s4], $0x1, s0, s5, $0xb8;
	[tilespmem:$0x1F428] =	vst v63  }
0x249: {  	s8 =	sld [smem:$0x6CE];
	s11 =	simm.s32 $0xEC00  }
0x24a: {  	[tilespmem:s11], [sflag:$0x2] =	stream.indirect.gather [spmem:s4], $0x1, s6, s5, $0xb8;
	[tilespmem:$0x1F428] =	vst v63  }
0x24b: {  	s13 =	sld [smem:$0x6CF];
	s21 =	simm.s32 $0xEC80  }
0x24c: {  	[tilespmem:s21], [sflag:$0x2] =	stream.indirect.gather [spmem:s4], $0x1, s8, s5, $0xb8;
	[tilespmem:$0x1F428] =	vst v63  }
0x24d: {  	s22 =	sld [smem:$0x6D0];
	s0 =	simm.s32 $0xED00  }
0x24e: {  	[tilespmem:s0], [sflag:$0x2] =	stream.indirect.gather [spmem:s4], $0x1, s13, s5, $0xb8;
	[tilespmem:$0x1F428] =	vst v63  }
0x24f: {  	s1 =	sld [smem:$0x6D1];
	s6 =	simm.s32 $0xED80  }
0x250: {  	[tilespmem:s6], [sflag:$0x2] =	stream.indirect.gather [spmem:s4], $0x1, s22, s5, $0xb8;
	[tilespmem:$0x1F428] =	vst v63  }
0x251: {  	s7 =	sld [smem:$0x6D2];
	s8 =	simm.s32 $0xEE00  }
0x252: {  	[tilespmem:s8], [sflag:$0x2] =	stream.indirect.gather [spmem:s4], $0x1, s1, s5, $0xb8;
	[tilespmem:$0x1F428] =	vst v63  }
0x253: {  	s11 =	sld [smem:$0x6D3];
	s13 =	simm.s32 $0xEE80  }
0x254: {  	[tilespmem:s13], [sflag:$0x2] =	stream.indirect.gather [spmem:s4], $0x1, s7, s5, $0xb8;
	[tilespmem:$0x1F428] =	vst v63  }
0x255: {  	s21 =	sld [smem:$0x6D4];
	s22 =	simm.s32 $0xEF00  }
0x256: {  	[tilespmem:s22], [sflag:$0x2] =	stream.indirect.gather [spmem:s4], $0x1, s11, s5, $0xb8;
	[tilespmem:$0x1F428] =	vst v63  }
0x257: {  	s0 =	sld [smem:$0x6D5];
	s1 =	simm.s32 $0xEF80  }
0x258: {  	[tilespmem:s1], [sflag:$0x2] =	stream.indirect.gather [spmem:s4], $0x1, s21, s5, $0xb8;
	[tilespmem:$0x1F428] =	vst v63  }
0x259: {  	s6 =	sld [smem:$0x6D6];
	s7 =	simm.s32 $0xF000  }
0x25a: {  	[tilespmem:s7], [sflag:$0x2] =	stream.indirect.gather [spmem:s4], $0x1, s0, s5, $0xb8;
	[tilespmem:$0x1F428] =	vst v63  }
0x25b: {  	s8 =	sld [smem:$0x6D7];
	s11 =	simm.s32 $0xF080  }
0x25c: {  	[tilespmem:s11], [sflag:$0x2] =	stream.indirect.gather [spmem:s4], $0x1, s6, s5, $0xb8;
	[tilespmem:$0x1F428] =	vst v63  }
0x25d: {  	s13 =	sld [smem:$0x6D8];
	s21 =	simm.s32 $0xF100  }
0x25e: {  	[tilespmem:s21], [sflag:$0x2] =	stream.indirect.gather [spmem:s4], $0x1, s8, s5, $0xb8;
	[tilespmem:$0x1F428] =	vst v63  }
0x25f: {  	s22 =	sld [smem:$0x6D9];
	s0 =	simm.s32 $0xF180  }
0x260: {  	[tilespmem:s0], [sflag:$0x2] =	stream.indirect.gather [spmem:s4], $0x1, s13, s5, $0xb8;
	[tilespmem:$0x1F428] =	vst v63  }
0x261: {  	s1 =	sld [smem:$0x6DA];
	s6 =	simm.s32 $0xF200  }
0x262: {  	[tilespmem:s6], [sflag:$0x2] =	stream.indirect.gather [spmem:s4], $0x1, s22, s5, $0xb8;
	[tilespmem:$0x1F428] =	vst v63  }
0x263: {  	s7 =	sld [smem:$0x6DB];
	s8 =	simm.s32 $0xF280  }
0x264: {  	[tilespmem:s8], [sflag:$0x2] =	stream.indirect.gather [spmem:s4], $0x1, s1, s5, $0xb8;
	[tilespmem:$0x1F428] =	vst v63  }
0x265: {  	s11 =	sld [smem:$0x6DC];
	s13 =	simm.s32 $0xF300  }
0x266: {  	[tilespmem:s13], [sflag:$0x2] =	stream.indirect.gather [spmem:s4], $0x1, s7, s5, $0xb8;
	[tilespmem:$0x1F428] =	vst v63  }
0x267: {  	s21 =	sld [smem:$0x6DD];
	s22 =	simm.s32 $0xF380  }
0x268: {  	[tilespmem:s22], [sflag:$0x2] =	stream.indirect.gather [spmem:s4], $0x1, s11, s5, $0xb8;
	[tilespmem:$0x1F428] =	vst v63  }
0x269: {  	s0 =	sld [smem:$0x6DE];
	s1 =	simm.s32 $0xF400  }
0x26a: {  	[tilespmem:s1], [sflag:$0x2] =	stream.indirect.gather [spmem:s4], $0x1, s21, s5, $0xb8;
	[tilespmem:$0x1F428] =	vst v63  }
0x26b: {  	s6 =	sld [smem:$0x6DF];
	s7 =	simm.s32 $0xF480  }
0x26c: {  	[tilespmem:s7], [sflag:$0x2] =	stream.indirect.gather [spmem:s4], $0x1, s0, s5, $0xb8;
	[tilespmem:$0x1F428] =	vst v63  }
0x26d: {  	s8 =	sld [smem:$0x6E0];
	s11 =	simm.s32 $0xF500  }
0x26e: {  	[tilespmem:s11], [sflag:$0x2] =	stream.indirect.gather [spmem:s4], $0x1, s6, s5, $0xb8;
	[tilespmem:$0x1F428] =	vst v63  }
0x26f: {  	s13 =	sld [smem:$0x6E1];
	s21 =	simm.s32 $0xF580  }
0x270: {  	[tilespmem:s21], [sflag:$0x2] =	stream.indirect.gather [spmem:s4], $0x1, s8, s5, $0xb8;
	[tilespmem:$0x1F428] =	vst v63  }
0x271: {  	s22 =	sld [smem:$0x6E2];
	s0 =	simm.s32 $0xF600  }
0x272: {  	[tilespmem:s0], [sflag:$0x2] =	stream.indirect.gather [spmem:s4], $0x1, s13, s5, $0xb8;
	[tilespmem:$0x1F428] =	vst v63  }
0x273: {  	s1 =	sld [smem:$0x6E3];
	s6 =	simm.s32 $0xF680  }
0x274: {  	[tilespmem:s6], [sflag:$0x2] =	stream.indirect.gather [spmem:s4], $0x1, s22, s5, $0xb8;
	[tilespmem:$0x1F428] =	vst v63  }
0x275: {  	s7 =	sld [smem:$0x6E4];
	s8 =	simm.s32 $0xF700  }
0x276: {  	[tilespmem:s8], [sflag:$0x2] =	stream.indirect.gather [spmem:s4], $0x1, s1, s5, $0xb8;
	[tilespmem:$0x1F428] =	vst v63  }
0x277: {  	s10 =	simm.s32 $0xF780  }
0x278: {  	[tilespmem:s10], [sflag:$0x2] =	stream.indirect.gather [spmem:s4], $0x1, s7, s5, $0xb8;
	[tilespmem:$0x1F428] =	vst v63  }
0x279: {  	_ =	swait.ge [sflag:s29], $0x1800  }
0x27a: {  	v25 =	vmov s9;
	[sflag:s29] =	ssyncset.done $0x0  }
0x27b: {  	v26 =	vadd.s32 v3, v25;
	[sflag:s29] =	ssyncadd.s32 $0xFFFFE800  }
0x27c: {  	s11 =	sld [smem:$0x6E5];
	[tilespmem:$0xF880] =	vst v26;
	v26 =	vadd.s32 v4, v25  }
0x27d: {  	[tilespmem:$0xF890] =	vst v26;
	v26 =	vadd.s32 v5, v25  }
0x27e: {  	s19 =	simm.s32 $0x30;
	s12 =	simm.s32 $0xE000;
	s13 =	simm.s32 $0x3;
	[tilespmem:$0xF8A0] =	vst v26  }
0x27f: {  	[hbm4b:s3+s19] =	stream.indirect.scatter [tilespmem:s12], [sflag:$0x4], $0x80, s11, s19, $0xb8;
	[tilespmem:$0x1F428] =	vst v63  }
0x280: {  	_ =	swait.ge [sflag:s13], $0x1800  }
0x281: {  	s21 =	sld [smem:$0x6E6]  }
0x282: {  	[sflag:s13] =	ssyncset.done $0x0  }
0x283: {  	s0 =	sld [smem:$0x6E7];
	[sflag:s13] =	ssyncadd.s32 $0xFFFFE800  }
0x284: {  	[tilespmem:s20], [sflag:$0x2] =	stream.indirect.gather [spmem:s4], $0x1, s21, s5, $0xb8;
	[tilespmem:$0x1F428] =	vst v63  }
0x285: {  	s6 =	simm.s32 $0xC880;
	s1 =	sld [smem:$0x6E8]  }
0x286: {  	[tilespmem:s6], [sflag:$0x2] =	stream.indirect.gather [spmem:s4], $0x1, s0, s5, $0xb8;
	[tilespmem:$0x1F428] =	vst v63  }
0x287: {  	s10 =	simm.s32 $0xC900;
	s8 =	sld [smem:$0x6E9]  }
0x288: {  	[tilespmem:s10], [sflag:$0x2] =	stream.indirect.gather [spmem:s4], $0x1, s1, s5, $0xb8;
	[tilespmem:$0x1F428] =	vst v63  }
0x289: {  	s12 =	simm.s32 $0xC980;
	s11 =	sld [smem:$0x6EA]  }
0x28a: {  	[tilespmem:s12], [sflag:$0x2] =	stream.indirect.gather [spmem:s4], $0x1, s8, s5, $0xb8;
	[tilespmem:$0x1F428] =	vst v63  }
0x28b: {  	s13 =	sld [smem:$0x6EB];
	s21 =	simm.s32 $0xCA00  }
0x28c: {  	[tilespmem:s21], [sflag:$0x2] =	stream.indirect.gather [spmem:s4], $0x1, s11, s5, $0xb8;
	[tilespmem:$0x1F428] =	vst v63  }
0x28d: {  	s0 =	sld [smem:$0x6EC];
	s1 =	simm.s32 $0xCA80  }
0x28e: {  	[tilespmem:s1], [sflag:$0x2] =	stream.indirect.gather [spmem:s4], $0x1, s13, s5, $0xb8;
	[tilespmem:$0x1F428] =	vst v63  }
0x28f: {  	s6 =	sld [smem:$0x6ED];
	s8 =	simm.s32 $0xCB00  }
0x290: {  	[tilespmem:s8], [sflag:$0x2] =	stream.indirect.gather [spmem:s4], $0x1, s0, s5, $0xb8;
	[tilespmem:$0x1F428] =	vst v63  }
0x291: {  	s10 =	sld [smem:$0x6EE];
	s11 =	simm.s32 $0xCB80  }
0x292: {  	[tilespmem:s11], [sflag:$0x2] =	stream.indirect.gather [spmem:s4], $0x1, s6, s5, $0xb8;
	[tilespmem:$0x1F428] =	vst v63  }
0x293: {  	s12 =	sld [smem:$0x6EF];
	s13 =	simm.s32 $0xCC00  }
0x294: {  	[tilespmem:s13], [sflag:$0x2] =	stream.indirect.gather [spmem:s4], $0x1, s10, s5, $0xb8;
	[tilespmem:$0x1F428] =	vst v63  }
0x295: {  	s21 =	sld [smem:$0x6F0];
	s1 =	simm.s32 $0xCC80  }
0x296: {  	[tilespmem:s1], [sflag:$0x2] =	stream.indirect.gather [spmem:s4], $0x1, s12, s5, $0xb8;
	[tilespmem:$0x1F428] =	vst v63  }
0x297: {  	s8 =	simm.s32 $0xCD00;
	s6 =	sld [smem:$0x6F1]  }
0x298: {  	[tilespmem:s8], [sflag:$0x2] =	stream.indirect.gather [spmem:s4], $0x1, s21, s5, $0xb8;
	[tilespmem:$0x1F428] =	vst v63  }
0x299: {  	s11 =	simm.s32 $0xCD80;
	s10 =	sld [smem:$0x6F2]  }
0x29a: {  	[tilespmem:s11], [sflag:$0x2] =	stream.indirect.gather [spmem:s4], $0x1, s6, s5, $0xb8;
	[tilespmem:$0x1F428] =	vst v63  }
0x29b: {  	s14 =	simm.s32 $0xCE00;
	s13 =	sld [smem:$0x6F3]  }
0x29c: {  	[tilespmem:s14], [sflag:$0x2] =	stream.indirect.gather [spmem:s4], $0x1, s10, s5, $0xb8;
	[tilespmem:$0x1F428] =	vst v63  }
0x29d: {  	s15 =	simm.s32 $0xCE80;
	s14 =	sld [smem:$0x6F4]  }
0x29e: {  	[tilespmem:s15], [sflag:$0x2] =	stream.indirect.gather [spmem:s4], $0x1, s13, s5, $0xb8;
	[tilespmem:$0x1F428] =	vst v63  }
0x29f: {  	s17 =	simm.s32 $0xCF00;
	s15 =	sld [smem:$0x6F5]  }
0x2a0: {  	[tilespmem:s17], [sflag:$0x2] =	stream.indirect.gather [spmem:s4], $0x1, s14, s5, $0xb8;
	[tilespmem:$0x1F428] =	vst v63  }
0x2a1: {  	s18 =	simm.s32 $0xCF80;
	s17 =	sld [smem:$0x6F6]  }
0x2a2: {  	[tilespmem:s18], [sflag:$0x2] =	stream.indirect.gather [spmem:s4], $0x1, s15, s5, $0xb8;
	[tilespmem:$0x1F428] =	vst v63  }
0x2a3: {  	s23 =	simm.s32 $0xD000;
	s21 =	sld [smem:$0x6F7]  }
0x2a4: {  	[tilespmem:s23], [sflag:$0x2] =	stream.indirect.gather [spmem:s4], $0x1, s17, s5, $0xb8;
	[tilespmem:$0x1F428] =	vst v63  }
0x2a5: {  	s28 =	simm.s32 $0xD080;
	s0 =	sld [smem:$0x6F8]  }
0x2a6: {  	[tilespmem:s28], [sflag:$0x2] =	stream.indirect.gather [spmem:s4], $0x1, s21, s5, $0xb8;
	[tilespmem:$0x1F428] =	vst v63  }
0x2a7: {  	s31 =	simm.s32 $0xD100;
	s1 =	sld [smem:$0x6F9]  }
0x2a8: {  	[tilespmem:s31], [sflag:$0x2] =	stream.indirect.gather [spmem:s4], $0x1, s0, s5, $0xb8;
	[tilespmem:$0x1F428] =	vst v63  }
0x2a9: {  	s6 =	sld [smem:$0x6FA];
	s14 =	simm.s32 $0xD180  }
0x2aa: {  	[tilespmem:s14], [sflag:$0x2] =	stream.indirect.gather [spmem:s4], $0x1, s1, s5, $0xb8;
	[tilespmem:$0x1F428] =	vst v63  }
0x2ab: {  	s8 =	sld [smem:$0x6FB];
	s15 =	simm.s32 $0xD200  }
0x2ac: {  	[tilespmem:s15], [sflag:$0x2] =	stream.indirect.gather [spmem:s4], $0x1, s6, s5, $0xb8;
	[tilespmem:$0x1F428] =	vst v63  }
0x2ad: {  	s10 =	sld [smem:$0x6FC];
	s17 =	simm.s32 $0xD280  }
0x2ae: {  	[tilespmem:s17], [sflag:$0x2] =	stream.indirect.gather [spmem:s4], $0x1, s8, s5, $0xb8;
	[tilespmem:$0x1F428] =	vst v63  }
0x2af: {  	s11 =	sld [smem:$0x6FD];
	s18 =	simm.s32 $0xD300  }
0x2b0: {  	[tilespmem:s18], [sflag:$0x2] =	stream.indirect.gather [spmem:s4], $0x1, s10, s5, $0xb8;
	[tilespmem:$0x1F428] =	vst v63  }
0x2b1: {  	s12 =	sld [smem:$0x6FE];
	s23 =	simm.s32 $0xD380  }
0x2b2: {  	[tilespmem:s23], [sflag:$0x2] =	stream.indirect.gather [spmem:s4], $0x1, s11, s5, $0xb8;
	[tilespmem:$0x1F428] =	vst v63  }
0x2b3: {  	s13 =	sld [smem:$0x6FF];
	s28 =	simm.s32 $0xD400  }
0x2b4: {  	[tilespmem:s28], [sflag:$0x2] =	stream.indirect.gather [spmem:s4], $0x1, s12, s5, $0xb8;
	[tilespmem:$0x1F428] =	vst v63  }
0x2b5: {  	s21 =	sld [smem:$0x700];
	s31 =	simm.s32 $0xD480  }
0x2b6: {  	[tilespmem:s31], [sflag:$0x2] =	stream.indirect.gather [spmem:s4], $0x1, s13, s5, $0xb8;
	[tilespmem:$0x1F428] =	vst v63  }
0x2b7: {  	s0 =	sld [smem:$0x701];
	s6 =	simm.s32 $0xD500  }
0x2b8: {  	[tilespmem:s6], [sflag:$0x2] =	stream.indirect.gather [spmem:s4], $0x1, s21, s5, $0xb8;
	[tilespmem:$0x1F428] =	vst v63  }
0x2b9: {  	s1 =	sld [smem:$0x702];
	s13 =	simm.s32 $0xD580  }
0x2ba: {  	[tilespmem:s13], [sflag:$0x2] =	stream.indirect.gather [spmem:s4], $0x1, s0, s5, $0xb8;
	[tilespmem:$0x1F428] =	vst v63  }
0x2bb: {  	s8 =	simm.s32 $0xD600;
	s10 =	sld [smem:$0x703]  }
0x2bc: {  	[tilespmem:s8], [sflag:$0x2] =	stream.indirect.gather [spmem:s4], $0x1, s1, s5, $0xb8;
	[tilespmem:$0x1F428] =	vst v63  }
0x2bd: {  	s11 =	sld [smem:$0x704];
	s21 =	simm.s32 $0xD680  }
0x2be: {  	[tilespmem:s21], [sflag:$0x2] =	stream.indirect.gather [spmem:s4], $0x1, s10, s5, $0xb8;
	[tilespmem:$0x1F428] =	vst v63  }
0x2bf: {  	s0 =	sld [smem:$0x705];
	s1 =	simm.s32 $0xD700  }
0x2c0: {  	[tilespmem:s1], [sflag:$0x2] =	stream.indirect.gather [spmem:s4], $0x1, s11, s5, $0xb8;
	[tilespmem:$0x1F428] =	vst v63  }
0x2c1: {  	s10 =	sld [smem:$0x706];
	s11 =	simm.s32 $0xD780  }
0x2c2: {  	[tilespmem:s11], [sflag:$0x2] =	stream.indirect.gather [spmem:s4], $0x1, s0, s5, $0xb8;
	[tilespmem:$0x1F428] =	vst v63  }
0x2c3: {  	s21 =	sld [smem:$0x707];
	s1 =	simm.s32 $0xD800  }
0x2c4: {  	[tilespmem:s1], [sflag:$0x2] =	stream.indirect.gather [spmem:s4], $0x1, s10, s5, $0xb8;
	[tilespmem:$0x1F428] =	vst v63  }
0x2c5: {  	s11 =	simm.s32 $0xD880;
	s10 =	sld [smem:$0x708]  }
0x2c6: {  	[tilespmem:s11], [sflag:$0x2] =	stream.indirect.gather [spmem:s4], $0x1, s21, s5, $0xb8;
	[tilespmem:$0x1F428] =	vst v63  }
0x2c7: {  	s0 =	simm.s32 $0xD900;
	s21 =	sld [smem:$0x709]  }
0x2c8: {  	[tilespmem:s0], [sflag:$0x2] =	stream.indirect.gather [spmem:s4], $0x1, s10, s5, $0xb8;
	[tilespmem:$0x1F428] =	vst v63  }
0x2c9: {  	s1 =	sld [smem:$0x70A];
	s10 =	simm.s32 $0xD980  }
0x2ca: {  	[tilespmem:s10], [sflag:$0x2] =	stream.indirect.gather [spmem:s4], $0x1, s21, s5, $0xb8;
	[tilespmem:$0x1F428] =	vst v63  }
0x2cb: {  	s11 =	sld [smem:$0x70B];
	s21 =	simm.s32 $0xDA00  }
0x2cc: {  	[tilespmem:s21], [sflag:$0x2] =	stream.indirect.gather [spmem:s4], $0x1, s1, s5, $0xb8;
	[tilespmem:$0x1F428] =	vst v63  }
0x2cd: {  	s0 =	sld [smem:$0x70C];
	s1 =	simm.s32 $0xDA80  }
0x2ce: {  	[tilespmem:s1], [sflag:$0x2] =	stream.indirect.gather [spmem:s4], $0x1, s11, s5, $0xb8;
	[tilespmem:$0x1F428] =	vst v63  }
0x2cf: {  	s10 =	sld [smem:$0x70D];
	s11 =	simm.s32 $0xDB00  }
0x2d0: {  	[tilespmem:s11], [sflag:$0x2] =	stream.indirect.gather [spmem:s4], $0x1, s0, s5, $0xb8;
	[tilespmem:$0x1F428] =	vst v63  }
0x2d1: {  	s21 =	sld [smem:$0x70E];
	s0 =	simm.s32 $0xDB80  }
0x2d2: {  	[tilespmem:s0], [sflag:$0x2] =	stream.indirect.gather [spmem:s4], $0x1, s10, s5, $0xb8;
	[tilespmem:$0x1F428] =	vst v63  }
0x2d3: {  	s1 =	sld [smem:$0x70F];
	s10 =	simm.s32 $0xDC00  }
0x2d4: {  	[tilespmem:s10], [sflag:$0x2] =	stream.indirect.gather [spmem:s4], $0x1, s21, s5, $0xb8;
	[tilespmem:$0x1F428] =	vst v63  }
0x2d5: {  	s11 =	sld [smem:$0x710];
	s21 =	simm.s32 $0xDC80  }
0x2d6: {  	[tilespmem:s21], [sflag:$0x2] =	stream.indirect.gather [spmem:s4], $0x1, s1, s5, $0xb8;
	[tilespmem:$0x1F428] =	vst v63  }
0x2d7: {  	s0 =	sld [smem:$0x711];
	s1 =	simm.s32 $0xDD00  }
0x2d8: {  	[tilespmem:s1], [sflag:$0x2] =	stream.indirect.gather [spmem:s4], $0x1, s11, s5, $0xb8;
	[tilespmem:$0x1F428] =	vst v63  }
0x2d9: {  	s10 =	sld [smem:$0x712];
	s11 =	simm.s32 $0xDD80  }
0x2da: {  	[tilespmem:s11], [sflag:$0x2] =	stream.indirect.gather [spmem:s4], $0x1, s0, s5, $0xb8;
	[tilespmem:$0x1F428] =	vst v63  }
0x2db: {  	s21 =	sld [smem:$0x713];
	s0 =	simm.s32 $0xDE00  }
0x2dc: {  	[tilespmem:s0], [sflag:$0x2] =	stream.indirect.gather [spmem:s4], $0x1, s10, s5, $0xb8;
	[tilespmem:$0x1F428] =	vst v63  }
0x2dd: {  	s1 =	sld [smem:$0x714];
	s10 =	simm.s32 $0xDE80  }
0x2de: {  	[tilespmem:s10], [sflag:$0x2] =	stream.indirect.gather [spmem:s4], $0x1, s21, s5, $0xb8;
	[tilespmem:$0x1F428] =	vst v63  }
0x2df: {  	s11 =	sld [smem:$0x715];
	s21 =	simm.s32 $0xDF00  }
0x2e0: {  	[tilespmem:s21], [sflag:$0x2] =	stream.indirect.gather [spmem:s4], $0x1, s1, s5, $0xb8;
	[tilespmem:$0x1F428] =	vst v63  }
0x2e1: {  	s0 =	simm.s32 $0xDF80  }
0x2e2: {  	[tilespmem:s0], [sflag:$0x2] =	stream.indirect.gather [spmem:s4], $0x1, s11, s5, $0xb8;
	[tilespmem:$0x1F428] =	vst v63  }
0x2e3: {  	_ =	swait.ge [sflag:s29], $0x1800  }
0x2e4: {  	[sflag:s29] =	ssyncset.done $0x0  }
0x2e5: {  	v26 =	vadd.s32 v6, v25;
	[sflag:s29] =	ssyncadd.s32 $0xFFFFE800  }
0x2e6: {  	s1 =	sld [smem:$0x716];
	[tilespmem:$0xF900] =	vst v26;
	v26 =	vadd.s32 v7, v25  }
0x2e7: {  	[tilespmem:$0xF910] =	vst v26;
	v26 =	vadd.s32 v8, v25  }
0x2e8: {  	s11 =	simm.s32 $0x4;
	[tilespmem:$0xF920] =	vst v26  }
0x2e9: {  	[hbm4b:s3+s19] =	stream.indirect.scatter [tilespmem:s20], [sflag:$0x3], $0x80, s1, s19, $0xb8;
	[tilespmem:$0x1F428] =	vst v63  }
0x2ea: {  	_ =	swait.ge [sflag:s11], $0x1800  }
0x2eb: {  	s9 =	sld [smem:$0x717]  }
0x2ec: {  	[sflag:s11] =	ssyncset.done $0x0  }
0x2ed: {  	s12 =	simm.s32 $0xE000;
	s10 =	sld [smem:$0x718];
	[sflag:s11] =	ssyncadd.s32 $0xFFFFE800  }
0x2ee: {  	[tilespmem:s12], [sflag:$0x2] =	stream.indirect.gather [spmem:s4], $0x1, s9, s5, $0xb8;
	[tilespmem:$0x1F428] =	vst v63  }
0x2ef: {  	s24 =	simm.s32 $0xE080;
	s21 =	sld [smem:$0x719]  }
0x2f0: {  	[tilespmem:s24], [sflag:$0x2] =	stream.indirect.gather [spmem:s4], $0x1, s10, s5, $0xb8;
	[tilespmem:$0x1F428] =	vst v63  }
0x2f1: {  	s25 =	simm.s32 $0xE100;
	s0 =	sld [smem:$0x71A]  }
0x2f2: {  	[tilespmem:s25], [sflag:$0x2] =	stream.indirect.gather [spmem:s4], $0x1, s21, s5, $0xb8;
	[tilespmem:$0x1F428] =	vst v63  }
0x2f3: {  	s16 =	simm.s32 $0xE180;
	s1 =	sld [smem:$0x71B]  }
0x2f4: {  	[tilespmem:s16], [sflag:$0x2] =	stream.indirect.gather [spmem:s4], $0x1, s0, s5, $0xb8;
	[tilespmem:$0x1F428] =	vst v63  }
0x2f5: {  	s12 =	sld [smem:$0x71C];
	s10 =	simm.s32 $0xE200  }
0x2f6: {  	[tilespmem:s10], [sflag:$0x2] =	stream.indirect.gather [spmem:s4], $0x1, s1, s5, $0xb8;
	[tilespmem:$0x1F428] =	vst v63  }
0x2f7: {  	s21 =	simm.s32 $0xE280;
	s16 =	sld [smem:$0x71D]  }
0x2f8: {  	[tilespmem:s21], [sflag:$0x2] =	stream.indirect.gather [spmem:s4], $0x1, s12, s5, $0xb8;
	[tilespmem:$0x1F428] =	vst v63  }
0x2f9: {  	s26 =	simm.s32 $0xE300;
	s24 =	sld [smem:$0x71E]  }
0x2fa: {  	[tilespmem:s26], [sflag:$0x2] =	stream.indirect.gather [spmem:s4], $0x1, s16, s5, $0xb8;
	[tilespmem:$0x1F428] =	vst v63  }
0x2fb: {  	s22 =	simm.s32 $0xE380;
	s25 =	sld [smem:$0x71F]  }
0x2fc: {  	[tilespmem:s22], [sflag:$0x2] =	stream.indirect.gather [spmem:s4], $0x1, s24, s5, $0xb8;
	[tilespmem:$0x1F428] =	vst v63  }
0x2fd: {  	s30 =	simm.s32 $0xE400;
	s26 =	sld [smem:$0x720]  }
0x2fe: {  	[tilespmem:s30], [sflag:$0x2] =	stream.indirect.gather [spmem:s4], $0x1, s25, s5, $0xb8;
	[tilespmem:$0x1F428] =	vst v63  }
0x2ff: {  	s0 =	simm.s32 $0xE480;
	s30 =	sld [smem:$0x721]  }
0x300: {  	[tilespmem:s0], [sflag:$0x2] =	stream.indirect.gather [spmem:s4], $0x1, s26, s5, $0xb8;
	[tilespmem:$0x1F428] =	vst v63  }
0x301: {  	s1 =	sld [smem:$0x722];
	s16 =	simm.s32 $0xE500  }
0x302: {  	[tilespmem:s16], [sflag:$0x2] =	stream.indirect.gather [spmem:s4], $0x1, s30, s5, $0xb8;
	[tilespmem:$0x1F428] =	vst v63  }
0x303: {  	s22 =	sld [smem:$0x723];
	s24 =	simm.s32 $0xE580  }
0x304: {  	[tilespmem:s24], [sflag:$0x2] =	stream.indirect.gather [spmem:s4], $0x1, s1, s5, $0xb8;
	[tilespmem:$0x1F428] =	vst v63  }
0x305: {  	s25 =	sld [smem:$0x724];
	s26 =	simm.s32 $0xE600  }
0x306: {  	[tilespmem:s26], [sflag:$0x2] =	stream.indirect.gather [spmem:s4], $0x1, s22, s5, $0xb8;
	[tilespmem:$0x1F428] =	vst v63  }
0x307: {  	s0 =	simm.s32 $0xE680;
	s30 =	sld [smem:$0x725]  }
0x308: {  	[tilespmem:s0], [sflag:$0x2] =	stream.indirect.gather [spmem:s4], $0x1, s25, s5, $0xb8;
	[tilespmem:$0x1F428] =	vst v63  }
0x309: {  	s16 =	simm.s32 $0xE700;
	s1 =	sld [smem:$0x726]  }
0x30a: {  	[tilespmem:s16], [sflag:$0x2] =	stream.indirect.gather [spmem:s4], $0x1, s30, s5, $0xb8;
	[tilespmem:$0x1F428] =	vst v63  }
0x30b: {  	s24 =	simm.s32 $0xE780;
	s22 =	sld [smem:$0x727]  }
0x30c: {  	[tilespmem:s24], [sflag:$0x2] =	stream.indirect.gather [spmem:s4], $0x1, s1, s5, $0xb8;
	[tilespmem:$0x1F428] =	vst v63  }
0x30d: {  	s26 =	simm.s32 $0xE800;
	s25 =	sld [smem:$0x728]  }
0x30e: {  	[tilespmem:s26], [sflag:$0x2] =	stream.indirect.gather [spmem:s4], $0x1, s22, s5, $0xb8;
	[tilespmem:$0x1F428] =	vst v63  }
0x30f: {  	s0 =	simm.s32 $0xE880;
	s30 =	sld [smem:$0x729]  }
0x310: {  	[tilespmem:s0], [sflag:$0x2] =	stream.indirect.gather [spmem:s4], $0x1, s25, s5, $0xb8;
	[tilespmem:$0x1F428] =	vst v63  }
0x311: {  	s16 =	simm.s32 $0xE900;
	s1 =	sld [smem:$0x72A]  }
0x312: {  	[tilespmem:s16], [sflag:$0x2] =	stream.indirect.gather [spmem:s4], $0x1, s30, s5, $0xb8;
	[tilespmem:$0x1F428] =	vst v63  }
0x313: {  	s24 =	simm.s32 $0xE980;
	s22 =	sld [smem:$0x72B]  }
0x314: {  	[tilespmem:s24], [sflag:$0x2] =	stream.indirect.gather [spmem:s4], $0x1, s1, s5, $0xb8;
	[tilespmem:$0x1F428] =	vst v63  }
0x315: {  	s26 =	simm.s32 $0xEA00;
	s25 =	sld [smem:$0x72C]  }
0x316: {  	[tilespmem:s26], [sflag:$0x2] =	stream.indirect.gather [spmem:s4], $0x1, s22, s5, $0xb8;
	[tilespmem:$0x1F428] =	vst v63  }
0x317: {  	s0 =	simm.s32 $0xEA80;
	s30 =	sld [smem:$0x72D]  }
0x318: {  	[tilespmem:s0], [sflag:$0x2] =	stream.indirect.gather [spmem:s4], $0x1, s25, s5, $0xb8;
	[tilespmem:$0x1F428] =	vst v63  }
0x319: {  	s16 =	simm.s32 $0xEB00;
	s1 =	sld [smem:$0x72E]  }
0x31a: {  	[tilespmem:s16], [sflag:$0x2] =	stream.indirect.gather [spmem:s4], $0x1, s30, s5, $0xb8;
	[tilespmem:$0x1F428] =	vst v63  }
0x31b: {  	s24 =	simm.s32 $0xEB80;
	s22 =	sld [smem:$0x72F]  }
0x31c: {  	[tilespmem:s24], [sflag:$0x2] =	stream.indirect.gather [spmem:s4], $0x1, s1, s5, $0xb8;
	[tilespmem:$0x1F428] =	vst v63  }
0x31d: {  	s26 =	simm.s32 $0xEC00;
	s25 =	sld [smem:$0x730]  }
0x31e: {  	[tilespmem:s26], [sflag:$0x2] =	stream.indirect.gather [spmem:s4], $0x1, s22, s5, $0xb8;
	[tilespmem:$0x1F428] =	vst v63  }
0x31f: {  	s0 =	simm.s32 $0xEC80;
	s30 =	sld [smem:$0x731]  }
0x320: {  	[tilespmem:s0], [sflag:$0x2] =	stream.indirect.gather [spmem:s4], $0x1, s25, s5, $0xb8;
	[tilespmem:$0x1F428] =	vst v63  }
0x321: {  	s16 =	simm.s32 $0xED00;
	s1 =	sld [smem:$0x732]  }
0x322: {  	[tilespmem:s16], [sflag:$0x2] =	stream.indirect.gather [spmem:s4], $0x1, s30, s5, $0xb8;
	[tilespmem:$0x1F428] =	vst v63  }
0x323: {  	s24 =	simm.s32 $0xED80;
	s22 =	sld [smem:$0x733]  }
0x324: {  	[tilespmem:s24], [sflag:$0x2] =	stream.indirect.gather [spmem:s4], $0x1, s1, s5, $0xb8;
	[tilespmem:$0x1F428] =	vst v63  }
0x325: {  	s26 =	simm.s32 $0xEE00;
	s25 =	sld [smem:$0x734]  }
0x326: {  	[tilespmem:s26], [sflag:$0x2] =	stream.indirect.gather [spmem:s4], $0x1, s22, s5, $0xb8;
	[tilespmem:$0x1F428] =	vst v63  }
0x327: {  	s0 =	simm.s32 $0xEE80;
	s30 =	sld [smem:$0x735]  }
0x328: {  	[tilespmem:s0], [sflag:$0x2] =	stream.indirect.gather [spmem:s4], $0x1, s25, s5, $0xb8;
	[tilespmem:$0x1F428] =	vst v63  }
0x329: {  	s12 =	sld [smem:$0x736];
	s1 =	simm.s32 $0xEF00  }
0x32a: {  	[tilespmem:s1], [sflag:$0x2] =	stream.indirect.gather [spmem:s4], $0x1, s30, s5, $0xb8;
	[tilespmem:$0x1F428] =	vst v63  }
0x32b: {  	s16 =	sld [smem:$0x737];
	s22 =	simm.s32 $0xEF80  }
0x32c: {  	[tilespmem:s22], [sflag:$0x2] =	stream.indirect.gather [spmem:s4], $0x1, s12, s5, $0xb8;
	[tilespmem:$0x1F428] =	vst v63  }
0x32d: {  	s24 =	simm.s32 $0xF000;
	s2 =	sld [smem:$0x738]  }
0x32e: {  	[tilespmem:s24], [sflag:$0x2] =	stream.indirect.gather [spmem:s4], $0x1, s16, s5, $0xb8;
	[tilespmem:$0x1F428] =	vst v63  }
0x32f: {  	s26 =	simm.s32 $0xF080;
	s25 =	sld [smem:$0x739]  }
0x330: {  	[tilespmem:s26], [sflag:$0x2] =	stream.indirect.gather [spmem:s4], $0x1, s2, s5, $0xb8;
	[tilespmem:$0x1F428] =	vst v63  }
0x331: {  	s0 =	simm.s32 $0xF100;
	s30 =	sld [smem:$0x73A]  }
0x332: {  	[tilespmem:s0], [sflag:$0x2] =	stream.indirect.gather [spmem:s4], $0x1, s25, s5, $0xb8;
	[tilespmem:$0x1F428] =	vst v63  }
0x333: {  	s1 =	sld [smem:$0x73B];
	s16 =	simm.s32 $0xF180  }
0x334: {  	[tilespmem:s16], [sflag:$0x2] =	stream.indirect.gather [spmem:s4], $0x1, s30, s5, $0xb8;
	[tilespmem:$0x1F428] =	vst v63  }
0x335: {  	s22 =	sld [smem:$0x73C];
	s24 =	simm.s32 $0xF200  }
0x336: {  	[tilespmem:s24], [sflag:$0x2] =	stream.indirect.gather [spmem:s4], $0x1, s1, s5, $0xb8;
	[tilespmem:$0x1F428] =	vst v63  }
0x337: {  	s26 =	simm.s32 $0xF280;
	s25 =	sld [smem:$0x73D]  }
0x338: {  	[tilespmem:s26], [sflag:$0x2] =	stream.indirect.gather [spmem:s4], $0x1, s22, s5, $0xb8;
	[tilespmem:$0x1F428] =	vst v63  }
0x339: {  	s0 =	simm.s32 $0xF300;
	s30 =	sld [smem:$0x73E]  }
0x33a: {  	[tilespmem:s0], [sflag:$0x2] =	stream.indirect.gather [spmem:s4], $0x1, s25, s5, $0xb8;
	[tilespmem:$0x1F428] =	vst v63  }
0x33b: {  	s16 =	simm.s32 $0xF380;
	s1 =	sld [smem:$0x73F]  }
0x33c: {  	[tilespmem:s16], [sflag:$0x2] =	stream.indirect.gather [spmem:s4], $0x1, s30, s5, $0xb8;
	[tilespmem:$0x1F428] =	vst v63  }
0x33d: {  	s24 =	simm.s32 $0xF400;
	s22 =	sld [smem:$0x740]  }
0x33e: {  	[tilespmem:s24], [sflag:$0x2] =	stream.indirect.gather [spmem:s4], $0x1, s1, s5, $0xb8;
	[tilespmem:$0x1F428] =	vst v63  }
0x33f: {  	s26 =	simm.s32 $0xF480;
	s25 =	sld [smem:$0x741]  }
0x340: {  	[tilespmem:s26], [sflag:$0x2] =	stream.indirect.gather [spmem:s4], $0x1, s22, s5, $0xb8;
	[tilespmem:$0x1F428] =	vst v63  }
0x341: {  	s0 =	simm.s32 $0xF500;
	s30 =	sld [smem:$0x742]  }
0x342: {  	[tilespmem:s0], [sflag:$0x2] =	stream.indirect.gather [spmem:s4], $0x1, s25, s5, $0xb8;
	[tilespmem:$0x1F428] =	vst v63  }
0x343: {  	s16 =	simm.s32 $0xF580;
	s1 =	sld [smem:$0x743]  }
0x344: {  	[tilespmem:s16], [sflag:$0x2] =	stream.indirect.gather [spmem:s4], $0x1, s30, s5, $0xb8;
	[tilespmem:$0x1F428] =	vst v63  }
0x345: {  	s24 =	simm.s32 $0xF600;
	s22 =	sld [smem:$0x744]  }
0x346: {  	[tilespmem:s24], [sflag:$0x2] =	stream.indirect.gather [spmem:s4], $0x1, s1, s5, $0xb8;
	[tilespmem:$0x1F428] =	vst v63  }
0x347: {  	s26 =	simm.s32 $0xF680;
	s25 =	sld [smem:$0x745]  }
0x348: {  	[tilespmem:s26], [sflag:$0x2] =	stream.indirect.gather [spmem:s4], $0x1, s22, s5, $0xb8;
	[tilespmem:$0x1F428] =	vst v63  }
0x349: {  	s0 =	simm.s32 $0xF700;
	s30 =	sld [smem:$0x746]  }
0x34a: {  	[tilespmem:s0], [sflag:$0x2] =	stream.indirect.gather [spmem:s4], $0x1, s25, s5, $0xb8;
	[tilespmem:$0x1F428] =	vst v63  }
0x34b: {  	s1 =	simm.s32 $0xF780  }
0x34c: {  	[tilespmem:s1], [sflag:$0x2] =	stream.indirect.gather [spmem:s4], $0x1, s30, s5, $0xb8;
	[tilespmem:$0x1F428] =	vst v63  }
0x34d: {  	_ =	swait.ge [sflag:s29], $0x1800  }
0x34e: {  	[sflag:s29] =	ssyncset.done $0x0  }
0x34f: {  	v26 =	vadd.s32 v9, v25;
	[sflag:s29] =	ssyncadd.s32 $0xFFFFE800  }
0x350: {  	s12 =	sld [smem:$0x747];
	[tilespmem:$0xF980] =	vst v26;
	v26 =	vadd.s32 v10, v25  }
0x351: {  	[tilespmem:$0xF990] =	vst v26;
	v26 =	vadd.s32 v11, v25  }
0x352: {  	s7 =	simm.s32 $0x3;
	s16 =	simm.s32 $0xE000;
	[tilespmem:$0xF9A0] =	vst v26  }
0x353: {  	[hbm4b:s3+s19] =	stream.indirect.scatter [tilespmem:s16], [sflag:$0x4], $0x80, s12, s19, $0xb8;
	[tilespmem:$0x1F428] =	vst v63  }
0x354: {  	_ =	swait.ge [sflag:s7], $0x1800  }
0x355: {  	s24 =	sld [smem:$0x748]  }
0x356: {  	[sflag:s7] =	ssyncset.done $0x0  }
0x357: {  	s25 =	sld [smem:$0x749];
	[sflag:s7] =	ssyncadd.s32 $0xFFFFE800  }
0x358: {  	[tilespmem:s20], [sflag:$0x2] =	stream.indirect.gather [spmem:s4], $0x1, s24, s5, $0xb8;
	[tilespmem:$0x1F428] =	vst v63  }
0x359: {  	s30 =	simm.s32 $0xC880;
	s26 =	sld [smem:$0x74A]  }
0x35a: {  	[tilespmem:s30], [sflag:$0x2] =	stream.indirect.gather [spmem:s4], $0x1, s25, s5, $0xb8;
	[tilespmem:$0x1F428] =	vst v63  }
0x35b: {  	s1 =	sld [smem:$0x74B];
	s7 =	simm.s32 $0xC900  }
0x35c: {  	[tilespmem:s7], [sflag:$0x2] =	stream.indirect.gather [spmem:s4], $0x1, s26, s5, $0xb8;
	[tilespmem:$0x1F428] =	vst v63  }
0x35d: {  	s16 =	simm.s32 $0xC980;
	s12 =	sld [smem:$0x74C]  }
0x35e: {  	[tilespmem:s16], [sflag:$0x2] =	stream.indirect.gather [spmem:s4], $0x1, s1, s5, $0xb8;
	[tilespmem:$0x1F428] =	vst v63  }
0x35f: {  	s19 =	sld [smem:$0x74D];
	s24 =	simm.s32 $0xCA00  }
0x360: {  	[tilespmem:s24], [sflag:$0x2] =	stream.indirect.gather [spmem:s4], $0x1, s12, s5, $0xb8;
	[tilespmem:$0x1F428] =	vst v63  }
0x361: {  	s25 =	sld [smem:$0x74E];
	s26 =	simm.s32 $0xCA80  }
0x362: {  	[tilespmem:s26], [sflag:$0x2] =	stream.indirect.gather [spmem:s4], $0x1, s19, s5, $0xb8;
	[tilespmem:$0x1F428] =	vst v63  }
0x363: {  	s30 =	sld [smem:$0x74F];
	s1 =	simm.s32 $0xCB00  }
0x364: {  	[tilespmem:s1], [sflag:$0x2] =	stream.indirect.gather [spmem:s4], $0x1, s25, s5, $0xb8;
	[tilespmem:$0x1F428] =	vst v63  }
0x365: {  	s2 =	simm.s32 $0xCB80  }
0x366: {  	[tilespmem:s2], [sflag:$0x2] =	stream.indirect.gather [spmem:s4], $0x1, s30, s5, $0xb8;
	[tilespmem:$0x1F428] =	vst v63  }
0x367: {  	s9 =	simm.s32 $0x6400;
	s7 =	sld [smem:$0x750];
	s12 =	simm.s32 $0xCC00  }
0x368: {  	[tilespmem:s12], [sflag:$0x2] =	stream.indirect.gather [spmem:s4], $0x1, s9, s5, $0xb8;
	[tilespmem:$0x1F428] =	vst v63  }
0x369: {  	s16 =	sld [smem:$0x751];
	s19 =	simm.s32 $0xCC80  }
0x36a: {  	[tilespmem:s19], [sflag:$0x2] =	stream.indirect.gather [spmem:s4], $0x1, s7, s5, $0xb8;
	[tilespmem:$0x1F428] =	vst v63  }
0x36b: {  	s24 =	sld [smem:$0x752];
	s25 =	simm.s32 $0xCD00  }
0x36c: {  	[tilespmem:s25], [sflag:$0x2] =	stream.indirect.gather [spmem:s4], $0x1, s16, s5, $0xb8;
	[tilespmem:$0x1F428] =	vst v63  }
0x36d: {  	s26 =	sld [smem:$0x753];
	s30 =	simm.s32 $0xCD80  }
0x36e: {  	[tilespmem:s30], [sflag:$0x2] =	stream.indirect.gather [spmem:s4], $0x1, s24, s5, $0xb8;
	[tilespmem:$0x1F428] =	vst v63  }
0x36f: {  	s1 =	sld [smem:$0x754];
	s19 =	simm.s32 $0xCE00  }
0x370: {  	[tilespmem:s19], [sflag:$0x2] =	stream.indirect.gather [spmem:s4], $0x1, s26, s5, $0xb8;
	[tilespmem:$0x1F428] =	vst v63  }
0x371: {  	s7 =	sld [smem:$0x755];
	s24 =	simm.s32 $0xCE80  }
0x372: {  	[tilespmem:s24], [sflag:$0x2] =	stream.indirect.gather [spmem:s4], $0x1, s1, s5, $0xb8;
	[tilespmem:$0x1F428] =	vst v63  }
0x373: {  	s12 =	sld [smem:$0x756];
	s25 =	simm.s32 $0xCF00  }
0x374: {  	[tilespmem:s25], [sflag:$0x2] =	stream.indirect.gather [spmem:s4], $0x1, s7, s5, $0xb8;
	[tilespmem:$0x1F428] =	vst v63  }
0x375: {  	s16 =	sld [smem:$0x757];
	s26 =	simm.s32 $0xCF80  }
0x376: {  	[tilespmem:s26], [sflag:$0x2] =	stream.indirect.gather [spmem:s4], $0x1, s12, s5, $0xb8;
	[tilespmem:$0x1F428] =	vst v63  }
0x377: {  	s0 =	sld [smem:$0x758];
	s30 =	simm.s32 $0xD000  }
0x378: {  	[tilespmem:s30], [sflag:$0x2] =	stream.indirect.gather [spmem:s4], $0x1, s16, s5, $0xb8;
	[tilespmem:$0x1F428] =	vst v63  }
0x379: {  	s1 =	sld [smem:$0x759];
	s7 =	simm.s32 $0xD080  }
0x37a: {  	[tilespmem:s7], [sflag:$0x2] =	stream.indirect.gather [spmem:s4], $0x1, s0, s5, $0xb8;
	[tilespmem:$0x1F428] =	vst v63  }
0x37b: {  	s12 =	simm.s32 $0xD100;
	s16 =	sld [smem:$0x75A]  }
0x37c: {  	[tilespmem:s12], [sflag:$0x2] =	stream.indirect.gather [spmem:s4], $0x1, s1, s5, $0xb8;
	[tilespmem:$0x1F428] =	vst v63  }
0x37d: {  	s0 =	sld [smem:$0x75B]  }
0x37e: {  	[tilespmem:s14], [sflag:$0x2] =	stream.indirect.gather [spmem:s4], $0x1, s16, s5, $0xb8;
	[tilespmem:$0x1F428] =	vst v63  }
0x37f: {  	s1 =	sld [smem:$0x75C]  }
0x380: {  	[tilespmem:s15], [sflag:$0x2] =	stream.indirect.gather [spmem:s4], $0x1, s0, s5, $0xb8;
	[tilespmem:$0x1F428] =	vst v63  }
0x381: {  	s14 =	sld [smem:$0x75D]  }
0x382: {  	[tilespmem:s17], [sflag:$0x2] =	stream.indirect.gather [spmem:s4], $0x1, s1, s5, $0xb8;
	[tilespmem:$0x1F428] =	vst v63  }
0x383: {  	s15 =	sld [smem:$0x75E]  }
0x384: {  	[tilespmem:s18], [sflag:$0x2] =	stream.indirect.gather [spmem:s4], $0x1, s14, s5, $0xb8;
	[tilespmem:$0x1F428] =	vst v63  }
0x385: {  	s16 =	sld [smem:$0x75F]  }
0x386: {  	[tilespmem:s23], [sflag:$0x2] =	stream.indirect.gather [spmem:s4], $0x1, s15, s5, $0xb8;
	[tilespmem:$0x1F428] =	vst v63  }
0x387: {  	s17 =	sld [smem:$0x760]  }
0x388: {  	[tilespmem:s28], [sflag:$0x2] =	stream.indirect.gather [spmem:s4], $0x1, s16, s5, $0xb8;
	[tilespmem:$0x1F428] =	vst v63  }
0x389: {  	s18 =	sld [smem:$0x761]  }
0x38a: {  	[tilespmem:s31], [sflag:$0x2] =	stream.indirect.gather [spmem:s4], $0x1, s17, s5, $0xb8;
	[tilespmem:$0x1F428] =	vst v63  }
0x38b: {  	s0 =	sld [smem:$0x762]  }
0x38c: {  	[tilespmem:s6], [sflag:$0x2] =	stream.indirect.gather [spmem:s4], $0x1, s18, s5, $0xb8;
	[tilespmem:$0x1F428] =	vst v63  }
0x38d: {  	s1 =	sld [smem:$0x763]  }
0x38e: {  	[tilespmem:s13], [sflag:$0x2] =	stream.indirect.gather [spmem:s4], $0x1, s0, s5, $0xb8;
	[tilespmem:$0x1F428] =	vst v63  }
0x38f: {  	s6 =	sld [smem:$0x764]  }
0x390: {  	[tilespmem:s8], [sflag:$0x2] =	stream.indirect.gather [spmem:s4], $0x1, s1, s5, $0xb8;
	[tilespmem:$0x1F428] =	vst v63  }
0x391: {  	s13 =	simm.s32 $0xD680;
	s8 =	sld [smem:$0x765]  }
0x392: {  	[tilespmem:s13], [sflag:$0x2] =	stream.indirect.gather [spmem:s4], $0x1, s6, s5, $0xb8;
	[tilespmem:$0x1F428] =	vst v63  }
0x393: {  	s14 =	sld [smem:$0x766];
	s15 =	simm.s32 $0xD700  }
0x394: {  	[tilespmem:s15], [sflag:$0x2] =	stream.indirect.gather [spmem:s4], $0x1, s8, s5, $0xb8;
	[tilespmem:$0x1F428] =	vst v63  }
0x395: {  	s16 =	sld [smem:$0x767];
	s17 =	simm.s32 $0xD780  }
0x396: {  	[tilespmem:s17], [sflag:$0x2] =	stream.indirect.gather [spmem:s4], $0x1, s14, s5, $0xb8;
	[tilespmem:$0x1F428] =	vst v63  }
0x397: {  	s18 =	sld [smem:$0x768];
	s1 =	simm.s32 $0xD800  }
0x398: {  	[tilespmem:s1], [sflag:$0x2] =	stream.indirect.gather [spmem:s4], $0x1, s16, s5, $0xb8;
	[tilespmem:$0x1F428] =	vst v63  }
0x399: {  	s6 =	sld [smem:$0x769];
	s8 =	simm.s32 $0xD880  }
0x39a: {  	[tilespmem:s8], [sflag:$0x2] =	stream.indirect.gather [spmem:s4], $0x1, s18, s5, $0xb8;
	[tilespmem:$0x1F428] =	vst v63  }
0x39b: {  	s13 =	sld [smem:$0x76A];
	s14 =	simm.s32 $0xD900  }
0x39c: {  	[tilespmem:s14], [sflag:$0x2] =	stream.indirect.gather [spmem:s4], $0x1, s6, s5, $0xb8;
	[tilespmem:$0x1F428] =	vst v63  }
0x39d: {  	s15 =	sld [smem:$0x76B];
	s16 =	simm.s32 $0xD980  }
0x39e: {  	[tilespmem:s16], [sflag:$0x2] =	stream.indirect.gather [spmem:s4], $0x1, s13, s5, $0xb8;
	[tilespmem:$0x1F428] =	vst v63  }
0x39f: {  	s17 =	sld [smem:$0x76C];
	s18 =	simm.s32 $0xDA00  }
0x3a0: {  	[tilespmem:s18], [sflag:$0x2] =	stream.indirect.gather [spmem:s4], $0x1, s15, s5, $0xb8;
	[tilespmem:$0x1F428] =	vst v63  }
0x3a1: {  	s1 =	sld [smem:$0x76D];
	s6 =	simm.s32 $0xDA80  }
0x3a2: {  	[tilespmem:s6], [sflag:$0x2] =	stream.indirect.gather [spmem:s4], $0x1, s17, s5, $0xb8;
	[tilespmem:$0x1F428] =	vst v63  }
0x3a3: {  	s8 =	sld [smem:$0x76E];
	s13 =	simm.s32 $0xDB00  }
0x3a4: {  	[tilespmem:s13], [sflag:$0x2] =	stream.indirect.gather [spmem:s4], $0x1, s1, s5, $0xb8;
	[tilespmem:$0x1F428] =	vst v63  }
0x3a5: {  	s14 =	sld [smem:$0x76F];
	s15 =	simm.s32 $0xDB80  }
0x3a6: {  	[tilespmem:s15], [sflag:$0x2] =	stream.indirect.gather [spmem:s4], $0x1, s8, s5, $0xb8;
	[tilespmem:$0x1F428] =	vst v63  }
0x3a7: {  	s16 =	sld [smem:$0x770];
	s17 =	simm.s32 $0xDC00  }
0x3a8: {  	[tilespmem:s17], [sflag:$0x2] =	stream.indirect.gather [spmem:s4], $0x1, s14, s5, $0xb8;
	[tilespmem:$0x1F428] =	vst v63  }
0x3a9: {  	s18 =	sld [smem:$0x771];
	s1 =	simm.s32 $0xDC80  }
0x3aa: {  	[tilespmem:s1], [sflag:$0x2] =	stream.indirect.gather [spmem:s4], $0x1, s16, s5, $0xb8;
	[tilespmem:$0x1F428] =	vst v63  }
0x3ab: {  	s6 =	sld [smem:$0x772];
	s8 =	simm.s32 $0xDD00  }
0x3ac: {  	[tilespmem:s8], [sflag:$0x2] =	stream.indirect.gather [spmem:s4], $0x1, s18, s5, $0xb8;
	[tilespmem:$0x1F428] =	vst v63  }
0x3ad: {  	s13 =	sld [smem:$0x773];
	s14 =	simm.s32 $0xDD80  }
0x3ae: {  	[tilespmem:s14], [sflag:$0x2] =	stream.indirect.gather [spmem:s4], $0x1, s6, s5, $0xb8;
	[tilespmem:$0x1F428] =	vst v63  }
0x3af: {  	s15 =	sld [smem:$0x774];
	s16 =	simm.s32 $0xDE00  }
0x3b0: {  	[tilespmem:s16], [sflag:$0x2] =	stream.indirect.gather [spmem:s4], $0x1, s13, s5, $0xb8;
	[tilespmem:$0x1F428] =	vst v63  }
0x3b1: {  	s0 =	simm.s32 $0xDE80;
	s17 =	sld [smem:$0x775]  }
0x3b2: {  	[tilespmem:s0], [sflag:$0x2] =	stream.indirect.gather [spmem:s4], $0x1, s15, s5, $0xb8;
	[tilespmem:$0x1F428] =	vst v63  }
0x3b3: {  	s1 =	sld [smem:$0x776];
	s6 =	simm.s32 $0xDF00  }
0x3b4: {  	[tilespmem:s6], [sflag:$0x2] =	stream.indirect.gather [spmem:s4], $0x1, s17, s5, $0xb8;
	[tilespmem:$0x1F428] =	vst v63  }
0x3b5: {  	s8 =	simm.s32 $0xDF80  }
0x3b6: {  	[tilespmem:s8], [sflag:$0x2] =	stream.indirect.gather [spmem:s4], $0x1, s1, s5, $0xb8;
	[tilespmem:$0x1F428] =	vst v63  }
0x3b7: {  	_ =	swait.ge [sflag:s29], $0x1800  }
0x3b8: {  	[sflag:s29] =	ssyncset.done $0x0  }
0x3b9: {  	v26 =	vadd.s32 v12, v25;
	[sflag:s29] =	ssyncadd.s32 $0xFFFFE800  }
0x3ba: {  	s14 =	sld [smem:$0x777];
	[tilespmem:$0xFA00] =	vst v26;
	v26 =	vadd.s32 v13, v25  }
0x3bb: {  	[tilespmem:$0xFA10] =	vst v26;
	v26 =	vadd.s32 v14, v25  }
0x3bc: {  	s6 =	simm.s32 $0x30;
	[tilespmem:$0xFA20] =	vst v26  }
0x3bd: {  	[hbm4b:s3+s6] =	stream.indirect.scatter [tilespmem:s20], [sflag:$0x3], $0x80, s14, s6, $0xb8;
	[tilespmem:$0x1F428] =	vst v63  }
0x3be: {  	_ =	swait.ge [sflag:s11], $0x1800  }
0x3bf: {  	s15 =	sld [smem:$0x778]  }
0x3c0: {  	[sflag:s11] =	ssyncset.done $0x0  }
0x3c1: {  	s18 =	simm.s32 $0xE000;
	s16 =	sld [smem:$0x779];
	[sflag:s11] =	ssyncadd.s32 $0xFFFFE800  }
0x3c2: {  	[tilespmem:s18], [sflag:$0x2] =	stream.indirect.gather [spmem:s4], $0x1, s15, s5, $0xb8;
	[tilespmem:$0x1F428] =	vst v63  }
0x3c3: {  	s17 =	simm.s32 $0xE080;
	s0 =	sld [smem:$0x77A]  }
0x3c4: {  	[tilespmem:s17], [sflag:$0x2] =	stream.indirect.gather [spmem:s4], $0x1, s16, s5, $0xb8;
	[tilespmem:$0x1F428] =	vst v63  }
0x3c5: {  	s1 =	sld [smem:$0x77B];
	s16 =	simm.s32 $0xE100  }
0x3c6: {  	[tilespmem:s16], [sflag:$0x2] =	stream.indirect.gather [spmem:s4], $0x1, s0, s5, $0xb8;
	[tilespmem:$0x1F428] =	vst v63  }
0x3c7: {  	s14 =	simm.s32 $0xE180;
	s8 =	sld [smem:$0x77C]  }
0x3c8: {  	[tilespmem:s14], [sflag:$0x2] =	stream.indirect.gather [spmem:s4], $0x1, s1, s5, $0xb8;
	[tilespmem:$0x1F428] =	vst v63  }
0x3c9: {  	s15 =	sld [smem:$0x77D]  }
0x3ca: {  	[tilespmem:s10], [sflag:$0x2] =	stream.indirect.gather [spmem:s4], $0x1, s8, s5, $0xb8;
	[tilespmem:$0x1F428] =	vst v63  }
0x3cb: {  	s18 =	sld [smem:$0x77E]  }
0x3cc: {  	[tilespmem:s21], [sflag:$0x2] =	stream.indirect.gather [spmem:s4], $0x1, s15, s5, $0xb8;
	[tilespmem:$0x1F428] =	vst v63  }
0x3cd: {  	s0 =	sld [smem:$0x77F];
	s10 =	simm.s32 $0xE300  }
0x3ce: {  	[tilespmem:s10], [sflag:$0x2] =	stream.indirect.gather [spmem:s4], $0x1, s18, s5, $0xb8;
	[tilespmem:$0x1F428] =	vst v63  }
0x3cf: {  	s1 =	sld [smem:$0x780];
	s18 =	simm.s32 $0xE380  }
0x3d0: {  	[tilespmem:s18], [sflag:$0x2] =	stream.indirect.gather [spmem:s4], $0x1, s0, s5, $0xb8;
	[tilespmem:$0x1F428] =	vst v63  }
0x3d1: {  	s15 =	simm.s32 $0xE400;
	s0 =	sld [smem:$0x781]  }
0x3d2: {  	[tilespmem:s15], [sflag:$0x2] =	stream.indirect.gather [spmem:s4], $0x1, s1, s5, $0xb8;
	[tilespmem:$0x1F428] =	vst v63  }
0x3d3: {  	s2 =	sld [smem:$0x782];
	s1 =	simm.s32 $0xE480  }
0x3d4: {  	[tilespmem:s1], [sflag:$0x2] =	stream.indirect.gather [spmem:s4], $0x1, s0, s5, $0xb8;
	[tilespmem:$0x1F428] =	vst v63  }
0x3d5: {  	s9 =	sld [smem:$0x783];
	s1 =	simm.s32 $0xE500  }
0x3d6: {  	[tilespmem:s1], [sflag:$0x2] =	stream.indirect.gather [spmem:s4], $0x1, s2, s5, $0xb8;
	[tilespmem:$0x1F428] =	vst v63  }
0x3d7: {  	s2 =	sld [smem:$0x784];
	s1 =	simm.s32 $0xE580  }
0x3d8: {  	[tilespmem:s1], [sflag:$0x2] =	stream.indirect.gather [spmem:s4], $0x1, s9, s5, $0xb8;
	[tilespmem:$0x1F428] =	vst v63  }
0x3d9: {  	s9 =	sld [smem:$0x785];
	s1 =	simm.s32 $0xE600  }
0x3da: {  	[tilespmem:s1], [sflag:$0x2] =	stream.indirect.gather [spmem:s4], $0x1, s2, s5, $0xb8;
	[tilespmem:$0x1F428] =	vst v63  }
0x3db: {  	s2 =	sld [smem:$0x786];
	s1 =	simm.s32 $0xE680  }
0x3dc: {  	[tilespmem:s1], [sflag:$0x2] =	stream.indirect.gather [spmem:s4], $0x1, s9, s5, $0xb8;
	[tilespmem:$0x1F428] =	vst v63  }
0x3dd: {  	s9 =	sld [smem:$0x787];
	s1 =	simm.s32 $0xE700  }
0x3de: {  	[tilespmem:s1], [sflag:$0x2] =	stream.indirect.gather [spmem:s4], $0x1, s2, s5, $0xb8;
	[tilespmem:$0x1F428] =	vst v63  }
0x3df: {  	s2 =	simm.s32 $0xE780  }
0x3e0: {  	[tilespmem:s2], [sflag:$0x2] =	stream.indirect.gather [spmem:s4], $0x1, s9, s5, $0xb8;
	[tilespmem:$0x1F428] =	vst v63  }
0x3e1: {  	s22 =	simm.s32 $0x8000;
	s1 =	sld [smem:$0x788];
	s9 =	simm.s32 $0xE800  }
0x3e2: {  	[tilespmem:s9], [sflag:$0x2] =	stream.indirect.gather [spmem:s4], $0x1, s22, s5, $0xb8;
	[tilespmem:$0x1F428] =	vst v63  }
0x3e3: {  	s9 =	sld [smem:$0x789];
	s22 =	simm.s32 $0xE880  }
0x3e4: {  	[tilespmem:s22], [sflag:$0x2] =	stream.indirect.gather [spmem:s4], $0x1, s1, s5, $0xb8;
	[tilespmem:$0x1F428] =	vst v63  }
0x3e5: {  	s2 =	sld [smem:$0x78A];
	s1 =	simm.s32 $0xE900  }
0x3e6: {  	[tilespmem:s1], [sflag:$0x2] =	stream.indirect.gather [spmem:s4], $0x1, s9, s5, $0xb8;
	[tilespmem:$0x1F428] =	vst v63  }
0x3e7: {  	s22 =	simm.s32 $0xE980;
	s9 =	sld [smem:$0x78B]  }
0x3e8: {  	[tilespmem:s22], [sflag:$0x2] =	stream.indirect.gather [spmem:s4], $0x1, s2, s5, $0xb8;
	[tilespmem:$0x1F428] =	vst v63  }
0x3e9: {  	s1 =	simm.s32 $0xEA00;
	s2 =	sld [smem:$0x78C]  }
0x3ea: {  	[tilespmem:s1], [sflag:$0x2] =	stream.indirect.gather [spmem:s4], $0x1, s9, s5, $0xb8;
	[tilespmem:$0x1F428] =	vst v63  }
0x3eb: {  	s22 =	simm.s32 $0xEA80;
	s9 =	sld [smem:$0x78D]  }
0x3ec: {  	[tilespmem:s22], [sflag:$0x2] =	stream.indirect.gather [spmem:s4], $0x1, s2, s5, $0xb8;
	[tilespmem:$0x1F428] =	vst v63  }
0x3ed: {  	s1 =	simm.s32 $0xEB00;
	s2 =	sld [smem:$0x78E]  }
0x3ee: {  	[tilespmem:s1], [sflag:$0x2] =	stream.indirect.gather [spmem:s4], $0x1, s9, s5, $0xb8;
	[tilespmem:$0x1F428] =	vst v63  }
0x3ef: {  	s22 =	simm.s32 $0xEB80;
	s9 =	sld [smem:$0x78F]  }
0x3f0: {  	[tilespmem:s22], [sflag:$0x2] =	stream.indirect.gather [spmem:s4], $0x1, s2, s5, $0xb8;
	[tilespmem:$0x1F428] =	vst v63  }
0x3f1: {  	s1 =	simm.s32 $0xEC00;
	s2 =	sld [smem:$0x790]  }
0x3f2: {  	[tilespmem:s1], [sflag:$0x2] =	stream.indirect.gather [spmem:s4], $0x1, s9, s5, $0xb8;
	[tilespmem:$0x1F428] =	vst v63  }
0x3f3: {  	s22 =	simm.s32 $0xEC80;
	s9 =	sld [smem:$0x791]  }
0x3f4: {  	[tilespmem:s22], [sflag:$0x2] =	stream.indirect.gather [spmem:s4], $0x1, s2, s5, $0xb8;
	[tilespmem:$0x1F428] =	vst v63  }
0x3f5: {  	s1 =	simm.s32 $0xED00;
	s2 =	sld [smem:$0x792]  }
0x3f6: {  	[tilespmem:s1], [sflag:$0x2] =	stream.indirect.gather [spmem:s4], $0x1, s9, s5, $0xb8;
	[tilespmem:$0x1F428] =	vst v63  }
0x3f7: {  	s22 =	simm.s32 $0xED80;
	s9 =	sld [smem:$0x793]  }
0x3f8: {  	[tilespmem:s22], [sflag:$0x2] =	stream.indirect.gather [spmem:s4], $0x1, s2, s5, $0xb8;
	[tilespmem:$0x1F428] =	vst v63  }
0x3f9: {  	s1 =	simm.s32 $0xEE00;
	s2 =	sld [smem:$0x794]  }
0x3fa: {  	[tilespmem:s1], [sflag:$0x2] =	stream.indirect.gather [spmem:s4], $0x1, s9, s5, $0xb8;
	[tilespmem:$0x1F428] =	vst v63  }
0x3fb: {  	s22 =	simm.s32 $0xEE80;
	s9 =	sld [smem:$0x797]  }
0x3fc: {  	[tilespmem:s22], [sflag:$0x2] =	stream.indirect.gather [spmem:s4], $0x1, s2, s5, $0xb8;
	[tilespmem:$0x1F428] =	vst v63  }
0x3fd: {  	s1 =	simm.s32 $0xEF00;
	s2 =	sld [smem:$0x798]  }
0x3fe: {  	[tilespmem:s1], [sflag:$0x2] =	stream.indirect.gather [spmem:s4], $0x1, s9, s5, $0xb8;
	[tilespmem:$0x1F428] =	vst v63  }
0x3ff: {  	s22 =	simm.s32 $0xEF80;
	s9 =	sld [smem:$0x799]  }
0x400: {  	[tilespmem:s22], [sflag:$0x2] =	stream.indirect.gather [spmem:s4], $0x1, s2, s5, $0xb8;
	[tilespmem:$0x1F428] =	vst v63  }
0x401: {  	s1 =	simm.s32 $0xF000;
	s2 =	sld [smem:$0x79A]  }
0x402: {  	[tilespmem:s1], [sflag:$0x2] =	stream.indirect.gather [spmem:s4], $0x1, s9, s5, $0xb8;
	[tilespmem:$0x1F428] =	vst v63  }
0x403: {  	s22 =	simm.s32 $0xF080;
	s9 =	sld [smem:$0x79B]  }
0x404: {  	[tilespmem:s22], [sflag:$0x2] =	stream.indirect.gather [spmem:s4], $0x1, s2, s5, $0xb8;
	[tilespmem:$0x1F428] =	vst v63  }
0x405: {  	s1 =	simm.s32 $0xF100;
	s2 =	sld [smem:$0x79C]  }
0x406: {  	[tilespmem:s1], [sflag:$0x2] =	stream.indirect.gather [spmem:s4], $0x1, s9, s5, $0xb8;
	[tilespmem:$0x1F428] =	vst v63  }
0x407: {  	s22 =	simm.s32 $0xF180;
	s9 =	sld [smem:$0x79D]  }
0x408: {  	[tilespmem:s22], [sflag:$0x2] =	stream.indirect.gather [spmem:s4], $0x1, s2, s5, $0xb8;
	[tilespmem:$0x1F428] =	vst v63  }
0x409: {  	s1 =	simm.s32 $0xF200;
	s2 =	sld [smem:$0x79E]  }
0x40a: {  	[tilespmem:s1], [sflag:$0x2] =	stream.indirect.gather [spmem:s4], $0x1, s9, s5, $0xb8;
	[tilespmem:$0x1F428] =	vst v63  }
0x40b: {  	s22 =	simm.s32 $0xF280;
	s9 =	sld [smem:$0x79F]  }
0x40c: {  	[tilespmem:s22], [sflag:$0x2] =	stream.indirect.gather [spmem:s4], $0x1, s2, s5, $0xb8;
	[tilespmem:$0x1F428] =	vst v63  }
0x40d: {  	s1 =	simm.s32 $0xF300;
	s2 =	sld [smem:$0x7A0]  }
0x40e: {  	[tilespmem:s1], [sflag:$0x2] =	stream.indirect.gather [spmem:s4], $0x1, s9, s5, $0xb8;
	[tilespmem:$0x1F428] =	vst v63  }
0x40f: {  	s22 =	simm.s32 $0xF380;
	s9 =	sld [smem:$0x7A1]  }
0x410: {  	[tilespmem:s22], [sflag:$0x2] =	stream.indirect.gather [spmem:s4], $0x1, s2, s5, $0xb8;
	[tilespmem:$0x1F428] =	vst v63  }
0x411: {  	s1 =	simm.s32 $0xF400;
	s2 =	sld [smem:$0x7A2]  }
0x412: {  	[tilespmem:s1], [sflag:$0x2] =	stream.indirect.gather [spmem:s4], $0x1, s9, s5, $0xb8;
	[tilespmem:$0x1F428] =	vst v63  }
0x413: {  	s22 =	simm.s32 $0xF480;
	s9 =	sld [smem:$0x7A3]  }
0x414: {  	[tilespmem:s22], [sflag:$0x2] =	stream.indirect.gather [spmem:s4], $0x1, s2, s5, $0xb8;
	[tilespmem:$0x1F428] =	vst v63  }
0x415: {  	s1 =	simm.s32 $0xF500;
	s2 =	sld [smem:$0x7A4]  }
0x416: {  	[tilespmem:s1], [sflag:$0x2] =	stream.indirect.gather [spmem:s4], $0x1, s9, s5, $0xb8;
	[tilespmem:$0x1F428] =	vst v63  }
0x417: {  	s22 =	simm.s32 $0xF580;
	s9 =	sld [smem:$0x7A5]  }
0x418: {  	[tilespmem:s22], [sflag:$0x2] =	stream.indirect.gather [spmem:s4], $0x1, s2, s5, $0xb8;
	[tilespmem:$0x1F428] =	vst v63  }
0x419: {  	s1 =	simm.s32 $0xF600;
	s2 =	sld [smem:$0x7A6]  }
0x41a: {  	[tilespmem:s1], [sflag:$0x2] =	stream.indirect.gather [spmem:s4], $0x1, s9, s5, $0xb8;
	[tilespmem:$0x1F428] =	vst v63  }
0x41b: {  	s22 =	simm.s32 $0xF680;
	s9 =	sld [smem:$0x7A7]  }
0x41c: {  	[tilespmem:s22], [sflag:$0x2] =	stream.indirect.gather [spmem:s4], $0x1, s2, s5, $0xb8;
	[tilespmem:$0x1F428] =	vst v63  }
0x41d: {  	s1 =	simm.s32 $0xF700;
	s2 =	sld [smem:$0x7A8]  }
0x41e: {  	[tilespmem:s1], [sflag:$0x2] =	stream.indirect.gather [spmem:s4], $0x1, s9, s5, $0xb8;
	[tilespmem:$0x1F428] =	vst v63  }
0x41f: {  	s22 =	simm.s32 $0xF780  }
0x420: {  	[tilespmem:s22], [sflag:$0x2] =	stream.indirect.gather [spmem:s4], $0x1, s2, s5, $0xb8;
	[tilespmem:$0x1F428] =	vst v63  }
0x421: {  	_ =	swait.ge [sflag:s29], $0x1800  }
0x422: {  	[sflag:s29] =	ssyncset.done $0x0  }
0x423: {  	v26 =	vadd.s32 v15, v25;
	[sflag:s29] =	ssyncadd.s32 $0xFFFFE800  }
0x424: {  	s0 =	sld [smem:$0x7A9];
	[tilespmem:$0xFA80] =	vst v26;
	v26 =	vadd.s32 v16, v25  }
0x425: {  	[tilespmem:$0xFA90] =	vst v26;
	v26 =	vadd.s32 v17, v25  }
0x426: {  	s1 =	simm.s32 $0xE000;
	[tilespmem:$0xFAA0] =	vst v26  }
0x427: {  	[hbm4b:s3+s6] =	stream.indirect.scatter [tilespmem:s1], [sflag:$0x4], $0x80, s0, s6, $0xb8;
	[tilespmem:$0x1F428] =	vst v63  }
0x428: {  	s6 =	simm.s32 $0x3  }
0x429: {  	_ =	swait.ge [sflag:s6], $0x1800  }
0x42a: {  	s9 =	sld [smem:$0x7AA]  }
0x42b: {  	[sflag:s6] =	ssyncset.done $0x0  }
0x42c: {  	s1 =	sld [smem:$0x7AB];
	[sflag:s6] =	ssyncadd.s32 $0xFFFFE800  }
0x42d: {  	[tilespmem:s20], [sflag:$0x2] =	stream.indirect.gather [spmem:s4], $0x1, s9, s5, $0xb8;
	[tilespmem:$0x1F428] =	vst v63  }
0x42e: {  	s2 =	sld [smem:$0x7AC];
	s6 =	simm.s32 $0xC880  }
0x42f: {  	[tilespmem:s6], [sflag:$0x2] =	stream.indirect.gather [spmem:s4], $0x1, s1, s5, $0xb8;
	[tilespmem:$0x1F428] =	vst v63  }
0x430: {  	s9 =	sld [smem:$0x7AD];
	s1 =	simm.s32 $0xC900  }
0x431: {  	[tilespmem:s1], [sflag:$0x2] =	stream.indirect.gather [spmem:s4], $0x1, s2, s5, $0xb8;
	[tilespmem:$0x1F428] =	vst v63  }
0x432: {  	s6 =	simm.s32 $0xC980;
	s2 =	sld [smem:$0x7AE]  }
0x433: {  	[tilespmem:s6], [sflag:$0x2] =	stream.indirect.gather [spmem:s4], $0x1, s9, s5, $0xb8;
	[tilespmem:$0x1F428] =	vst v63  }
0x434: {  	s13 =	simm.s32 $0xCA00;
	s1 =	sld [smem:$0x7AF]  }
0x435: {  	[tilespmem:s13], [sflag:$0x2] =	stream.indirect.gather [spmem:s4], $0x1, s2, s5, $0xb8;
	[tilespmem:$0x1F428] =	vst v63  }
0x436: {  	s6 =	sld [smem:$0x7B0];
	s13 =	simm.s32 $0xCA80  }
0x437: {  	[tilespmem:s13], [sflag:$0x2] =	stream.indirect.gather [spmem:s4], $0x1, s1, s5, $0xb8;
	[tilespmem:$0x1F428] =	vst v63  }
0x438: {  	s9 =	sld [smem:$0x7B1];
	s1 =	simm.s32 $0xCB00  }
0x439: {  	[tilespmem:s1], [sflag:$0x2] =	stream.indirect.gather [spmem:s4], $0x1, s6, s5, $0xb8;
	[tilespmem:$0x1F428] =	vst v63  }
0x43a: {  	s2 =	sld [smem:$0x7B2];
	s6 =	simm.s32 $0xCB80  }
0x43b: {  	[tilespmem:s6], [sflag:$0x2] =	stream.indirect.gather [spmem:s4], $0x1, s9, s5, $0xb8;
	[tilespmem:$0x1F428] =	vst v63  }
0x43c: {  	s0 =	sld [smem:$0x7B3];
	s1 =	simm.s32 $0xCC00  }
0x43d: {  	[tilespmem:s1], [sflag:$0x2] =	stream.indirect.gather [spmem:s4], $0x1, s2, s5, $0xb8;
	[tilespmem:$0x1F428] =	vst v63  }
0x43e: {  	s13 =	simm.s32 $0xCC80;
	s1 =	sld [smem:$0x7B4]  }
0x43f: {  	[tilespmem:s13], [sflag:$0x2] =	stream.indirect.gather [spmem:s4], $0x1, s0, s5, $0xb8;
	[tilespmem:$0x1F428] =	vst v63  }
0x440: {  	s9 =	sld [smem:$0x7B5];
	s13 =	simm.s32 $0xCD00  }
0x441: {  	[tilespmem:s13], [sflag:$0x2] =	stream.indirect.gather [spmem:s4], $0x1, s1, s5, $0xb8;
	[tilespmem:$0x1F428] =	vst v63  }
0x442: {  	s1 =	sld [smem:$0x7B6];
	s13 =	simm.s32 $0xCD80  }
0x443: {  	[tilespmem:s13], [sflag:$0x2] =	stream.indirect.gather [spmem:s4], $0x1, s9, s5, $0xb8;
	[tilespmem:$0x1F428] =	vst v63  }
0x444: {  	s0 =	sld [smem:$0x7B7]  }
0x445: {  	[tilespmem:s19], [sflag:$0x2] =	stream.indirect.gather [spmem:s4], $0x1, s1, s5, $0xb8;
	[tilespmem:$0x1F428] =	vst v63  }
0x446: {  	s1 =	sld [smem:$0x7B8]  }
0x447: {  	[tilespmem:s24], [sflag:$0x2] =	stream.indirect.gather [spmem:s4], $0x1, s0, s5, $0xb8;
	[tilespmem:$0x1F428] =	vst v63  }
0x448: {  	s13 =	sld [smem:$0x7B9]  }
0x449: {  	[tilespmem:s25], [sflag:$0x2] =	stream.indirect.gather [spmem:s4], $0x1, s1, s5, $0xb8;
	[tilespmem:$0x1F428] =	vst v63  }
0x44a: {  	s19 =	sld [smem:$0x7BA]  }
0x44b: {  	[tilespmem:s26], [sflag:$0x2] =	stream.indirect.gather [spmem:s4], $0x1, s13, s5, $0xb8;
	[tilespmem:$0x1F428] =	vst v63  }
0x44c: {  	s24 =	sld [smem:$0x7BB]  }
0x44d: {  	[tilespmem:s30], [sflag:$0x2] =	stream.indirect.gather [spmem:s4], $0x1, s19, s5, $0xb8;
	[tilespmem:$0x1F428] =	vst v63  }
0x44e: {  	s25 =	sld [smem:$0x7BC]  }
0x44f: {  	[tilespmem:s7], [sflag:$0x2] =	stream.indirect.gather [spmem:s4], $0x1, s24, s5, $0xb8;
	[tilespmem:$0x1F428] =	vst v63  }
0x450: {  	s26 =	sld [smem:$0x7BD]  }
0x451: {  	[tilespmem:s12], [sflag:$0x2] =	stream.indirect.gather [spmem:s4], $0x1, s25, s5, $0xb8;
	[tilespmem:$0x1F428] =	vst v63  }
0x452: {  	s1 =	simm.s32 $0xD180;
	s30 =	sld [smem:$0x7BE]  }
0x453: {  	[tilespmem:s1], [sflag:$0x2] =	stream.indirect.gather [spmem:s4], $0x1, s26, s5, $0xb8;
	[tilespmem:$0x1F428] =	vst v63  }
0x454: {  	s7 =	sld [smem:$0x7BF];
	s12 =	simm.s32 $0xD200  }
0x455: {  	[tilespmem:s12], [sflag:$0x2] =	stream.indirect.gather [spmem:s4], $0x1, s30, s5, $0xb8;
	[tilespmem:$0x1F428] =	vst v63  }
0x456: {  	s13 =	sld [smem:$0x7C0];
	s19 =	simm.s32 $0xD280  }
0x457: {  	[tilespmem:s19], [sflag:$0x2] =	stream.indirect.gather [spmem:s4], $0x1, s7, s5, $0xb8;
	[tilespmem:$0x1F428] =	vst v63  }
0x458: {  	s24 =	sld [smem:$0x7C1];
	s25 =	simm.s32 $0xD300  }
0x459: {  	[tilespmem:s25], [sflag:$0x2] =	stream.indirect.gather [spmem:s4], $0x1, s13, s5, $0xb8;
	[tilespmem:$0x1F428] =	vst v63  }
0x45a: {  	s23 =	simm.s32 $0xD380;
	s26 =	sld [smem:$0x7C2]  }
0x45b: {  	[tilespmem:s23], [sflag:$0x2] =	stream.indirect.gather [spmem:s4], $0x1, s24, s5, $0xb8;
	[tilespmem:$0x1F428] =	vst v63  }
0x45c: {  	s28 =	simm.s32 $0xD400;
	s30 =	sld [smem:$0x7C3]  }
0x45d: {  	[tilespmem:s28], [sflag:$0x2] =	stream.indirect.gather [spmem:s4], $0x1, s26, s5, $0xb8;
	[tilespmem:$0x1F428] =	vst v63  }
0x45e: {  	s31 =	simm.s32 $0xD480;
	s0 =	sld [smem:$0x7C4]  }
0x45f: {  	[tilespmem:s31], [sflag:$0x2] =	stream.indirect.gather [spmem:s4], $0x1, s30, s5, $0xb8;
	[tilespmem:$0x1F428] =	vst v63  }
0x460: {  	s1 =	sld [smem:$0x7C5];
	s7 =	simm.s32 $0xD500  }
0x461: {  	[tilespmem:s7], [sflag:$0x2] =	stream.indirect.gather [spmem:s4], $0x1, s0, s5, $0xb8;
	[tilespmem:$0x1F428] =	vst v63  }
0x462: {  	s12 =	sld [smem:$0x7C6];
	s13 =	simm.s32 $0xD580  }
0x463: {  	[tilespmem:s13], [sflag:$0x2] =	stream.indirect.gather [spmem:s4], $0x1, s1, s5, $0xb8;
	[tilespmem:$0x1F428] =	vst v63  }
0x464: {  	s19 =	sld [smem:$0x7C7];
	s23 =	simm.s32 $0xD600  }
0x465: {  	[tilespmem:s23], [sflag:$0x2] =	stream.indirect.gather [spmem:s4], $0x1, s12, s5, $0xb8;
	[tilespmem:$0x1F428] =	vst v63  }
0x466: {  	s25 =	simm.s32 $0xD680;
	s24 =	sld [smem:$0x7C8]  }
0x467: {  	[tilespmem:s25], [sflag:$0x2] =	stream.indirect.gather [spmem:s4], $0x1, s19, s5, $0xb8;
	[tilespmem:$0x1F428] =	vst v63  }
0x468: {  	s26 =	sld [smem:$0x7CC];
	s28 =	simm.s32 $0xD700  }
0x469: {  	[tilespmem:s28], [sflag:$0x2] =	stream.indirect.gather [spmem:s4], $0x1, s24, s5, $0xb8;
	[tilespmem:$0x1F428] =	vst v63  }
0x46a: {  	s30 =	sld [smem:$0x7CD];
	s31 =	simm.s32 $0xD780  }
0x46b: {  	[tilespmem:s31], [sflag:$0x2] =	stream.indirect.gather [spmem:s4], $0x1, s26, s5, $0xb8;
	[tilespmem:$0x1F428] =	vst v63  }
0x46c: {  	s6 =	simm.s32 $0xD800;
	s1 =	sld [smem:$0x7CE]  }
0x46d: {  	[tilespmem:s6], [sflag:$0x2] =	stream.indirect.gather [spmem:s4], $0x1, s30, s5, $0xb8;
	[tilespmem:$0x1F428] =	vst v63  }
0x46e: {  	s7 =	sld [smem:$0x7CF];
	s12 =	simm.s32 $0xD880  }
0x46f: {  	[tilespmem:s12], [sflag:$0x2] =	stream.indirect.gather [spmem:s4], $0x1, s1, s5, $0xb8;
	[tilespmem:$0x1F428] =	vst v63  }
0x470: {  	s13 =	sld [smem:$0x7D0];
	s19 =	simm.s32 $0xD900  }
0x471: {  	[tilespmem:s19], [sflag:$0x2] =	stream.indirect.gather [spmem:s4], $0x1, s7, s5, $0xb8;
	[tilespmem:$0x1F428] =	vst v63  }
0x472: {  	s23 =	sld [smem:$0x7D1];
	s24 =	simm.s32 $0xD980  }
0x473: {  	[tilespmem:s24], [sflag:$0x2] =	stream.indirect.gather [spmem:s4], $0x1, s13, s5, $0xb8;
	[tilespmem:$0x1F428] =	vst v63  }
0x474: {  	s25 =	sld [smem:$0x7D2];
	s26 =	simm.s32 $0xDA00  }
0x475: {  	[tilespmem:s26], [sflag:$0x2] =	stream.indirect.gather [spmem:s4], $0x1, s23, s5, $0xb8;
	[tilespmem:$0x1F428] =	vst v63  }
0x476: {  	s28 =	sld [smem:$0x7D3];
	s30 =	simm.s32 $0xDA80  }
0x477: {  	[tilespmem:s30], [sflag:$0x2] =	stream.indirect.gather [spmem:s4], $0x1, s25, s5, $0xb8;
	[tilespmem:$0x1F428] =	vst v63  }
0x478: {  	s31 =	sld [smem:$0x7D4];
	s1 =	simm.s32 $0xDB00  }
0x479: {  	[tilespmem:s1], [sflag:$0x2] =	stream.indirect.gather [spmem:s4], $0x1, s28, s5, $0xb8;
	[tilespmem:$0x1F428] =	vst v63  }
0x47a: {  	s6 =	sld [smem:$0x7D5];
	s7 =	simm.s32 $0xDB80  }
0x47b: {  	[tilespmem:s7], [sflag:$0x2] =	stream.indirect.gather [spmem:s4], $0x1, s31, s5, $0xb8;
	[tilespmem:$0x1F428] =	vst v63  }
0x47c: {  	s12 =	sld [smem:$0x7D6];
	s13 =	simm.s32 $0xDC00  }
0x47d: {  	[tilespmem:s13], [sflag:$0x2] =	stream.indirect.gather [spmem:s4], $0x1, s6, s5, $0xb8;
	[tilespmem:$0x1F428] =	vst v63  }
0x47e: {  	s19 =	sld [smem:$0x7D7];
	s23 =	simm.s32 $0xDC80  }
0x47f: {  	[tilespmem:s23], [sflag:$0x2] =	stream.indirect.gather [spmem:s4], $0x1, s12, s5, $0xb8;
	[tilespmem:$0x1F428] =	vst v63  }
0x480: {  	s24 =	sld [smem:$0x7D8];
	s25 =	simm.s32 $0xDD00  }
0x481: {  	[tilespmem:s25], [sflag:$0x2] =	stream.indirect.gather [spmem:s4], $0x1, s19, s5, $0xb8;
	[tilespmem:$0x1F428] =	vst v63  }
0x482: {  	s26 =	sld [smem:$0x7D9];
	s28 =	simm.s32 $0xDD80  }
0x483: {  	[tilespmem:s28], [sflag:$0x2] =	stream.indirect.gather [spmem:s4], $0x1, s24, s5, $0xb8;
	[tilespmem:$0x1F428] =	vst v63  }
0x484: {  	s30 =	sld [smem:$0x7DA];
	s31 =	simm.s32 $0xDE00  }
0x485: {  	[tilespmem:s31], [sflag:$0x2] =	stream.indirect.gather [spmem:s4], $0x1, s26, s5, $0xb8;
	[tilespmem:$0x1F428] =	vst v63  }
0x486: {  	s7 =	simm.s32 $0xDE80;
	s6 =	sld [smem:$0x7DB]  }
0x487: {  	[tilespmem:s7], [sflag:$0x2] =	stream.indirect.gather [spmem:s4], $0x1, s30, s5, $0xb8;
	[tilespmem:$0x1F428] =	vst v63  }
0x488: {  	s13 =	simm.s32 $0xDF00;
	s12 =	sld [smem:$0x7DC]  }
0x489: {  	[tilespmem:s13], [sflag:$0x2] =	stream.indirect.gather [spmem:s4], $0x1, s6, s5, $0xb8;
	[tilespmem:$0x1F428] =	vst v63  }
0x48a: {  	s19 =	simm.s32 $0xDF80  }
0x48b: {  	[tilespmem:s19], [sflag:$0x2] =	stream.indirect.gather [spmem:s4], $0x1, s12, s5, $0xb8;
	[tilespmem:$0x1F428] =	vst v63  }
0x48c: {  	_ =	swait.ge [sflag:s29], $0x1800  }
0x48d: {  	[sflag:s29] =	ssyncset.done $0x0  }
0x48e: {  	v26 =	vadd.s32 v18, v25;
	[sflag:s29] =	ssyncadd.s32 $0xFFFFE800  }
0x48f: {  	s23 =	sld [smem:$0x7DD];
	[tilespmem:$0xFB00] =	vst v26;
	v26 =	vadd.s32 v19, v25  }
0x490: {  	[tilespmem:$0xFB10] =	vst v26;
	v26 =	vadd.s32 v20, v25  }
0x491: {  	s22 =	simm.s32 $0x30;
	[tilespmem:$0xFB20] =	vst v26  }
0x492: {  	[hbm4b:s3+s22] =	stream.indirect.scatter [tilespmem:s20], [sflag:$0x3], $0x80, s23, s22, $0xb8;
	[tilespmem:$0x1F428] =	vst v63  }
0x493: {  	_ =	swait.ge [sflag:s11], $0x1800  }
0x494: {  	s24 =	sld [smem:$0x7DE]  }
0x495: {  	[sflag:s11] =	ssyncset.done $0x0  }
0x496: {  	s1 =	simm.s32 $0xE000;
	s25 =	sld [smem:$0x7DF];
	[sflag:s11] =	ssyncadd.s32 $0xFFFFE800  }
0x497: {  	[tilespmem:s1], [sflag:$0x2] =	stream.indirect.gather [spmem:s4], $0x1, s24, s5, $0xb8;
	[tilespmem:$0x1F428] =	vst v63  }
0x498: {  	s26 =	sld [smem:$0x7E0]  }
0x499: {  	[tilespmem:s17], [sflag:$0x2] =	stream.indirect.gather [spmem:s4], $0x1, s25, s5, $0xb8;
	[tilespmem:$0x1F428] =	vst v63  }
0x49a: {  	s28 =	sld [smem:$0x7E1]  }
0x49b: {  	[tilespmem:s16], [sflag:$0x2] =	stream.indirect.gather [spmem:s4], $0x1, s26, s5, $0xb8;
	[tilespmem:$0x1F428] =	vst v63  }
0x49c: {  	s30 =	sld [smem:$0x7E2]  }
0x49d: {  	[tilespmem:s14], [sflag:$0x2] =	stream.indirect.gather [spmem:s4], $0x1, s28, s5, $0xb8;
	[tilespmem:$0x1F428] =	vst v63  }
0x49e: {  	s8 =	simm.s32 $0xE200;
	s31 =	sld [smem:$0x7E3]  }
0x49f: {  	[tilespmem:s8], [sflag:$0x2] =	stream.indirect.gather [spmem:s4], $0x1, s30, s5, $0xb8;
	[tilespmem:$0x1F428] =	vst v63  }
0x4a0: {  	s21 =	simm.s32 $0xE280;
	s0 =	sld [smem:$0x7E4]  }
0x4a1: {  	[tilespmem:s21], [sflag:$0x2] =	stream.indirect.gather [spmem:s4], $0x1, s31, s5, $0xb8;
	[tilespmem:$0x1F428] =	vst v63  }
0x4a2: {  	s1 =	sld [smem:$0x7E5]  }
0x4a3: {  	[tilespmem:s10], [sflag:$0x2] =	stream.indirect.gather [spmem:s4], $0x1, s0, s5, $0xb8;
	[tilespmem:$0x1F428] =	vst v63  }
0x4a4: {  	s6 =	smov.u32 s3;
	s3 =	sld [smem:$0x7E6]  }
0x4a5: {  	[tilespmem:s18], [sflag:$0x2] =	stream.indirect.gather [spmem:s4], $0x1, s1, s5, $0xb8;
	[tilespmem:$0x1F428] =	vst v63  }
0x4a6: {  	s8 =	sld [smem:$0x7E7]  }
0x4a7: {  	[tilespmem:s15], [sflag:$0x2] =	stream.indirect.gather [spmem:s4], $0x1, s3, s5, $0xb8;
	[tilespmem:$0x1F428] =	vst v63  }
0x4a8: {  	s7 =	simm.s32 $0xE480;
	s11 =	sld [smem:$0x7E8]  }
0x4a9: {  	[tilespmem:s7], [sflag:$0x2] =	stream.indirect.gather [spmem:s4], $0x1, s8, s5, $0xb8;
	[tilespmem:$0x1F428] =	vst v63  }
0x4aa: {  	s12 =	simm.s32 $0xE500;
	s13 =	sld [smem:$0x7E9]  }
0x4ab: {  	[tilespmem:s12], [sflag:$0x2] =	stream.indirect.gather [spmem:s4], $0x1, s11, s5, $0xb8;
	[tilespmem:$0x1F428] =	vst v63  }
0x4ac: {  	s14 =	simm.s32 $0xE580;
	s15 =	sld [smem:$0x7EA]  }
0x4ad: {  	[tilespmem:s14], [sflag:$0x2] =	stream.indirect.gather [spmem:s4], $0x1, s13, s5, $0xb8;
	[tilespmem:$0x1F428] =	vst v63  }
0x4ae: {  	s17 =	sld [smem:$0x7EB];
	s16 =	simm.s32 $0xE600  }
0x4af: {  	[tilespmem:s16], [sflag:$0x2] =	stream.indirect.gather [spmem:s4], $0x1, s15, s5, $0xb8;
	[tilespmem:$0x1F428] =	vst v63  }
0x4b0: {  	s19 =	sld [smem:$0x7EC];
	s18 =	simm.s32 $0xE680  }
0x4b1: {  	[tilespmem:s18], [sflag:$0x2] =	stream.indirect.gather [spmem:s4], $0x1, s17, s5, $0xb8;
	[tilespmem:$0x1F428] =	vst v63  }
0x4b2: {  	s20 =	simm.s32 $0xE700;
	s21 =	sld [smem:$0x7ED]  }
0x4b3: {  	[tilespmem:s20], [sflag:$0x2] =	stream.indirect.gather [spmem:s4], $0x1, s19, s5, $0xb8;
	[tilespmem:$0x1F428] =	vst v63  }
0x4b4: {  	s25 =	simm.s32 $0xE780  }
0x4b5: {  	[tilespmem:s25], [sflag:$0x2] =	stream.indirect.gather [spmem:s4], $0x1, s21, s5, $0xb8;
	[tilespmem:$0x1F428] =	vst v63  }
0x4b6: {  	s24 =	simm.s32 $0xE800;
	s31 =	simm.s32 $0xB000  }
0x4b7: {  	[tilespmem:s24], [sflag:$0x2] =	stream.indirect.gather [spmem:s4], $0x1, s31, s5, $0xb8;
	[tilespmem:$0x1F428] =	vst v63  }
0x4b8: {  	s23 =	simm.s32 $0xE880;
	s28 =	simm.s32 $0xB080  }
0x4b9: {  	[tilespmem:s23], [sflag:$0x2] =	stream.indirect.gather [spmem:s4], $0x1, s28, s5, $0xb8;
	[tilespmem:$0x1F428] =	vst v63  }
0x4ba: {  	s22 =	simm.s32 $0xE900;
	s19 =	simm.s32 $0xB100  }
0x4bb: {  	[tilespmem:s22], [sflag:$0x2] =	stream.indirect.gather [spmem:s4], $0x1, s19, s5, $0xb8;
	[tilespmem:$0x1F428] =	vst v63  }
0x4bc: {  	s8 =	simm.s32 $0xE980;
	s16 =	simm.s32 $0xB180  }
0x4bd: {  	[tilespmem:s8], [sflag:$0x2] =	stream.indirect.gather [spmem:s4], $0x1, s16, s5, $0xb8;
	[tilespmem:$0x1F428] =	vst v63  }
0x4be: {  	s7 =	simm.s32 $0xEA00;
	s22 =	simm.s32 $0xB200  }
0x4bf: {  	[tilespmem:s7], [sflag:$0x2] =	stream.indirect.gather [spmem:s4], $0x1, s22, s5, $0xb8;
	[tilespmem:$0x1F428] =	vst v63  }
0x4c0: {  	s1 =	simm.s32 $0xEA80;
	s13 =	simm.s32 $0xB280  }
0x4c1: {  	[tilespmem:s1], [sflag:$0x2] =	stream.indirect.gather [spmem:s4], $0x1, s13, s5, $0xb8;
	[tilespmem:$0x1F428] =	vst v63  }
0x4c2: {  	s30 =	simm.s32 $0xEB00;
	s25 =	simm.s32 $0xB300  }
0x4c3: {  	[tilespmem:s30], [sflag:$0x2] =	stream.indirect.gather [spmem:s4], $0x1, s25, s5, $0xb8;
	[tilespmem:$0x1F428] =	vst v63  }
0x4c4: {  	s26 =	simm.s32 $0xEB80;
	s23 =	simm.s32 $0xB380  }
0x4c5: {  	[tilespmem:s26], [sflag:$0x2] =	stream.indirect.gather [spmem:s4], $0x1, s23, s5, $0xb8;
	[tilespmem:$0x1F428] =	vst v63  }
0x4c6: {  	s29 =	simm.s32 $0xB400;
	s17 =	simm.s32 $0xEC00  }
0x4c7: {  	[tilespmem:s17], [sflag:$0x2] =	stream.indirect.gather [spmem:s4], $0x1, s29, s5, $0xb8;
	[tilespmem:$0x1F428] =	vst v63  }
0x4c8: {  	s15 =	simm.s32 $0xEC80;
	s30 =	simm.s32 $0xB480  }
0x4c9: {  	[tilespmem:s15], [sflag:$0x2] =	stream.indirect.gather [spmem:s4], $0x1, s30, s5, $0xb8;
	[tilespmem:$0x1F428] =	vst v63  }
0x4ca: {  	s14 =	simm.s32 $0xED00;
	s7 =	simm.s32 $0xB500  }
0x4cb: {  	[tilespmem:s14], [sflag:$0x2] =	stream.indirect.gather [spmem:s4], $0x1, s7, s5, $0xb8;
	[tilespmem:$0x1F428] =	vst v63  }
0x4cc: {  	s12 =	simm.s32 $0xED80;
	s8 =	simm.s32 $0xB580  }
0x4cd: {  	[tilespmem:s12], [sflag:$0x2] =	stream.indirect.gather [spmem:s4], $0x1, s8, s5, $0xb8;
	[tilespmem:$0x1F428] =	vst v63  }
0x4ce: {  	s11 =	simm.s32 $0xEE00;
	s18 =	simm.s32 $0xB600  }
0x4cf: {  	[tilespmem:s11], [sflag:$0x2] =	stream.indirect.gather [spmem:s4], $0x1, s18, s5, $0xb8;
	[tilespmem:$0x1F428] =	vst v63  }
0x4d0: {  	s14 =	simm.s32 $0xEE80;
	s11 =	simm.s32 $0xB680  }
0x4d1: {  	[tilespmem:s14], [sflag:$0x2] =	stream.indirect.gather [spmem:s4], $0x1, s11, s5, $0xb8;
	[tilespmem:$0x1F428] =	vst v63  }
0x4d2: {  	s17 =	simm.s32 $0xB700;
	s12 =	simm.s32 $0xEF00  }
0x4d3: {  	[tilespmem:s12], [sflag:$0x2] =	stream.indirect.gather [spmem:s4], $0x1, s17, s5, $0xb8;
	[tilespmem:$0x1F428] =	vst v63  }
0x4d4: {  	s21 =	simm.s32 $0xB780;
	s26 =	simm.s32 $0xEF80  }
0x4d5: {  	[tilespmem:s26], [sflag:$0x2] =	stream.indirect.gather [spmem:s4], $0x1, s21, s5, $0xb8;
	[tilespmem:$0x1F428] =	vst v63  }
0x4d6: {  	s24 =	simm.s32 $0xF000;
	s26 =	simm.s32 $0xB800  }
0x4d7: {  	[tilespmem:s24], [sflag:$0x2] =	stream.indirect.gather [spmem:s4], $0x1, s26, s5, $0xb8;
	[tilespmem:$0x1F428] =	vst v63  }
0x4d8: {  	s20 =	simm.s32 $0xF080;
	s15 =	simm.s32 $0xB880  }
0x4d9: {  	[tilespmem:s20], [sflag:$0x2] =	stream.indirect.gather [spmem:s4], $0x1, s15, s5, $0xb8;
	[tilespmem:$0x1F428] =	vst v63  }
0x4da: {  	s12 =	simm.s32 $0xB900;
	s24 =	simm.s32 $0xF100  }
0x4db: {  	[tilespmem:s24], [sflag:$0x2] =	stream.indirect.gather [spmem:s4], $0x1, s12, s5, $0xb8;
	[tilespmem:$0x1F428] =	vst v63  }
0x4dc: {  	s20 =	simm.s32 $0xF180;
	s15 =	simm.s32 $0xB980  }
0x4dd: {  	[tilespmem:s20], [sflag:$0x2] =	stream.indirect.gather [spmem:s4], $0x1, s15, s5, $0xb8;
	[tilespmem:$0x1F428] =	vst v63  }
0x4de: {  	s18 =	simm.s32 $0xF200;
	s20 =	simm.s32 $0xBA00  }
0x4df: {  	[tilespmem:s18], [sflag:$0x2] =	stream.indirect.gather [spmem:s4], $0x1, s20, s5, $0xb8;
	[tilespmem:$0x1F428] =	vst v63  }
0x4e0: {  	s9 =	simm.s32 $0xF280;
	s14 =	simm.s32 $0xBA80  }
0x4e1: {  	[tilespmem:s9], [sflag:$0x2] =	stream.indirect.gather [spmem:s4], $0x1, s14, s5, $0xb8;
	[tilespmem:$0x1F428] =	vst v63  }
0x4e2: {  	s10 =	simm.s32 $0xF300;
	s18 =	simm.s32 $0xBB00  }
0x4e3: {  	[tilespmem:s10], [sflag:$0x2] =	stream.indirect.gather [spmem:s4], $0x1, s18, s5, $0xb8;
	[tilespmem:$0x1F428] =	vst v63  }
0x4e4: {  	s24 =	simm.s32 $0xF380;
	s14 =	simm.s32 $0xBB80  }
0x4e5: {  	[tilespmem:s24], [sflag:$0x2] =	stream.indirect.gather [spmem:s4], $0x1, s14, s5, $0xb8;
	[tilespmem:$0x1F428] =	vst v63  }
0x4e6: {  	s2 =	simm.s32 $0xF400;
	s18 =	simm.s32 $0xBC00  }
0x4e7: {  	[tilespmem:s2], [sflag:$0x2] =	stream.indirect.gather [spmem:s4], $0x1, s18, s5, $0xb8;
	[tilespmem:$0x1F428] =	vst v63  }
0x4e8: {  	s3 =	simm.s32 $0xF480;
	s24 =	simm.s32 $0xBC80  }
0x4e9: {  	[tilespmem:s3], [sflag:$0x2] =	stream.indirect.gather [spmem:s4], $0x1, s24, s5, $0xb8;
	[tilespmem:$0x1F428] =	vst v63  }
0x4ea: {  	s9 =	simm.s32 $0xF500;
	s3 =	simm.s32 $0xBD00  }
0x4eb: {  	[tilespmem:s9], [sflag:$0x2] =	stream.indirect.gather [spmem:s4], $0x1, s3, s5, $0xb8;
	[tilespmem:$0x1F428] =	vst v63  }
0x4ec: {  	s10 =	simm.s32 $0xF580;
	s9 =	simm.s32 $0xBD80  }
0x4ed: {  	[tilespmem:s10], [sflag:$0x2] =	stream.indirect.gather [spmem:s4], $0x1, s9, s5, $0xb8;
	[tilespmem:$0x1F428] =	vst v63  }
0x4ee: {  	s0 =	simm.s32 $0xF600;
	s10 =	simm.s32 $0xBE00  }
0x4ef: {  	[tilespmem:s0], [sflag:$0x2] =	stream.indirect.gather [spmem:s4], $0x1, s10, s5, $0xb8;
	[tilespmem:$0x1F428] =	vst v63  }
0x4f0: {  	s2 =	simm.s32 $0xF680;
	s0 =	simm.s32 $0xBE80  }
0x4f1: {  	[tilespmem:s2], [sflag:$0x2] =	stream.indirect.gather [spmem:s4], $0x1, s0, s5, $0xb8;
	[tilespmem:$0x1F428] =	vst v63  }
0x4f2: {  	s3 =	simm.s32 $0xF700;
	s2 =	simm.s32 $0xBF00  }
0x4f3: {  	[tilespmem:s3], [sflag:$0x2] =	stream.indirect.gather [spmem:s4], $0x1, s2, s5, $0xb8;
	[tilespmem:$0x1F428] =	vst v63  }
0x4f4: {  	s1 =	simm.s32 $0x2;
	s9 =	simm.s32 $0xF780;
	s3 =	simm.s32 $0xBF80  }
0x4f5: {  	[tilespmem:s9], [sflag:$0x2] =	stream.indirect.gather [spmem:s4], $0x1, s3, s5, $0xb8;
	[tilespmem:$0x1F428] =	vst v63  }
0x4f6: {  	_ =	swait.ge [sflag:s1], $0x1800  }
0x4f7: {  	[sflag:s1] =	ssyncset.done $0x0  }
0x4f8: {  	v26 =	vadd.s32 v21, v25;
	[sflag:s1] =	ssyncadd.s32 $0xFFFFE800  }
0x4f9: {  	v27 =	vadd.s32 v23, v25;
	s0 =	sld [smem:$0x796];
	[tilespmem:$0xFB80] =	vst v26  }
0x4fa: {  	v26 =	vadd.s32 v22, v25;
	[tilespmem:$0xFBA0] =	vst v27  }
0x4fb: {  	s3 =	simm.s32 $0xE000;
	s1 =	simm.s32 $0x30;
	[tilespmem:$0xFB90] =	vst v26  }
0x4fc: {  	[hbm4b:s6+s1] =	stream.indirect.scatter [tilespmem:s3], [sflag:$0x4], $0x80, s0, s1, $0xb8;
	[tilespmem:$0x1F428] =	vst v63  }
0x4fd: {  	s3 =	smov.u32 s6;
	s6 =	simm.s32 $0x3  }
0x4fe: {  	_ =	swait.ge [sflag:s6], $0x1800  }
0x4ff: {  	[sflag:s6] =	ssyncset.done $0x0  }
0x500: {  	s9 =	simm.s32 $0xC800;
	[sflag:s6] =	ssyncadd.s32 $0xFFFFE800  }
0x501: {  	[tilespmem:s9], [sflag:$0x2] =	stream.indirect.gather [spmem:s4], $0x1, s31, s5, $0xb8;
	[tilespmem:$0x1F428] =	vst v63  }
0x502: {  	s2 =	simm.s32 $0xC880  }
0x503: {  	[tilespmem:s2], [sflag:$0x2] =	stream.indirect.gather [spmem:s4], $0x1, s28, s5, $0xb8;
	[tilespmem:$0x1F428] =	vst v63  }
0x504: {  	s6 =	simm.s32 $0xC900  }
0x505: {  	[tilespmem:s6], [sflag:$0x2] =	stream.indirect.gather [spmem:s4], $0x1, s19, s5, $0xb8;
	[tilespmem:$0x1F428] =	vst v63  }
0x506: {  	s9 =	simm.s32 $0xC980  }
0x507: {  	[tilespmem:s9], [sflag:$0x2] =	stream.indirect.gather [spmem:s4], $0x1, s16, s5, $0xb8;
	[tilespmem:$0x1F428] =	vst v63  }
0x508: {  	s16 =	simm.s32 $0xCA00  }
0x509: {  	[tilespmem:s16], [sflag:$0x2] =	stream.indirect.gather [spmem:s4], $0x1, s22, s5, $0xb8;
	[tilespmem:$0x1F428] =	vst v63  }
0x50a: {  	s22 =	simm.s32 $0xCA80  }
0x50b: {  	[tilespmem:s22], [sflag:$0x2] =	stream.indirect.gather [spmem:s4], $0x1, s13, s5, $0xb8;
	[tilespmem:$0x1F428] =	vst v63  }
0x50c: {  	s31 =	simm.s32 $0xCB00  }
0x50d: {  	[tilespmem:s31], [sflag:$0x2] =	stream.indirect.gather [spmem:s4], $0x1, s25, s5, $0xb8;
	[tilespmem:$0x1F428] =	vst v63  }
0x50e: {  	s2 =	simm.s32 $0xCB80  }
0x50f: {  	[tilespmem:s2], [sflag:$0x2] =	stream.indirect.gather [spmem:s4], $0x1, s23, s5, $0xb8;
	[tilespmem:$0x1F428] =	vst v63  }
0x510: {  	s6 =	simm.s32 $0xCC00  }
0x511: {  	[tilespmem:s6], [sflag:$0x2] =	stream.indirect.gather [spmem:s4], $0x1, s29, s5, $0xb8;
	[tilespmem:$0x1F428] =	vst v63  }
0x512: {  	s9 =	simm.s32 $0xCC80  }
0x513: {  	[tilespmem:s9], [sflag:$0x2] =	stream.indirect.gather [spmem:s4], $0x1, s30, s5, $0xb8;
	[tilespmem:$0x1F428] =	vst v63  }
0x514: {  	s30 =	simm.s32 $0xCD00  }
0x515: {  	[tilespmem:s30], [sflag:$0x2] =	stream.indirect.gather [spmem:s4], $0x1, s7, s5, $0xb8;
	[tilespmem:$0x1F428] =	vst v63  }
0x516: {  	s25 =	simm.s32 $0xCD80  }
0x517: {  	[tilespmem:s25], [sflag:$0x2] =	stream.indirect.gather [spmem:s4], $0x1, s8, s5, $0xb8;
	[tilespmem:$0x1F428] =	vst v63  }
0x518: {  	s30 =	simm.s32 $0xB600;
	s25 =	simm.s32 $0xCE00  }
0x519: {  	[tilespmem:s25], [sflag:$0x2] =	stream.indirect.gather [spmem:s4], $0x1, s30, s5, $0xb8;
	[tilespmem:$0x1F428] =	vst v63  }
0x51a: {  	s8 =	simm.s32 $0xCE80  }
0x51b: {  	[tilespmem:s8], [sflag:$0x2] =	stream.indirect.gather [spmem:s4], $0x1, s11, s5, $0xb8;
	[tilespmem:$0x1F428] =	vst v63  }
0x51c: {  	s11 =	simm.s32 $0xCF00  }
0x51d: {  	[tilespmem:s11], [sflag:$0x2] =	stream.indirect.gather [spmem:s4], $0x1, s17, s5, $0xb8;
	[tilespmem:$0x1F428] =	vst v63  }
0x51e: {  	s17 =	simm.s32 $0xCF80  }
0x51f: {  	[tilespmem:s17], [sflag:$0x2] =	stream.indirect.gather [spmem:s4], $0x1, s21, s5, $0xb8;
	[tilespmem:$0x1F428] =	vst v63  }
0x520: {  	s25 =	simm.s32 $0xD000  }
0x521: {  	[tilespmem:s25], [sflag:$0x2] =	stream.indirect.gather [spmem:s4], $0x1, s26, s5, $0xb8;
	[tilespmem:$0x1F428] =	vst v63  }
0x522: {  	s30 =	simm.s32 $0xB880;
	s26 =	simm.s32 $0xD080  }
0x523: {  	[tilespmem:s26], [sflag:$0x2] =	stream.indirect.gather [spmem:s4], $0x1, s30, s5, $0xb8;
	[tilespmem:$0x1F428] =	vst v63  }
0x524: {  	s11 =	simm.s32 $0xD100  }
0x525: {  	[tilespmem:s11], [sflag:$0x2] =	stream.indirect.gather [spmem:s4], $0x1, s12, s5, $0xb8;
	[tilespmem:$0x1F428] =	vst v63  }
0x526: {  	s12 =	simm.s32 $0xD180  }
0x527: {  	[tilespmem:s12], [sflag:$0x2] =	stream.indirect.gather [spmem:s4], $0x1, s15, s5, $0xb8;
	[tilespmem:$0x1F428] =	vst v63  }
0x528: {  	s17 =	simm.s32 $0xD200  }
0x529: {  	[tilespmem:s17], [sflag:$0x2] =	stream.indirect.gather [spmem:s4], $0x1, s20, s5, $0xb8;
	[tilespmem:$0x1F428] =	vst v63  }
0x52a: {  	s21 =	simm.s32 $0xBA80;
	s20 =	simm.s32 $0xD280  }
0x52b: {  	[tilespmem:s20], [sflag:$0x2] =	stream.indirect.gather [spmem:s4], $0x1, s21, s5, $0xb8;
	[tilespmem:$0x1F428] =	vst v63  }
0x52c: {  	s25 =	simm.s32 $0xD300;
	s26 =	simm.s32 $0xBB00  }
0x52d: {  	[tilespmem:s25], [sflag:$0x2] =	stream.indirect.gather [spmem:s4], $0x1, s26, s5, $0xb8;
	[tilespmem:$0x1F428] =	vst v63  }
0x52e: {  	s30 =	simm.s32 $0xD380  }
0x52f: {  	[tilespmem:s30], [sflag:$0x2] =	stream.indirect.gather [spmem:s4], $0x1, s14, s5, $0xb8;
	[tilespmem:$0x1F428] =	vst v63  }
0x530: {  	s8 =	simm.s32 $0xD400  }
0x531: {  	[tilespmem:s8], [sflag:$0x2] =	stream.indirect.gather [spmem:s4], $0x1, s18, s5, $0xb8;
	[tilespmem:$0x1F428] =	vst v63  }
0x532: {  	s11 =	simm.s32 $0xD480  }
0x533: {  	[tilespmem:s11], [sflag:$0x2] =	stream.indirect.gather [spmem:s4], $0x1, s24, s5, $0xb8;
	[tilespmem:$0x1F428] =	vst v63  }
0x534: {  	s12 =	simm.s32 $0xD500;
	s14 =	simm.s32 $0xBD00  }
0x535: {  	[tilespmem:s12], [sflag:$0x2] =	stream.indirect.gather [spmem:s4], $0x1, s14, s5, $0xb8;
	[tilespmem:$0x1F428] =	vst v63  }
0x536: {  	s15 =	simm.s32 $0xD580;
	s17 =	simm.s32 $0xBD80  }
0x537: {  	[tilespmem:s15], [sflag:$0x2] =	stream.indirect.gather [spmem:s4], $0x1, s17, s5, $0xb8;
	[tilespmem:$0x1F428] =	vst v63  }
0x538: {  	s18 =	simm.s32 $0xD600  }
0x539: {  	[tilespmem:s18], [sflag:$0x2] =	stream.indirect.gather [spmem:s4], $0x1, s10, s5, $0xb8;
	[tilespmem:$0x1F428] =	vst v63  }
0x53a: {  	s31 =	simm.s32 $0xD680;
	s29 =	simm.s32 $0xBE80  }
0x53b: {  	[tilespmem:s31], [sflag:$0x2] =	stream.indirect.gather [spmem:s4], $0x1, s29, s5, $0xb8;
	[tilespmem:$0x1F428] =	vst v63  }
0x53c: {  	s2 =	simm.s32 $0xD700;
	s20 =	simm.s32 $0xBF00  }
0x53d: {  	[tilespmem:s2], [sflag:$0x2] =	stream.indirect.gather [spmem:s4], $0x1, s20, s5, $0xb8;
	[tilespmem:$0x1F428] =	vst v63  }
0x53e: {  	s9 =	simm.s32 $0xD780;
	s21 =	simm.s32 $0xBF80;
	s24 =	sld [smem:$0x795]  }
0x53f: {  	[tilespmem:s9], [sflag:$0x2] =	stream.indirect.gather [spmem:s4], $0x1, s21, s5, $0xb8;
	[tilespmem:$0x1F428] =	vst v63  }
0x540: {  	s25 =	sld [smem:$0x7C9];
	s26 =	simm.s32 $0xD800  }
0x541: {  	[tilespmem:s26], [sflag:$0x2] =	stream.indirect.gather [spmem:s4], $0x1, s24, s5, $0xb8;
	[tilespmem:$0x1F428] =	vst v63  }
0x542: {  	s6 =	simm.s32 $0xD880;
	s30 =	sld [smem:$0x7CA]  }
0x543: {  	[tilespmem:s6], [sflag:$0x2] =	stream.indirect.gather [spmem:s4], $0x1, s25, s5, $0xb8;
	[tilespmem:$0x1F428] =	vst v63  }
0x544: {  	s0 =	simm.s32 $0xD900;
	s31 =	sld [smem:$0x7CB]  }
0x545: {  	[tilespmem:s0], [sflag:$0x2] =	stream.indirect.gather [spmem:s4], $0x1, s30, s5, $0xb8;
	[tilespmem:$0x1F428] =	vst v63  }
0x546: {  	s7 =	simm.s32 $0xD980;
	s6 =	sld [smem:$0x7EE]  }
0x547: {  	[tilespmem:s7], [sflag:$0x2] =	stream.indirect.gather [spmem:s4], $0x1, s31, s5, $0xb8;
	[tilespmem:$0x1F428] =	vst v63  }
0x548: {  	s23 =	simm.s32 $0xDA00;
	s8 =	sld [smem:$0x7EF]  }
0x549: {  	[tilespmem:s23], [sflag:$0x2] =	stream.indirect.gather [spmem:s4], $0x1, s6, s5, $0xb8;
	[tilespmem:$0x1F428] =	vst v63  }
0x54a: {  	s22 =	simm.s32 $0xDA80;
	s10 =	sld [smem:$0x7F0]  }
0x54b: {  	[tilespmem:s22], [sflag:$0x2] =	stream.indirect.gather [spmem:s4], $0x1, s8, s5, $0xb8;
	[tilespmem:$0x1F428] =	vst v63  }
0x54c: {  	s13 =	simm.s32 $0xDB00;
	s12 =	sld [smem:$0x7F1]  }
0x54d: {  	[tilespmem:s13], [sflag:$0x2] =	stream.indirect.gather [spmem:s4], $0x1, s10, s5, $0xb8;
	[tilespmem:$0x1F428] =	vst v63  }
0x54e: {  	s16 =	simm.s32 $0xDB80;
	s13 =	sld [smem:$0x7F2]  }
0x54f: {  	[tilespmem:s16], [sflag:$0x2] =	stream.indirect.gather [spmem:s4], $0x1, s12, s5, $0xb8;
	[tilespmem:$0x1F428] =	vst v63  }
0x550: {  	s19 =	simm.s32 $0xDC00;
	s14 =	sld [smem:$0x7F3]  }
0x551: {  	[tilespmem:s19], [sflag:$0x2] =	stream.indirect.gather [spmem:s4], $0x1, s13, s5, $0xb8;
	[tilespmem:$0x1F428] =	vst v63  }
0x552: {  	s28 =	simm.s32 $0xDC80;
	s15 =	sld [smem:$0x7F4]  }
0x553: {  	[tilespmem:s28], [sflag:$0x2] =	stream.indirect.gather [spmem:s4], $0x1, s14, s5, $0xb8;
	[tilespmem:$0x1F428] =	vst v63  }
0x554: {  	s17 =	simm.s32 $0xDD00;
	s16 =	sld [smem:$0x7F5]  }
0x555: {  	[tilespmem:s17], [sflag:$0x2] =	stream.indirect.gather [spmem:s4], $0x1, s15, s5, $0xb8;
	[tilespmem:$0x1F428] =	vst v63  }
0x556: {  	s18 =	sld [smem:$0x7F6];
	s19 =	simm.s32 $0xDD80  }
0x557: {  	[tilespmem:s19], [sflag:$0x2] =	stream.indirect.gather [spmem:s4], $0x1, s16, s5, $0xb8;
	[tilespmem:$0x1F428] =	vst v63  }
0x558: {  	s20 =	sld [smem:$0x7F7];
	s21 =	simm.s32 $0xDE00  }
0x559: {  	[tilespmem:s21], [sflag:$0x2] =	stream.indirect.gather [spmem:s4], $0x1, s18, s5, $0xb8;
	[tilespmem:$0x1F428] =	vst v63  }
0x55a: {  	s23 =	simm.s32 $0xDE80;
	s22 =	sld [smem:$0x7F8]  }
0x55b: {  	[tilespmem:s23], [sflag:$0x2] =	stream.indirect.gather [spmem:s4], $0x1, s20, s5, $0xb8;
	[tilespmem:$0x1F428] =	vst v63  }
0x55c: {  	s24 =	sld [smem:$0x7F9];
	s25 =	simm.s32 $0xDF00  }
0x55d: {  	[tilespmem:s25], [sflag:$0x2] =	stream.indirect.gather [spmem:s4], $0x1, s22, s5, $0xb8;
	[tilespmem:$0x1F428] =	vst v63  }
0x55e: {  	s1 =	sld [smem:$0x698];
	s29 =	simm.s32 $0x2;
	s26 =	simm.s32 $0xDF80  }
0x55f: {  	[tilespmem:s26], [sflag:$0x2] =	stream.indirect.gather [spmem:s4], $0x1, s24, s5, $0xb8;
	[tilespmem:$0x1F428] =	vst v63  }
0x560: {  	s28 =	sld [smem:$0x699];
	_ =	swait.ge [sflag:s29], $0x1800  }
0x561: {  	[sflag:s29] =	ssyncset.done $0x0  }
0x562: {  	s1 =	sadd.s32 $0x80, s1;
	[sflag:s29] =	ssyncadd.s32 $0xFFFFE800  }
0x563: {  	p1 =	sne.s32 s1, $0x1000;
	s30 =	sld [smem:$0x7FA];
	[tilespmem:$0xFC00] =	vst v26  }
.Ltmp0:
0x564: {  	v25 =	vadd.s32 v24, v25;
	[tilespmem:$0xFC10] =	vst v27;
	(pc) =	sbr.rel @p1 .LBB2_2-.Ltmp0, $4  }
0x565: {  	s11 =	simm.s32 $0x30;
	s31 =	simm.s32 $0xC800;
	[tilespmem:$0xFC20] =	vst v25  }
0x566: {  	[hbm4b:s3+s11] =	stream.indirect.scatter [tilespmem:s31], [sflag:$0x3], $0x80, s30, s11, $0xb8;
	[tilespmem:$0x1F428] =	vst v63  }
0x567: {  	[bflag:$0x0] =	sbarrier.arrive $0xFFFF  }
0x568: {  	s2 =	smov.u32 s1;
	s0 =	sadd.s32 $0x1, s28;
	s19 =	smov.u32 s3  }
0x569: {  	s0 =	simm.s32 $0x4  }
0x56a: {  	_ =	swait.ge [sflag:s0], $0x1800  }
0x56b: {  	[sflag:s0] =	ssyncset.done $0x0  }
0x56c: {  	s2 =	simm.s32 $0x3;
	[sflag:s0] =	ssyncadd.s32 $0xFFFFE800  }
0x56d: {  	_ =	swait.ge [sflag:s2], $0x1800  }
0x56e: {  	s1 =	sld [smem:$0x69A]  }
0x56f: {  	s31 =	sld [smem:$0x7FB];
	_ =	sdelay $0x1  }
0x570: {  	s1 =	sadd.s32 $0x1, s1  }
0x571: {  	p1 =	sne.s32 s1, s31  }
.Ltmp1:
0x572: {  	_ = 	snop;
	(pc) =	sbr.rel @p1 .LBB2_1-.Ltmp1, $3  }
0x573: {  	_ =	sdelay $0x1  }
0x574: {  	[sflag:s2] =	ssyncset.done $0x0  }
0x575: {  	s3 =	simm.s32 $0x6400;
	[sflag:s2] =	ssyncadd.s32 $0xFFFFE800;
	s2 =	simm.s32 $0x400  }
0x576: {  	_ =	sfence.sel $0x180000  }
0x577: {  	[bflag:$0x0] =	sbarrier.arrive $0xFFFF  }
0x578: {  	_ =	strace $0x90000047  }
0x579: {  	s0 =	stileid.u32;
	[bflag:$0x2] =	sbarrier.arrive $0xFFFF  }
0x57a: {  	p0 =	sne.s32 s0, $0x0;
	s0 =	rddreg [dreg:$0x4]  }
0x57b: {  	s0 =	sadd.s32 @!p0 $0x100000, s0  }
0x57c: {  	[sflag:s0] =	ssyncadd.tile.s32 @!p0 $0x1;
	_ =	shalt  }
.Lfunc_end2:
_tile_overlayer_lowered:
.L_overlay_start_2:
0x57d: {  	(tag) =	ssettag $0x2  }
0x57e: {  	s0 =	rddreg [dreg:$0x0];
	s2 =	stileid.u32  }
0x57f: {  	s1 =	rddreg [dreg:$0x1];
	p0 =	sne.s32 s2, $0x0  }
0x580: {  	s3 =	rddreg [dreg:$0x2];
	[bflag:$0x3] =	sbarrier.arrive $0xFFFF;
	s2 =	simm.s32 @!p0 $0x1C05  }
0x581: {  	[timem:s3], [sflag:s2] =	dma.local @!p0 [hbm:s0], s1  }
0x582: {  	s0 =	simm.s32 @!p0 $0x5  }
0x583: {  	_ =	swait.ge @!p0 [sflag:s0], s1  }
0x584: {  	s1 =	ssub.s32 @!p0 $0x0, s1;
	[sflag:s0] =	ssyncset.done @!p0 $0x0  }
0x585: {  	[sflag:s0] =	ssyncadd.s32 @!p0 s1  }
0x586: {  	[bflag:$0x3] =	sbarrier.arrive $0xFFFF  }
0x587: {  	_ =	shalt  }

</sc_bundles>
